<compile_context>
chip_gen: v7x
topology: tpu7x:2x2x1
jax: 0.10.2.dev20260603
libtpu: 0.0.44.dev20260713+nightly
codegen_flags: <defaults>
</compile_context>

<pallas_src>
import functools

import jax
import jax.numpy as jnp
from jax import lax
from jax.experimental import pallas as pl
from jax.experimental.pallas import tpu as pltpu
from jax.experimental.pallas import tpu_sc as plsc

_NEG = 0.2
_NC = 2
_NS = 16
_LANES = 16
_BSZ = 80



def _dense1_body(x_ref, w_ref, as_ref, ad_ref, haug_ref, adrow_ref):
    h = jnp.dot(x_ref[...], w_ref[...], preferred_element_type=jnp.float32)
    asrc = jnp.dot(h, as_ref[...], preferred_element_type=jnp.float32)
    adst = jnp.dot(h, ad_ref[...], preferred_element_type=jnp.float32)
    r = h.shape[0]
    haug_ref[...] = jnp.concatenate(
        [h, asrc, jnp.ones((r, 8), jnp.float32)], axis=1)
    adrow_ref[...] = jnp.concatenate(
        [adst, jnp.zeros((r, 8), jnp.float32)], axis=1)


def _dense1(x, w1, a_s, a_d, r=1000):
    n, d = x.shape
    hf = w1.shape[1]
    nh = a_s.shape[1]
    return pl.pallas_call(
        _dense1_body,
        grid=(n // r,),
        in_specs=[
            pl.BlockSpec((r, d), lambda i: (i, 0)),
            pl.BlockSpec((d, hf), lambda i: (0, 0)),
            pl.BlockSpec((hf, nh), lambda i: (0, 0)),
            pl.BlockSpec((hf, nh), lambda i: (0, 0)),
        ],
        out_specs=[
            pl.BlockSpec((r, hf + 16), lambda i: (i, 0)),
            pl.BlockSpec((r, 16), lambda i: (i, 0)),
        ],
        out_shape=[
            jax.ShapeDtypeStruct((n, hf + 16), jnp.float32),
            jax.ShapeDtypeStruct((n, 16), jnp.float32),
        ],
    )(x, w1, a_s, a_d)


def _finish1_body(a0_ref, a1_ref, b1_ref, w2a_ref, w2d_ref, c40_ref,
                  haug2_ref, ad2_ref):
    acc = a0_ref[...] + a1_ref[...]
    parts = []
    for h in range(8):
        d = acc[:, 128 + h:129 + h] + 1e-16
        parts.append(acc[:, h * 16:(h + 1) * 16] / d)
    o = jnp.concatenate(parts, axis=1) + b1_ref[...]
    o = jnp.where(o > 0, o, jnp.exp(o) - 1.0)
    haug2_ref[...] = (
        jnp.dot(o, w2a_ref[...], preferred_element_type=jnp.float32)
        + c40_ref[...])
    ad2_ref[...] = jnp.dot(o, w2d_ref[...], preferred_element_type=jnp.float32)


def _finish1(acc0, acc1, b1row, w2a, w2d, c40, r=1000):
    n, wa = acc0.shape
    w2 = w2a.shape[1]
    return pl.pallas_call(
        _finish1_body,
        grid=(n // r,),
        in_specs=[
            pl.BlockSpec((r, wa), lambda i: (i, 0)),
            pl.BlockSpec((r, wa), lambda i: (i, 0)),
            pl.BlockSpec((1, 128), lambda i: (0, 0)),
            pl.BlockSpec((128, w2), lambda i: (0, 0)),
            pl.BlockSpec((128, 16), lambda i: (0, 0)),
            pl.BlockSpec((1, w2), lambda i: (0, 0)),
        ],
        out_specs=[
            pl.BlockSpec((r, w2), lambda i: (i, 0)),
            pl.BlockSpec((r, 16), lambda i: (i, 0)),
        ],
        out_shape=[
            jax.ShapeDtypeStruct((n, w2), jnp.float32),
            jax.ShapeDtypeStruct((n, 16), jnp.float32),
        ],
    )(acc0, acc1, b1row, w2a, w2d, c40)


def _finish2_body(a0_ref, a1_ref, b2_ref, out_ref):
    acc = a0_ref[...] + a1_ref[...]
    c = out_ref.shape[1]
    out_ref[...] = acc[:, :c] / (acc[:, c:c + 1] + 1e-16) + b2_ref[...]


def _finish2(acc0, acc1, b2row, r=1000):
    n, wa = acc0.shape
    c = b2row.shape[1]
    return pl.pallas_call(
        _finish2_body,
        grid=(n // r,),
        in_specs=[
            pl.BlockSpec((r, wa), lambda i: (i, 0)),
            pl.BlockSpec((r, wa), lambda i: (i, 0)),
            pl.BlockSpec((1, c), lambda i: (0, 0)),
        ],
        out_specs=pl.BlockSpec((r, c), lambda i: (i, 0)),
        out_shape=jax.ShapeDtypeStruct((n, c), jnp.float32),
    )(acc0, acc1, b2row)



def _make_edge_kernel(n, e_total, w, nheads):
    nw = _NC * _NS
    bsz = _BSZ
    epw = e_total // nw
    nchunks = epw // bsz
    assert nchunks % 2 == 1
    niter = nchunks // 2
    n_pad = -(-n // 1280) * 1280
    rps = n_pad // _NS
    mesh = plsc.VectorSubcoreMesh(core_axis_name="c", subcore_axis_name="s")

    @functools.partial(
        pl.kernel,
        out_type=jax.ShapeDtypeStruct((_NC, n_pad, w), jnp.float32),
        mesh=mesh,
        compiler_params=pltpu.CompilerParams(use_tc_tiling_on_sc=False),
        scratch_types=[
            pltpu.VMEM((nchunks, bsz), jnp.int32),
            pltpu.VMEM((bsz,), jnp.int32),
            pltpu.VMEM((bsz,), jnp.int32),
            pltpu.VMEM((bsz,), jnp.int32),
            pltpu.VMEM((bsz,), jnp.int32),
            pltpu.VMEM((bsz, w), jnp.float32),
            pltpu.VMEM((bsz, w), jnp.float32),
            pltpu.VMEM((bsz, 16), jnp.float32),
            pltpu.VMEM((bsz, 16), jnp.float32),
            pltpu.VMEM_SHARED((n_pad, w), jnp.float32),
            pltpu.SemaphoreType.DMA,
            pltpu.SemaphoreType.DMA,
            pltpu.SemaphoreType.DMA,
            pltpu.SemaphoreType.DMA,
            pltpu.SemaphoreType.DMA,
            pltpu.SemaphoreType.DMA,
        ],
    )
    def edge_kernel(haug, adt, idxp3, accs,
                    idxp_v, idxs0, idxd0, idxs1, idxd1,
                    rows0, rows1, adr0, adr1, acc_sh,
                    semr0, semr1, sema0, sema1, semw0, semw1):
        cid = lax.axis_index("c")
        sid = lax.axis_index("s")
        g = cid * _NS + sid

        def zero_body(i, carry):
            for k in range(w // _LANES):
                rows0[i, pl.ds(k * _LANES, _LANES)] = jnp.zeros(
                    (_LANES,), jnp.float32)
            return carry
        lax.fori_loop(0, bsz, zero_body, 0)
        for t in range(rps // bsz):
            pltpu.sync_copy(rows0, acc_sh.at[pl.ds(sid * rps + t * bsz,
                                                   bsz)])
        pltpu.sync_copy(idxp3.at[g], idxp_v)
        plsc.subcore_barrier()

        def g_start(c, idxs_b, idxd_b, rows_b, adr_b, semr, sema):
            for k in range(bsz // _LANES):
                v = idxp_v[c, pl.ds(k * _LANES, _LANES)]
                idxs_b[pl.ds(k * _LANES, _LANES)] = jnp.bitwise_and(
                    v, jnp.int32(0xFFFF))
                idxd_b[pl.ds(k * _LANES, _LANES)] = (
                    lax.shift_right_logical(v, jnp.int32(16)))
            pltpu.async_copy(haug.at[idxs_b], rows_b, semr)
            pltpu.async_copy(adt.at[idxd_b], adr_b, sema)

        def g_wait(idxs_b, idxd_b, rows_b, adr_b, semr, sema):
            pltpu.make_async_copy(haug.at[idxs_b], rows_b, semr).wait()
            pltpu.make_async_copy(adt.at[idxd_b], adr_b, sema).wait()

        def s_start(idxd_b, rows_b, semw):
            pltpu.async_copy(rows_b, acc_sh.at[idxd_b], semw, add=True)

        def s_wait(idxd_b, rows_b, semw):
            pltpu.make_async_copy(rows_b, acc_sh.at[idxd_b], semw).wait()

        def compute(rows, adrows):
            def edge_body(i, ecarry):
                if nheads > 1:
                    av = rows[i, pl.ds(w - 16, 16)]
                    dv = adrows[i, pl.ds(0, 16)]
                    ev = av + dv
                    ev = jnp.where(ev > 0, ev, ev * _NEG)
                    exv = jnp.exp(ev)
                    rows[i, pl.ds(w - 16, 16)] = exv
                    for hh in range(nheads):
                        bc = lax.gather(
                            exv,
                            jnp.full((16, 1), hh, jnp.int32),
                            lax.GatherDimensionNumbers(
                                offset_dims=(),
                                collapsed_slice_dims=(0,),
                                start_index_map=(0,)),
                            (1,),
                            mode=lax.GatherScatterMode.PROMISE_IN_BOUNDS)
                        rows[i, pl.ds(hh * 16, 16)] = (
                            rows[i, pl.ds(hh * 16, 16)] * bc)
                else:
                    av = rows[i, pl.ds(w - 16, 16)]
                    dv = adrows[i, pl.ds(0, 16)]
                    s = av[9] + dv[0]
                    s = jnp.where(s > 0, s, s * _NEG)
                    exv = jnp.exp(lax.broadcast(s, (16,)))
                    for kk in range(w // _LANES):
                        rows[i, pl.ds(kk * _LANES, _LANES)] = (
                            rows[i, pl.ds(kk * _LANES, _LANES)] * exv)
                return ecarry
            lax.fori_loop(0, bsz, edge_body, 0, unroll=4)

        g_start(0, idxs0, idxd0, rows0, adr0, semr0, sema0)

        def iter_body(t, carry):
            c0 = 2 * t
            c1 = c0 + 1

            @pl.when(t > 0)
            def _():
                s_wait(idxd1, rows1, semw1)
            g_start(c1, idxs1, idxd1, rows1, adr1, semr1, sema1)
            g_wait(idxs0, idxd0, rows0, adr0, semr0, sema0)
            compute(rows0, adr0)
            s_start(idxd0, rows0, semw0)
            s_wait(idxd0, rows0, semw0)
            g_start(c0 + 2, idxs0, idxd0, rows0, adr0, semr0, sema0)
            g_wait(idxs1, idxd1, rows1, adr1, semr1, sema1)
            compute(rows1, adr1)
            s_start(idxd1, rows1, semw1)
            return carry
        lax.fori_loop(0, niter, iter_body, 0)
        s_wait(idxd1, rows1, semw1)
        g_wait(idxs0, idxd0, rows0, adr0, semr0, sema0)
        compute(rows0, adr0)
        s_start(idxd0, rows0, semw0)
        s_wait(idxd0, rows0, semw0)

        plsc.subcore_barrier()
        pltpu.sync_copy(acc_sh.at[pl.ds(sid * rps, rps)],
                        accs.at[cid].at[pl.ds(sid * rps, rps)])

    return edge_kernel



def kernel(x, edge_index, W1, att_src1, att_dst1, b1, W2, att_src2,
           att_dst2, b2):
    n, d = x.shape
    e = edge_index.shape[1]
    nh, f = att_src1.shape
    hf = nh * f
    c = W2.shape[1]

    rows_idx = jnp.arange(hf)
    a_s = jnp.zeros((hf, nh), jnp.float32).at[
        rows_idx, rows_idx // f].set(att_src1.reshape(-1))
    a_d = jnp.zeros((hf, nh), jnp.float32).at[
        rows_idx, rows_idx // f].set(att_dst1.reshape(-1))

    nw = _NC * _NS
    idxp = jnp.bitwise_or(
        jnp.left_shift(edge_index[1], jnp.int32(16)), edge_index[0]
    ).reshape(nw, e // (nw * _BSZ), _BSZ)

    haug, adt = _dense1(x, W1, a_s, a_d)
    accs1 = _make_edge_kernel(n, e, hf + 16, nh)(haug, adt, idxp)

    w2a = jnp.concatenate([
        W2,
        jnp.zeros((hf, 1), jnp.float32),
        (W2 @ att_src2[0]).reshape(hf, 1),
        jnp.zeros((hf, 48 - c - 2), jnp.float32),
    ], axis=1)
    w2d = jnp.concatenate([
        (W2 @ att_dst2[0]).reshape(hf, 1),
        jnp.zeros((hf, 15), jnp.float32),
    ], axis=1)
    c40 = jnp.zeros((1, 48), jnp.float32).at[0, c].set(1.0)

    haug2, ad2 = _finish1(accs1[0, :n], accs1[1, :n], b1.reshape(1, hf),
                          w2a, w2d, c40)

    accs2 = _make_edge_kernel(n, e, 48, 1)(haug2, ad2, idxp)
    return _finish2(accs2[0, :n], accs2[1, :n], b2.reshape(1, c))

# --- scband reference (transcript-rebuilt; emitter-appended) ---
"""Pipeline reference for scband-gat-13280038879720 (READ-ONLY COPY).

The authoritative reference and input builder live on the scoring server;
editing this copy changes nothing except your own understanding.
"""

import jax, jax.numpy as jnp
import numpy as np

N = 10000
E = 320000
D = 128
H = 8
F = 16
C = 40
NEG_SLOPE = 0.2


def setup_inputs(seed: int = 0) -> dict:
    key = jax.random.key(seed)
    ks = jax.random.split(key, 9)
    x = jax.random.normal(ks[0], (N, D), dtype=jnp.float32)
    edge_index = jax.random.randint(ks[1], (2, E), 0, N, dtype=jnp.int32)
    W1 = jax.random.normal(ks[2], (D, H * F), dtype=jnp.float32) * (1.0 / np.sqrt(D))
    att_src1 = jax.random.normal(ks[3], (H, F), dtype=jnp.float32) * (1.0 / np.sqrt(F))
    att_dst1 = jax.random.normal(ks[4], (H, F), dtype=jnp.float32) * (1.0 / np.sqrt(F))
    b1 = jnp.zeros((H * F,), dtype=jnp.float32)
    W2 = jax.random.normal(ks[5], (H * F, C), dtype=jnp.float32) * (1.0 / np.sqrt(H * F))
    att_src2 = jax.random.normal(ks[6], (1, C), dtype=jnp.float32) * (1.0 / np.sqrt(C))
    att_dst2 = jax.random.normal(ks[7], (1, C), dtype=jnp.float32) * (1.0 / np.sqrt(C))
    b2 = jnp.zeros((C,), dtype=jnp.float32)
    return {"x": x, "edge_index": edge_index, "W1": W1, "att_src1": att_src1,
            "att_dst1": att_dst1, "b1": b1, "W2": W2, "att_src2": att_src2,
            "att_dst2": att_dst2, "b2": b2}


def gat_conv(x, edge_index, W, att_src, att_dst, b, heads, out_ch):
    n = x.shape[0]
    src = edge_index[0]
    dst = edge_index[1]
    h = (x @ W).reshape(n, heads, out_ch)               # [N, H, F]
    a_src = jnp.sum(h * att_src[None, :, :], axis=-1)   # [N, H]
    a_dst = jnp.sum(h * att_dst[None, :, :], axis=-1)   # [N, H]
    e = a_src[src] + a_dst[dst]                          # [E, H]
    e = jnp.where(e > 0, e, NEG_SLOPE * e)               # LeakyReLU(0.2)
    emax = jax.ops.segment_max(e, dst, num_segments=n)
    emax = jnp.where(jnp.isfinite(emax), emax, 0.0)
    emax = jax.lax.stop_gradient(emax)
    ex = jnp.exp(e - emax[dst])
    esum = jax.ops.segment_sum(ex, dst, num_segments=n)
    alpha = ex / (esum[dst] + 1e-16)                     # softmax over in-edges of dst
    msg = h[src] * alpha[:, :, None]                     # [E, H, F]
    out = jax.ops.segment_sum(msg, dst, num_segments=n)  # [N, H, F]
    return out.reshape(n, heads * out_ch) + b[None, :]


def reference(x, edge_index, W1, att_src1, att_dst1, b1, W2, att_src2, att_dst2, b2):
    h = gat_conv(x, edge_index, W1, att_src1, att_dst1, b1, H, F)
    h = jax.nn.elu(h)
    out = gat_conv(h, edge_index, W2, att_src2, att_dst2, b2, 1, C)
    return out

if __name__ == "__main__":
    import jax
    _d = setup_inputs()
    print(jax.jit(kernel)(*tuple(_d.values())))

</pallas_src>

<mosaic_0001>
#map = affine_map<(d0, d1) -> (0, 0)>
#map1 = affine_map<(d0, d1) -> (0, 0, 0)>
module attributes {stable_mosaic.version = 14 : i64} {
  func.func @edge_kernel(%arg0: i32, %arg1: i32, %arg2: memref<10000x144xf32, #tpu.memory_space<hbm>>, %arg3: memref<10000x16xf32, #tpu.memory_space<hbm>>, %arg4: memref<32x125x80xi32, #tpu.memory_space<hbm>>, %arg5: memref<2x10240x144xf32, #tpu.memory_space<hbm>>, %arg6: memref<125x80xi32, #tpu.memory_space<vmem>>, %arg7: memref<80xi32, #tpu.memory_space<vmem>>, %arg8: memref<80xi32, #tpu.memory_space<vmem>>, %arg9: memref<80xi32, #tpu.memory_space<vmem>>, %arg10: memref<80xi32, #tpu.memory_space<vmem>>, %arg11: memref<80x144xf32, #tpu.memory_space<vmem>>, %arg12: memref<80x144xf32, #tpu.memory_space<vmem>>, %arg13: memref<80x16xf32, #tpu.memory_space<vmem>>, %arg14: memref<80x16xf32, #tpu.memory_space<vmem>>, %arg15: memref<10240x144xf32, #tpu.memory_space<vmem_shared>>, %arg16: memref<!tpu.dma_semaphore, #tpu.memory_space<semaphore_mem>>, %arg17: memref<!tpu.dma_semaphore, #tpu.memory_space<semaphore_mem>>, %arg18: memref<!tpu.dma_semaphore, #tpu.memory_space<semaphore_mem>>, %arg19: memref<!tpu.dma_semaphore, #tpu.memory_space<semaphore_mem>>, %arg20: memref<!tpu.dma_semaphore, #tpu.memory_space<semaphore_mem>>, %arg21: memref<!tpu.dma_semaphore, #tpu.memory_space<semaphore_mem>>) attributes {dimension_semantics = [#tpu.dimension_semantics<core_parallel>, #tpu.dimension_semantics<subcore_parallel>], iteration_bounds = array<i64: 2, 16>, scalar_prefetch = 0 : i64, scratch_operands = 16 : i64, tpu.core_type = #tpu.core_type<sc_vector_subcore>, window_params = [{transform_indices = #map}, {transform_indices = #map}, {transform_indices = #map1}, {transform_indices = #map1}]} {
    %mul3A = arith.constant 16 : i32
    %mul3A_0 = arith.muli %arg0, %mul3A : i32
    %add3A = arith.addi %mul3A_0, %arg1 : i32
    %scan3A = arith.constant 0 : i32
    %scan3A_1 = arith.constant 0 : i32
    %scan3A_2 = arith.constant 80 : i32
    %scan3A_3 = arith.addi %scan3A_1, %scan3A_2 : i32
    %scan3A_4 = arith.constant 1 : i32
    scf.for %scan3A_165 = %scan3A_1 to %scan3A_3 step %scan3A_4  : i32 {
      %broadcast_in_dim3A = arith.constant 0.000000e+00 : f32
      %broadcast_in_dim3A_166 = vector.broadcast %broadcast_in_dim3A : f32 to vector<16xf32>
      %swap3A_167 = arith.index_cast %scan3A_165 : i32 to index
      %swap3A_168 = arith.constant 0 : index
      %swap3A_169 = tpu.vector_load %arg11[%swap3A_167, %swap3A_168] {strides = array<i32>} : memref<80x144xf32, #tpu.memory_space<vmem>>, vector<1x16xf32>,
      %swap3A_170 = vector.shape_cast %swap3A_169 : vector<1x16xf32> to vector<16xf32>
      %swap3A_171 = vector.shape_cast %broadcast_in_dim3A_166 : vector<16xf32> to vector<1x16xf32>
      tpu.vector_store %arg11[%swap3A_167, %swap3A_168], %swap3A_171 {strides = array<i32>} : memref<80x144xf32, #tpu.memory_space<vmem>>, vector<1x16xf32>,
      %broadcast_in_dim3A_172 = arith.constant 0.000000e+00 : f32
      %broadcast_in_dim3A_173 = vector.broadcast %broadcast_in_dim3A_172 : f32 to vector<16xf32>
      %swap3A_174 = arith.index_cast %scan3A_165 : i32 to index
      %swap3A_175 = arith.constant 16 : index
      %swap3A_176 = tpu.vector_load %arg11[%swap3A_174, %swap3A_175] {strides = array<i32>} : memref<80x144xf32, #tpu.memory_space<vmem>>, vector<1x16xf32>,
      %swap3A_177 = vector.shape_cast %swap3A_176 : vector<1x16xf32> to vector<16xf32>
      %swap3A_178 = vector.shape_cast %broadcast_in_dim3A_173 : vector<16xf32> to vector<1x16xf32>
      tpu.vector_store %arg11[%swap3A_174, %swap3A_175], %swap3A_178 {strides = array<i32>} : memref<80x144xf32, #tpu.memory_space<vmem>>, vector<1x16xf32>,
      %broadcast_in_dim3A_179 = arith.constant 0.000000e+00 : f32
      %broadcast_in_dim3A_180 = vector.broadcast %broadcast_in_dim3A_179 : f32 to vector<16xf32>
      %swap3A_181 = arith.index_cast %scan3A_165 : i32 to index
      %swap3A_182 = arith.constant 32 : index
      %swap3A_183 = tpu.vector_load %arg11[%swap3A_181, %swap3A_182] {strides = array<i32>} : memref<80x144xf32, #tpu.memory_space<vmem>>, vector<1x16xf32>,
      %swap3A_184 = vector.shape_cast %swap3A_183 : vector<1x16xf32> to vector<16xf32>
      %swap3A_185 = vector.shape_cast %broadcast_in_dim3A_180 : vector<16xf32> to vector<1x16xf32>
      tpu.vector_store %arg11[%swap3A_181, %swap3A_182], %swap3A_185 {strides = array<i32>} : memref<80x144xf32, #tpu.memory_space<vmem>>, vector<1x16xf32>,
      %broadcast_in_dim3A_186 = arith.constant 0.000000e+00 : f32
      %broadcast_in_dim3A_187 = vector.broadcast %broadcast_in_dim3A_186 : f32 to vector<16xf32>
      %swap3A_188 = arith.index_cast %scan3A_165 : i32 to index
      %swap3A_189 = arith.constant 48 : index
      %swap3A_190 = tpu.vector_load %arg11[%swap3A_188, %swap3A_189] {strides = array<i32>} : memref<80x144xf32, #tpu.memory_space<vmem>>, vector<1x16xf32>,
      %swap3A_191 = vector.shape_cast %swap3A_190 : vector<1x16xf32> to vector<16xf32>
      %swap3A_192 = vector.shape_cast %broadcast_in_dim3A_187 : vector<16xf32> to vector<1x16xf32>
      tpu.vector_store %arg11[%swap3A_188, %swap3A_189], %swap3A_192 {strides = array<i32>} : memref<80x144xf32, #tpu.memory_space<vmem>>, vector<1x16xf32>,
      %broadcast_in_dim3A_193 = arith.constant 0.000000e+00 : f32
      %broadcast_in_dim3A_194 = vector.broadcast %broadcast_in_dim3A_193 : f32 to vector<16xf32>
      %swap3A_195 = arith.index_cast %scan3A_165 : i32 to index
      %swap3A_196 = arith.constant 64 : index
      %swap3A_197 = tpu.vector_load %arg11[%swap3A_195, %swap3A_196] {strides = array<i32>} : memref<80x144xf32, #tpu.memory_space<vmem>>, vector<1x16xf32>,
      %swap3A_198 = vector.shape_cast %swap3A_197 : vector<1x16xf32> to vector<16xf32>
      %swap3A_199 = vector.shape_cast %broadcast_in_dim3A_194 : vector<16xf32> to vector<1x16xf32>
      tpu.vector_store %arg11[%swap3A_195, %swap3A_196], %swap3A_199 {strides = array<i32>} : memref<80x144xf32, #tpu.memory_space<vmem>>, vector<1x16xf32>,
      %broadcast_in_dim3A_200 = arith.constant 0.000000e+00 : f32
      %broadcast_in_dim3A_201 = vector.broadcast %broadcast_in_dim3A_200 : f32 to vector<16xf32>
      %swap3A_202 = arith.index_cast %scan3A_165 : i32 to index
      %swap3A_203 = arith.constant 80 : index
      %swap3A_204 = tpu.vector_load %arg11[%swap3A_202, %swap3A_203] {strides = array<i32>} : memref<80x144xf32, #tpu.memory_space<vmem>>, vector<1x16xf32>,
      %swap3A_205 = vector.shape_cast %swap3A_204 : vector<1x16xf32> to vector<16xf32>
      %swap3A_206 = vector.shape_cast %broadcast_in_dim3A_201 : vector<16xf32> to vector<1x16xf32>
      tpu.vector_store %arg11[%swap3A_202, %swap3A_203], %swap3A_206 {strides = array<i32>} : memref<80x144xf32, #tpu.memory_space<vmem>>, vector<1x16xf32>,
      %broadcast_in_dim3A_207 = arith.constant 0.000000e+00 : f32
      %broadcast_in_dim3A_208 = vector.broadcast %broadcast_in_dim3A_207 : f32 to vector<16xf32>
      %swap3A_209 = arith.index_cast %scan3A_165 : i32 to index
      %swap3A_210 = arith.constant 96 : index
      %swap3A_211 = tpu.vector_load %arg11[%swap3A_209, %swap3A_210] {strides = array<i32>} : memref<80x144xf32, #tpu.memory_space<vmem>>, vector<1x16xf32>,
      %swap3A_212 = vector.shape_cast %swap3A_211 : vector<1x16xf32> to vector<16xf32>
      %swap3A_213 = vector.shape_cast %broadcast_in_dim3A_208 : vector<16xf32> to vector<1x16xf32>
      tpu.vector_store %arg11[%swap3A_209, %swap3A_210], %swap3A_213 {strides = array<i32>} : memref<80x144xf32, #tpu.memory_space<vmem>>, vector<1x16xf32>,
      %broadcast_in_dim3A_214 = arith.constant 0.000000e+00 : f32
      %broadcast_in_dim3A_215 = vector.broadcast %broadcast_in_dim3A_214 : f32 to vector<16xf32>
      %swap3A_216 = arith.index_cast %scan3A_165 : i32 to index
      %swap3A_217 = arith.constant 112 : index
      %swap3A_218 = tpu.vector_load %arg11[%swap3A_216, %swap3A_217] {strides = array<i32>} : memref<80x144xf32, #tpu.memory_space<vmem>>, vector<1x16xf32>,
      %swap3A_219 = vector.shape_cast %swap3A_218 : vector<1x16xf32> to vector<16xf32>
      %swap3A_220 = vector.shape_cast %broadcast_in_dim3A_215 : vector<16xf32> to vector<1x16xf32>
      tpu.vector_store %arg11[%swap3A_216, %swap3A_217], %swap3A_220 {strides = array<i32>} : memref<80x144xf32, #tpu.memory_space<vmem>>, vector<1x16xf32>,
      %broadcast_in_dim3A_221 = arith.constant 0.000000e+00 : f32
      %broadcast_in_dim3A_222 = vector.broadcast %broadcast_in_dim3A_221 : f32 to vector<16xf32>
      %swap3A_223 = arith.index_cast %scan3A_165 : i32 to index
      %swap3A_224 = arith.constant 128 : index
      %swap3A_225 = tpu.vector_load %arg11[%swap3A_223, %swap3A_224] {strides = array<i32>} : memref<80x144xf32, #tpu.memory_space<vmem>>, vector<1x16xf32>,
      %swap3A_226 = vector.shape_cast %swap3A_225 : vector<1x16xf32> to vector<16xf32>
      %swap3A_227 = vector.shape_cast %broadcast_in_dim3A_222 : vector<16xf32> to vector<1x16xf32>
      tpu.vector_store %arg11[%swap3A_223, %swap3A_224], %swap3A_227 {strides = array<i32>} : memref<80x144xf32, #tpu.memory_space<vmem>>, vector<1x16xf32>,
    }
    %scan3A_5 = arith.constant 80 : i32
    %mul3A_6 = arith.constant 640 : i32
    %mul3A_7 = arith.muli %arg1, %mul3A_6 : i32
    %add3A_8 = arith.constant 0 : i32
    %add3A_9 = arith.addi %mul3A_7, %add3A_8 : i32
    "tpu.region"() ({
      %run_scoped3A = tpu.sem_alloc : memref<!tpu.dma_semaphore, #tpu.memory_space<semaphore_mem>>
      %dma_start3A_165 = arith.constant 0 : i32
      %dma_start3A_166 = tpu.memref_slice %arg15[%add3A_9, %dma_start3A_165] : memref<10240x144xf32, #tpu.memory_space<vmem_shared>> -> memref<80x144xf32, #tpu.memory_space<vmem_shared>>
      %dma_start3A_167 = arith.constant 0 : i32
      %dma_start3A_168 = tpu.memref_slice %arg15[%add3A_9, %dma_start3A_167] : memref<10240x144xf32, #tpu.memory_space<vmem_shared>> -> memref<80x144xf32, #tpu.memory_space<vmem_shared>>
      tpu.enqueue_dma source(%arg11 : memref<80x144xf32, #tpu.memory_space<vmem>>) target(%dma_start3A_168 : memref<80x144xf32, #tpu.memory_space<vmem_shared>>) target_semaphore(%run_scoped3A : memref<!tpu.dma_semaphore, #tpu.memory_space<semaphore_mem>>)
      %dma_wait3A_169 = arith.constant 0 : i32
      %dma_wait3A_170 = tpu.memref_slice %arg15[%add3A_9, %dma_wait3A_169] : memref<10240x144xf32, #tpu.memory_space<vmem_shared>> -> memref<80x144xf32, #tpu.memory_space<vmem_shared>>
      %dma_wait3A_171 = arith.constant 0 : i32
      %dma_wait3A_172 = tpu.memref_slice %arg15[%add3A_9, %dma_wait3A_171] : memref<10240x144xf32, #tpu.memory_space<vmem_shared>> -> memref<80x144xf32, #tpu.memory_space<vmem_shared>>
      tpu.wait_dma2 semaphore(%run_scoped3A : memref<!tpu.dma_semaphore, #tpu.memory_space<semaphore_mem>>) src(%arg11 : memref<80x144xf32, #tpu.memory_space<vmem>>) dst(%dma_wait3A_172 : memref<80x144xf32, #tpu.memory_space<vmem_shared>>)
      tpu.yield
    }) : () -> ()
    %mul3A_10 = arith.constant 640 : i32
    %mul3A_11 = arith.muli %arg1, %mul3A_10 : i32
    %add3A_12 = arith.constant 80 : i32
    %add3A_13 = arith.addi %mul3A_11, %add3A_12 : i32
    "tpu.region"() ({
      %run_scoped3A = tpu.sem_alloc : memref<!tpu.dma_semaphore, #tpu.memory_space<semaphore_mem>>
      %dma_start3A_165 = arith.constant 0 : i32
      %dma_start3A_166 = tpu.memref_slice %arg15[%add3A_13, %dma_start3A_165] : memref<10240x144xf32, #tpu.memory_space<vmem_shared>> -> memref<80x144xf32, #tpu.memory_space<vmem_shared>>
      %dma_start3A_167 = arith.constant 0 : i32
      %dma_start3A_168 = tpu.memref_slice %arg15[%add3A_13, %dma_start3A_167] : memref<10240x144xf32, #tpu.memory_space<vmem_shared>> -> memref<80x144xf32, #tpu.memory_space<vmem_shared>>
      tpu.enqueue_dma source(%arg11 : memref<80x144xf32, #tpu.memory_space<vmem>>) target(%dma_start3A_168 : memref<80x144xf32, #tpu.memory_space<vmem_shared>>) target_semaphore(%run_scoped3A : memref<!tpu.dma_semaphore, #tpu.memory_space<semaphore_mem>>)
      %dma_wait3A_169 = arith.constant 0 : i32
      %dma_wait3A_170 = tpu.memref_slice %arg15[%add3A_13, %dma_wait3A_169] : memref<10240x144xf32, #tpu.memory_space<vmem_shared>> -> memref<80x144xf32, #tpu.memory_space<vmem_shared>>
      %dma_wait3A_171 = arith.constant 0 : i32
      %dma_wait3A_172 = tpu.memref_slice %arg15[%add3A_13, %dma_wait3A_171] : memref<10240x144xf32, #tpu.memory_space<vmem_shared>> -> memref<80x144xf32, #tpu.memory_space<vmem_shared>>
      tpu.wait_dma2 semaphore(%run_scoped3A : memref<!tpu.dma_semaphore, #tpu.memory_space<semaphore_mem>>) src(%arg11 : memref<80x144xf32, #tpu.memory_space<vmem>>) dst(%dma_wait3A_172 : memref<80x144xf32, #tpu.memory_space<vmem_shared>>)
      tpu.yield
    }) : () -> ()
    %mul3A_14 = arith.constant 640 : i32
    %mul3A_15 = arith.muli %arg1, %mul3A_14 : i32
    %add3A_16 = arith.constant 160 : i32
    %add3A_17 = arith.addi %mul3A_15, %add3A_16 : i32
    "tpu.region"() ({
      %run_scoped3A = tpu.sem_alloc : memref<!tpu.dma_semaphore, #tpu.memory_space<semaphore_mem>>
      %dma_start3A_165 = arith.constant 0 : i32
      %dma_start3A_166 = tpu.memref_slice %arg15[%add3A_17, %dma_start3A_165] : memref<10240x144xf32, #tpu.memory_space<vmem_shared>> -> memref<80x144xf32, #tpu.memory_space<vmem_shared>>
      %dma_start3A_167 = arith.constant 0 : i32
      %dma_start3A_168 = tpu.memref_slice %arg15[%add3A_17, %dma_start3A_167] : memref<10240x144xf32, #tpu.memory_space<vmem_shared>> -> memref<80x144xf32, #tpu.memory_space<vmem_shared>>
      tpu.enqueue_dma source(%arg11 : memref<80x144xf32, #tpu.memory_space<vmem>>) target(%dma_start3A_168 : memref<80x144xf32, #tpu.memory_space<vmem_shared>>) target_semaphore(%run_scoped3A : memref<!tpu.dma_semaphore, #tpu.memory_space<semaphore_mem>>)
      %dma_wait3A_169 = arith.constant 0 : i32
      %dma_wait3A_170 = tpu.memref_slice %arg15[%add3A_17, %dma_wait3A_169] : memref<10240x144xf32, #tpu.memory_space<vmem_shared>> -> memref<80x144xf32, #tpu.memory_space<vmem_shared>>
      %dma_wait3A_171 = arith.constant 0 : i32
      %dma_wait3A_172 = tpu.memref_slice %arg15[%add3A_17, %dma_wait3A_171] : memref<10240x144xf32, #tpu.memory_space<vmem_shared>> -> memref<80x144xf32, #tpu.memory_space<vmem_shared>>
      tpu.wait_dma2 semaphore(%run_scoped3A : memref<!tpu.dma_semaphore, #tpu.memory_space<semaphore_mem>>) src(%arg11 : memref<80x144xf32, #tpu.memory_space<vmem>>) dst(%dma_wait3A_172 : memref<80x144xf32, #tpu.memory_space<vmem_shared>>)
      tpu.yield
    }) : () -> ()
    %mul3A_18 = arith.constant 640 : i32
    %mul3A_19 = arith.muli %arg1, %mul3A_18 : i32
    %add3A_20 = arith.constant 240 : i32
    %add3A_21 = arith.addi %mul3A_19, %add3A_20 : i32
    "tpu.region"() ({
      %run_scoped3A = tpu.sem_alloc : memref<!tpu.dma_semaphore, #tpu.memory_space<semaphore_mem>>
      %dma_start3A_165 = arith.constant 0 : i32
      %dma_start3A_166 = tpu.memref_slice %arg15[%add3A_21, %dma_start3A_165] : memref<10240x144xf32, #tpu.memory_space<vmem_shared>> -> memref<80x144xf32, #tpu.memory_space<vmem_shared>>
      %dma_start3A_167 = arith.constant 0 : i32
      %dma_start3A_168 = tpu.memref_slice %arg15[%add3A_21, %dma_start3A_167] : memref<10240x144xf32, #tpu.memory_space<vmem_shared>> -> memref<80x144xf32, #tpu.memory_space<vmem_shared>>
      tpu.enqueue_dma source(%arg11 : memref<80x144xf32, #tpu.memory_space<vmem>>) target(%dma_start3A_168 : memref<80x144xf32, #tpu.memory_space<vmem_shared>>) target_semaphore(%run_scoped3A : memref<!tpu.dma_semaphore, #tpu.memory_space<semaphore_mem>>)
      %dma_wait3A_169 = arith.constant 0 : i32
      %dma_wait3A_170 = tpu.memref_slice %arg15[%add3A_21, %dma_wait3A_169] : memref<10240x144xf32, #tpu.memory_space<vmem_shared>> -> memref<80x144xf32, #tpu.memory_space<vmem_shared>>
      %dma_wait3A_171 = arith.constant 0 : i32
      %dma_wait3A_172 = tpu.memref_slice %arg15[%add3A_21, %dma_wait3A_171] : memref<10240x144xf32, #tpu.memory_space<vmem_shared>> -> memref<80x144xf32, #tpu.memory_space<vmem_shared>>
      tpu.wait_dma2 semaphore(%run_scoped3A : memref<!tpu.dma_semaphore, #tpu.memory_space<semaphore_mem>>) src(%arg11 : memref<80x144xf32, #tpu.memory_space<vmem>>) dst(%dma_wait3A_172 : memref<80x144xf32, #tpu.memory_space<vmem_shared>>)
      tpu.yield
    }) : () -> ()
    %mul3A_22 = arith.constant 640 : i32
    %mul3A_23 = arith.muli %arg1, %mul3A_22 : i32
    %add3A_24 = arith.constant 320 : i32
    %add3A_25 = arith.addi %mul3A_23, %add3A_24 : i32
    "tpu.region"() ({
      %run_scoped3A = tpu.sem_alloc : memref<!tpu.dma_semaphore, #tpu.memory_space<semaphore_mem>>
      %dma_start3A_165 = arith.constant 0 : i32
      %dma_start3A_166 = tpu.memref_slice %arg15[%add3A_25, %dma_start3A_165] : memref<10240x144xf32, #tpu.memory_space<vmem_shared>> -> memref<80x144xf32, #tpu.memory_space<vmem_shared>>
      %dma_start3A_167 = arith.constant 0 : i32
      %dma_start3A_168 = tpu.memref_slice %arg15[%add3A_25, %dma_start3A_167] : memref<10240x144xf32, #tpu.memory_space<vmem_shared>> -> memref<80x144xf32, #tpu.memory_space<vmem_shared>>
      tpu.enqueue_dma source(%arg11 : memref<80x144xf32, #tpu.memory_space<vmem>>) target(%dma_start3A_168 : memref<80x144xf32, #tpu.memory_space<vmem_shared>>) target_semaphore(%run_scoped3A : memref<!tpu.dma_semaphore, #tpu.memory_space<semaphore_mem>>)
      %dma_wait3A_169 = arith.constant 0 : i32
      %dma_wait3A_170 = tpu.memref_slice %arg15[%add3A_25, %dma_wait3A_169] : memref<10240x144xf32, #tpu.memory_space<vmem_shared>> -> memref<80x144xf32, #tpu.memory_space<vmem_shared>>
      %dma_wait3A_171 = arith.constant 0 : i32
      %dma_wait3A_172 = tpu.memref_slice %arg15[%add3A_25, %dma_wait3A_171] : memref<10240x144xf32, #tpu.memory_space<vmem_shared>> -> memref<80x144xf32, #tpu.memory_space<vmem_shared>>
      tpu.wait_dma2 semaphore(%run_scoped3A : memref<!tpu.dma_semaphore, #tpu.memory_space<semaphore_mem>>) src(%arg11 : memref<80x144xf32, #tpu.memory_space<vmem>>) dst(%dma_wait3A_172 : memref<80x144xf32, #tpu.memory_space<vmem_shared>>)
      tpu.yield
    }) : () -> ()
    %mul3A_26 = arith.constant 640 : i32
    %mul3A_27 = arith.muli %arg1, %mul3A_26 : i32
    %add3A_28 = arith.constant 400 : i32
    %add3A_29 = arith.addi %mul3A_27, %add3A_28 : i32
    "tpu.region"() ({
      %run_scoped3A = tpu.sem_alloc : memref<!tpu.dma_semaphore, #tpu.memory_space<semaphore_mem>>
      %dma_start3A_165 = arith.constant 0 : i32
      %dma_start3A_166 = tpu.memref_slice %arg15[%add3A_29, %dma_start3A_165] : memref<10240x144xf32, #tpu.memory_space<vmem_shared>> -> memref<80x144xf32, #tpu.memory_space<vmem_shared>>
      %dma_start3A_167 = arith.constant 0 : i32
      %dma_start3A_168 = tpu.memref_slice %arg15[%add3A_29, %dma_start3A_167] : memref<10240x144xf32, #tpu.memory_space<vmem_shared>> -> memref<80x144xf32, #tpu.memory_space<vmem_shared>>
      tpu.enqueue_dma source(%arg11 : memref<80x144xf32, #tpu.memory_space<vmem>>) target(%dma_start3A_168 : memref<80x144xf32, #tpu.memory_space<vmem_shared>>) target_semaphore(%run_scoped3A : memref<!tpu.dma_semaphore, #tpu.memory_space<semaphore_mem>>)
      %dma_wait3A_169 = arith.constant 0 : i32
      %dma_wait3A_170 = tpu.memref_slice %arg15[%add3A_29, %dma_wait3A_169] : memref<10240x144xf32, #tpu.memory_space<vmem_shared>> -> memref<80x144xf32, #tpu.memory_space<vmem_shared>>
      %dma_wait3A_171 = arith.constant 0 : i32
      %dma_wait3A_172 = tpu.memref_slice %arg15[%add3A_29, %dma_wait3A_171] : memref<10240x144xf32, #tpu.memory_space<vmem_shared>> -> memref<80x144xf32, #tpu.memory_space<vmem_shared>>
      tpu.wait_dma2 semaphore(%run_scoped3A : memref<!tpu.dma_semaphore, #tpu.memory_space<semaphore_mem>>) src(%arg11 : memref<80x144xf32, #tpu.memory_space<vmem>>) dst(%dma_wait3A_172 : memref<80x144xf32, #tpu.memory_space<vmem_shared>>)
      tpu.yield
    }) : () -> ()
    %mul3A_30 = arith.constant 640 : i32
    %mul3A_31 = arith.muli %arg1, %mul3A_30 : i32
    %add3A_32 = arith.constant 480 : i32
    %add3A_33 = arith.addi %mul3A_31, %add3A_32 : i32
    "tpu.region"() ({
      %run_scoped3A = tpu.sem_alloc : memref<!tpu.dma_semaphore, #tpu.memory_space<semaphore_mem>>
      %dma_start3A_165 = arith.constant 0 : i32
      %dma_start3A_166 = tpu.memref_slice %arg15[%add3A_33, %dma_start3A_165] : memref<10240x144xf32, #tpu.memory_space<vmem_shared>> -> memref<80x144xf32, #tpu.memory_space<vmem_shared>>
      %dma_start3A_167 = arith.constant 0 : i32
      %dma_start3A_168 = tpu.memref_slice %arg15[%add3A_33, %dma_start3A_167] : memref<10240x144xf32, #tpu.memory_space<vmem_shared>> -> memref<80x144xf32, #tpu.memory_space<vmem_shared>>
      tpu.enqueue_dma source(%arg11 : memref<80x144xf32, #tpu.memory_space<vmem>>) target(%dma_start3A_168 : memref<80x144xf32, #tpu.memory_space<vmem_shared>>) target_semaphore(%run_scoped3A : memref<!tpu.dma_semaphore, #tpu.memory_space<semaphore_mem>>)
      %dma_wait3A_169 = arith.constant 0 : i32
      %dma_wait3A_170 = tpu.memref_slice %arg15[%add3A_33, %dma_wait3A_169] : memref<10240x144xf32, #tpu.memory_space<vmem_shared>> -> memref<80x144xf32, #tpu.memory_space<vmem_shared>>
      %dma_wait3A_171 = arith.constant 0 : i32
      %dma_wait3A_172 = tpu.memref_slice %arg15[%add3A_33, %dma_wait3A_171] : memref<10240x144xf32, #tpu.memory_space<vmem_shared>> -> memref<80x144xf32, #tpu.memory_space<vmem_shared>>
      tpu.wait_dma2 semaphore(%run_scoped3A : memref<!tpu.dma_semaphore, #tpu.memory_space<semaphore_mem>>) src(%arg11 : memref<80x144xf32, #tpu.memory_space<vmem>>) dst(%dma_wait3A_172 : memref<80x144xf32, #tpu.memory_space<vmem_shared>>)
      tpu.yield
    }) : () -> ()
    %mul3A_34 = arith.constant 640 : i32
    %mul3A_35 = arith.muli %arg1, %mul3A_34 : i32
    %add3A_36 = arith.constant 560 : i32
    %add3A_37 = arith.addi %mul3A_35, %add3A_36 : i32
    "tpu.region"() ({
      %run_scoped3A = tpu.sem_alloc : memref<!tpu.dma_semaphore, #tpu.memory_space<semaphore_mem>>
      %dma_start3A_165 = arith.constant 0 : i32
      %dma_start3A_166 = tpu.memref_slice %arg15[%add3A_37, %dma_start3A_165] : memref<10240x144xf32, #tpu.memory_space<vmem_shared>> -> memref<80x144xf32, #tpu.memory_space<vmem_shared>>
      %dma_start3A_167 = arith.constant 0 : i32
      %dma_start3A_168 = tpu.memref_slice %arg15[%add3A_37, %dma_start3A_167] : memref<10240x144xf32, #tpu.memory_space<vmem_shared>> -> memref<80x144xf32, #tpu.memory_space<vmem_shared>>
      tpu.enqueue_dma source(%arg11 : memref<80x144xf32, #tpu.memory_space<vmem>>) target(%dma_start3A_168 : memref<80x144xf32, #tpu.memory_space<vmem_shared>>) target_semaphore(%run_scoped3A : memref<!tpu.dma_semaphore, #tpu.memory_space<semaphore_mem>>)
      %dma_wait3A_169 = arith.constant 0 : i32
      %dma_wait3A_170 = tpu.memref_slice %arg15[%add3A_37, %dma_wait3A_169] : memref<10240x144xf32, #tpu.memory_space<vmem_shared>> -> memref<80x144xf32, #tpu.memory_space<vmem_shared>>
      %dma_wait3A_171 = arith.constant 0 : i32
      %dma_wait3A_172 = tpu.memref_slice %arg15[%add3A_37, %dma_wait3A_171] : memref<10240x144xf32, #tpu.memory_space<vmem_shared>> -> memref<80x144xf32, #tpu.memory_space<vmem_shared>>
      tpu.wait_dma2 semaphore(%run_scoped3A : memref<!tpu.dma_semaphore, #tpu.memory_space<semaphore_mem>>) src(%arg11 : memref<80x144xf32, #tpu.memory_space<vmem>>) dst(%dma_wait3A_172 : memref<80x144xf32, #tpu.memory_space<vmem_shared>>)
      tpu.yield
    }) : () -> ()
    "tpu.region"() ({
      %run_scoped3A = tpu.sem_alloc : memref<!tpu.dma_semaphore, #tpu.memory_space<semaphore_mem>>
      %dma_start3A_165 = arith.constant 0 : i32
      %dma_start3A_166 = arith.constant 0 : i32
      %dma_start3A_167 = tpu.memref_slice %arg4[%add3A, %dma_start3A_165, %dma_start3A_166] : memref<32x125x80xi32, #tpu.memory_space<hbm>> -> memref<1x125x80xi32, #tpu.memory_space<hbm>>
      %dma_start3A_168 = tpu.memref_squeeze %dma_start3A_167 : memref<1x125x80xi32, #tpu.memory_space<hbm>> -> memref<125x80xi32, #tpu.memory_space<hbm>>
      %dma_start3A_169 = arith.constant 0 : i32
      %dma_start3A_170 = arith.constant 0 : i32
      %dma_start3A_171 = tpu.memref_slice %arg4[%add3A, %dma_start3A_169, %dma_start3A_170] : memref<32x125x80xi32, #tpu.memory_space<hbm>> -> memref<1x125x80xi32, #tpu.memory_space<hbm>>
      %dma_start3A_172 = tpu.memref_squeeze %dma_start3A_171 : memref<1x125x80xi32, #tpu.memory_space<hbm>> -> memref<125x80xi32, #tpu.memory_space<hbm>>
      tpu.enqueue_dma source(%dma_start3A_172 : memref<125x80xi32, #tpu.memory_space<hbm>>) target(%arg6 : memref<125x80xi32, #tpu.memory_space<vmem>>) target_semaphore(%run_scoped3A : memref<!tpu.dma_semaphore, #tpu.memory_space<semaphore_mem>>)
      %dma_wait3A_173 = arith.constant 0 : i32
      %dma_wait3A_174 = arith.constant 0 : i32
      %dma_wait3A_175 = tpu.memref_slice %arg4[%add3A, %dma_wait3A_173, %dma_wait3A_174] : memref<32x125x80xi32, #tpu.memory_space<hbm>> -> memref<1x125x80xi32, #tpu.memory_space<hbm>>
      %dma_wait3A_176 = tpu.memref_squeeze %dma_wait3A_175 : memref<1x125x80xi32, #tpu.memory_space<hbm>> -> memref<125x80xi32, #tpu.memory_space<hbm>>
      %dma_wait3A_177 = arith.constant 0 : i32
      %dma_wait3A_178 = arith.constant 0 : i32
      %dma_wait3A_179 = tpu.memref_slice %arg4[%add3A, %dma_wait3A_177, %dma_wait3A_178] : memref<32x125x80xi32, #tpu.memory_space<hbm>> -> memref<1x125x80xi32, #tpu.memory_space<hbm>>
      %dma_wait3A_180 = tpu.memref_squeeze %dma_wait3A_179 : memref<1x125x80xi32, #tpu.memory_space<hbm>> -> memref<125x80xi32, #tpu.memory_space<hbm>>
      tpu.wait_dma2 semaphore(%run_scoped3A : memref<!tpu.dma_semaphore, #tpu.memory_space<semaphore_mem>>) src(%dma_wait3A_180 : memref<125x80xi32, #tpu.memory_space<hbm>>) dst(%arg6 : memref<125x80xi32, #tpu.memory_space<vmem>>)
      tpu.yield
    }) : () -> ()
    %barrier3A = arith.constant 0 : index
    tpu.barrier barrier_id(%barrier3A)
    %get3A = arith.constant 0 : i32
    %get3A_38 = arith.index_cast %get3A : i32 to index
    %get3A_39 = arith.constant 0 : index
    %get3A_40 = tpu.vector_load %arg6[%get3A_38, %get3A_39] {strides = array<i32>} : memref<125x80xi32, #tpu.memory_space<vmem>>, vector<1x16xi32>,
    %get3A_41 = vector.shape_cast %get3A_40 : vector<1x16xi32> to vector<16xi32>
    %and3A = arith.constant 65535 : i32
    %and3A_42 = vector.broadcast %and3A : i32 to vector<16xi32>
    %and3A_43 = arith.andi %get3A_41, %and3A_42 : vector<16xi32>
    %swap3A = arith.constant 0 : index
    %swap3A_44 = tpu.vector_load %arg7[%swap3A] {strides = array<i32>} : memref<80xi32, #tpu.memory_space<vmem>>, vector<16xi32>,
    %swap3A_45 = vector.shape_cast %swap3A_44 : vector<16xi32> to vector<16xi32>
    %swap3A_46 = vector.shape_cast %and3A_43 : vector<16xi32> to vector<16xi32>
    tpu.vector_store %arg7[%swap3A], %swap3A_46 {strides = array<i32>} : memref<80xi32, #tpu.memory_space<vmem>>, vector<16xi32>,
    %shift_right_logical3A = arith.constant 16 : i32
    %shift_right_logical3A_47 = vector.broadcast %shift_right_logical3A : i32 to vector<16xi32>
    %shift_right_logical3A_48 = arith.shrui %get3A_41, %shift_right_logical3A_47 : vector<16xi32>
    %swap3A_49 = arith.constant 0 : index
    %swap3A_50 = tpu.vector_load %arg8[%swap3A_49] {strides = array<i32>} : memref<80xi32, #tpu.memory_space<vmem>>, vector<16xi32>,
    %swap3A_51 = vector.shape_cast %swap3A_50 : vector<16xi32> to vector<16xi32>
    %swap3A_52 = vector.shape_cast %shift_right_logical3A_48 : vector<16xi32> to vector<16xi32>
    tpu.vector_store %arg8[%swap3A_49], %swap3A_52 {strides = array<i32>} : memref<80xi32, #tpu.memory_space<vmem>>, vector<16xi32>,
    %get3A_53 = arith.constant 0 : i32
    %get3A_54 = arith.index_cast %get3A_53 : i32 to index
    %get3A_55 = arith.constant 16 : index
    %get3A_56 = tpu.vector_load %arg6[%get3A_54, %get3A_55] {strides = array<i32>} : memref<125x80xi32, #tpu.memory_space<vmem>>, vector<1x16xi32>,
    %get3A_57 = vector.shape_cast %get3A_56 : vector<1x16xi32> to vector<16xi32>
    %and3A_58 = arith.constant 65535 : i32
    %and3A_59 = vector.broadcast %and3A_58 : i32 to vector<16xi32>
    %and3A_60 = arith.andi %get3A_57, %and3A_59 : vector<16xi32>
    %swap3A_61 = arith.constant 16 : index
    %swap3A_62 = tpu.vector_load %arg7[%swap3A_61] {strides = array<i32>} : memref<80xi32, #tpu.memory_space<vmem>>, vector<16xi32>,
    %swap3A_63 = vector.shape_cast %swap3A_62 : vector<16xi32> to vector<16xi32>
    %swap3A_64 = vector.shape_cast %and3A_60 : vector<16xi32> to vector<16xi32>
    tpu.vector_store %arg7[%swap3A_61], %swap3A_64 {strides = array<i32>} : memref<80xi32, #tpu.memory_space<vmem>>, vector<16xi32>,
    %shift_right_logical3A_65 = arith.constant 16 : i32
    %shift_right_logical3A_66 = vector.broadcast %shift_right_logical3A_65 : i32 to vector<16xi32>
    %shift_right_logical3A_67 = arith.shrui %get3A_57, %shift_right_logical3A_66 : vector<16xi32>
    %swap3A_68 = arith.constant 16 : index
    %swap3A_69 = tpu.vector_load %arg8[%swap3A_68] {strides = array<i32>} : memref<80xi32, #tpu.memory_space<vmem>>, vector<16xi32>,
    %swap3A_70 = vector.shape_cast %swap3A_69 : vector<16xi32> to vector<16xi32>
    %swap3A_71 = vector.shape_cast %shift_right_logical3A_67 : vector<16xi32> to vector<16xi32>
    tpu.vector_store %arg8[%swap3A_68], %swap3A_71 {strides = array<i32>} : memref<80xi32, #tpu.memory_space<vmem>>, vector<16xi32>,
    %get3A_72 = arith.constant 0 : i32
    %get3A_73 = arith.index_cast %get3A_72 : i32 to index
    %get3A_74 = arith.constant 32 : index
    %get3A_75 = tpu.vector_load %arg6[%get3A_73, %get3A_74] {strides = array<i32>} : memref<125x80xi32, #tpu.memory_space<vmem>>, vector<1x16xi32>,
    %get3A_76 = vector.shape_cast %get3A_75 : vector<1x16xi32> to vector<16xi32>
    %and3A_77 = arith.constant 65535 : i32
    %and3A_78 = vector.broadcast %and3A_77 : i32 to vector<16xi32>
    %and3A_79 = arith.andi %get3A_76, %and3A_78 : vector<16xi32>
    %swap3A_80 = arith.constant 32 : index
    %swap3A_81 = tpu.vector_load %arg7[%swap3A_80] {strides = array<i32>} : memref<80xi32, #tpu.memory_space<vmem>>, vector<16xi32>,
    %swap3A_82 = vector.shape_cast %swap3A_81 : vector<16xi32> to vector<16xi32>
    %swap3A_83 = vector.shape_cast %and3A_79 : vector<16xi32> to vector<16xi32>
    tpu.vector_store %arg7[%swap3A_80], %swap3A_83 {strides = array<i32>} : memref<80xi32, #tpu.memory_space<vmem>>, vector<16xi32>,
    %shift_right_logical3A_84 = arith.constant 16 : i32
    %shift_right_logical3A_85 = vector.broadcast %shift_right_logical3A_84 : i32 to vector<16xi32>
    %shift_right_logical3A_86 = arith.shrui %get3A_76, %shift_right_logical3A_85 : vector<16xi32>
    %swap3A_87 = arith.constant 32 : index
    %swap3A_88 = tpu.vector_load %arg8[%swap3A_87] {strides = array<i32>} : memref<80xi32, #tpu.memory_space<vmem>>, vector<16xi32>,
    %swap3A_89 = vector.shape_cast %swap3A_88 : vector<16xi32> to vector<16xi32>
    %swap3A_90 = vector.shape_cast %shift_right_logical3A_86 : vector<16xi32> to vector<16xi32>
    tpu.vector_store %arg8[%swap3A_87], %swap3A_90 {strides = array<i32>} : memref<80xi32, #tpu.memory_space<vmem>>, vector<16xi32>,
    %get3A_91 = arith.constant 0 : i32
    %get3A_92 = arith.index_cast %get3A_91 : i32 to index
    %get3A_93 = arith.constant 48 : index
    %get3A_94 = tpu.vector_load %arg6[%get3A_92, %get3A_93] {strides = array<i32>} : memref<125x80xi32, #tpu.memory_space<vmem>>, vector<1x16xi32>,
    %get3A_95 = vector.shape_cast %get3A_94 : vector<1x16xi32> to vector<16xi32>
    %and3A_96 = arith.constant 65535 : i32
    %and3A_97 = vector.broadcast %and3A_96 : i32 to vector<16xi32>
    %and3A_98 = arith.andi %get3A_95, %and3A_97 : vector<16xi32>
    %swap3A_99 = arith.constant 48 : index
    %swap3A_100 = tpu.vector_load %arg7[%swap3A_99] {strides = array<i32>} : memref<80xi32, #tpu.memory_space<vmem>>, vector<16xi32>,
    %swap3A_101 = vector.shape_cast %swap3A_100 : vector<16xi32> to vector<16xi32>
    %swap3A_102 = vector.shape_cast %and3A_98 : vector<16xi32> to vector<16xi32>
    tpu.vector_store %arg7[%swap3A_99], %swap3A_102 {strides = array<i32>} : memref<80xi32, #tpu.memory_space<vmem>>, vector<16xi32>,
    %shift_right_logical3A_103 = arith.constant 16 : i32
    %shift_right_logical3A_104 = vector.broadcast %shift_right_logical3A_103 : i32 to vector<16xi32>
    %shift_right_logical3A_105 = arith.shrui %get3A_95, %shift_right_logical3A_104 : vector<16xi32>
    %swap3A_106 = arith.constant 48 : index
    %swap3A_107 = tpu.vector_load %arg8[%swap3A_106] {strides = array<i32>} : memref<80xi32, #tpu.memory_space<vmem>>, vector<16xi32>,
    %swap3A_108 = vector.shape_cast %swap3A_107 : vector<16xi32> to vector<16xi32>
    %swap3A_109 = vector.shape_cast %shift_right_logical3A_105 : vector<16xi32> to vector<16xi32>
    tpu.vector_store %arg8[%swap3A_106], %swap3A_109 {strides = array<i32>} : memref<80xi32, #tpu.memory_space<vmem>>, vector<16xi32>,
    %get3A_110 = arith.constant 0 : i32
    %get3A_111 = arith.index_cast %get3A_110 : i32 to index
    %get3A_112 = arith.constant 64 : index
    %get3A_113 = tpu.vector_load %arg6[%get3A_111, %get3A_112] {strides = array<i32>} : memref<125x80xi32, #tpu.memory_space<vmem>>, vector<1x16xi32>,
    %get3A_114 = vector.shape_cast %get3A_113 : vector<1x16xi32> to vector<16xi32>
    %and3A_115 = arith.constant 65535 : i32
    %and3A_116 = vector.broadcast %and3A_115 : i32 to vector<16xi32>
    %and3A_117 = arith.andi %get3A_114, %and3A_116 : vector<16xi32>
    %swap3A_118 = arith.constant 64 : index
    %swap3A_119 = tpu.vector_load %arg7[%swap3A_118] {strides = array<i32>} : memref<80xi32, #tpu.memory_space<vmem>>, vector<16xi32>,
    %swap3A_120 = vector.shape_cast %swap3A_119 : vector<16xi32> to vector<16xi32>
    %swap3A_121 = vector.shape_cast %and3A_117 : vector<16xi32> to vector<16xi32>
    tpu.vector_store %arg7[%swap3A_118], %swap3A_121 {strides = array<i32>} : memref<80xi32, #tpu.memory_space<vmem>>, vector<16xi32>,
    %shift_right_logical3A_122 = arith.constant 16 : i32
    %shift_right_logical3A_123 = vector.broadcast %shift_right_logical3A_122 : i32 to vector<16xi32>
    %shift_right_logical3A_124 = arith.shrui %get3A_114, %shift_right_logical3A_123 : vector<16xi32>
    %swap3A_125 = arith.constant 64 : index
    %swap3A_126 = tpu.vector_load %arg8[%swap3A_125] {strides = array<i32>} : memref<80xi32, #tpu.memory_space<vmem>>, vector<16xi32>,
    %swap3A_127 = vector.shape_cast %swap3A_126 : vector<16xi32> to vector<16xi32>
    %swap3A_128 = vector.shape_cast %shift_right_logical3A_124 : vector<16xi32> to vector<16xi32>
    tpu.vector_store %arg8[%swap3A_125], %swap3A_128 {strides = array<i32>} : memref<80xi32, #tpu.memory_space<vmem>>, vector<16xi32>,
    %dma_start3A = arith.constant 0 : i32
    %dma_start3A_129 = arith.constant 0 : i32
    %dma_start3A_130 = tpu.memref_slice %arg2[%dma_start3A, %dma_start3A_129] : memref<10000x144xf32, #tpu.memory_space<hbm>> -> memref<10000x144xf32, #tpu.memory_space<hbm>>
    tpu.enqueue_indirect_dma source(%dma_start3A_130 : memref<10000x144xf32, #tpu.memory_space<hbm>>) target(%arg11 : memref<80x144xf32, #tpu.memory_space<vmem>>) offsets(%arg7 : memref<80xi32, #tpu.memory_space<vmem>>) semaphore(%arg16 : memref<!tpu.dma_semaphore, #tpu.memory_space<semaphore_mem>>)
    %dma_start3A_131 = arith.constant 0 : i32
    %dma_start3A_132 = arith.constant 0 : i32
    %dma_start3A_133 = tpu.memref_slice %arg3[%dma_start3A_131, %dma_start3A_132] : memref<10000x16xf32, #tpu.memory_space<hbm>> -> memref<10000x16xf32, #tpu.memory_space<hbm>>
    tpu.enqueue_indirect_dma source(%dma_start3A_133 : memref<10000x16xf32, #tpu.memory_space<hbm>>) target(%arg13 : memref<80x16xf32, #tpu.memory_space<vmem>>) offsets(%arg8 : memref<80xi32, #tpu.memory_space<vmem>>) semaphore(%arg18 : memref<!tpu.dma_semaphore, #tpu.memory_space<semaphore_mem>>)
    %scan3A_134 = arith.constant 0 : i32
    %scan3A_135 = arith.constant 0 : i32
    %scan3A_136 = arith.constant 62 : i32
    %scan3A_137 = arith.addi %scan3A_135, %scan3A_136 : i32
    %scan3A_138 = arith.constant 1 : i32
    scf.for %scan3A_165 = %scan3A_135 to %scan3A_137 step %scan3A_138  : i32 {
      %mul3A_166 = arith.constant 2 : i32
      %mul3A_167 = arith.muli %mul3A_166, %scan3A_165 : i32
      %add3A_168 = arith.constant 1 : i32
      %add3A_169 = arith.addi %mul3A_167, %add3A_168 : i32
      %gt3A = arith.constant 0 : i32
      %gt3A_170 = arith.cmpi sgt, %scan3A_165, %gt3A : i32
      %convert_element_type3A = arith.extui %gt3A_170 : i1 to i32
      %cond3A = arith.constant 0 : i32
      %cond3A_171 = arith.cmpi ne, %convert_element_type3A, %cond3A : i32
      scf.if %cond3A_171 {
        %dma_wait3A_399 = arith.constant 0 : i32
        %dma_wait3A_400 = arith.constant 0 : i32
        %dma_wait3A_401 = tpu.memref_slice %arg15[%dma_wait3A_399, %dma_wait3A_400] : memref<10240x144xf32, #tpu.memory_space<vmem_shared>> -> memref<10240x144xf32, #tpu.memory_space<vmem_shared>>
        tpu.wait_indirect_dma semaphore(%arg21 : memref<!tpu.dma_semaphore, #tpu.memory_space<semaphore_mem>>) src(%arg12 : memref<80x144xf32, #tpu.memory_space<vmem>>) dst(%dma_wait3A_401 : memref<10240x144xf32, #tpu.memory_space<vmem_shared>>)
      } else {
      }
      %get3A_172 = arith.index_cast %add3A_169 : i32 to index
      %get3A_173 = arith.constant 0 : index
      %get3A_174 = tpu.vector_load %arg6[%get3A_172, %get3A_173] {strides = array<i32>} : memref<125x80xi32, #tpu.memory_space<vmem>>, vector<1x16xi32>,
      %get3A_175 = vector.shape_cast %get3A_174 : vector<1x16xi32> to vector<16xi32>
      %and3A_176 = arith.constant 65535 : i32
      %and3A_177 = vector.broadcast %and3A_176 : i32 to vector<16xi32>
      %and3A_178 = arith.andi %get3A_175, %and3A_177 : vector<16xi32>
      %swap3A_179 = arith.constant 0 : index
      %swap3A_180 = tpu.vector_load %arg9[%swap3A_179] {strides = array<i32>} : memref<80xi32, #tpu.memory_space<vmem>>, vector<16xi32>,
      %swap3A_181 = vector.shape_cast %swap3A_180 : vector<16xi32> to vector<16xi32>
      %swap3A_182 = vector.shape_cast %and3A_178 : vector<16xi32> to vector<16xi32>
      tpu.vector_store %arg9[%swap3A_179], %swap3A_182 {strides = array<i32>} : memref<80xi32, #tpu.memory_space<vmem>>, vector<16xi32>,
      %shift_right_logical3A_183 = arith.constant 16 : i32
      %shift_right_logical3A_184 = vector.broadcast %shift_right_logical3A_183 : i32 to vector<16xi32>
      %shift_right_logical3A_185 = arith.shrui %get3A_175, %shift_right_logical3A_184 : vector<16xi32>
      %swap3A_186 = arith.constant 0 : index
      %swap3A_187 = tpu.vector_load %arg10[%swap3A_186] {strides = array<i32>} : memref<80xi32, #tpu.memory_space<vmem>>, vector<16xi32>,
      %swap3A_188 = vector.shape_cast %swap3A_187 : vector<16xi32> to vector<16xi32>
      %swap3A_189 = vector.shape_cast %shift_right_logical3A_185 : vector<16xi32> to vector<16xi32>
      tpu.vector_store %arg10[%swap3A_186], %swap3A_189 {strides = array<i32>} : memref<80xi32, #tpu.memory_space<vmem>>, vector<16xi32>,
      %get3A_190 = arith.index_cast %add3A_169 : i32 to index
      %get3A_191 = arith.constant 16 : index
      %get3A_192 = tpu.vector_load %arg6[%get3A_190, %get3A_191] {strides = array<i32>} : memref<125x80xi32, #tpu.memory_space<vmem>>, vector<1x16xi32>,
      %get3A_193 = vector.shape_cast %get3A_192 : vector<1x16xi32> to vector<16xi32>
      %and3A_194 = arith.constant 65535 : i32
      %and3A_195 = vector.broadcast %and3A_194 : i32 to vector<16xi32>
      %and3A_196 = arith.andi %get3A_193, %and3A_195 : vector<16xi32>
      %swap3A_197 = arith.constant 16 : index
      %swap3A_198 = tpu.vector_load %arg9[%swap3A_197] {strides = array<i32>} : memref<80xi32, #tpu.memory_space<vmem>>, vector<16xi32>,
      %swap3A_199 = vector.shape_cast %swap3A_198 : vector<16xi32> to vector<16xi32>
      %swap3A_200 = vector.shape_cast %and3A_196 : vector<16xi32> to vector<16xi32>
      tpu.vector_store %arg9[%swap3A_197], %swap3A_200 {strides = array<i32>} : memref<80xi32, #tpu.memory_space<vmem>>, vector<16xi32>,
      %shift_right_logical3A_201 = arith.constant 16 : i32
      %shift_right_logical3A_202 = vector.broadcast %shift_right_logical3A_201 : i32 to vector<16xi32>
      %shift_right_logical3A_203 = arith.shrui %get3A_193, %shift_right_logical3A_202 : vector<16xi32>
      %swap3A_204 = arith.constant 16 : index
      %swap3A_205 = tpu.vector_load %arg10[%swap3A_204] {strides = array<i32>} : memref<80xi32, #tpu.memory_space<vmem>>, vector<16xi32>,
      %swap3A_206 = vector.shape_cast %swap3A_205 : vector<16xi32> to vector<16xi32>
      %swap3A_207 = vector.shape_cast %shift_right_logical3A_203 : vector<16xi32> to vector<16xi32>
      tpu.vector_store %arg10[%swap3A_204], %swap3A_207 {strides = array<i32>} : memref<80xi32, #tpu.memory_space<vmem>>, vector<16xi32>,
      %get3A_208 = arith.index_cast %add3A_169 : i32 to index
      %get3A_209 = arith.constant 32 : index
      %get3A_210 = tpu.vector_load %arg6[%get3A_208, %get3A_209] {strides = array<i32>} : memref<125x80xi32, #tpu.memory_space<vmem>>, vector<1x16xi32>,
      %get3A_211 = vector.shape_cast %get3A_210 : vector<1x16xi32> to vector<16xi32>
      %and3A_212 = arith.constant 65535 : i32
      %and3A_213 = vector.broadcast %and3A_212 : i32 to vector<16xi32>
      %and3A_214 = arith.andi %get3A_211, %and3A_213 : vector<16xi32>
      %swap3A_215 = arith.constant 32 : index
      %swap3A_216 = tpu.vector_load %arg9[%swap3A_215] {strides = array<i32>} : memref<80xi32, #tpu.memory_space<vmem>>, vector<16xi32>,
      %swap3A_217 = vector.shape_cast %swap3A_216 : vector<16xi32> to vector<16xi32>
      %swap3A_218 = vector.shape_cast %and3A_214 : vector<16xi32> to vector<16xi32>
      tpu.vector_store %arg9[%swap3A_215], %swap3A_218 {strides = array<i32>} : memref<80xi32, #tpu.memory_space<vmem>>, vector<16xi32>,
      %shift_right_logical3A_219 = arith.constant 16 : i32
      %shift_right_logical3A_220 = vector.broadcast %shift_right_logical3A_219 : i32 to vector<16xi32>
      %shift_right_logical3A_221 = arith.shrui %get3A_211, %shift_right_logical3A_220 : vector<16xi32>
      %swap3A_222 = arith.constant 32 : index
      %swap3A_223 = tpu.vector_load %arg10[%swap3A_222] {strides = array<i32>} : memref<80xi32, #tpu.memory_space<vmem>>, vector<16xi32>,
      %swap3A_224 = vector.shape_cast %swap3A_223 : vector<16xi32> to vector<16xi32>
      %swap3A_225 = vector.shape_cast %shift_right_logical3A_221 : vector<16xi32> to vector<16xi32>
      tpu.vector_store %arg10[%swap3A_222], %swap3A_225 {strides = array<i32>} : memref<80xi32, #tpu.memory_space<vmem>>, vector<16xi32>,
      %get3A_226 = arith.index_cast %add3A_169 : i32 to index
      %get3A_227 = arith.constant 48 : index
      %get3A_228 = tpu.vector_load %arg6[%get3A_226, %get3A_227] {strides = array<i32>} : memref<125x80xi32, #tpu.memory_space<vmem>>, vector<1x16xi32>,
      %get3A_229 = vector.shape_cast %get3A_228 : vector<1x16xi32> to vector<16xi32>
      %and3A_230 = arith.constant 65535 : i32
      %and3A_231 = vector.broadcast %and3A_230 : i32 to vector<16xi32>
      %and3A_232 = arith.andi %get3A_229, %and3A_231 : vector<16xi32>
      %swap3A_233 = arith.constant 48 : index
      %swap3A_234 = tpu.vector_load %arg9[%swap3A_233] {strides = array<i32>} : memref<80xi32, #tpu.memory_space<vmem>>, vector<16xi32>,
      %swap3A_235 = vector.shape_cast %swap3A_234 : vector<16xi32> to vector<16xi32>
      %swap3A_236 = vector.shape_cast %and3A_232 : vector<16xi32> to vector<16xi32>
      tpu.vector_store %arg9[%swap3A_233], %swap3A_236 {strides = array<i32>} : memref<80xi32, #tpu.memory_space<vmem>>, vector<16xi32>,
      %shift_right_logical3A_237 = arith.constant 16 : i32
      %shift_right_logical3A_238 = vector.broadcast %shift_right_logical3A_237 : i32 to vector<16xi32>
      %shift_right_logical3A_239 = arith.shrui %get3A_229, %shift_right_logical3A_238 : vector<16xi32>
      %swap3A_240 = arith.constant 48 : index
      %swap3A_241 = tpu.vector_load %arg10[%swap3A_240] {strides = array<i32>} : memref<80xi32, #tpu.memory_space<vmem>>, vector<16xi32>,
      %swap3A_242 = vector.shape_cast %swap3A_241 : vector<16xi32> to vector<16xi32>
      %swap3A_243 = vector.shape_cast %shift_right_logical3A_239 : vector<16xi32> to vector<16xi32>
      tpu.vector_store %arg10[%swap3A_240], %swap3A_243 {strides = array<i32>} : memref<80xi32, #tpu.memory_space<vmem>>, vector<16xi32>,
      %get3A_244 = arith.index_cast %add3A_169 : i32 to index
      %get3A_245 = arith.constant 64 : index
      %get3A_246 = tpu.vector_load %arg6[%get3A_244, %get3A_245] {strides = array<i32>} : memref<125x80xi32, #tpu.memory_space<vmem>>, vector<1x16xi32>,
      %get3A_247 = vector.shape_cast %get3A_246 : vector<1x16xi32> to vector<16xi32>
      %and3A_248 = arith.constant 65535 : i32
      %and3A_249 = vector.broadcast %and3A_248 : i32 to vector<16xi32>
      %and3A_250 = arith.andi %get3A_247, %and3A_249 : vector<16xi32>
      %swap3A_251 = arith.constant 64 : index
      %swap3A_252 = tpu.vector_load %arg9[%swap3A_251] {strides = array<i32>} : memref<80xi32, #tpu.memory_space<vmem>>, vector<16xi32>,
      %swap3A_253 = vector.shape_cast %swap3A_252 : vector<16xi32> to vector<16xi32>
      %swap3A_254 = vector.shape_cast %and3A_250 : vector<16xi32> to vector<16xi32>
      tpu.vector_store %arg9[%swap3A_251], %swap3A_254 {strides = array<i32>} : memref<80xi32, #tpu.memory_space<vmem>>, vector<16xi32>,
      %shift_right_logical3A_255 = arith.constant 16 : i32
      %shift_right_logical3A_256 = vector.broadcast %shift_right_logical3A_255 : i32 to vector<16xi32>
      %shift_right_logical3A_257 = arith.shrui %get3A_247, %shift_right_logical3A_256 : vector<16xi32>
      %swap3A_258 = arith.constant 64 : index
      %swap3A_259 = tpu.vector_load %arg10[%swap3A_258] {strides = array<i32>} : memref<80xi32, #tpu.memory_space<vmem>>, vector<16xi32>,
      %swap3A_260 = vector.shape_cast %swap3A_259 : vector<16xi32> to vector<16xi32>
      %swap3A_261 = vector.shape_cast %shift_right_logical3A_257 : vector<16xi32> to vector<16xi32>
      tpu.vector_store %arg10[%swap3A_258], %swap3A_261 {strides = array<i32>} : memref<80xi32, #tpu.memory_space<vmem>>, vector<16xi32>,
      %dma_start3A_262 = arith.constant 0 : i32
      %dma_start3A_263 = arith.constant 0 : i32
      %dma_start3A_264 = tpu.memref_slice %arg2[%dma_start3A_262, %dma_start3A_263] : memref<10000x144xf32, #tpu.memory_space<hbm>> -> memref<10000x144xf32, #tpu.memory_space<hbm>>
      tpu.enqueue_indirect_dma source(%dma_start3A_264 : memref<10000x144xf32, #tpu.memory_space<hbm>>) target(%arg12 : memref<80x144xf32, #tpu.memory_space<vmem>>) offsets(%arg9 : memref<80xi32, #tpu.memory_space<vmem>>) semaphore(%arg17 : memref<!tpu.dma_semaphore, #tpu.memory_space<semaphore_mem>>)
      %dma_start3A_265 = arith.constant 0 : i32
      %dma_start3A_266 = arith.constant 0 : i32
      %dma_start3A_267 = tpu.memref_slice %arg3[%dma_start3A_265, %dma_start3A_266] : memref<10000x16xf32, #tpu.memory_space<hbm>> -> memref<10000x16xf32, #tpu.memory_space<hbm>>
      tpu.enqueue_indirect_dma source(%dma_start3A_267 : memref<10000x16xf32, #tpu.memory_space<hbm>>) target(%arg14 : memref<80x16xf32, #tpu.memory_space<vmem>>) offsets(%arg10 : memref<80xi32, #tpu.memory_space<vmem>>) semaphore(%arg19 : memref<!tpu.dma_semaphore, #tpu.memory_space<semaphore_mem>>)
      %dma_wait3A_268 = arith.constant 0 : i32
      %dma_wait3A_269 = arith.constant 0 : i32
      %dma_wait3A_270 = tpu.memref_slice %arg2[%dma_wait3A_268, %dma_wait3A_269] : memref<10000x144xf32, #tpu.memory_space<hbm>> -> memref<10000x144xf32, #tpu.memory_space<hbm>>
      tpu.wait_indirect_dma semaphore(%arg16 : memref<!tpu.dma_semaphore, #tpu.memory_space<semaphore_mem>>) src(%dma_wait3A_270 : memref<10000x144xf32, #tpu.memory_space<hbm>>) dst(%arg11 : memref<80x144xf32, #tpu.memory_space<vmem>>)
      %dma_wait3A_271 = arith.constant 0 : i32
      %dma_wait3A_272 = arith.constant 0 : i32
      %dma_wait3A_273 = tpu.memref_slice %arg3[%dma_wait3A_271, %dma_wait3A_272] : memref<10000x16xf32, #tpu.memory_space<hbm>> -> memref<10000x16xf32, #tpu.memory_space<hbm>>
      tpu.wait_indirect_dma semaphore(%arg18 : memref<!tpu.dma_semaphore, #tpu.memory_space<semaphore_mem>>) src(%dma_wait3A_273 : memref<10000x16xf32, #tpu.memory_space<hbm>>) dst(%arg13 : memref<80x16xf32, #tpu.memory_space<vmem>>)
      %scan3A_274 = arith.constant 0 : i32
      %scan3A_275 = arith.constant 0 : i32
      %scan3A_276 = arith.constant 80 : i32
      %scan3A_277 = arith.addi %scan3A_275, %scan3A_276 : i32
      %scan3A_278 = arith.constant 4 : i32
      scf.for %scan3A_399 = %scan3A_275 to %scan3A_277 step %scan3A_278  : i32 {
        %get3A_400 = arith.index_cast %scan3A_399 : i32 to index
        %get3A_401 = arith.constant 128 : index
        %get3A_402 = tpu.vector_load %arg11[%get3A_400, %get3A_401] {strides = array<i32>} : memref<80x144xf32, #tpu.memory_space<vmem>>, vector<1x16xf32>,
        %get3A_403 = vector.shape_cast %get3A_402 : vector<1x16xf32> to vector<16xf32>
        %get3A_404 = arith.index_cast %scan3A_399 : i32 to index
        %get3A_405 = arith.constant 0 : index
        %get3A_406 = tpu.vector_load %arg13[%get3A_404, %get3A_405] {strides = array<i32>} : memref<80x16xf32, #tpu.memory_space<vmem>>, vector<1x16xf32>,
        %get3A_407 = vector.shape_cast %get3A_406 : vector<1x16xf32> to vector<16xf32>
        %add3A_408 = arith.addf %get3A_403, %get3A_407 : vector<16xf32>
        %gt3A_409 = arith.constant 0.000000e+00 : f32
        %gt3A_410 = vector.broadcast %gt3A_409 : f32 to vector<16xf32>
        %gt3A_411 = arith.cmpf ogt, %add3A_408, %gt3A_410 : vector<16xf32>
        %mul3A_412 = arith.constant 2.000000e-01 : f32
        %mul3A_413 = vector.broadcast %mul3A_412 : f32 to vector<16xf32>
        %mul3A_414 = arith.mulf %add3A_408, %mul3A_413 : vector<16xf32>
        %select_n3A = arith.select %gt3A_411, %add3A_408, %mul3A_414 : vector<16xi1>, vector<16xf32>
        %exp3A = math.exp %select_n3A : vector<16xf32>
        %swap3A_415 = arith.index_cast %scan3A_399 : i32 to index
        %swap3A_416 = arith.constant 128 : index
        %swap3A_417 = tpu.vector_load %arg11[%swap3A_415, %swap3A_416] {strides = array<i32>} : memref<80x144xf32, #tpu.memory_space<vmem>>, vector<1x16xf32>,
        %swap3A_418 = vector.shape_cast %swap3A_417 : vector<1x16xf32> to vector<16xf32>
        %swap3A_419 = vector.shape_cast %exp3A : vector<16xf32> to vector<1x16xf32>
        tpu.vector_store %arg11[%swap3A_415, %swap3A_416], %swap3A_419 {strides = array<i32>} : memref<80x144xf32, #tpu.memory_space<vmem>>, vector<1x16xf32>,
        %broadcast_in_dim3A = arith.constant 0 : i32
        %broadcast_in_dim3A_420 = vector.broadcast %broadcast_in_dim3A : i32 to vector<16x1xi32>
        %gather3A = vector.shape_cast %broadcast_in_dim3A_420 : vector<16x1xi32> to vector<16xi32>
        %gather3A_421 = tpu.dynamic_gather %exp3A[%gather3A] in [0] : vector<16xf32>, vector<16xi32> -> vector<16xf32>
        %get3A_422 = arith.index_cast %scan3A_399 : i32 to index
        %get3A_423 = arith.constant 0 : index
        %get3A_424 = tpu.vector_load %arg11[%get3A_422, %get3A_423] {strides = array<i32>} : memref<80x144xf32, #tpu.memory_space<vmem>>, vector<1x16xf32>,
        %get3A_425 = vector.shape_cast %get3A_424 : vector<1x16xf32> to vector<16xf32>
        %mul3A_426 = arith.mulf %get3A_425, %gather3A_421 : vector<16xf32>
        %swap3A_427 = arith.index_cast %scan3A_399 : i32 to index
        %swap3A_428 = arith.constant 0 : index
        %swap3A_429 = tpu.vector_load %arg11[%swap3A_427, %swap3A_428] {strides = array<i32>} : memref<80x144xf32, #tpu.memory_space<vmem>>, vector<1x16xf32>,
        %swap3A_430 = vector.shape_cast %swap3A_429 : vector<1x16xf32> to vector<16xf32>
        %swap3A_431 = vector.shape_cast %mul3A_426 : vector<16xf32> to vector<1x16xf32>
        tpu.vector_store %arg11[%swap3A_427, %swap3A_428], %swap3A_431 {strides = array<i32>} : memref<80x144xf32, #tpu.memory_space<vmem>>, vector<1x16xf32>,
        %broadcast_in_dim3A_432 = arith.constant 1 : i32
        %broadcast_in_dim3A_433 = vector.broadcast %broadcast_in_dim3A_432 : i32 to vector<16x1xi32>
        %gather3A_434 = vector.shape_cast %broadcast_in_dim3A_433 : vector<16x1xi32> to vector<16xi32>
        %gather3A_435 = tpu.dynamic_gather %exp3A[%gather3A_434] in [0] : vector<16xf32>, vector<16xi32> -> vector<16xf32>
        %get3A_436 = arith.index_cast %scan3A_399 : i32 to index
        %get3A_437 = arith.constant 16 : index
        %get3A_438 = tpu.vector_load %arg11[%get3A_436, %get3A_437] {strides = array<i32>} : memref<80x144xf32, #tpu.memory_space<vmem>>, vector<1x16xf32>,
        %get3A_439 = vector.shape_cast %get3A_438 : vector<1x16xf32> to vector<16xf32>
        %mul3A_440 = arith.mulf %get3A_439, %gather3A_435 : vector<16xf32>
        %swap3A_441 = arith.index_cast %scan3A_399 : i32 to index
        %swap3A_442 = arith.constant 16 : index
        %swap3A_443 = tpu.vector_load %arg11[%swap3A_441, %swap3A_442] {strides = array<i32>} : memref<80x144xf32, #tpu.memory_space<vmem>>, vector<1x16xf32>,
        %swap3A_444 = vector.shape_cast %swap3A_443 : vector<1x16xf32> to vector<16xf32>
        %swap3A_445 = vector.shape_cast %mul3A_440 : vector<16xf32> to vector<1x16xf32>
        tpu.vector_store %arg11[%swap3A_441, %swap3A_442], %swap3A_445 {strides = array<i32>} : memref<80x144xf32, #tpu.memory_space<vmem>>, vector<1x16xf32>,
        %broadcast_in_dim3A_446 = arith.constant 2 : i32
        %broadcast_in_dim3A_447 = vector.broadcast %broadcast_in_dim3A_446 : i32 to vector<16x1xi32>
        %gather3A_448 = vector.shape_cast %broadcast_in_dim3A_447 : vector<16x1xi32> to vector<16xi32>
        %gather3A_449 = tpu.dynamic_gather %exp3A[%gather3A_448] in [0] : vector<16xf32>, vector<16xi32> -> vector<16xf32>
        %get3A_450 = arith.index_cast %scan3A_399 : i32 to index
        %get3A_451 = arith.constant 32 : index
        %get3A_452 = tpu.vector_load %arg11[%get3A_450, %get3A_451] {strides = array<i32>} : memref<80x144xf32, #tpu.memory_space<vmem>>, vector<1x16xf32>,
        %get3A_453 = vector.shape_cast %get3A_452 : vector<1x16xf32> to vector<16xf32>
        %mul3A_454 = arith.mulf %get3A_453, %gather3A_449 : vector<16xf32>
        %swap3A_455 = arith.index_cast %scan3A_399 : i32 to index
        %swap3A_456 = arith.constant 32 : index
        %swap3A_457 = tpu.vector_load %arg11[%swap3A_455, %swap3A_456] {strides = array<i32>} : memref<80x144xf32, #tpu.memory_space<vmem>>, vector<1x16xf32>,
        %swap3A_458 = vector.shape_cast %swap3A_457 : vector<1x16xf32> to vector<16xf32>
        %swap3A_459 = vector.shape_cast %mul3A_454 : vector<16xf32> to vector<1x16xf32>
        tpu.vector_store %arg11[%swap3A_455, %swap3A_456], %swap3A_459 {strides = array<i32>} : memref<80x144xf32, #tpu.memory_space<vmem>>, vector<1x16xf32>,
        %broadcast_in_dim3A_460 = arith.constant 3 : i32
        %broadcast_in_dim3A_461 = vector.broadcast %broadcast_in_dim3A_460 : i32 to vector<16x1xi32>
        %gather3A_462 = vector.shape_cast %broadcast_in_dim3A_461 : vector<16x1xi32> to vector<16xi32>
        %gather3A_463 = tpu.dynamic_gather %exp3A[%gather3A_462] in [0] : vector<16xf32>, vector<16xi32> -> vector<16xf32>
        %get3A_464 = arith.index_cast %scan3A_399 : i32 to index
        %get3A_465 = arith.constant 48 : index
        %get3A_466 = tpu.vector_load %arg11[%get3A_464, %get3A_465] {strides = array<i32>} : memref<80x144xf32, #tpu.memory_space<vmem>>, vector<1x16xf32>,
        %get3A_467 = vector.shape_cast %get3A_466 : vector<1x16xf32> to vector<16xf32>
        %mul3A_468 = arith.mulf %get3A_467, %gather3A_463 : vector<16xf32>
        %swap3A_469 = arith.index_cast %scan3A_399 : i32 to index
        %swap3A_470 = arith.constant 48 : index
        %swap3A_471 = tpu.vector_load %arg11[%swap3A_469, %swap3A_470] {strides = array<i32>} : memref<80x144xf32, #tpu.memory_space<vmem>>, vector<1x16xf32>,
        %swap3A_472 = vector.shape_cast %swap3A_471 : vector<1x16xf32> to vector<16xf32>
        %swap3A_473 = vector.shape_cast %mul3A_468 : vector<16xf32> to vector<1x16xf32>
        tpu.vector_store %arg11[%swap3A_469, %swap3A_470], %swap3A_473 {strides = array<i32>} : memref<80x144xf32, #tpu.memory_space<vmem>>, vector<1x16xf32>,
        %broadcast_in_dim3A_474 = arith.constant 4 : i32
        %broadcast_in_dim3A_475 = vector.broadcast %broadcast_in_dim3A_474 : i32 to vector<16x1xi32>
        %gather3A_476 = vector.shape_cast %broadcast_in_dim3A_475 : vector<16x1xi32> to vector<16xi32>
        %gather3A_477 = tpu.dynamic_gather %exp3A[%gather3A_476] in [0] : vector<16xf32>, vector<16xi32> -> vector<16xf32>
        %get3A_478 = arith.index_cast %scan3A_399 : i32 to index
        %get3A_479 = arith.constant 64 : index
        %get3A_480 = tpu.vector_load %arg11[%get3A_478, %get3A_479] {strides = array<i32>} : memref<80x144xf32, #tpu.memory_space<vmem>>, vector<1x16xf32>,
        %get3A_481 = vector.shape_cast %get3A_480 : vector<1x16xf32> to vector<16xf32>
        %mul3A_482 = arith.mulf %get3A_481, %gather3A_477 : vector<16xf32>
        %swap3A_483 = arith.index_cast %scan3A_399 : i32 to index
        %swap3A_484 = arith.constant 64 : index
        %swap3A_485 = tpu.vector_load %arg11[%swap3A_483, %swap3A_484] {strides = array<i32>} : memref<80x144xf32, #tpu.memory_space<vmem>>, vector<1x16xf32>,
        %swap3A_486 = vector.shape_cast %swap3A_485 : vector<1x16xf32> to vector<16xf32>
        %swap3A_487 = vector.shape_cast %mul3A_482 : vector<16xf32> to vector<1x16xf32>
        tpu.vector_store %arg11[%swap3A_483, %swap3A_484], %swap3A_487 {strides = array<i32>} : memref<80x144xf32, #tpu.memory_space<vmem>>, vector<1x16xf32>,
        %broadcast_in_dim3A_488 = arith.constant 5 : i32
        %broadcast_in_dim3A_489 = vector.broadcast %broadcast_in_dim3A_488 : i32 to vector<16x1xi32>
        %gather3A_490 = vector.shape_cast %broadcast_in_dim3A_489 : vector<16x1xi32> to vector<16xi32>
        %gather3A_491 = tpu.dynamic_gather %exp3A[%gather3A_490] in [0] : vector<16xf32>, vector<16xi32> -> vector<16xf32>
        %get3A_492 = arith.index_cast %scan3A_399 : i32 to index
        %get3A_493 = arith.constant 80 : index
        %get3A_494 = tpu.vector_load %arg11[%get3A_492, %get3A_493] {strides = array<i32>} : memref<80x144xf32, #tpu.memory_space<vmem>>, vector<1x16xf32>,
        %get3A_495 = vector.shape_cast %get3A_494 : vector<1x16xf32> to vector<16xf32>
        %mul3A_496 = arith.mulf %get3A_495, %gather3A_491 : vector<16xf32>
        %swap3A_497 = arith.index_cast %scan3A_399 : i32 to index
        %swap3A_498 = arith.constant 80 : index
        %swap3A_499 = tpu.vector_load %arg11[%swap3A_497, %swap3A_498] {strides = array<i32>} : memref<80x144xf32, #tpu.memory_space<vmem>>, vector<1x16xf32>,
        %swap3A_500 = vector.shape_cast %swap3A_499 : vector<1x16xf32> to vector<16xf32>
        %swap3A_501 = vector.shape_cast %mul3A_496 : vector<16xf32> to vector<1x16xf32>
        tpu.vector_store %arg11[%swap3A_497, %swap3A_498], %swap3A_501 {strides = array<i32>} : memref<80x144xf32, #tpu.memory_space<vmem>>, vector<1x16xf32>,
        %broadcast_in_dim3A_502 = arith.constant 6 : i32
        %broadcast_in_dim3A_503 = vector.broadcast %broadcast_in_dim3A_502 : i32 to vector<16x1xi32>
        %gather3A_504 = vector.shape_cast %broadcast_in_dim3A_503 : vector<16x1xi32> to vector<16xi32>
        %gather3A_505 = tpu.dynamic_gather %exp3A[%gather3A_504] in [0] : vector<16xf32>, vector<16xi32> -> vector<16xf32>
        %get3A_506 = arith.index_cast %scan3A_399 : i32 to index
        %get3A_507 = arith.constant 96 : index
        %get3A_508 = tpu.vector_load %arg11[%get3A_506, %get3A_507] {strides = array<i32>} : memref<80x144xf32, #tpu.memory_space<vmem>>, vector<1x16xf32>,
        %get3A_509 = vector.shape_cast %get3A_508 : vector<1x16xf32> to vector<16xf32>
        %mul3A_510 = arith.mulf %get3A_509, %gather3A_505 : vector<16xf32>
        %swap3A_511 = arith.index_cast %scan3A_399 : i32 to index
        %swap3A_512 = arith.constant 96 : index
        %swap3A_513 = tpu.vector_load %arg11[%swap3A_511, %swap3A_512] {strides = array<i32>} : memref<80x144xf32, #tpu.memory_space<vmem>>, vector<1x16xf32>,
        %swap3A_514 = vector.shape_cast %swap3A_513 : vector<1x16xf32> to vector<16xf32>
        %swap3A_515 = vector.shape_cast %mul3A_510 : vector<16xf32> to vector<1x16xf32>
        tpu.vector_store %arg11[%swap3A_511, %swap3A_512], %swap3A_515 {strides = array<i32>} : memref<80x144xf32, #tpu.memory_space<vmem>>, vector<1x16xf32>,
        %broadcast_in_dim3A_516 = arith.constant 7 : i32
        %broadcast_in_dim3A_517 = vector.broadcast %broadcast_in_dim3A_516 : i32 to vector<16x1xi32>
        %gather3A_518 = vector.shape_cast %broadcast_in_dim3A_517 : vector<16x1xi32> to vector<16xi32>
        %gather3A_519 = tpu.dynamic_gather %exp3A[%gather3A_518] in [0] : vector<16xf32>, vector<16xi32> -> vector<16xf32>
        %get3A_520 = arith.index_cast %scan3A_399 : i32 to index
        %get3A_521 = arith.constant 112 : index
        %get3A_522 = tpu.vector_load %arg11[%get3A_520, %get3A_521] {strides = array<i32>} : memref<80x144xf32, #tpu.memory_space<vmem>>, vector<1x16xf32>,
        %get3A_523 = vector.shape_cast %get3A_522 : vector<1x16xf32> to vector<16xf32>
        %mul3A_524 = arith.mulf %get3A_523, %gather3A_519 : vector<16xf32>
        %swap3A_525 = arith.index_cast %scan3A_399 : i32 to index
        %swap3A_526 = arith.constant 112 : index
        %swap3A_527 = tpu.vector_load %arg11[%swap3A_525, %swap3A_526] {strides = array<i32>} : memref<80x144xf32, #tpu.memory_space<vmem>>, vector<1x16xf32>,
        %swap3A_528 = vector.shape_cast %swap3A_527 : vector<1x16xf32> to vector<16xf32>
        %swap3A_529 = vector.shape_cast %mul3A_524 : vector<16xf32> to vector<1x16xf32>
        tpu.vector_store %arg11[%swap3A_525, %swap3A_526], %swap3A_529 {strides = array<i32>} : memref<80x144xf32, #tpu.memory_space<vmem>>, vector<1x16xf32>,
        %scan3A_530 = arith.constant 1 : i32
        %scan3A_531 = arith.addi %scan3A_399, %scan3A_530 : i32
        %get3A_532 = arith.index_cast %scan3A_531 : i32 to index
        %get3A_533 = arith.constant 128 : index
        %get3A_534 = tpu.vector_load %arg11[%get3A_532, %get3A_533] {strides = array<i32>} : memref<80x144xf32, #tpu.memory_space<vmem>>, vector<1x16xf32>,
        %get3A_535 = vector.shape_cast %get3A_534 : vector<1x16xf32> to vector<16xf32>
        %get3A_536 = arith.index_cast %scan3A_531 : i32 to index
        %get3A_537 = arith.constant 0 : index
        %get3A_538 = tpu.vector_load %arg13[%get3A_536, %get3A_537] {strides = array<i32>} : memref<80x16xf32, #tpu.memory_space<vmem>>, vector<1x16xf32>,
        %get3A_539 = vector.shape_cast %get3A_538 : vector<1x16xf32> to vector<16xf32>
        %add3A_540 = arith.addf %get3A_535, %get3A_539 : vector<16xf32>
        %gt3A_541 = arith.constant 0.000000e+00 : f32
        %gt3A_542 = vector.broadcast %gt3A_541 : f32 to vector<16xf32>
        %gt3A_543 = arith.cmpf ogt, %add3A_540, %gt3A_542 : vector<16xf32>
        %mul3A_544 = arith.constant 2.000000e-01 : f32
        %mul3A_545 = vector.broadcast %mul3A_544 : f32 to vector<16xf32>
        %mul3A_546 = arith.mulf %add3A_540, %mul3A_545 : vector<16xf32>
        %select_n3A_547 = arith.select %gt3A_543, %add3A_540, %mul3A_546 : vector<16xi1>, vector<16xf32>
        %exp3A_548 = math.exp %select_n3A_547 : vector<16xf32>
        %swap3A_549 = arith.index_cast %scan3A_531 : i32 to index
        %swap3A_550 = arith.constant 128 : index
        %swap3A_551 = tpu.vector_load %arg11[%swap3A_549, %swap3A_550] {strides = array<i32>} : memref<80x144xf32, #tpu.memory_space<vmem>>, vector<1x16xf32>,
        %swap3A_552 = vector.shape_cast %swap3A_551 : vector<1x16xf32> to vector<16xf32>
        %swap3A_553 = vector.shape_cast %exp3A_548 : vector<16xf32> to vector<1x16xf32>
        tpu.vector_store %arg11[%swap3A_549, %swap3A_550], %swap3A_553 {strides = array<i32>} : memref<80x144xf32, #tpu.memory_space<vmem>>, vector<1x16xf32>,
        %broadcast_in_dim3A_554 = arith.constant 0 : i32
        %broadcast_in_dim3A_555 = vector.broadcast %broadcast_in_dim3A_554 : i32 to vector<16x1xi32>
        %gather3A_556 = vector.shape_cast %broadcast_in_dim3A_555 : vector<16x1xi32> to vector<16xi32>
        %gather3A_557 = tpu.dynamic_gather %exp3A_548[%gather3A_556] in [0] : vector<16xf32>, vector<16xi32> -> vector<16xf32>
        %get3A_558 = arith.index_cast %scan3A_531 : i32 to index
        %get3A_559 = arith.constant 0 : index
        %get3A_560 = tpu.vector_load %arg11[%get3A_558, %get3A_559] {strides = array<i32>} : memref<80x144xf32, #tpu.memory_space<vmem>>, vector<1x16xf32>,
        %get3A_561 = vector.shape_cast %get3A_560 : vector<1x16xf32> to vector<16xf32>
        %mul3A_562 = arith.mulf %get3A_561, %gather3A_557 : vector<16xf32>
        %swap3A_563 = arith.index_cast %scan3A_531 : i32 to index
        %swap3A_564 = arith.constant 0 : index
        %swap3A_565 = tpu.vector_load %arg11[%swap3A_563, %swap3A_564] {strides = array<i32>} : memref<80x144xf32, #tpu.memory_space<vmem>>, vector<1x16xf32>,
        %swap3A_566 = vector.shape_cast %swap3A_565 : vector<1x16xf32> to vector<16xf32>
        %swap3A_567 = vector.shape_cast %mul3A_562 : vector<16xf32> to vector<1x16xf32>
        tpu.vector_store %arg11[%swap3A_563, %swap3A_564], %swap3A_567 {strides = array<i32>} : memref<80x144xf32, #tpu.memory_space<vmem>>, vector<1x16xf32>,
        %broadcast_in_dim3A_568 = arith.constant 1 : i32
        %broadcast_in_dim3A_569 = vector.broadcast %broadcast_in_dim3A_568 : i32 to vector<16x1xi32>
        %gather3A_570 = vector.shape_cast %broadcast_in_dim3A_569 : vector<16x1xi32> to vector<16xi32>
        %gather3A_571 = tpu.dynamic_gather %exp3A_548[%gather3A_570] in [0] : vector<16xf32>, vector<16xi32> -> vector<16xf32>
        %get3A_572 = arith.index_cast %scan3A_531 : i32 to index
        %get3A_573 = arith.constant 16 : index
        %get3A_574 = tpu.vector_load %arg11[%get3A_572, %get3A_573] {strides = array<i32>} : memref<80x144xf32, #tpu.memory_space<vmem>>, vector<1x16xf32>,
        %get3A_575 = vector.shape_cast %get3A_574 : vector<1x16xf32> to vector<16xf32>
        %mul3A_576 = arith.mulf %get3A_575, %gather3A_571 : vector<16xf32>
        %swap3A_577 = arith.index_cast %scan3A_531 : i32 to index
        %swap3A_578 = arith.constant 16 : index
        %swap3A_579 = tpu.vector_load %arg11[%swap3A_577, %swap3A_578] {strides = array<i32>} : memref<80x144xf32, #tpu.memory_space<vmem>>, vector<1x16xf32>,
        %swap3A_580 = vector.shape_cast %swap3A_579 : vector<1x16xf32> to vector<16xf32>
        %swap3A_581 = vector.shape_cast %mul3A_576 : vector<16xf32> to vector<1x16xf32>
        tpu.vector_store %arg11[%swap3A_577, %swap3A_578], %swap3A_581 {strides = array<i32>} : memref<80x144xf32, #tpu.memory_space<vmem>>, vector<1x16xf32>,
        %broadcast_in_dim3A_582 = arith.constant 2 : i32
        %broadcast_in_dim3A_583 = vector.broadcast %broadcast_in_dim3A_582 : i32 to vector<16x1xi32>
        %gather3A_584 = vector.shape_cast %broadcast_in_dim3A_583 : vector<16x1xi32> to vector<16xi32>
        %gather3A_585 = tpu.dynamic_gather %exp3A_548[%gather3A_584] in [0] : vector<16xf32>, vector<16xi32> -> vector<16xf32>
        %get3A_586 = arith.index_cast %scan3A_531 : i32 to index
        %get3A_587 = arith.constant 32 : index
        %get3A_588 = tpu.vector_load %arg11[%get3A_586, %get3A_587] {strides = array<i32>} : memref<80x144xf32, #tpu.memory_space<vmem>>, vector<1x16xf32>,
        %get3A_589 = vector.shape_cast %get3A_588 : vector<1x16xf32> to vector<16xf32>
        %mul3A_590 = arith.mulf %get3A_589, %gather3A_585 : vector<16xf32>
        %swap3A_591 = arith.index_cast %scan3A_531 : i32 to index
        %swap3A_592 = arith.constant 32 : index
        %swap3A_593 = tpu.vector_load %arg11[%swap3A_591, %swap3A_592] {strides = array<i32>} : memref<80x144xf32, #tpu.memory_space<vmem>>, vector<1x16xf32>,
        %swap3A_594 = vector.shape_cast %swap3A_593 : vector<1x16xf32> to vector<16xf32>
        %swap3A_595 = vector.shape_cast %mul3A_590 : vector<16xf32> to vector<1x16xf32>
        tpu.vector_store %arg11[%swap3A_591, %swap3A_592], %swap3A_595 {strides = array<i32>} : memref<80x144xf32, #tpu.memory_space<vmem>>, vector<1x16xf32>,
        %broadcast_in_dim3A_596 = arith.constant 3 : i32
        %broadcast_in_dim3A_597 = vector.broadcast %broadcast_in_dim3A_596 : i32 to vector<16x1xi32>
        %gather3A_598 = vector.shape_cast %broadcast_in_dim3A_597 : vector<16x1xi32> to vector<16xi32>
        %gather3A_599 = tpu.dynamic_gather %exp3A_548[%gather3A_598] in [0] : vector<16xf32>, vector<16xi32> -> vector<16xf32>
        %get3A_600 = arith.index_cast %scan3A_531 : i32 to index
        %get3A_601 = arith.constant 48 : index
        %get3A_602 = tpu.vector_load %arg11[%get3A_600, %get3A_601] {strides = array<i32>} : memref<80x144xf32, #tpu.memory_space<vmem>>, vector<1x16xf32>,
        %get3A_603 = vector.shape_cast %get3A_602 : vector<1x16xf32> to vector<16xf32>
        %mul3A_604 = arith.mulf %get3A_603, %gather3A_599 : vector<16xf32>
        %swap3A_605 = arith.index_cast %scan3A_531 : i32 to index
        %swap3A_606 = arith.constant 48 : index
        %swap3A_607 = tpu.vector_load %arg11[%swap3A_605, %swap3A_606] {strides = array<i32>} : memref<80x144xf32, #tpu.memory_space<vmem>>, vector<1x16xf32>,
        %swap3A_608 = vector.shape_cast %swap3A_607 : vector<1x16xf32> to vector<16xf32>
        %swap3A_609 = vector.shape_cast %mul3A_604 : vector<16xf32> to vector<1x16xf32>
        tpu.vector_store %arg11[%swap3A_605, %swap3A_606], %swap3A_609 {strides = array<i32>} : memref<80x144xf32, #tpu.memory_space<vmem>>, vector<1x16xf32>,
        %broadcast_in_dim3A_610 = arith.constant 4 : i32
        %broadcast_in_dim3A_611 = vector.broadcast %broadcast_in_dim3A_610 : i32 to vector<16x1xi32>
        %gather3A_612 = vector.shape_cast %broadcast_in_dim3A_611 : vector<16x1xi32> to vector<16xi32>
        %gather3A_613 = tpu.dynamic_gather %exp3A_548[%gather3A_612] in [0] : vector<16xf32>, vector<16xi32> -> vector<16xf32>
        %get3A_614 = arith.index_cast %scan3A_531 : i32 to index
        %get3A_615 = arith.constant 64 : index
        %get3A_616 = tpu.vector_load %arg11[%get3A_614, %get3A_615] {strides = array<i32>} : memref<80x144xf32, #tpu.memory_space<vmem>>, vector<1x16xf32>,
        %get3A_617 = vector.shape_cast %get3A_616 : vector<1x16xf32> to vector<16xf32>
        %mul3A_618 = arith.mulf %get3A_617, %gather3A_613 : vector<16xf32>
        %swap3A_619 = arith.index_cast %scan3A_531 : i32 to index
        %swap3A_620 = arith.constant 64 : index
        %swap3A_621 = tpu.vector_load %arg11[%swap3A_619, %swap3A_620] {strides = array<i32>} : memref<80x144xf32, #tpu.memory_space<vmem>>, vector<1x16xf32>,
        %swap3A_622 = vector.shape_cast %swap3A_621 : vector<1x16xf32> to vector<16xf32>
        %swap3A_623 = vector.shape_cast %mul3A_618 : vector<16xf32> to vector<1x16xf32>
        tpu.vector_store %arg11[%swap3A_619, %swap3A_620], %swap3A_623 {strides = array<i32>} : memref<80x144xf32, #tpu.memory_space<vmem>>, vector<1x16xf32>,
        %broadcast_in_dim3A_624 = arith.constant 5 : i32
        %broadcast_in_dim3A_625 = vector.broadcast %broadcast_in_dim3A_624 : i32 to vector<16x1xi32>
        %gather3A_626 = vector.shape_cast %broadcast_in_dim3A_625 : vector<16x1xi32> to vector<16xi32>
        %gather3A_627 = tpu.dynamic_gather %exp3A_548[%gather3A_626] in [0] : vector<16xf32>, vector<16xi32> -> vector<16xf32>
        %get3A_628 = arith.index_cast %scan3A_531 : i32 to index
        %get3A_629 = arith.constant 80 : index
        %get3A_630 = tpu.vector_load %arg11[%get3A_628, %get3A_629] {strides = array<i32>} : memref<80x144xf32, #tpu.memory_space<vmem>>, vector<1x16xf32>,
        %get3A_631 = vector.shape_cast %get3A_630 : vector<1x16xf32> to vector<16xf32>
        %mul3A_632 = arith.mulf %get3A_631, %gather3A_627 : vector<16xf32>
        %swap3A_633 = arith.index_cast %scan3A_531 : i32 to index
        %swap3A_634 = arith.constant 80 : index
        %swap3A_635 = tpu.vector_load %arg11[%swap3A_633, %swap3A_634] {strides = array<i32>} : memref<80x144xf32, #tpu.memory_space<vmem>>, vector<1x16xf32>,
        %swap3A_636 = vector.shape_cast %swap3A_635 : vector<1x16xf32> to vector<16xf32>
        %swap3A_637 = vector.shape_cast %mul3A_632 : vector<16xf32> to vector<1x16xf32>
        tpu.vector_store %arg11[%swap3A_633, %swap3A_634], %swap3A_637 {strides = array<i32>} : memref<80x144xf32, #tpu.memory_space<vmem>>, vector<1x16xf32>,
        %broadcast_in_dim3A_638 = arith.constant 6 : i32
        %broadcast_in_dim3A_639 = vector.broadcast %broadcast_in_dim3A_638 : i32 to vector<16x1xi32>
        %gather3A_640 = vector.shape_cast %broadcast_in_dim3A_639 : vector<16x1xi32> to vector<16xi32>
        %gather3A_641 = tpu.dynamic_gather %exp3A_548[%gather3A_640] in [0] : vector<16xf32>, vector<16xi32> -> vector<16xf32>
        %get3A_642 = arith.index_cast %scan3A_531 : i32 to index
        %get3A_643 = arith.constant 96 : index
        %get3A_644 = tpu.vector_load %arg11[%get3A_642, %get3A_643] {strides = array<i32>} : memref<80x144xf32, #tpu.memory_space<vmem>>, vector<1x16xf32>,
        %get3A_645 = vector.shape_cast %get3A_644 : vector<1x16xf32> to vector<16xf32>
        %mul3A_646 = arith.mulf %get3A_645, %gather3A_641 : vector<16xf32>
        %swap3A_647 = arith.index_cast %scan3A_531 : i32 to index
        %swap3A_648 = arith.constant 96 : index
        %swap3A_649 = tpu.vector_load %arg11[%swap3A_647, %swap3A_648] {strides = array<i32>} : memref<80x144xf32, #tpu.memory_space<vmem>>, vector<1x16xf32>,
        %swap3A_650 = vector.shape_cast %swap3A_649 : vector<1x16xf32> to vector<16xf32>
        %swap3A_651 = vector.shape_cast %mul3A_646 : vector<16xf32> to vector<1x16xf32>
        tpu.vector_store %arg11[%swap3A_647, %swap3A_648], %swap3A_651 {strides = array<i32>} : memref<80x144xf32, #tpu.memory_space<vmem>>, vector<1x16xf32>,
        %broadcast_in_dim3A_652 = arith.constant 7 : i32
        %broadcast_in_dim3A_653 = vector.broadcast %broadcast_in_dim3A_652 : i32 to vector<16x1xi32>
        %gather3A_654 = vector.shape_cast %broadcast_in_dim3A_653 : vector<16x1xi32> to vector<16xi32>
        %gather3A_655 = tpu.dynamic_gather %exp3A_548[%gather3A_654] in [0] : vector<16xf32>, vector<16xi32> -> vector<16xf32>
        %get3A_656 = arith.index_cast %scan3A_531 : i32 to index
        %get3A_657 = arith.constant 112 : index
        %get3A_658 = tpu.vector_load %arg11[%get3A_656, %get3A_657] {strides = array<i32>} : memref<80x144xf32, #tpu.memory_space<vmem>>, vector<1x16xf32>,
        %get3A_659 = vector.shape_cast %get3A_658 : vector<1x16xf32> to vector<16xf32>
        %mul3A_660 = arith.mulf %get3A_659, %gather3A_655 : vector<16xf32>
        %swap3A_661 = arith.index_cast %scan3A_531 : i32 to index
        %swap3A_662 = arith.constant 112 : index
        %swap3A_663 = tpu.vector_load %arg11[%swap3A_661, %swap3A_662] {strides = array<i32>} : memref<80x144xf32, #tpu.memory_space<vmem>>, vector<1x16xf32>,
        %swap3A_664 = vector.shape_cast %swap3A_663 : vector<1x16xf32> to vector<16xf32>
        %swap3A_665 = vector.shape_cast %mul3A_660 : vector<16xf32> to vector<1x16xf32>
        tpu.vector_store %arg11[%swap3A_661, %swap3A_662], %swap3A_665 {strides = array<i32>} : memref<80x144xf32, #tpu.memory_space<vmem>>, vector<1x16xf32>,
        %scan3A_666 = arith.constant 2 : i32
        %scan3A_667 = arith.addi %scan3A_399, %scan3A_666 : i32
        %get3A_668 = arith.index_cast %scan3A_667 : i32 to index
        %get3A_669 = arith.constant 128 : index
        %get3A_670 = tpu.vector_load %arg11[%get3A_668, %get3A_669] {strides = array<i32>} : memref<80x144xf32, #tpu.memory_space<vmem>>, vector<1x16xf32>,
        %get3A_671 = vector.shape_cast %get3A_670 : vector<1x16xf32> to vector<16xf32>
        %get3A_672 = arith.index_cast %scan3A_667 : i32 to index
        %get3A_673 = arith.constant 0 : index
        %get3A_674 = tpu.vector_load %arg13[%get3A_672, %get3A_673] {strides = array<i32>} : memref<80x16xf32, #tpu.memory_space<vmem>>, vector<1x16xf32>,
        %get3A_675 = vector.shape_cast %get3A_674 : vector<1x16xf32> to vector<16xf32>
        %add3A_676 = arith.addf %get3A_671, %get3A_675 : vector<16xf32>
        %gt3A_677 = arith.constant 0.000000e+00 : f32
        %gt3A_678 = vector.broadcast %gt3A_677 : f32 to vector<16xf32>
        %gt3A_679 = arith.cmpf ogt, %add3A_676, %gt3A_678 : vector<16xf32>
        %mul3A_680 = arith.constant 2.000000e-01 : f32
        %mul3A_681 = vector.broadcast %mul3A_680 : f32 to vector<16xf32>
        %mul3A_682 = arith.mulf %add3A_676, %mul3A_681 : vector<16xf32>
        %select_n3A_683 = arith.select %gt3A_679, %add3A_676, %mul3A_682 : vector<16xi1>, vector<16xf32>
        %exp3A_684 = math.exp %select_n3A_683 : vector<16xf32>
        %swap3A_685 = arith.index_cast %scan3A_667 : i32 to index
        %swap3A_686 = arith.constant 128 : index
        %swap3A_687 = tpu.vector_load %arg11[%swap3A_685, %swap3A_686] {strides = array<i32>} : memref<80x144xf32, #tpu.memory_space<vmem>>, vector<1x16xf32>,
        %swap3A_688 = vector.shape_cast %swap3A_687 : vector<1x16xf32> to vector<16xf32>
        %swap3A_689 = vector.shape_cast %exp3A_684 : vector<16xf32> to vector<1x16xf32>
        tpu.vector_store %arg11[%swap3A_685, %swap3A_686], %swap3A_689 {strides = array<i32>} : memref<80x144xf32, #tpu.memory_space<vmem>>, vector<1x16xf32>,
        %broadcast_in_dim3A_690 = arith.constant 0 : i32
        %broadcast_in_dim3A_691 = vector.broadcast %broadcast_in_dim3A_690 : i32 to vector<16x1xi32>
        %gather3A_692 = vector.shape_cast %broadcast_in_dim3A_691 : vector<16x1xi32> to vector<16xi32>
        %gather3A_693 = tpu.dynamic_gather %exp3A_684[%gather3A_692] in [0] : vector<16xf32>, vector<16xi32> -> vector<16xf32>
        %get3A_694 = arith.index_cast %scan3A_667 : i32 to index
        %get3A_695 = arith.constant 0 : index
        %get3A_696 = tpu.vector_load %arg11[%get3A_694, %get3A_695] {strides = array<i32>} : memref<80x144xf32, #tpu.memory_space<vmem>>, vector<1x16xf32>,
        %get3A_697 = vector.shape_cast %get3A_696 : vector<1x16xf32> to vector<16xf32>
        %mul3A_698 = arith.mulf %get3A_697, %gather3A_693 : vector<16xf32>
        %swap3A_699 = arith.index_cast %scan3A_667 : i32 to index
        %swap3A_700 = arith.constant 0 : index
        %swap3A_701 = tpu.vector_load %arg11[%swap3A_699, %swap3A_700] {strides = array<i32>} : memref<80x144xf32, #tpu.memory_space<vmem>>, vector<1x16xf32>,
        %swap3A_702 = vector.shape_cast %swap3A_701 : vector<1x16xf32> to vector<16xf32>
        %swap3A_703 = vector.shape_cast %mul3A_698 : vector<16xf32> to vector<1x16xf32>
        tpu.vector_store %arg11[%swap3A_699, %swap3A_700], %swap3A_703 {strides = array<i32>} : memref<80x144xf32, #tpu.memory_space<vmem>>, vector<1x16xf32>,
        %broadcast_in_dim3A_704 = arith.constant 1 : i32
        %broadcast_in_dim3A_705 = vector.broadcast %broadcast_in_dim3A_704 : i32 to vector<16x1xi32>
        %gather3A_706 = vector.shape_cast %broadcast_in_dim3A_705 : vector<16x1xi32> to vector<16xi32>
        %gather3A_707 = tpu.dynamic_gather %exp3A_684[%gather3A_706] in [0] : vector<16xf32>, vector<16xi32> -> vector<16xf32>
        %get3A_708 = arith.index_cast %scan3A_667 : i32 to index
        %get3A_709 = arith.constant 16 : index
        %get3A_710 = tpu.vector_load %arg11[%get3A_708, %get3A_709] {strides = array<i32>} : memref<80x144xf32, #tpu.memory_space<vmem>>, vector<1x16xf32>,
        %get3A_711 = vector.shape_cast %get3A_710 : vector<1x16xf32> to vector<16xf32>
        %mul3A_712 = arith.mulf %get3A_711, %gather3A_707 : vector<16xf32>
        %swap3A_713 = arith.index_cast %scan3A_667 : i32 to index
        %swap3A_714 = arith.constant 16 : index
        %swap3A_715 = tpu.vector_load %arg11[%swap3A_713, %swap3A_714] {strides = array<i32>} : memref<80x144xf32, #tpu.memory_space<vmem>>, vector<1x16xf32>,
        %swap3A_716 = vector.shape_cast %swap3A_715 : vector<1x16xf32> to vector<16xf32>
        %swap3A_717 = vector.shape_cast %mul3A_712 : vector<16xf32> to vector<1x16xf32>
        tpu.vector_store %arg11[%swap3A_713, %swap3A_714], %swap3A_717 {strides = array<i32>} : memref<80x144xf32, #tpu.memory_space<vmem>>, vector<1x16xf32>,
        %broadcast_in_dim3A_718 = arith.constant 2 : i32
        %broadcast_in_dim3A_719 = vector.broadcast %broadcast_in_dim3A_718 : i32 to vector<16x1xi32>
        %gather3A_720 = vector.shape_cast %broadcast_in_dim3A_719 : vector<16x1xi32> to vector<16xi32>
        %gather3A_721 = tpu.dynamic_gather %exp3A_684[%gather3A_720] in [0] : vector<16xf32>, vector<16xi32> -> vector<16xf32>
        %get3A_722 = arith.index_cast %scan3A_667 : i32 to index
        %get3A_723 = arith.constant 32 : index
        %get3A_724 = tpu.vector_load %arg11[%get3A_722, %get3A_723] {strides = array<i32>} : memref<80x144xf32, #tpu.memory_space<vmem>>, vector<1x16xf32>,
        %get3A_725 = vector.shape_cast %get3A_724 : vector<1x16xf32> to vector<16xf32>
        %mul3A_726 = arith.mulf %get3A_725, %gather3A_721 : vector<16xf32>
        %swap3A_727 = arith.index_cast %scan3A_667 : i32 to index
        %swap3A_728 = arith.constant 32 : index
        %swap3A_729 = tpu.vector_load %arg11[%swap3A_727, %swap3A_728] {strides = array<i32>} : memref<80x144xf32, #tpu.memory_space<vmem>>, vector<1x16xf32>,
        %swap3A_730 = vector.shape_cast %swap3A_729 : vector<1x16xf32> to vector<16xf32>
        %swap3A_731 = vector.shape_cast %mul3A_726 : vector<16xf32> to vector<1x16xf32>
        tpu.vector_store %arg11[%swap3A_727, %swap3A_728], %swap3A_731 {strides = array<i32>} : memref<80x144xf32, #tpu.memory_space<vmem>>, vector<1x16xf32>,
        %broadcast_in_dim3A_732 = arith.constant 3 : i32
        %broadcast_in_dim3A_733 = vector.broadcast %broadcast_in_dim3A_732 : i32 to vector<16x1xi32>
        %gather3A_734 = vector.shape_cast %broadcast_in_dim3A_733 : vector<16x1xi32> to vector<16xi32>
        %gather3A_735 = tpu.dynamic_gather %exp3A_684[%gather3A_734] in [0] : vector<16xf32>, vector<16xi32> -> vector<16xf32>
        %get3A_736 = arith.index_cast %scan3A_667 : i32 to index
        %get3A_737 = arith.constant 48 : index
        %get3A_738 = tpu.vector_load %arg11[%get3A_736, %get3A_737] {strides = array<i32>} : memref<80x144xf32, #tpu.memory_space<vmem>>, vector<1x16xf32>,
        %get3A_739 = vector.shape_cast %get3A_738 : vector<1x16xf32> to vector<16xf32>
        %mul3A_740 = arith.mulf %get3A_739, %gather3A_735 : vector<16xf32>
        %swap3A_741 = arith.index_cast %scan3A_667 : i32 to index
        %swap3A_742 = arith.constant 48 : index
        %swap3A_743 = tpu.vector_load %arg11[%swap3A_741, %swap3A_742] {strides = array<i32>} : memref<80x144xf32, #tpu.memory_space<vmem>>, vector<1x16xf32>,
        %swap3A_744 = vector.shape_cast %swap3A_743 : vector<1x16xf32> to vector<16xf32>
        %swap3A_745 = vector.shape_cast %mul3A_740 : vector<16xf32> to vector<1x16xf32>
        tpu.vector_store %arg11[%swap3A_741, %swap3A_742], %swap3A_745 {strides = array<i32>} : memref<80x144xf32, #tpu.memory_space<vmem>>, vector<1x16xf32>,
        %broadcast_in_dim3A_746 = arith.constant 4 : i32
        %broadcast_in_dim3A_747 = vector.broadcast %broadcast_in_dim3A_746 : i32 to vector<16x1xi32>
        %gather3A_748 = vector.shape_cast %broadcast_in_dim3A_747 : vector<16x1xi32> to vector<16xi32>
        %gather3A_749 = tpu.dynamic_gather %exp3A_684[%gather3A_748] in [0] : vector<16xf32>, vector<16xi32> -> vector<16xf32>
        %get3A_750 = arith.index_cast %scan3A_667 : i32 to index
        %get3A_751 = arith.constant 64 : index
        %get3A_752 = tpu.vector_load %arg11[%get3A_750, %get3A_751] {strides = array<i32>} : memref<80x144xf32, #tpu.memory_space<vmem>>, vector<1x16xf32>,
        %get3A_753 = vector.shape_cast %get3A_752 : vector<1x16xf32> to vector<16xf32>
        %mul3A_754 = arith.mulf %get3A_753, %gather3A_749 : vector<16xf32>
        %swap3A_755 = arith.index_cast %scan3A_667 : i32 to index
        %swap3A_756 = arith.constant 64 : index
        %swap3A_757 = tpu.vector_load %arg11[%swap3A_755, %swap3A_756] {strides = array<i32>} : memref<80x144xf32, #tpu.memory_space<vmem>>, vector<1x16xf32>,
        %swap3A_758 = vector.shape_cast %swap3A_757 : vector<1x16xf32> to vector<16xf32>
        %swap3A_759 = vector.shape_cast %mul3A_754 : vector<16xf32> to vector<1x16xf32>
        tpu.vector_store %arg11[%swap3A_755, %swap3A_756], %swap3A_759 {strides = array<i32>} : memref<80x144xf32, #tpu.memory_space<vmem>>, vector<1x16xf32>,
        %broadcast_in_dim3A_760 = arith.constant 5 : i32
        %broadcast_in_dim3A_761 = vector.broadcast %broadcast_in_dim3A_760 : i32 to vector<16x1xi32>
        %gather3A_762 = vector.shape_cast %broadcast_in_dim3A_761 : vector<16x1xi32> to vector<16xi32>
        %gather3A_763 = tpu.dynamic_gather %exp3A_684[%gather3A_762] in [0] : vector<16xf32>, vector<16xi32> -> vector<16xf32>
        %get3A_764 = arith.index_cast %scan3A_667 : i32 to index
        %get3A_765 = arith.constant 80 : index
        %get3A_766 = tpu.vector_load %arg11[%get3A_764, %get3A_765] {strides = array<i32>} : memref<80x144xf32, #tpu.memory_space<vmem>>, vector<1x16xf32>,
        %get3A_767 = vector.shape_cast %get3A_766 : vector<1x16xf32> to vector<16xf32>
        %mul3A_768 = arith.mulf %get3A_767, %gather3A_763 : vector<16xf32>
        %swap3A_769 = arith.index_cast %scan3A_667 : i32 to index
        %swap3A_770 = arith.constant 80 : index
        %swap3A_771 = tpu.vector_load %arg11[%swap3A_769, %swap3A_770] {strides = array<i32>} : memref<80x144xf32, #tpu.memory_space<vmem>>, vector<1x16xf32>,
        %swap3A_772 = vector.shape_cast %swap3A_771 : vector<1x16xf32> to vector<16xf32>
        %swap3A_773 = vector.shape_cast %mul3A_768 : vector<16xf32> to vector<1x16xf32>
        tpu.vector_store %arg11[%swap3A_769, %swap3A_770], %swap3A_773 {strides = array<i32>} : memref<80x144xf32, #tpu.memory_space<vmem>>, vector<1x16xf32>,
        %broadcast_in_dim3A_774 = arith.constant 6 : i32
        %broadcast_in_dim3A_775 = vector.broadcast %broadcast_in_dim3A_774 : i32 to vector<16x1xi32>
        %gather3A_776 = vector.shape_cast %broadcast_in_dim3A_775 : vector<16x1xi32> to vector<16xi32>
        %gather3A_777 = tpu.dynamic_gather %exp3A_684[%gather3A_776] in [0] : vector<16xf32>, vector<16xi32> -> vector<16xf32>
        %get3A_778 = arith.index_cast %scan3A_667 : i32 to index
        %get3A_779 = arith.constant 96 : index
        %get3A_780 = tpu.vector_load %arg11[%get3A_778, %get3A_779] {strides = array<i32>} : memref<80x144xf32, #tpu.memory_space<vmem>>, vector<1x16xf32>,
        %get3A_781 = vector.shape_cast %get3A_780 : vector<1x16xf32> to vector<16xf32>
        %mul3A_782 = arith.mulf %get3A_781, %gather3A_777 : vector<16xf32>
        %swap3A_783 = arith.index_cast %scan3A_667 : i32 to index
        %swap3A_784 = arith.constant 96 : index
        %swap3A_785 = tpu.vector_load %arg11[%swap3A_783, %swap3A_784] {strides = array<i32>} : memref<80x144xf32, #tpu.memory_space<vmem>>, vector<1x16xf32>,
        %swap3A_786 = vector.shape_cast %swap3A_785 : vector<1x16xf32> to vector<16xf32>
        %swap3A_787 = vector.shape_cast %mul3A_782 : vector<16xf32> to vector<1x16xf32>
        tpu.vector_store %arg11[%swap3A_783, %swap3A_784], %swap3A_787 {strides = array<i32>} : memref<80x144xf32, #tpu.memory_space<vmem>>, vector<1x16xf32>,
        %broadcast_in_dim3A_788 = arith.constant 7 : i32
        %broadcast_in_dim3A_789 = vector.broadcast %broadcast_in_dim3A_788 : i32 to vector<16x1xi32>
        %gather3A_790 = vector.shape_cast %broadcast_in_dim3A_789 : vector<16x1xi32> to vector<16xi32>
        %gather3A_791 = tpu.dynamic_gather %exp3A_684[%gather3A_790] in [0] : vector<16xf32>, vector<16xi32> -> vector<16xf32>
        %get3A_792 = arith.index_cast %scan3A_667 : i32 to index
        %get3A_793 = arith.constant 112 : index
        %get3A_794 = tpu.vector_load %arg11[%get3A_792, %get3A_793] {strides = array<i32>} : memref<80x144xf32, #tpu.memory_space<vmem>>, vector<1x16xf32>,
        %get3A_795 = vector.shape_cast %get3A_794 : vector<1x16xf32> to vector<16xf32>
        %mul3A_796 = arith.mulf %get3A_795, %gather3A_791 : vector<16xf32>
        %swap3A_797 = arith.index_cast %scan3A_667 : i32 to index
        %swap3A_798 = arith.constant 112 : index
        %swap3A_799 = tpu.vector_load %arg11[%swap3A_797, %swap3A_798] {strides = array<i32>} : memref<80x144xf32, #tpu.memory_space<vmem>>, vector<1x16xf32>,
        %swap3A_800 = vector.shape_cast %swap3A_799 : vector<1x16xf32> to vector<16xf32>
        %swap3A_801 = vector.shape_cast %mul3A_796 : vector<16xf32> to vector<1x16xf32>
        tpu.vector_store %arg11[%swap3A_797, %swap3A_798], %swap3A_801 {strides = array<i32>} : memref<80x144xf32, #tpu.memory_space<vmem>>, vector<1x16xf32>,
        %scan3A_802 = arith.constant 3 : i32
        %scan3A_803 = arith.addi %scan3A_399, %scan3A_802 : i32
        %get3A_804 = arith.index_cast %scan3A_803 : i32 to index
        %get3A_805 = arith.constant 128 : index
        %get3A_806 = tpu.vector_load %arg11[%get3A_804, %get3A_805] {strides = array<i32>} : memref<80x144xf32, #tpu.memory_space<vmem>>, vector<1x16xf32>,
        %get3A_807 = vector.shape_cast %get3A_806 : vector<1x16xf32> to vector<16xf32>
        %get3A_808 = arith.index_cast %scan3A_803 : i32 to index
        %get3A_809 = arith.constant 0 : index
        %get3A_810 = tpu.vector_load %arg13[%get3A_808, %get3A_809] {strides = array<i32>} : memref<80x16xf32, #tpu.memory_space<vmem>>, vector<1x16xf32>,
        %get3A_811 = vector.shape_cast %get3A_810 : vector<1x16xf32> to vector<16xf32>
        %add3A_812 = arith.addf %get3A_807, %get3A_811 : vector<16xf32>
        %gt3A_813 = arith.constant 0.000000e+00 : f32
        %gt3A_814 = vector.broadcast %gt3A_813 : f32 to vector<16xf32>
        %gt3A_815 = arith.cmpf ogt, %add3A_812, %gt3A_814 : vector<16xf32>
        %mul3A_816 = arith.constant 2.000000e-01 : f32
        %mul3A_817 = vector.broadcast %mul3A_816 : f32 to vector<16xf32>
        %mul3A_818 = arith.mulf %add3A_812, %mul3A_817 : vector<16xf32>
        %select_n3A_819 = arith.select %gt3A_815, %add3A_812, %mul3A_818 : vector<16xi1>, vector<16xf32>
        %exp3A_820 = math.exp %select_n3A_819 : vector<16xf32>
        %swap3A_821 = arith.index_cast %scan3A_803 : i32 to index
        %swap3A_822 = arith.constant 128 : index
        %swap3A_823 = tpu.vector_load %arg11[%swap3A_821, %swap3A_822] {strides = array<i32>} : memref<80x144xf32, #tpu.memory_space<vmem>>, vector<1x16xf32>,
        %swap3A_824 = vector.shape_cast %swap3A_823 : vector<1x16xf32> to vector<16xf32>
        %swap3A_825 = vector.shape_cast %exp3A_820 : vector<16xf32> to vector<1x16xf32>
        tpu.vector_store %arg11[%swap3A_821, %swap3A_822], %swap3A_825 {strides = array<i32>} : memref<80x144xf32, #tpu.memory_space<vmem>>, vector<1x16xf32>,
        %broadcast_in_dim3A_826 = arith.constant 0 : i32
        %broadcast_in_dim3A_827 = vector.broadcast %broadcast_in_dim3A_826 : i32 to vector<16x1xi32>
        %gather3A_828 = vector.shape_cast %broadcast_in_dim3A_827 : vector<16x1xi32> to vector<16xi32>
        %gather3A_829 = tpu.dynamic_gather %exp3A_820[%gather3A_828] in [0] : vector<16xf32>, vector<16xi32> -> vector<16xf32>
        %get3A_830 = arith.index_cast %scan3A_803 : i32 to index
        %get3A_831 = arith.constant 0 : index
        %get3A_832 = tpu.vector_load %arg11[%get3A_830, %get3A_831] {strides = array<i32>} : memref<80x144xf32, #tpu.memory_space<vmem>>, vector<1x16xf32>,
        %get3A_833 = vector.shape_cast %get3A_832 : vector<1x16xf32> to vector<16xf32>
        %mul3A_834 = arith.mulf %get3A_833, %gather3A_829 : vector<16xf32>
        %swap3A_835 = arith.index_cast %scan3A_803 : i32 to index
        %swap3A_836 = arith.constant 0 : index
        %swap3A_837 = tpu.vector_load %arg11[%swap3A_835, %swap3A_836] {strides = array<i32>} : memref<80x144xf32, #tpu.memory_space<vmem>>, vector<1x16xf32>,
        %swap3A_838 = vector.shape_cast %swap3A_837 : vector<1x16xf32> to vector<16xf32>
        %swap3A_839 = vector.shape_cast %mul3A_834 : vector<16xf32> to vector<1x16xf32>
        tpu.vector_store %arg11[%swap3A_835, %swap3A_836], %swap3A_839 {strides = array<i32>} : memref<80x144xf32, #tpu.memory_space<vmem>>, vector<1x16xf32>,
        %broadcast_in_dim3A_840 = arith.constant 1 : i32
        %broadcast_in_dim3A_841 = vector.broadcast %broadcast_in_dim3A_840 : i32 to vector<16x1xi32>
        %gather3A_842 = vector.shape_cast %broadcast_in_dim3A_841 : vector<16x1xi32> to vector<16xi32>
        %gather3A_843 = tpu.dynamic_gather %exp3A_820[%gather3A_842] in [0] : vector<16xf32>, vector<16xi32> -> vector<16xf32>
        %get3A_844 = arith.index_cast %scan3A_803 : i32 to index
        %get3A_845 = arith.constant 16 : index
        %get3A_846 = tpu.vector_load %arg11[%get3A_844, %get3A_845] {strides = array<i32>} : memref<80x144xf32, #tpu.memory_space<vmem>>, vector<1x16xf32>,
        %get3A_847 = vector.shape_cast %get3A_846 : vector<1x16xf32> to vector<16xf32>
        %mul3A_848 = arith.mulf %get3A_847, %gather3A_843 : vector<16xf32>
        %swap3A_849 = arith.index_cast %scan3A_803 : i32 to index
        %swap3A_850 = arith.constant 16 : index
        %swap3A_851 = tpu.vector_load %arg11[%swap3A_849, %swap3A_850] {strides = array<i32>} : memref<80x144xf32, #tpu.memory_space<vmem>>, vector<1x16xf32>,
        %swap3A_852 = vector.shape_cast %swap3A_851 : vector<1x16xf32> to vector<16xf32>
        %swap3A_853 = vector.shape_cast %mul3A_848 : vector<16xf32> to vector<1x16xf32>
        tpu.vector_store %arg11[%swap3A_849, %swap3A_850], %swap3A_853 {strides = array<i32>} : memref<80x144xf32, #tpu.memory_space<vmem>>, vector<1x16xf32>,
        %broadcast_in_dim3A_854 = arith.constant 2 : i32
        %broadcast_in_dim3A_855 = vector.broadcast %broadcast_in_dim3A_854 : i32 to vector<16x1xi32>
        %gather3A_856 = vector.shape_cast %broadcast_in_dim3A_855 : vector<16x1xi32> to vector<16xi32>
        %gather3A_857 = tpu.dynamic_gather %exp3A_820[%gather3A_856] in [0] : vector<16xf32>, vector<16xi32> -> vector<16xf32>
        %get3A_858 = arith.index_cast %scan3A_803 : i32 to index
        %get3A_859 = arith.constant 32 : index
        %get3A_860 = tpu.vector_load %arg11[%get3A_858, %get3A_859] {strides = array<i32>} : memref<80x144xf32, #tpu.memory_space<vmem>>, vector<1x16xf32>,
        %get3A_861 = vector.shape_cast %get3A_860 : vector<1x16xf32> to vector<16xf32>
        %mul3A_862 = arith.mulf %get3A_861, %gather3A_857 : vector<16xf32>
        %swap3A_863 = arith.index_cast %scan3A_803 : i32 to index
        %swap3A_864 = arith.constant 32 : index
        %swap3A_865 = tpu.vector_load %arg11[%swap3A_863, %swap3A_864] {strides = array<i32>} : memref<80x144xf32, #tpu.memory_space<vmem>>, vector<1x16xf32>,
        %swap3A_866 = vector.shape_cast %swap3A_865 : vector<1x16xf32> to vector<16xf32>
        %swap3A_867 = vector.shape_cast %mul3A_862 : vector<16xf32> to vector<1x16xf32>
        tpu.vector_store %arg11[%swap3A_863, %swap3A_864], %swap3A_867 {strides = array<i32>} : memref<80x144xf32, #tpu.memory_space<vmem>>, vector<1x16xf32>,
        %broadcast_in_dim3A_868 = arith.constant 3 : i32
        %broadcast_in_dim3A_869 = vector.broadcast %broadcast_in_dim3A_868 : i32 to vector<16x1xi32>
        %gather3A_870 = vector.shape_cast %broadcast_in_dim3A_869 : vector<16x1xi32> to vector<16xi32>
        %gather3A_871 = tpu.dynamic_gather %exp3A_820[%gather3A_870] in [0] : vector<16xf32>, vector<16xi32> -> vector<16xf32>
        %get3A_872 = arith.index_cast %scan3A_803 : i32 to index
        %get3A_873 = arith.constant 48 : index
        %get3A_874 = tpu.vector_load %arg11[%get3A_872, %get3A_873] {strides = array<i32>} : memref<80x144xf32, #tpu.memory_space<vmem>>, vector<1x16xf32>,
        %get3A_875 = vector.shape_cast %get3A_874 : vector<1x16xf32> to vector<16xf32>
        %mul3A_876 = arith.mulf %get3A_875, %gather3A_871 : vector<16xf32>
        %swap3A_877 = arith.index_cast %scan3A_803 : i32 to index
        %swap3A_878 = arith.constant 48 : index
        %swap3A_879 = tpu.vector_load %arg11[%swap3A_877, %swap3A_878] {strides = array<i32>} : memref<80x144xf32, #tpu.memory_space<vmem>>, vector<1x16xf32>,
        %swap3A_880 = vector.shape_cast %swap3A_879 : vector<1x16xf32> to vector<16xf32>
        %swap3A_881 = vector.shape_cast %mul3A_876 : vector<16xf32> to vector<1x16xf32>
        tpu.vector_store %arg11[%swap3A_877, %swap3A_878], %swap3A_881 {strides = array<i32>} : memref<80x144xf32, #tpu.memory_space<vmem>>, vector<1x16xf32>,
        %broadcast_in_dim3A_882 = arith.constant 4 : i32
        %broadcast_in_dim3A_883 = vector.broadcast %broadcast_in_dim3A_882 : i32 to vector<16x1xi32>
        %gather3A_884 = vector.shape_cast %broadcast_in_dim3A_883 : vector<16x1xi32> to vector<16xi32>
        %gather3A_885 = tpu.dynamic_gather %exp3A_820[%gather3A_884] in [0] : vector<16xf32>, vector<16xi32> -> vector<16xf32>
        %get3A_886 = arith.index_cast %scan3A_803 : i32 to index
        %get3A_887 = arith.constant 64 : index
        %get3A_888 = tpu.vector_load %arg11[%get3A_886, %get3A_887] {strides = array<i32>} : memref<80x144xf32, #tpu.memory_space<vmem>>, vector<1x16xf32>,
        %get3A_889 = vector.shape_cast %get3A_888 : vector<1x16xf32> to vector<16xf32>
        %mul3A_890 = arith.mulf %get3A_889, %gather3A_885 : vector<16xf32>
        %swap3A_891 = arith.index_cast %scan3A_803 : i32 to index
        %swap3A_892 = arith.constant 64 : index
        %swap3A_893 = tpu.vector_load %arg11[%swap3A_891, %swap3A_892] {strides = array<i32>} : memref<80x144xf32, #tpu.memory_space<vmem>>, vector<1x16xf32>,
        %swap3A_894 = vector.shape_cast %swap3A_893 : vector<1x16xf32> to vector<16xf32>
        %swap3A_895 = vector.shape_cast %mul3A_890 : vector<16xf32> to vector<1x16xf32>
        tpu.vector_store %arg11[%swap3A_891, %swap3A_892], %swap3A_895 {strides = array<i32>} : memref<80x144xf32, #tpu.memory_space<vmem>>, vector<1x16xf32>,
        %broadcast_in_dim3A_896 = arith.constant 5 : i32
        %broadcast_in_dim3A_897 = vector.broadcast %broadcast_in_dim3A_896 : i32 to vector<16x1xi32>
        %gather3A_898 = vector.shape_cast %broadcast_in_dim3A_897 : vector<16x1xi32> to vector<16xi32>
        %gather3A_899 = tpu.dynamic_gather %exp3A_820[%gather3A_898] in [0] : vector<16xf32>, vector<16xi32> -> vector<16xf32>
        %get3A_900 = arith.index_cast %scan3A_803 : i32 to index
        %get3A_901 = arith.constant 80 : index
        %get3A_902 = tpu.vector_load %arg11[%get3A_900, %get3A_901] {strides = array<i32>} : memref<80x144xf32, #tpu.memory_space<vmem>>, vector<1x16xf32>,
        %get3A_903 = vector.shape_cast %get3A_902 : vector<1x16xf32> to vector<16xf32>
        %mul3A_904 = arith.mulf %get3A_903, %gather3A_899 : vector<16xf32>
        %swap3A_905 = arith.index_cast %scan3A_803 : i32 to index
        %swap3A_906 = arith.constant 80 : index
        %swap3A_907 = tpu.vector_load %arg11[%swap3A_905, %swap3A_906] {strides = array<i32>} : memref<80x144xf32, #tpu.memory_space<vmem>>, vector<1x16xf32>,
        %swap3A_908 = vector.shape_cast %swap3A_907 : vector<1x16xf32> to vector<16xf32>
        %swap3A_909 = vector.shape_cast %mul3A_904 : vector<16xf32> to vector<1x16xf32>
        tpu.vector_store %arg11[%swap3A_905, %swap3A_906], %swap3A_909 {strides = array<i32>} : memref<80x144xf32, #tpu.memory_space<vmem>>, vector<1x16xf32>,
        %broadcast_in_dim3A_910 = arith.constant 6 : i32
        %broadcast_in_dim3A_911 = vector.broadcast %broadcast_in_dim3A_910 : i32 to vector<16x1xi32>
        %gather3A_912 = vector.shape_cast %broadcast_in_dim3A_911 : vector<16x1xi32> to vector<16xi32>
        %gather3A_913 = tpu.dynamic_gather %exp3A_820[%gather3A_912] in [0] : vector<16xf32>, vector<16xi32> -> vector<16xf32>
        %get3A_914 = arith.index_cast %scan3A_803 : i32 to index
        %get3A_915 = arith.constant 96 : index
        %get3A_916 = tpu.vector_load %arg11[%get3A_914, %get3A_915] {strides = array<i32>} : memref<80x144xf32, #tpu.memory_space<vmem>>, vector<1x16xf32>,
        %get3A_917 = vector.shape_cast %get3A_916 : vector<1x16xf32> to vector<16xf32>
        %mul3A_918 = arith.mulf %get3A_917, %gather3A_913 : vector<16xf32>
        %swap3A_919 = arith.index_cast %scan3A_803 : i32 to index
        %swap3A_920 = arith.constant 96 : index
        %swap3A_921 = tpu.vector_load %arg11[%swap3A_919, %swap3A_920] {strides = array<i32>} : memref<80x144xf32, #tpu.memory_space<vmem>>, vector<1x16xf32>,
        %swap3A_922 = vector.shape_cast %swap3A_921 : vector<1x16xf32> to vector<16xf32>
        %swap3A_923 = vector.shape_cast %mul3A_918 : vector<16xf32> to vector<1x16xf32>
        tpu.vector_store %arg11[%swap3A_919, %swap3A_920], %swap3A_923 {strides = array<i32>} : memref<80x144xf32, #tpu.memory_space<vmem>>, vector<1x16xf32>,
        %broadcast_in_dim3A_924 = arith.constant 7 : i32
        %broadcast_in_dim3A_925 = vector.broadcast %broadcast_in_dim3A_924 : i32 to vector<16x1xi32>
        %gather3A_926 = vector.shape_cast %broadcast_in_dim3A_925 : vector<16x1xi32> to vector<16xi32>
        %gather3A_927 = tpu.dynamic_gather %exp3A_820[%gather3A_926] in [0] : vector<16xf32>, vector<16xi32> -> vector<16xf32>
        %get3A_928 = arith.index_cast %scan3A_803 : i32 to index
        %get3A_929 = arith.constant 112 : index
        %get3A_930 = tpu.vector_load %arg11[%get3A_928, %get3A_929] {strides = array<i32>} : memref<80x144xf32, #tpu.memory_space<vmem>>, vector<1x16xf32>,
        %get3A_931 = vector.shape_cast %get3A_930 : vector<1x16xf32> to vector<16xf32>
        %mul3A_932 = arith.mulf %get3A_931, %gather3A_927 : vector<16xf32>
        %swap3A_933 = arith.index_cast %scan3A_803 : i32 to index
        %swap3A_934 = arith.constant 112 : index
        %swap3A_935 = tpu.vector_load %arg11[%swap3A_933, %swap3A_934] {strides = array<i32>} : memref<80x144xf32, #tpu.memory_space<vmem>>, vector<1x16xf32>,
        %swap3A_936 = vector.shape_cast %swap3A_935 : vector<1x16xf32> to vector<16xf32>
        %swap3A_937 = vector.shape_cast %mul3A_932 : vector<16xf32> to vector<1x16xf32>
        tpu.vector_store %arg11[%swap3A_933, %swap3A_934], %swap3A_937 {strides = array<i32>} : memref<80x144xf32, #tpu.memory_space<vmem>>, vector<1x16xf32>,
      }
      %scan3A_279 = arith.constant 80 : i32
      %dma_start3A_280 = arith.constant 0 : i32
      %dma_start3A_281 = arith.constant 0 : i32
      %dma_start3A_282 = tpu.memref_slice %arg15[%dma_start3A_280, %dma_start3A_281] : memref<10240x144xf32, #tpu.memory_space<vmem_shared>> -> memref<10240x144xf32, #tpu.memory_space<vmem_shared>>
      tpu.enqueue_indirect_dma source(%arg11 : memref<80x144xf32, #tpu.memory_space<vmem>>) target(%dma_start3A_282 : memref<10240x144xf32, #tpu.memory_space<vmem_shared>>) offsets(%arg8 : memref<80xi32, #tpu.memory_space<vmem>>) semaphore(%arg20 : memref<!tpu.dma_semaphore, #tpu.memory_space<semaphore_mem>>) {add = true}
      %dma_wait3A_283 = arith.constant 0 : i32
      %dma_wait3A_284 = arith.constant 0 : i32
      %dma_wait3A_285 = tpu.memref_slice %arg15[%dma_wait3A_283, %dma_wait3A_284] : memref<10240x144xf32, #tpu.memory_space<vmem_shared>> -> memref<10240x144xf32, #tpu.memory_space<vmem_shared>>
      tpu.wait_indirect_dma semaphore(%arg20 : memref<!tpu.dma_semaphore, #tpu.memory_space<semaphore_mem>>) src(%arg11 : memref<80x144xf32, #tpu.memory_space<vmem>>) dst(%dma_wait3A_285 : memref<10240x144xf32, #tpu.memory_space<vmem_shared>>)
      %add3A_286 = arith.constant 2 : i32
      %add3A_287 = arith.addi %mul3A_167, %add3A_286 : i32
      %get3A_288 = arith.index_cast %add3A_287 : i32 to index
      %get3A_289 = arith.constant 0 : index
      %get3A_290 = tpu.vector_load %arg6[%get3A_288, %get3A_289] {strides = array<i32>} : memref<125x80xi32, #tpu.memory_space<vmem>>, vector<1x16xi32>,
      %get3A_291 = vector.shape_cast %get3A_290 : vector<1x16xi32> to vector<16xi32>
      %and3A_292 = arith.constant 65535 : i32
      %and3A_293 = vector.broadcast %and3A_292 : i32 to vector<16xi32>
      %and3A_294 = arith.andi %get3A_291, %and3A_293 : vector<16xi32>
      %swap3A_295 = arith.constant 0 : index
      %swap3A_296 = tpu.vector_load %arg7[%swap3A_295] {strides = array<i32>} : memref<80xi32, #tpu.memory_space<vmem>>, vector<16xi32>,
      %swap3A_297 = vector.shape_cast %swap3A_296 : vector<16xi32> to vector<16xi32>
      %swap3A_298 = vector.shape_cast %and3A_294 : vector<16xi32> to vector<16xi32>
      tpu.vector_store %arg7[%swap3A_295], %swap3A_298 {strides = array<i32>} : memref<80xi32, #tpu.memory_space<vmem>>, vector<16xi32>,
      %shift_right_logical3A_299 = arith.constant 16 : i32
      %shift_right_logical3A_300 = vector.broadcast %shift_right_logical3A_299 : i32 to vector<16xi32>
      %shift_right_logical3A_301 = arith.shrui %get3A_291, %shift_right_logical3A_300 : vector<16xi32>
      %swap3A_302 = arith.constant 0 : index
      %swap3A_303 = tpu.vector_load %arg8[%swap3A_302] {strides = array<i32>} : memref<80xi32, #tpu.memory_space<vmem>>, vector<16xi32>,
      %swap3A_304 = vector.shape_cast %swap3A_303 : vector<16xi32> to vector<16xi32>
      %swap3A_305 = vector.shape_cast %shift_right_logical3A_301 : vector<16xi32> to vector<16xi32>
      tpu.vector_store %arg8[%swap3A_302], %swap3A_305 {strides = array<i32>} : memref<80xi32, #tpu.memory_space<vmem>>, vector<16xi32>,
      %get3A_306 = arith.index_cast %add3A_287 : i32 to index
      %get3A_307 = arith.constant 16 : index
      %get3A_308 = tpu.vector_load %arg6[%get3A_306, %get3A_307] {strides = array<i32>} : memref<125x80xi32, #tpu.memory_space<vmem>>, vector<1x16xi32>,
      %get3A_309 = vector.shape_cast %get3A_308 : vector<1x16xi32> to vector<16xi32>
      %and3A_310 = arith.constant 65535 : i32
      %and3A_311 = vector.broadcast %and3A_310 : i32 to vector<16xi32>
      %and3A_312 = arith.andi %get3A_309, %and3A_311 : vector<16xi32>
      %swap3A_313 = arith.constant 16 : index
      %swap3A_314 = tpu.vector_load %arg7[%swap3A_313] {strides = array<i32>} : memref<80xi32, #tpu.memory_space<vmem>>, vector<16xi32>,
      %swap3A_315 = vector.shape_cast %swap3A_314 : vector<16xi32> to vector<16xi32>
      %swap3A_316 = vector.shape_cast %and3A_312 : vector<16xi32> to vector<16xi32>
      tpu.vector_store %arg7[%swap3A_313], %swap3A_316 {strides = array<i32>} : memref<80xi32, #tpu.memory_space<vmem>>, vector<16xi32>,
      %shift_right_logical3A_317 = arith.constant 16 : i32
      %shift_right_logical3A_318 = vector.broadcast %shift_right_logical3A_317 : i32 to vector<16xi32>
      %shift_right_logical3A_319 = arith.shrui %get3A_309, %shift_right_logical3A_318 : vector<16xi32>
      %swap3A_320 = arith.constant 16 : index
      %swap3A_321 = tpu.vector_load %arg8[%swap3A_320] {strides = array<i32>} : memref<80xi32, #tpu.memory_space<vmem>>, vector<16xi32>,
      %swap3A_322 = vector.shape_cast %swap3A_321 : vector<16xi32> to vector<16xi32>
      %swap3A_323 = vector.shape_cast %shift_right_logical3A_319 : vector<16xi32> to vector<16xi32>
      tpu.vector_store %arg8[%swap3A_320], %swap3A_323 {strides = array<i32>} : memref<80xi32, #tpu.memory_space<vmem>>, vector<16xi32>,
      %get3A_324 = arith.index_cast %add3A_287 : i32 to index
      %get3A_325 = arith.constant 32 : index
      %get3A_326 = tpu.vector_load %arg6[%get3A_324, %get3A_325] {strides = array<i32>} : memref<125x80xi32, #tpu.memory_space<vmem>>, vector<1x16xi32>,
      %get3A_327 = vector.shape_cast %get3A_326 : vector<1x16xi32> to vector<16xi32>
      %and3A_328 = arith.constant 65535 : i32
      %and3A_329 = vector.broadcast %and3A_328 : i32 to vector<16xi32>
      %and3A_330 = arith.andi %get3A_327, %and3A_329 : vector<16xi32>
      %swap3A_331 = arith.constant 32 : index
      %swap3A_332 = tpu.vector_load %arg7[%swap3A_331] {strides = array<i32>} : memref<80xi32, #tpu.memory_space<vmem>>, vector<16xi32>,
      %swap3A_333 = vector.shape_cast %swap3A_332 : vector<16xi32> to vector<16xi32>
      %swap3A_334 = vector.shape_cast %and3A_330 : vector<16xi32> to vector<16xi32>
      tpu.vector_store %arg7[%swap3A_331], %swap3A_334 {strides = array<i32>} : memref<80xi32, #tpu.memory_space<vmem>>, vector<16xi32>,
      %shift_right_logical3A_335 = arith.constant 16 : i32
      %shift_right_logical3A_336 = vector.broadcast %shift_right_logical3A_335 : i32 to vector<16xi32>
      %shift_right_logical3A_337 = arith.shrui %get3A_327, %shift_right_logical3A_336 : vector<16xi32>
      %swap3A_338 = arith.constant 32 : index
      %swap3A_339 = tpu.vector_load %arg8[%swap3A_338] {strides = array<i32>} : memref<80xi32, #tpu.memory_space<vmem>>, vector<16xi32>,
      %swap3A_340 = vector.shape_cast %swap3A_339 : vector<16xi32> to vector<16xi32>
      %swap3A_341 = vector.shape_cast %shift_right_logical3A_337 : vector<16xi32> to vector<16xi32>
      tpu.vector_store %arg8[%swap3A_338], %swap3A_341 {strides = array<i32>} : memref<80xi32, #tpu.memory_space<vmem>>, vector<16xi32>,
      %get3A_342 = arith.index_cast %add3A_287 : i32 to index
      %get3A_343 = arith.constant 48 : index
      %get3A_344 = tpu.vector_load %arg6[%get3A_342, %get3A_343] {strides = array<i32>} : memref<125x80xi32, #tpu.memory_space<vmem>>, vector<1x16xi32>,
      %get3A_345 = vector.shape_cast %get3A_344 : vector<1x16xi32> to vector<16xi32>
      %and3A_346 = arith.constant 65535 : i32
      %and3A_347 = vector.broadcast %and3A_346 : i32 to vector<16xi32>
      %and3A_348 = arith.andi %get3A_345, %and3A_347 : vector<16xi32>
      %swap3A_349 = arith.constant 48 : index
      %swap3A_350 = tpu.vector_load %arg7[%swap3A_349] {strides = array<i32>} : memref<80xi32, #tpu.memory_space<vmem>>, vector<16xi32>,
      %swap3A_351 = vector.shape_cast %swap3A_350 : vector<16xi32> to vector<16xi32>
      %swap3A_352 = vector.shape_cast %and3A_348 : vector<16xi32> to vector<16xi32>
      tpu.vector_store %arg7[%swap3A_349], %swap3A_352 {strides = array<i32>} : memref<80xi32, #tpu.memory_space<vmem>>, vector<16xi32>,
      %shift_right_logical3A_353 = arith.constant 16 : i32
      %shift_right_logical3A_354 = vector.broadcast %shift_right_logical3A_353 : i32 to vector<16xi32>
      %shift_right_logical3A_355 = arith.shrui %get3A_345, %shift_right_logical3A_354 : vector<16xi32>
      %swap3A_356 = arith.constant 48 : index
      %swap3A_357 = tpu.vector_load %arg8[%swap3A_356] {strides = array<i32>} : memref<80xi32, #tpu.memory_space<vmem>>, vector<16xi32>,
      %swap3A_358 = vector.shape_cast %swap3A_357 : vector<16xi32> to vector<16xi32>
      %swap3A_359 = vector.shape_cast %shift_right_logical3A_355 : vector<16xi32> to vector<16xi32>
      tpu.vector_store %arg8[%swap3A_356], %swap3A_359 {strides = array<i32>} : memref<80xi32, #tpu.memory_space<vmem>>, vector<16xi32>,
      %get3A_360 = arith.index_cast %add3A_287 : i32 to index
      %get3A_361 = arith.constant 64 : index
      %get3A_362 = tpu.vector_load %arg6[%get3A_360, %get3A_361] {strides = array<i32>} : memref<125x80xi32, #tpu.memory_space<vmem>>, vector<1x16xi32>,
      %get3A_363 = vector.shape_cast %get3A_362 : vector<1x16xi32> to vector<16xi32>
      %and3A_364 = arith.constant 65535 : i32
      %and3A_365 = vector.broadcast %and3A_364 : i32 to vector<16xi32>
      %and3A_366 = arith.andi %get3A_363, %and3A_365 : vector<16xi32>
      %swap3A_367 = arith.constant 64 : index
      %swap3A_368 = tpu.vector_load %arg7[%swap3A_367] {strides = array<i32>} : memref<80xi32, #tpu.memory_space<vmem>>, vector<16xi32>,
      %swap3A_369 = vector.shape_cast %swap3A_368 : vector<16xi32> to vector<16xi32>
      %swap3A_370 = vector.shape_cast %and3A_366 : vector<16xi32> to vector<16xi32>
      tpu.vector_store %arg7[%swap3A_367], %swap3A_370 {strides = array<i32>} : memref<80xi32, #tpu.memory_space<vmem>>, vector<16xi32>,
      %shift_right_logical3A_371 = arith.constant 16 : i32
      %shift_right_logical3A_372 = vector.broadcast %shift_right_logical3A_371 : i32 to vector<16xi32>
      %shift_right_logical3A_373 = arith.shrui %get3A_363, %shift_right_logical3A_372 : vector<16xi32>
      %swap3A_374 = arith.constant 64 : index
      %swap3A_375 = tpu.vector_load %arg8[%swap3A_374] {strides = array<i32>} : memref<80xi32, #tpu.memory_space<vmem>>, vector<16xi32>,
      %swap3A_376 = vector.shape_cast %swap3A_375 : vector<16xi32> to vector<16xi32>
      %swap3A_377 = vector.shape_cast %shift_right_logical3A_373 : vector<16xi32> to vector<16xi32>
      tpu.vector_store %arg8[%swap3A_374], %swap3A_377 {strides = array<i32>} : memref<80xi32, #tpu.memory_space<vmem>>, vector<16xi32>,
      %dma_start3A_378 = arith.constant 0 : i32
      %dma_start3A_379 = arith.constant 0 : i32
      %dma_start3A_380 = tpu.memref_slice %arg2[%dma_start3A_378, %dma_start3A_379] : memref<10000x144xf32, #tpu.memory_space<hbm>> -> memref<10000x144xf32, #tpu.memory_space<hbm>>
      tpu.enqueue_indirect_dma source(%dma_start3A_380 : memref<10000x144xf32, #tpu.memory_space<hbm>>) target(%arg11 : memref<80x144xf32, #tpu.memory_space<vmem>>) offsets(%arg7 : memref<80xi32, #tpu.memory_space<vmem>>) semaphore(%arg16 : memref<!tpu.dma_semaphore, #tpu.memory_space<semaphore_mem>>)
      %dma_start3A_381 = arith.constant 0 : i32
      %dma_start3A_382 = arith.constant 0 : i32
      %dma_start3A_383 = tpu.memref_slice %arg3[%dma_start3A_381, %dma_start3A_382] : memref<10000x16xf32, #tpu.memory_space<hbm>> -> memref<10000x16xf32, #tpu.memory_space<hbm>>
      tpu.enqueue_indirect_dma source(%dma_start3A_383 : memref<10000x16xf32, #tpu.memory_space<hbm>>) target(%arg13 : memref<80x16xf32, #tpu.memory_space<vmem>>) offsets(%arg8 : memref<80xi32, #tpu.memory_space<vmem>>) semaphore(%arg18 : memref<!tpu.dma_semaphore, #tpu.memory_space<semaphore_mem>>)
      %dma_wait3A_384 = arith.constant 0 : i32
      %dma_wait3A_385 = arith.constant 0 : i32
      %dma_wait3A_386 = tpu.memref_slice %arg2[%dma_wait3A_384, %dma_wait3A_385] : memref<10000x144xf32, #tpu.memory_space<hbm>> -> memref<10000x144xf32, #tpu.memory_space<hbm>>
      tpu.wait_indirect_dma semaphore(%arg17 : memref<!tpu.dma_semaphore, #tpu.memory_space<semaphore_mem>>) src(%dma_wait3A_386 : memref<10000x144xf32, #tpu.memory_space<hbm>>) dst(%arg12 : memref<80x144xf32, #tpu.memory_space<vmem>>)
      %dma_wait3A_387 = arith.constant 0 : i32
      %dma_wait3A_388 = arith.constant 0 : i32
      %dma_wait3A_389 = tpu.memref_slice %arg3[%dma_wait3A_387, %dma_wait3A_388] : memref<10000x16xf32, #tpu.memory_space<hbm>> -> memref<10000x16xf32, #tpu.memory_space<hbm>>
      tpu.wait_indirect_dma semaphore(%arg19 : memref<!tpu.dma_semaphore, #tpu.memory_space<semaphore_mem>>) src(%dma_wait3A_389 : memref<10000x16xf32, #tpu.memory_space<hbm>>) dst(%arg14 : memref<80x16xf32, #tpu.memory_space<vmem>>)
      %scan3A_390 = arith.constant 0 : i32
      %scan3A_391 = arith.constant 0 : i32
      %scan3A_392 = arith.constant 80 : i32
      %scan3A_393 = arith.addi %scan3A_391, %scan3A_392 : i32
      %scan3A_394 = arith.constant 4 : i32
      scf.for %scan3A_399 = %scan3A_391 to %scan3A_393 step %scan3A_394  : i32 {
        %get3A_400 = arith.index_cast %scan3A_399 : i32 to index
        %get3A_401 = arith.constant 128 : index
        %get3A_402 = tpu.vector_load %arg12[%get3A_400, %get3A_401] {strides = array<i32>} : memref<80x144xf32, #tpu.memory_space<vmem>>, vector<1x16xf32>,
        %get3A_403 = vector.shape_cast %get3A_402 : vector<1x16xf32> to vector<16xf32>
        %get3A_404 = arith.index_cast %scan3A_399 : i32 to index
        %get3A_405 = arith.constant 0 : index
        %get3A_406 = tpu.vector_load %arg14[%get3A_404, %get3A_405] {strides = array<i32>} : memref<80x16xf32, #tpu.memory_space<vmem>>, vector<1x16xf32>,
        %get3A_407 = vector.shape_cast %get3A_406 : vector<1x16xf32> to vector<16xf32>
        %add3A_408 = arith.addf %get3A_403, %get3A_407 : vector<16xf32>
        %gt3A_409 = arith.constant 0.000000e+00 : f32
        %gt3A_410 = vector.broadcast %gt3A_409 : f32 to vector<16xf32>
        %gt3A_411 = arith.cmpf ogt, %add3A_408, %gt3A_410 : vector<16xf32>
        %mul3A_412 = arith.constant 2.000000e-01 : f32
        %mul3A_413 = vector.broadcast %mul3A_412 : f32 to vector<16xf32>
        %mul3A_414 = arith.mulf %add3A_408, %mul3A_413 : vector<16xf32>
        %select_n3A = arith.select %gt3A_411, %add3A_408, %mul3A_414 : vector<16xi1>, vector<16xf32>
        %exp3A = math.exp %select_n3A : vector<16xf32>
        %swap3A_415 = arith.index_cast %scan3A_399 : i32 to index
        %swap3A_416 = arith.constant 128 : index
        %swap3A_417 = tpu.vector_load %arg12[%swap3A_415, %swap3A_416] {strides = array<i32>} : memref<80x144xf32, #tpu.memory_space<vmem>>, vector<1x16xf32>,
        %swap3A_418 = vector.shape_cast %swap3A_417 : vector<1x16xf32> to vector<16xf32>
        %swap3A_419 = vector.shape_cast %exp3A : vector<16xf32> to vector<1x16xf32>
        tpu.vector_store %arg12[%swap3A_415, %swap3A_416], %swap3A_419 {strides = array<i32>} : memref<80x144xf32, #tpu.memory_space<vmem>>, vector<1x16xf32>,
        %broadcast_in_dim3A = arith.constant 0 : i32
        %broadcast_in_dim3A_420 = vector.broadcast %broadcast_in_dim3A : i32 to vector<16x1xi32>
        %gather3A = vector.shape_cast %broadcast_in_dim3A_420 : vector<16x1xi32> to vector<16xi32>
        %gather3A_421 = tpu.dynamic_gather %exp3A[%gather3A] in [0] : vector<16xf32>, vector<16xi32> -> vector<16xf32>
        %get3A_422 = arith.index_cast %scan3A_399 : i32 to index
        %get3A_423 = arith.constant 0 : index
        %get3A_424 = tpu.vector_load %arg12[%get3A_422, %get3A_423] {strides = array<i32>} : memref<80x144xf32, #tpu.memory_space<vmem>>, vector<1x16xf32>,
        %get3A_425 = vector.shape_cast %get3A_424 : vector<1x16xf32> to vector<16xf32>
        %mul3A_426 = arith.mulf %get3A_425, %gather3A_421 : vector<16xf32>
        %swap3A_427 = arith.index_cast %scan3A_399 : i32 to index
        %swap3A_428 = arith.constant 0 : index
        %swap3A_429 = tpu.vector_load %arg12[%swap3A_427, %swap3A_428] {strides = array<i32>} : memref<80x144xf32, #tpu.memory_space<vmem>>, vector<1x16xf32>,
        %swap3A_430 = vector.shape_cast %swap3A_429 : vector<1x16xf32> to vector<16xf32>
        %swap3A_431 = vector.shape_cast %mul3A_426 : vector<16xf32> to vector<1x16xf32>
        tpu.vector_store %arg12[%swap3A_427, %swap3A_428], %swap3A_431 {strides = array<i32>} : memref<80x144xf32, #tpu.memory_space<vmem>>, vector<1x16xf32>,
        %broadcast_in_dim3A_432 = arith.constant 1 : i32
        %broadcast_in_dim3A_433 = vector.broadcast %broadcast_in_dim3A_432 : i32 to vector<16x1xi32>
        %gather3A_434 = vector.shape_cast %broadcast_in_dim3A_433 : vector<16x1xi32> to vector<16xi32>
        %gather3A_435 = tpu.dynamic_gather %exp3A[%gather3A_434] in [0] : vector<16xf32>, vector<16xi32> -> vector<16xf32>
        %get3A_436 = arith.index_cast %scan3A_399 : i32 to index
        %get3A_437 = arith.constant 16 : index
        %get3A_438 = tpu.vector_load %arg12[%get3A_436, %get3A_437] {strides = array<i32>} : memref<80x144xf32, #tpu.memory_space<vmem>>, vector<1x16xf32>,
        %get3A_439 = vector.shape_cast %get3A_438 : vector<1x16xf32> to vector<16xf32>
        %mul3A_440 = arith.mulf %get3A_439, %gather3A_435 : vector<16xf32>
        %swap3A_441 = arith.index_cast %scan3A_399 : i32 to index
        %swap3A_442 = arith.constant 16 : index
        %swap3A_443 = tpu.vector_load %arg12[%swap3A_441, %swap3A_442] {strides = array<i32>} : memref<80x144xf32, #tpu.memory_space<vmem>>, vector<1x16xf32>,
        %swap3A_444 = vector.shape_cast %swap3A_443 : vector<1x16xf32> to vector<16xf32>
        %swap3A_445 = vector.shape_cast %mul3A_440 : vector<16xf32> to vector<1x16xf32>
        tpu.vector_store %arg12[%swap3A_441, %swap3A_442], %swap3A_445 {strides = array<i32>} : memref<80x144xf32, #tpu.memory_space<vmem>>, vector<1x16xf32>,
        %broadcast_in_dim3A_446 = arith.constant 2 : i32
        %broadcast_in_dim3A_447 = vector.broadcast %broadcast_in_dim3A_446 : i32 to vector<16x1xi32>
        %gather3A_448 = vector.shape_cast %broadcast_in_dim3A_447 : vector<16x1xi32> to vector<16xi32>
        %gather3A_449 = tpu.dynamic_gather %exp3A[%gather3A_448] in [0] : vector<16xf32>, vector<16xi32> -> vector<16xf32>
        %get3A_450 = arith.index_cast %scan3A_399 : i32 to index
        %get3A_451 = arith.constant 32 : index
        %get3A_452 = tpu.vector_load %arg12[%get3A_450, %get3A_451] {strides = array<i32>} : memref<80x144xf32, #tpu.memory_space<vmem>>, vector<1x16xf32>,
        %get3A_453 = vector.shape_cast %get3A_452 : vector<1x16xf32> to vector<16xf32>
        %mul3A_454 = arith.mulf %get3A_453, %gather3A_449 : vector<16xf32>
        %swap3A_455 = arith.index_cast %scan3A_399 : i32 to index
        %swap3A_456 = arith.constant 32 : index
        %swap3A_457 = tpu.vector_load %arg12[%swap3A_455, %swap3A_456] {strides = array<i32>} : memref<80x144xf32, #tpu.memory_space<vmem>>, vector<1x16xf32>,
        %swap3A_458 = vector.shape_cast %swap3A_457 : vector<1x16xf32> to vector<16xf32>
        %swap3A_459 = vector.shape_cast %mul3A_454 : vector<16xf32> to vector<1x16xf32>
        tpu.vector_store %arg12[%swap3A_455, %swap3A_456], %swap3A_459 {strides = array<i32>} : memref<80x144xf32, #tpu.memory_space<vmem>>, vector<1x16xf32>,
        %broadcast_in_dim3A_460 = arith.constant 3 : i32
        %broadcast_in_dim3A_461 = vector.broadcast %broadcast_in_dim3A_460 : i32 to vector<16x1xi32>
        %gather3A_462 = vector.shape_cast %broadcast_in_dim3A_461 : vector<16x1xi32> to vector<16xi32>
        %gather3A_463 = tpu.dynamic_gather %exp3A[%gather3A_462] in [0] : vector<16xf32>, vector<16xi32> -> vector<16xf32>
        %get3A_464 = arith.index_cast %scan3A_399 : i32 to index
        %get3A_465 = arith.constant 48 : index
        %get3A_466 = tpu.vector_load %arg12[%get3A_464, %get3A_465] {strides = array<i32>} : memref<80x144xf32, #tpu.memory_space<vmem>>, vector<1x16xf32>,
        %get3A_467 = vector.shape_cast %get3A_466 : vector<1x16xf32> to vector<16xf32>
        %mul3A_468 = arith.mulf %get3A_467, %gather3A_463 : vector<16xf32>
        %swap3A_469 = arith.index_cast %scan3A_399 : i32 to index
        %swap3A_470 = arith.constant 48 : index
        %swap3A_471 = tpu.vector_load %arg12[%swap3A_469, %swap3A_470] {strides = array<i32>} : memref<80x144xf32, #tpu.memory_space<vmem>>, vector<1x16xf32>,
        %swap3A_472 = vector.shape_cast %swap3A_471 : vector<1x16xf32> to vector<16xf32>
        %swap3A_473 = vector.shape_cast %mul3A_468 : vector<16xf32> to vector<1x16xf32>
        tpu.vector_store %arg12[%swap3A_469, %swap3A_470], %swap3A_473 {strides = array<i32>} : memref<80x144xf32, #tpu.memory_space<vmem>>, vector<1x16xf32>,
        %broadcast_in_dim3A_474 = arith.constant 4 : i32
        %broadcast_in_dim3A_475 = vector.broadcast %broadcast_in_dim3A_474 : i32 to vector<16x1xi32>
        %gather3A_476 = vector.shape_cast %broadcast_in_dim3A_475 : vector<16x1xi32> to vector<16xi32>
        %gather3A_477 = tpu.dynamic_gather %exp3A[%gather3A_476] in [0] : vector<16xf32>, vector<16xi32> -> vector<16xf32>
        %get3A_478 = arith.index_cast %scan3A_399 : i32 to index
        %get3A_479 = arith.constant 64 : index
        %get3A_480 = tpu.vector_load %arg12[%get3A_478, %get3A_479] {strides = array<i32>} : memref<80x144xf32, #tpu.memory_space<vmem>>, vector<1x16xf32>,
        %get3A_481 = vector.shape_cast %get3A_480 : vector<1x16xf32> to vector<16xf32>
        %mul3A_482 = arith.mulf %get3A_481, %gather3A_477 : vector<16xf32>
        %swap3A_483 = arith.index_cast %scan3A_399 : i32 to index
        %swap3A_484 = arith.constant 64 : index
        %swap3A_485 = tpu.vector_load %arg12[%swap3A_483, %swap3A_484] {strides = array<i32>} : memref<80x144xf32, #tpu.memory_space<vmem>>, vector<1x16xf32>,
        %swap3A_486 = vector.shape_cast %swap3A_485 : vector<1x16xf32> to vector<16xf32>
        %swap3A_487 = vector.shape_cast %mul3A_482 : vector<16xf32> to vector<1x16xf32>
        tpu.vector_store %arg12[%swap3A_483, %swap3A_484], %swap3A_487 {strides = array<i32>} : memref<80x144xf32, #tpu.memory_space<vmem>>, vector<1x16xf32>,
        %broadcast_in_dim3A_488 = arith.constant 5 : i32
        %broadcast_in_dim3A_489 = vector.broadcast %broadcast_in_dim3A_488 : i32 to vector<16x1xi32>
        %gather3A_490 = vector.shape_cast %broadcast_in_dim3A_489 : vector<16x1xi32> to vector<16xi32>
        %gather3A_491 = tpu.dynamic_gather %exp3A[%gather3A_490] in [0] : vector<16xf32>, vector<16xi32> -> vector<16xf32>
        %get3A_492 = arith.index_cast %scan3A_399 : i32 to index
        %get3A_493 = arith.constant 80 : index
        %get3A_494 = tpu.vector_load %arg12[%get3A_492, %get3A_493] {strides = array<i32>} : memref<80x144xf32, #tpu.memory_space<vmem>>, vector<1x16xf32>,
        %get3A_495 = vector.shape_cast %get3A_494 : vector<1x16xf32> to vector<16xf32>
        %mul3A_496 = arith.mulf %get3A_495, %gather3A_491 : vector<16xf32>
        %swap3A_497 = arith.index_cast %scan3A_399 : i32 to index
        %swap3A_498 = arith.constant 80 : index
        %swap3A_499 = tpu.vector_load %arg12[%swap3A_497, %swap3A_498] {strides = array<i32>} : memref<80x144xf32, #tpu.memory_space<vmem>>, vector<1x16xf32>,
        %swap3A_500 = vector.shape_cast %swap3A_499 : vector<1x16xf32> to vector<16xf32>
        %swap3A_501 = vector.shape_cast %mul3A_496 : vector<16xf32> to vector<1x16xf32>
        tpu.vector_store %arg12[%swap3A_497, %swap3A_498], %swap3A_501 {strides = array<i32>} : memref<80x144xf32, #tpu.memory_space<vmem>>, vector<1x16xf32>,
        %broadcast_in_dim3A_502 = arith.constant 6 : i32
        %broadcast_in_dim3A_503 = vector.broadcast %broadcast_in_dim3A_502 : i32 to vector<16x1xi32>
        %gather3A_504 = vector.shape_cast %broadcast_in_dim3A_503 : vector<16x1xi32> to vector<16xi32>
        %gather3A_505 = tpu.dynamic_gather %exp3A[%gather3A_504] in [0] : vector<16xf32>, vector<16xi32> -> vector<16xf32>
        %get3A_506 = arith.index_cast %scan3A_399 : i32 to index
        %get3A_507 = arith.constant 96 : index
        %get3A_508 = tpu.vector_load %arg12[%get3A_506, %get3A_507] {strides = array<i32>} : memref<80x144xf32, #tpu.memory_space<vmem>>, vector<1x16xf32>,
        %get3A_509 = vector.shape_cast %get3A_508 : vector<1x16xf32> to vector<16xf32>
        %mul3A_510 = arith.mulf %get3A_509, %gather3A_505 : vector<16xf32>
        %swap3A_511 = arith.index_cast %scan3A_399 : i32 to index
        %swap3A_512 = arith.constant 96 : index
        %swap3A_513 = tpu.vector_load %arg12[%swap3A_511, %swap3A_512] {strides = array<i32>} : memref<80x144xf32, #tpu.memory_space<vmem>>, vector<1x16xf32>,
        %swap3A_514 = vector.shape_cast %swap3A_513 : vector<1x16xf32> to vector<16xf32>
        %swap3A_515 = vector.shape_cast %mul3A_510 : vector<16xf32> to vector<1x16xf32>
        tpu.vector_store %arg12[%swap3A_511, %swap3A_512], %swap3A_515 {strides = array<i32>} : memref<80x144xf32, #tpu.memory_space<vmem>>, vector<1x16xf32>,
        %broadcast_in_dim3A_516 = arith.constant 7 : i32
        %broadcast_in_dim3A_517 = vector.broadcast %broadcast_in_dim3A_516 : i32 to vector<16x1xi32>
        %gather3A_518 = vector.shape_cast %broadcast_in_dim3A_517 : vector<16x1xi32> to vector<16xi32>
        %gather3A_519 = tpu.dynamic_gather %exp3A[%gather3A_518] in [0] : vector<16xf32>, vector<16xi32> -> vector<16xf32>
        %get3A_520 = arith.index_cast %scan3A_399 : i32 to index
        %get3A_521 = arith.constant 112 : index
        %get3A_522 = tpu.vector_load %arg12[%get3A_520, %get3A_521] {strides = array<i32>} : memref<80x144xf32, #tpu.memory_space<vmem>>, vector<1x16xf32>,
        %get3A_523 = vector.shape_cast %get3A_522 : vector<1x16xf32> to vector<16xf32>
        %mul3A_524 = arith.mulf %get3A_523, %gather3A_519 : vector<16xf32>
        %swap3A_525 = arith.index_cast %scan3A_399 : i32 to index
        %swap3A_526 = arith.constant 112 : index
        %swap3A_527 = tpu.vector_load %arg12[%swap3A_525, %swap3A_526] {strides = array<i32>} : memref<80x144xf32, #tpu.memory_space<vmem>>, vector<1x16xf32>,
        %swap3A_528 = vector.shape_cast %swap3A_527 : vector<1x16xf32> to vector<16xf32>
        %swap3A_529 = vector.shape_cast %mul3A_524 : vector<16xf32> to vector<1x16xf32>
        tpu.vector_store %arg12[%swap3A_525, %swap3A_526], %swap3A_529 {strides = array<i32>} : memref<80x144xf32, #tpu.memory_space<vmem>>, vector<1x16xf32>,
        %scan3A_530 = arith.constant 1 : i32
        %scan3A_531 = arith.addi %scan3A_399, %scan3A_530 : i32
        %get3A_532 = arith.index_cast %scan3A_531 : i32 to index
        %get3A_533 = arith.constant 128 : index
        %get3A_534 = tpu.vector_load %arg12[%get3A_532, %get3A_533] {strides = array<i32>} : memref<80x144xf32, #tpu.memory_space<vmem>>, vector<1x16xf32>,
        %get3A_535 = vector.shape_cast %get3A_534 : vector<1x16xf32> to vector<16xf32>
        %get3A_536 = arith.index_cast %scan3A_531 : i32 to index
        %get3A_537 = arith.constant 0 : index
        %get3A_538 = tpu.vector_load %arg14[%get3A_536, %get3A_537] {strides = array<i32>} : memref<80x16xf32, #tpu.memory_space<vmem>>, vector<1x16xf32>,
        %get3A_539 = vector.shape_cast %get3A_538 : vector<1x16xf32> to vector<16xf32>
        %add3A_540 = arith.addf %get3A_535, %get3A_539 : vector<16xf32>
        %gt3A_541 = arith.constant 0.000000e+00 : f32
        %gt3A_542 = vector.broadcast %gt3A_541 : f32 to vector<16xf32>
        %gt3A_543 = arith.cmpf ogt, %add3A_540, %gt3A_542 : vector<16xf32>
        %mul3A_544 = arith.constant 2.000000e-01 : f32
        %mul3A_545 = vector.broadcast %mul3A_544 : f32 to vector<16xf32>
        %mul3A_546 = arith.mulf %add3A_540, %mul3A_545 : vector<16xf32>
        %select_n3A_547 = arith.select %gt3A_543, %add3A_540, %mul3A_546 : vector<16xi1>, vector<16xf32>
        %exp3A_548 = math.exp %select_n3A_547 : vector<16xf32>
        %swap3A_549 = arith.index_cast %scan3A_531 : i32 to index
        %swap3A_550 = arith.constant 128 : index
        %swap3A_551 = tpu.vector_load %arg12[%swap3A_549, %swap3A_550] {strides = array<i32>} : memref<80x144xf32, #tpu.memory_space<vmem>>, vector<1x16xf32>,
        %swap3A_552 = vector.shape_cast %swap3A_551 : vector<1x16xf32> to vector<16xf32>
        %swap3A_553 = vector.shape_cast %exp3A_548 : vector<16xf32> to vector<1x16xf32>
        tpu.vector_store %arg12[%swap3A_549, %swap3A_550], %swap3A_553 {strides = array<i32>} : memref<80x144xf32, #tpu.memory_space<vmem>>, vector<1x16xf32>,
        %broadcast_in_dim3A_554 = arith.constant 0 : i32
        %broadcast_in_dim3A_555 = vector.broadcast %broadcast_in_dim3A_554 : i32 to vector<16x1xi32>
        %gather3A_556 = vector.shape_cast %broadcast_in_dim3A_555 : vector<16x1xi32> to vector<16xi32>
        %gather3A_557 = tpu.dynamic_gather %exp3A_548[%gather3A_556] in [0] : vector<16xf32>, vector<16xi32> -> vector<16xf32>
        %get3A_558 = arith.index_cast %scan3A_531 : i32 to index
        %get3A_559 = arith.constant 0 : index
        %get3A_560 = tpu.vector_load %arg12[%get3A_558, %get3A_559] {strides = array<i32>} : memref<80x144xf32, #tpu.memory_space<vmem>>, vector<1x16xf32>,
        %get3A_561 = vector.shape_cast %get3A_560 : vector<1x16xf32> to vector<16xf32>
        %mul3A_562 = arith.mulf %get3A_561, %gather3A_557 : vector<16xf32>
        %swap3A_563 = arith.index_cast %scan3A_531 : i32 to index
        %swap3A_564 = arith.constant 0 : index
        %swap3A_565 = tpu.vector_load %arg12[%swap3A_563, %swap3A_564] {strides = array<i32>} : memref<80x144xf32, #tpu.memory_space<vmem>>, vector<1x16xf32>,
        %swap3A_566 = vector.shape_cast %swap3A_565 : vector<1x16xf32> to vector<16xf32>
        %swap3A_567 = vector.shape_cast %mul3A_562 : vector<16xf32> to vector<1x16xf32>
        tpu.vector_store %arg12[%swap3A_563, %swap3A_564], %swap3A_567 {strides = array<i32>} : memref<80x144xf32, #tpu.memory_space<vmem>>, vector<1x16xf32>,
        %broadcast_in_dim3A_568 = arith.constant 1 : i32
        %broadcast_in_dim3A_569 = vector.broadcast %broadcast_in_dim3A_568 : i32 to vector<16x1xi32>
        %gather3A_570 = vector.shape_cast %broadcast_in_dim3A_569 : vector<16x1xi32> to vector<16xi32>
        %gather3A_571 = tpu.dynamic_gather %exp3A_548[%gather3A_570] in [0] : vector<16xf32>, vector<16xi32> -> vector<16xf32>
        %get3A_572 = arith.index_cast %scan3A_531 : i32 to index
        %get3A_573 = arith.constant 16 : index
        %get3A_574 = tpu.vector_load %arg12[%get3A_572, %get3A_573] {strides = array<i32>} : memref<80x144xf32, #tpu.memory_space<vmem>>, vector<1x16xf32>,
        %get3A_575 = vector.shape_cast %get3A_574 : vector<1x16xf32> to vector<16xf32>
        %mul3A_576 = arith.mulf %get3A_575, %gather3A_571 : vector<16xf32>
        %swap3A_577 = arith.index_cast %scan3A_531 : i32 to index
        %swap3A_578 = arith.constant 16 : index
        %swap3A_579 = tpu.vector_load %arg12[%swap3A_577, %swap3A_578] {strides = array<i32>} : memref<80x144xf32, #tpu.memory_space<vmem>>, vector<1x16xf32>,
        %swap3A_580 = vector.shape_cast %swap3A_579 : vector<1x16xf32> to vector<16xf32>
        %swap3A_581 = vector.shape_cast %mul3A_576 : vector<16xf32> to vector<1x16xf32>
        tpu.vector_store %arg12[%swap3A_577, %swap3A_578], %swap3A_581 {strides = array<i32>} : memref<80x144xf32, #tpu.memory_space<vmem>>, vector<1x16xf32>,
        %broadcast_in_dim3A_582 = arith.constant 2 : i32
        %broadcast_in_dim3A_583 = vector.broadcast %broadcast_in_dim3A_582 : i32 to vector<16x1xi32>
        %gather3A_584 = vector.shape_cast %broadcast_in_dim3A_583 : vector<16x1xi32> to vector<16xi32>
        %gather3A_585 = tpu.dynamic_gather %exp3A_548[%gather3A_584] in [0] : vector<16xf32>, vector<16xi32> -> vector<16xf32>
        %get3A_586 = arith.index_cast %scan3A_531 : i32 to index
        %get3A_587 = arith.constant 32 : index
        %get3A_588 = tpu.vector_load %arg12[%get3A_586, %get3A_587] {strides = array<i32>} : memref<80x144xf32, #tpu.memory_space<vmem>>, vector<1x16xf32>,
        %get3A_589 = vector.shape_cast %get3A_588 : vector<1x16xf32> to vector<16xf32>
        %mul3A_590 = arith.mulf %get3A_589, %gather3A_585 : vector<16xf32>
        %swap3A_591 = arith.index_cast %scan3A_531 : i32 to index
        %swap3A_592 = arith.constant 32 : index
        %swap3A_593 = tpu.vector_load %arg12[%swap3A_591, %swap3A_592] {strides = array<i32>} : memref<80x144xf32, #tpu.memory_space<vmem>>, vector<1x16xf32>,
        %swap3A_594 = vector.shape_cast %swap3A_593 : vector<1x16xf32> to vector<16xf32>
        %swap3A_595 = vector.shape_cast %mul3A_590 : vector<16xf32> to vector<1x16xf32>
        tpu.vector_store %arg12[%swap3A_591, %swap3A_592], %swap3A_595 {strides = array<i32>} : memref<80x144xf32, #tpu.memory_space<vmem>>, vector<1x16xf32>,
        %broadcast_in_dim3A_596 = arith.constant 3 : i32
        %broadcast_in_dim3A_597 = vector.broadcast %broadcast_in_dim3A_596 : i32 to vector<16x1xi32>
        %gather3A_598 = vector.shape_cast %broadcast_in_dim3A_597 : vector<16x1xi32> to vector<16xi32>
        %gather3A_599 = tpu.dynamic_gather %exp3A_548[%gather3A_598] in [0] : vector<16xf32>, vector<16xi32> -> vector<16xf32>
        %get3A_600 = arith.index_cast %scan3A_531 : i32 to index
        %get3A_601 = arith.constant 48 : index
        %get3A_602 = tpu.vector_load %arg12[%get3A_600, %get3A_601] {strides = array<i32>} : memref<80x144xf32, #tpu.memory_space<vmem>>, vector<1x16xf32>,
        %get3A_603 = vector.shape_cast %get3A_602 : vector<1x16xf32> to vector<16xf32>
        %mul3A_604 = arith.mulf %get3A_603, %gather3A_599 : vector<16xf32>
        %swap3A_605 = arith.index_cast %scan3A_531 : i32 to index
        %swap3A_606 = arith.constant 48 : index
        %swap3A_607 = tpu.vector_load %arg12[%swap3A_605, %swap3A_606] {strides = array<i32>} : memref<80x144xf32, #tpu.memory_space<vmem>>, vector<1x16xf32>,
        %swap3A_608 = vector.shape_cast %swap3A_607 : vector<1x16xf32> to vector<16xf32>
        %swap3A_609 = vector.shape_cast %mul3A_604 : vector<16xf32> to vector<1x16xf32>
        tpu.vector_store %arg12[%swap3A_605, %swap3A_606], %swap3A_609 {strides = array<i32>} : memref<80x144xf32, #tpu.memory_space<vmem>>, vector<1x16xf32>,
        %broadcast_in_dim3A_610 = arith.constant 4 : i32
        %broadcast_in_dim3A_611 = vector.broadcast %broadcast_in_dim3A_610 : i32 to vector<16x1xi32>
        %gather3A_612 = vector.shape_cast %broadcast_in_dim3A_611 : vector<16x1xi32> to vector<16xi32>
        %gather3A_613 = tpu.dynamic_gather %exp3A_548[%gather3A_612] in [0] : vector<16xf32>, vector<16xi32> -> vector<16xf32>
        %get3A_614 = arith.index_cast %scan3A_531 : i32 to index
        %get3A_615 = arith.constant 64 : index
        %get3A_616 = tpu.vector_load %arg12[%get3A_614, %get3A_615] {strides = array<i32>} : memref<80x144xf32, #tpu.memory_space<vmem>>, vector<1x16xf32>,
        %get3A_617 = vector.shape_cast %get3A_616 : vector<1x16xf32> to vector<16xf32>
        %mul3A_618 = arith.mulf %get3A_617, %gather3A_613 : vector<16xf32>
        %swap3A_619 = arith.index_cast %scan3A_531 : i32 to index
        %swap3A_620 = arith.constant 64 : index
        %swap3A_621 = tpu.vector_load %arg12[%swap3A_619, %swap3A_620] {strides = array<i32>} : memref<80x144xf32, #tpu.memory_space<vmem>>, vector<1x16xf32>,
        %swap3A_622 = vector.shape_cast %swap3A_621 : vector<1x16xf32> to vector<16xf32>
        %swap3A_623 = vector.shape_cast %mul3A_618 : vector<16xf32> to vector<1x16xf32>
        tpu.vector_store %arg12[%swap3A_619, %swap3A_620], %swap3A_623 {strides = array<i32>} : memref<80x144xf32, #tpu.memory_space<vmem>>, vector<1x16xf32>,
        %broadcast_in_dim3A_624 = arith.constant 5 : i32
        %broadcast_in_dim3A_625 = vector.broadcast %broadcast_in_dim3A_624 : i32 to vector<16x1xi32>
        %gather3A_626 = vector.shape_cast %broadcast_in_dim3A_625 : vector<16x1xi32> to vector<16xi32>
        %gather3A_627 = tpu.dynamic_gather %exp3A_548[%gather3A_626] in [0] : vector<16xf32>, vector<16xi32> -> vector<16xf32>
        %get3A_628 = arith.index_cast %scan3A_531 : i32 to index
        %get3A_629 = arith.constant 80 : index
        %get3A_630 = tpu.vector_load %arg12[%get3A_628, %get3A_629] {strides = array<i32>} : memref<80x144xf32, #tpu.memory_space<vmem>>, vector<1x16xf32>,
        %get3A_631 = vector.shape_cast %get3A_630 : vector<1x16xf32> to vector<16xf32>
        %mul3A_632 = arith.mulf %get3A_631, %gather3A_627 : vector<16xf32>
        %swap3A_633 = arith.index_cast %scan3A_531 : i32 to index
        %swap3A_634 = arith.constant 80 : index
        %swap3A_635 = tpu.vector_load %arg12[%swap3A_633, %swap3A_634] {strides = array<i32>} : memref<80x144xf32, #tpu.memory_space<vmem>>, vector<1x16xf32>,
        %swap3A_636 = vector.shape_cast %swap3A_635 : vector<1x16xf32> to vector<16xf32>
        %swap3A_637 = vector.shape_cast %mul3A_632 : vector<16xf32> to vector<1x16xf32>
        tpu.vector_store %arg12[%swap3A_633, %swap3A_634], %swap3A_637 {strides = array<i32>} : memref<80x144xf32, #tpu.memory_space<vmem>>, vector<1x16xf32>,
        %broadcast_in_dim3A_638 = arith.constant 6 : i32
        %broadcast_in_dim3A_639 = vector.broadcast %broadcast_in_dim3A_638 : i32 to vector<16x1xi32>
        %gather3A_640 = vector.shape_cast %broadcast_in_dim3A_639 : vector<16x1xi32> to vector<16xi32>
        %gather3A_641 = tpu.dynamic_gather %exp3A_548[%gather3A_640] in [0] : vector<16xf32>, vector<16xi32> -> vector<16xf32>
        %get3A_642 = arith.index_cast %scan3A_531 : i32 to index
        %get3A_643 = arith.constant 96 : index
        %get3A_644 = tpu.vector_load %arg12[%get3A_642, %get3A_643] {strides = array<i32>} : memref<80x144xf32, #tpu.memory_space<vmem>>, vector<1x16xf32>,
        %get3A_645 = vector.shape_cast %get3A_644 : vector<1x16xf32> to vector<16xf32>
        %mul3A_646 = arith.mulf %get3A_645, %gather3A_641 : vector<16xf32>
        %swap3A_647 = arith.index_cast %scan3A_531 : i32 to index
        %swap3A_648 = arith.constant 96 : index
        %swap3A_649 = tpu.vector_load %arg12[%swap3A_647, %swap3A_648] {strides = array<i32>} : memref<80x144xf32, #tpu.memory_space<vmem>>, vector<1x16xf32>,
        %swap3A_650 = vector.shape_cast %swap3A_649 : vector<1x16xf32> to vector<16xf32>
        %swap3A_651 = vector.shape_cast %mul3A_646 : vector<16xf32> to vector<1x16xf32>
        tpu.vector_store %arg12[%swap3A_647, %swap3A_648], %swap3A_651 {strides = array<i32>} : memref<80x144xf32, #tpu.memory_space<vmem>>, vector<1x16xf32>,
        %broadcast_in_dim3A_652 = arith.constant 7 : i32
        %broadcast_in_dim3A_653 = vector.broadcast %broadcast_in_dim3A_652 : i32 to vector<16x1xi32>
        %gather3A_654 = vector.shape_cast %broadcast_in_dim3A_653 : vector<16x1xi32> to vector<16xi32>
        %gather3A_655 = tpu.dynamic_gather %exp3A_548[%gather3A_654] in [0] : vector<16xf32>, vector<16xi32> -> vector<16xf32>
        %get3A_656 = arith.index_cast %scan3A_531 : i32 to index
        %get3A_657 = arith.constant 112 : index
        %get3A_658 = tpu.vector_load %arg12[%get3A_656, %get3A_657] {strides = array<i32>} : memref<80x144xf32, #tpu.memory_space<vmem>>, vector<1x16xf32>,
        %get3A_659 = vector.shape_cast %get3A_658 : vector<1x16xf32> to vector<16xf32>
        %mul3A_660 = arith.mulf %get3A_659, %gather3A_655 : vector<16xf32>
        %swap3A_661 = arith.index_cast %scan3A_531 : i32 to index
        %swap3A_662 = arith.constant 112 : index
        %swap3A_663 = tpu.vector_load %arg12[%swap3A_661, %swap3A_662] {strides = array<i32>} : memref<80x144xf32, #tpu.memory_space<vmem>>, vector<1x16xf32>,
        %swap3A_664 = vector.shape_cast %swap3A_663 : vector<1x16xf32> to vector<16xf32>
        %swap3A_665 = vector.shape_cast %mul3A_660 : vector<16xf32> to vector<1x16xf32>
        tpu.vector_store %arg12[%swap3A_661, %swap3A_662], %swap3A_665 {strides = array<i32>} : memref<80x144xf32, #tpu.memory_space<vmem>>, vector<1x16xf32>,
        %scan3A_666 = arith.constant 2 : i32
        %scan3A_667 = arith.addi %scan3A_399, %scan3A_666 : i32
        %get3A_668 = arith.index_cast %scan3A_667 : i32 to index
        %get3A_669 = arith.constant 128 : index
        %get3A_670 = tpu.vector_load %arg12[%get3A_668, %get3A_669] {strides = array<i32>} : memref<80x144xf32, #tpu.memory_space<vmem>>, vector<1x16xf32>,
        %get3A_671 = vector.shape_cast %get3A_670 : vector<1x16xf32> to vector<16xf32>
        %get3A_672 = arith.index_cast %scan3A_667 : i32 to index
        %get3A_673 = arith.constant 0 : index
        %get3A_674 = tpu.vector_load %arg14[%get3A_672, %get3A_673] {strides = array<i32>} : memref<80x16xf32, #tpu.memory_space<vmem>>, vector<1x16xf32>,
        %get3A_675 = vector.shape_cast %get3A_674 : vector<1x16xf32> to vector<16xf32>
        %add3A_676 = arith.addf %get3A_671, %get3A_675 : vector<16xf32>
        %gt3A_677 = arith.constant 0.000000e+00 : f32
        %gt3A_678 = vector.broadcast %gt3A_677 : f32 to vector<16xf32>
        %gt3A_679 = arith.cmpf ogt, %add3A_676, %gt3A_678 : vector<16xf32>
        %mul3A_680 = arith.constant 2.000000e-01 : f32
        %mul3A_681 = vector.broadcast %mul3A_680 : f32 to vector<16xf32>
        %mul3A_682 = arith.mulf %add3A_676, %mul3A_681 : vector<16xf32>
        %select_n3A_683 = arith.select %gt3A_679, %add3A_676, %mul3A_682 : vector<16xi1>, vector<16xf32>
        %exp3A_684 = math.exp %select_n3A_683 : vector<16xf32>
        %swap3A_685 = arith.index_cast %scan3A_667 : i32 to index
        %swap3A_686 = arith.constant 128 : index
        %swap3A_687 = tpu.vector_load %arg12[%swap3A_685, %swap3A_686] {strides = array<i32>} : memref<80x144xf32, #tpu.memory_space<vmem>>, vector<1x16xf32>,
        %swap3A_688 = vector.shape_cast %swap3A_687 : vector<1x16xf32> to vector<16xf32>
        %swap3A_689 = vector.shape_cast %exp3A_684 : vector<16xf32> to vector<1x16xf32>
        tpu.vector_store %arg12[%swap3A_685, %swap3A_686], %swap3A_689 {strides = array<i32>} : memref<80x144xf32, #tpu.memory_space<vmem>>, vector<1x16xf32>,
        %broadcast_in_dim3A_690 = arith.constant 0 : i32
        %broadcast_in_dim3A_691 = vector.broadcast %broadcast_in_dim3A_690 : i32 to vector<16x1xi32>
        %gather3A_692 = vector.shape_cast %broadcast_in_dim3A_691 : vector<16x1xi32> to vector<16xi32>
        %gather3A_693 = tpu.dynamic_gather %exp3A_684[%gather3A_692] in [0] : vector<16xf32>, vector<16xi32> -> vector<16xf32>
        %get3A_694 = arith.index_cast %scan3A_667 : i32 to index
        %get3A_695 = arith.constant 0 : index
        %get3A_696 = tpu.vector_load %arg12[%get3A_694, %get3A_695] {strides = array<i32>} : memref<80x144xf32, #tpu.memory_space<vmem>>, vector<1x16xf32>,
        %get3A_697 = vector.shape_cast %get3A_696 : vector<1x16xf32> to vector<16xf32>
        %mul3A_698 = arith.mulf %get3A_697, %gather3A_693 : vector<16xf32>
        %swap3A_699 = arith.index_cast %scan3A_667 : i32 to index
        %swap3A_700 = arith.constant 0 : index
        %swap3A_701 = tpu.vector_load %arg12[%swap3A_699, %swap3A_700] {strides = array<i32>} : memref<80x144xf32, #tpu.memory_space<vmem>>, vector<1x16xf32>,
        %swap3A_702 = vector.shape_cast %swap3A_701 : vector<1x16xf32> to vector<16xf32>
        %swap3A_703 = vector.shape_cast %mul3A_698 : vector<16xf32> to vector<1x16xf32>
        tpu.vector_store %arg12[%swap3A_699, %swap3A_700], %swap3A_703 {strides = array<i32>} : memref<80x144xf32, #tpu.memory_space<vmem>>, vector<1x16xf32>,
        %broadcast_in_dim3A_704 = arith.constant 1 : i32
        %broadcast_in_dim3A_705 = vector.broadcast %broadcast_in_dim3A_704 : i32 to vector<16x1xi32>
        %gather3A_706 = vector.shape_cast %broadcast_in_dim3A_705 : vector<16x1xi32> to vector<16xi32>
        %gather3A_707 = tpu.dynamic_gather %exp3A_684[%gather3A_706] in [0] : vector<16xf32>, vector<16xi32> -> vector<16xf32>
        %get3A_708 = arith.index_cast %scan3A_667 : i32 to index
        %get3A_709 = arith.constant 16 : index
        %get3A_710 = tpu.vector_load %arg12[%get3A_708, %get3A_709] {strides = array<i32>} : memref<80x144xf32, #tpu.memory_space<vmem>>, vector<1x16xf32>,
        %get3A_711 = vector.shape_cast %get3A_710 : vector<1x16xf32> to vector<16xf32>
        %mul3A_712 = arith.mulf %get3A_711, %gather3A_707 : vector<16xf32>
        %swap3A_713 = arith.index_cast %scan3A_667 : i32 to index
        %swap3A_714 = arith.constant 16 : index
        %swap3A_715 = tpu.vector_load %arg12[%swap3A_713, %swap3A_714] {strides = array<i32>} : memref<80x144xf32, #tpu.memory_space<vmem>>, vector<1x16xf32>,
        %swap3A_716 = vector.shape_cast %swap3A_715 : vector<1x16xf32> to vector<16xf32>
        %swap3A_717 = vector.shape_cast %mul3A_712 : vector<16xf32> to vector<1x16xf32>
        tpu.vector_store %arg12[%swap3A_713, %swap3A_714], %swap3A_717 {strides = array<i32>} : memref<80x144xf32, #tpu.memory_space<vmem>>, vector<1x16xf32>,
        %broadcast_in_dim3A_718 = arith.constant 2 : i32
        %broadcast_in_dim3A_719 = vector.broadcast %broadcast_in_dim3A_718 : i32 to vector<16x1xi32>
        %gather3A_720 = vector.shape_cast %broadcast_in_dim3A_719 : vector<16x1xi32> to vector<16xi32>
        %gather3A_721 = tpu.dynamic_gather %exp3A_684[%gather3A_720] in [0] : vector<16xf32>, vector<16xi32> -> vector<16xf32>
        %get3A_722 = arith.index_cast %scan3A_667 : i32 to index
        %get3A_723 = arith.constant 32 : index
        %get3A_724 = tpu.vector_load %arg12[%get3A_722, %get3A_723] {strides = array<i32>} : memref<80x144xf32, #tpu.memory_space<vmem>>, vector<1x16xf32>,
        %get3A_725 = vector.shape_cast %get3A_724 : vector<1x16xf32> to vector<16xf32>
        %mul3A_726 = arith.mulf %get3A_725, %gather3A_721 : vector<16xf32>
        %swap3A_727 = arith.index_cast %scan3A_667 : i32 to index
        %swap3A_728 = arith.constant 32 : index
        %swap3A_729 = tpu.vector_load %arg12[%swap3A_727, %swap3A_728] {strides = array<i32>} : memref<80x144xf32, #tpu.memory_space<vmem>>, vector<1x16xf32>,
        %swap3A_730 = vector.shape_cast %swap3A_729 : vector<1x16xf32> to vector<16xf32>
        %swap3A_731 = vector.shape_cast %mul3A_726 : vector<16xf32> to vector<1x16xf32>
        tpu.vector_store %arg12[%swap3A_727, %swap3A_728], %swap3A_731 {strides = array<i32>} : memref<80x144xf32, #tpu.memory_space<vmem>>, vector<1x16xf32>,
        %broadcast_in_dim3A_732 = arith.constant 3 : i32
        %broadcast_in_dim3A_733 = vector.broadcast %broadcast_in_dim3A_732 : i32 to vector<16x1xi32>
        %gather3A_734 = vector.shape_cast %broadcast_in_dim3A_733 : vector<16x1xi32> to vector<16xi32>
        %gather3A_735 = tpu.dynamic_gather %exp3A_684[%gather3A_734] in [0] : vector<16xf32>, vector<16xi32> -> vector<16xf32>
        %get3A_736 = arith.index_cast %scan3A_667 : i32 to index
        %get3A_737 = arith.constant 48 : index
        %get3A_738 = tpu.vector_load %arg12[%get3A_736, %get3A_737] {strides = array<i32>} : memref<80x144xf32, #tpu.memory_space<vmem>>, vector<1x16xf32>,
        %get3A_739 = vector.shape_cast %get3A_738 : vector<1x16xf32> to vector<16xf32>
        %mul3A_740 = arith.mulf %get3A_739, %gather3A_735 : vector<16xf32>
        %swap3A_741 = arith.index_cast %scan3A_667 : i32 to index
        %swap3A_742 = arith.constant 48 : index
        %swap3A_743 = tpu.vector_load %arg12[%swap3A_741, %swap3A_742] {strides = array<i32>} : memref<80x144xf32, #tpu.memory_space<vmem>>, vector<1x16xf32>,
        %swap3A_744 = vector.shape_cast %swap3A_743 : vector<1x16xf32> to vector<16xf32>
        %swap3A_745 = vector.shape_cast %mul3A_740 : vector<16xf32> to vector<1x16xf32>
        tpu.vector_store %arg12[%swap3A_741, %swap3A_742], %swap3A_745 {strides = array<i32>} : memref<80x144xf32, #tpu.memory_space<vmem>>, vector<1x16xf32>,
        %broadcast_in_dim3A_746 = arith.constant 4 : i32
        %broadcast_in_dim3A_747 = vector.broadcast %broadcast_in_dim3A_746 : i32 to vector<16x1xi32>
        %gather3A_748 = vector.shape_cast %broadcast_in_dim3A_747 : vector<16x1xi32> to vector<16xi32>
        %gather3A_749 = tpu.dynamic_gather %exp3A_684[%gather3A_748] in [0] : vector<16xf32>, vector<16xi32> -> vector<16xf32>
        %get3A_750 = arith.index_cast %scan3A_667 : i32 to index
        %get3A_751 = arith.constant 64 : index
        %get3A_752 = tpu.vector_load %arg12[%get3A_750, %get3A_751] {strides = array<i32>} : memref<80x144xf32, #tpu.memory_space<vmem>>, vector<1x16xf32>,
        %get3A_753 = vector.shape_cast %get3A_752 : vector<1x16xf32> to vector<16xf32>
        %mul3A_754 = arith.mulf %get3A_753, %gather3A_749 : vector<16xf32>
        %swap3A_755 = arith.index_cast %scan3A_667 : i32 to index
        %swap3A_756 = arith.constant 64 : index
        %swap3A_757 = tpu.vector_load %arg12[%swap3A_755, %swap3A_756] {strides = array<i32>} : memref<80x144xf32, #tpu.memory_space<vmem>>, vector<1x16xf32>,
        %swap3A_758 = vector.shape_cast %swap3A_757 : vector<1x16xf32> to vector<16xf32>
        %swap3A_759 = vector.shape_cast %mul3A_754 : vector<16xf32> to vector<1x16xf32>
        tpu.vector_store %arg12[%swap3A_755, %swap3A_756], %swap3A_759 {strides = array<i32>} : memref<80x144xf32, #tpu.memory_space<vmem>>, vector<1x16xf32>,
        %broadcast_in_dim3A_760 = arith.constant 5 : i32
        %broadcast_in_dim3A_761 = vector.broadcast %broadcast_in_dim3A_760 : i32 to vector<16x1xi32>
        %gather3A_762 = vector.shape_cast %broadcast_in_dim3A_761 : vector<16x1xi32> to vector<16xi32>
        %gather3A_763 = tpu.dynamic_gather %exp3A_684[%gather3A_762] in [0] : vector<16xf32>, vector<16xi32> -> vector<16xf32>
        %get3A_764 = arith.index_cast %scan3A_667 : i32 to index
        %get3A_765 = arith.constant 80 : index
        %get3A_766 = tpu.vector_load %arg12[%get3A_764, %get3A_765] {strides = array<i32>} : memref<80x144xf32, #tpu.memory_space<vmem>>, vector<1x16xf32>,
        %get3A_767 = vector.shape_cast %get3A_766 : vector<1x16xf32> to vector<16xf32>
        %mul3A_768 = arith.mulf %get3A_767, %gather3A_763 : vector<16xf32>
        %swap3A_769 = arith.index_cast %scan3A_667 : i32 to index
        %swap3A_770 = arith.constant 80 : index
        %swap3A_771 = tpu.vector_load %arg12[%swap3A_769, %swap3A_770] {strides = array<i32>} : memref<80x144xf32, #tpu.memory_space<vmem>>, vector<1x16xf32>,
        %swap3A_772 = vector.shape_cast %swap3A_771 : vector<1x16xf32> to vector<16xf32>
        %swap3A_773 = vector.shape_cast %mul3A_768 : vector<16xf32> to vector<1x16xf32>
        tpu.vector_store %arg12[%swap3A_769, %swap3A_770], %swap3A_773 {strides = array<i32>} : memref<80x144xf32, #tpu.memory_space<vmem>>, vector<1x16xf32>,
        %broadcast_in_dim3A_774 = arith.constant 6 : i32
        %broadcast_in_dim3A_775 = vector.broadcast %broadcast_in_dim3A_774 : i32 to vector<16x1xi32>
        %gather3A_776 = vector.shape_cast %broadcast_in_dim3A_775 : vector<16x1xi32> to vector<16xi32>
        %gather3A_777 = tpu.dynamic_gather %exp3A_684[%gather3A_776] in [0] : vector<16xf32>, vector<16xi32> -> vector<16xf32>
        %get3A_778 = arith.index_cast %scan3A_667 : i32 to index
        %get3A_779 = arith.constant 96 : index
        %get3A_780 = tpu.vector_load %arg12[%get3A_778, %get3A_779] {strides = array<i32>} : memref<80x144xf32, #tpu.memory_space<vmem>>, vector<1x16xf32>,
        %get3A_781 = vector.shape_cast %get3A_780 : vector<1x16xf32> to vector<16xf32>
        %mul3A_782 = arith.mulf %get3A_781, %gather3A_777 : vector<16xf32>
        %swap3A_783 = arith.index_cast %scan3A_667 : i32 to index
        %swap3A_784 = arith.constant 96 : index
        %swap3A_785 = tpu.vector_load %arg12[%swap3A_783, %swap3A_784] {strides = array<i32>} : memref<80x144xf32, #tpu.memory_space<vmem>>, vector<1x16xf32>,
        %swap3A_786 = vector.shape_cast %swap3A_785 : vector<1x16xf32> to vector<16xf32>
        %swap3A_787 = vector.shape_cast %mul3A_782 : vector<16xf32> to vector<1x16xf32>
        tpu.vector_store %arg12[%swap3A_783, %swap3A_784], %swap3A_787 {strides = array<i32>} : memref<80x144xf32, #tpu.memory_space<vmem>>, vector<1x16xf32>,
        %broadcast_in_dim3A_788 = arith.constant 7 : i32
        %broadcast_in_dim3A_789 = vector.broadcast %broadcast_in_dim3A_788 : i32 to vector<16x1xi32>
        %gather3A_790 = vector.shape_cast %broadcast_in_dim3A_789 : vector<16x1xi32> to vector<16xi32>
        %gather3A_791 = tpu.dynamic_gather %exp3A_684[%gather3A_790] in [0] : vector<16xf32>, vector<16xi32> -> vector<16xf32>
        %get3A_792 = arith.index_cast %scan3A_667 : i32 to index
        %get3A_793 = arith.constant 112 : index
        %get3A_794 = tpu.vector_load %arg12[%get3A_792, %get3A_793] {strides = array<i32>} : memref<80x144xf32, #tpu.memory_space<vmem>>, vector<1x16xf32>,
        %get3A_795 = vector.shape_cast %get3A_794 : vector<1x16xf32> to vector<16xf32>
        %mul3A_796 = arith.mulf %get3A_795, %gather3A_791 : vector<16xf32>
        %swap3A_797 = arith.index_cast %scan3A_667 : i32 to index
        %swap3A_798 = arith.constant 112 : index
        %swap3A_799 = tpu.vector_load %arg12[%swap3A_797, %swap3A_798] {strides = array<i32>} : memref<80x144xf32, #tpu.memory_space<vmem>>, vector<1x16xf32>,
        %swap3A_800 = vector.shape_cast %swap3A_799 : vector<1x16xf32> to vector<16xf32>
        %swap3A_801 = vector.shape_cast %mul3A_796 : vector<16xf32> to vector<1x16xf32>
        tpu.vector_store %arg12[%swap3A_797, %swap3A_798], %swap3A_801 {strides = array<i32>} : memref<80x144xf32, #tpu.memory_space<vmem>>, vector<1x16xf32>,
        %scan3A_802 = arith.constant 3 : i32
        %scan3A_803 = arith.addi %scan3A_399, %scan3A_802 : i32
        %get3A_804 = arith.index_cast %scan3A_803 : i32 to index
        %get3A_805 = arith.constant 128 : index
        %get3A_806 = tpu.vector_load %arg12[%get3A_804, %get3A_805] {strides = array<i32>} : memref<80x144xf32, #tpu.memory_space<vmem>>, vector<1x16xf32>,
        %get3A_807 = vector.shape_cast %get3A_806 : vector<1x16xf32> to vector<16xf32>
        %get3A_808 = arith.index_cast %scan3A_803 : i32 to index
        %get3A_809 = arith.constant 0 : index
        %get3A_810 = tpu.vector_load %arg14[%get3A_808, %get3A_809] {strides = array<i32>} : memref<80x16xf32, #tpu.memory_space<vmem>>, vector<1x16xf32>,
        %get3A_811 = vector.shape_cast %get3A_810 : vector<1x16xf32> to vector<16xf32>
        %add3A_812 = arith.addf %get3A_807, %get3A_811 : vector<16xf32>
        %gt3A_813 = arith.constant 0.000000e+00 : f32
        %gt3A_814 = vector.broadcast %gt3A_813 : f32 to vector<16xf32>
        %gt3A_815 = arith.cmpf ogt, %add3A_812, %gt3A_814 : vector<16xf32>
        %mul3A_816 = arith.constant 2.000000e-01 : f32
        %mul3A_817 = vector.broadcast %mul3A_816 : f32 to vector<16xf32>
        %mul3A_818 = arith.mulf %add3A_812, %mul3A_817 : vector<16xf32>
        %select_n3A_819 = arith.select %gt3A_815, %add3A_812, %mul3A_818 : vector<16xi1>, vector<16xf32>
        %exp3A_820 = math.exp %select_n3A_819 : vector<16xf32>
        %swap3A_821 = arith.index_cast %scan3A_803 : i32 to index
        %swap3A_822 = arith.constant 128 : index
        %swap3A_823 = tpu.vector_load %arg12[%swap3A_821, %swap3A_822] {strides = array<i32>} : memref<80x144xf32, #tpu.memory_space<vmem>>, vector<1x16xf32>,
        %swap3A_824 = vector.shape_cast %swap3A_823 : vector<1x16xf32> to vector<16xf32>
        %swap3A_825 = vector.shape_cast %exp3A_820 : vector<16xf32> to vector<1x16xf32>
        tpu.vector_store %arg12[%swap3A_821, %swap3A_822], %swap3A_825 {strides = array<i32>} : memref<80x144xf32, #tpu.memory_space<vmem>>, vector<1x16xf32>,
        %broadcast_in_dim3A_826 = arith.constant 0 : i32
        %broadcast_in_dim3A_827 = vector.broadcast %broadcast_in_dim3A_826 : i32 to vector<16x1xi32>
        %gather3A_828 = vector.shape_cast %broadcast_in_dim3A_827 : vector<16x1xi32> to vector<16xi32>
        %gather3A_829 = tpu.dynamic_gather %exp3A_820[%gather3A_828] in [0] : vector<16xf32>, vector<16xi32> -> vector<16xf32>
        %get3A_830 = arith.index_cast %scan3A_803 : i32 to index
        %get3A_831 = arith.constant 0 : index
        %get3A_832 = tpu.vector_load %arg12[%get3A_830, %get3A_831] {strides = array<i32>} : memref<80x144xf32, #tpu.memory_space<vmem>>, vector<1x16xf32>,
        %get3A_833 = vector.shape_cast %get3A_832 : vector<1x16xf32> to vector<16xf32>
        %mul3A_834 = arith.mulf %get3A_833, %gather3A_829 : vector<16xf32>
        %swap3A_835 = arith.index_cast %scan3A_803 : i32 to index
        %swap3A_836 = arith.constant 0 : index
        %swap3A_837 = tpu.vector_load %arg12[%swap3A_835, %swap3A_836] {strides = array<i32>} : memref<80x144xf32, #tpu.memory_space<vmem>>, vector<1x16xf32>,
        %swap3A_838 = vector.shape_cast %swap3A_837 : vector<1x16xf32> to vector<16xf32>
        %swap3A_839 = vector.shape_cast %mul3A_834 : vector<16xf32> to vector<1x16xf32>
        tpu.vector_store %arg12[%swap3A_835, %swap3A_836], %swap3A_839 {strides = array<i32>} : memref<80x144xf32, #tpu.memory_space<vmem>>, vector<1x16xf32>,
        %broadcast_in_dim3A_840 = arith.constant 1 : i32
        %broadcast_in_dim3A_841 = vector.broadcast %broadcast_in_dim3A_840 : i32 to vector<16x1xi32>
        %gather3A_842 = vector.shape_cast %broadcast_in_dim3A_841 : vector<16x1xi32> to vector<16xi32>
        %gather3A_843 = tpu.dynamic_gather %exp3A_820[%gather3A_842] in [0] : vector<16xf32>, vector<16xi32> -> vector<16xf32>
        %get3A_844 = arith.index_cast %scan3A_803 : i32 to index
        %get3A_845 = arith.constant 16 : index
        %get3A_846 = tpu.vector_load %arg12[%get3A_844, %get3A_845] {strides = array<i32>} : memref<80x144xf32, #tpu.memory_space<vmem>>, vector<1x16xf32>,
        %get3A_847 = vector.shape_cast %get3A_846 : vector<1x16xf32> to vector<16xf32>
        %mul3A_848 = arith.mulf %get3A_847, %gather3A_843 : vector<16xf32>
        %swap3A_849 = arith.index_cast %scan3A_803 : i32 to index
        %swap3A_850 = arith.constant 16 : index
        %swap3A_851 = tpu.vector_load %arg12[%swap3A_849, %swap3A_850] {strides = array<i32>} : memref<80x144xf32, #tpu.memory_space<vmem>>, vector<1x16xf32>,
        %swap3A_852 = vector.shape_cast %swap3A_851 : vector<1x16xf32> to vector<16xf32>
        %swap3A_853 = vector.shape_cast %mul3A_848 : vector<16xf32> to vector<1x16xf32>
        tpu.vector_store %arg12[%swap3A_849, %swap3A_850], %swap3A_853 {strides = array<i32>} : memref<80x144xf32, #tpu.memory_space<vmem>>, vector<1x16xf32>,
        %broadcast_in_dim3A_854 = arith.constant 2 : i32
        %broadcast_in_dim3A_855 = vector.broadcast %broadcast_in_dim3A_854 : i32 to vector<16x1xi32>
        %gather3A_856 = vector.shape_cast %broadcast_in_dim3A_855 : vector<16x1xi32> to vector<16xi32>
        %gather3A_857 = tpu.dynamic_gather %exp3A_820[%gather3A_856] in [0] : vector<16xf32>, vector<16xi32> -> vector<16xf32>
        %get3A_858 = arith.index_cast %scan3A_803 : i32 to index
        %get3A_859 = arith.constant 32 : index
        %get3A_860 = tpu.vector_load %arg12[%get3A_858, %get3A_859] {strides = array<i32>} : memref<80x144xf32, #tpu.memory_space<vmem>>, vector<1x16xf32>,
        %get3A_861 = vector.shape_cast %get3A_860 : vector<1x16xf32> to vector<16xf32>
        %mul3A_862 = arith.mulf %get3A_861, %gather3A_857 : vector<16xf32>
        %swap3A_863 = arith.index_cast %scan3A_803 : i32 to index
        %swap3A_864 = arith.constant 32 : index
        %swap3A_865 = tpu.vector_load %arg12[%swap3A_863, %swap3A_864] {strides = array<i32>} : memref<80x144xf32, #tpu.memory_space<vmem>>, vector<1x16xf32>,
        %swap3A_866 = vector.shape_cast %swap3A_865 : vector<1x16xf32> to vector<16xf32>
        %swap3A_867 = vector.shape_cast %mul3A_862 : vector<16xf32> to vector<1x16xf32>
        tpu.vector_store %arg12[%swap3A_863, %swap3A_864], %swap3A_867 {strides = array<i32>} : memref<80x144xf32, #tpu.memory_space<vmem>>, vector<1x16xf32>,
        %broadcast_in_dim3A_868 = arith.constant 3 : i32
        %broadcast_in_dim3A_869 = vector.broadcast %broadcast_in_dim3A_868 : i32 to vector<16x1xi32>
        %gather3A_870 = vector.shape_cast %broadcast_in_dim3A_869 : vector<16x1xi32> to vector<16xi32>
        %gather3A_871 = tpu.dynamic_gather %exp3A_820[%gather3A_870] in [0] : vector<16xf32>, vector<16xi32> -> vector<16xf32>
        %get3A_872 = arith.index_cast %scan3A_803 : i32 to index
        %get3A_873 = arith.constant 48 : index
        %get3A_874 = tpu.vector_load %arg12[%get3A_872, %get3A_873] {strides = array<i32>} : memref<80x144xf32, #tpu.memory_space<vmem>>, vector<1x16xf32>,
        %get3A_875 = vector.shape_cast %get3A_874 : vector<1x16xf32> to vector<16xf32>
        %mul3A_876 = arith.mulf %get3A_875, %gather3A_871 : vector<16xf32>
        %swap3A_877 = arith.index_cast %scan3A_803 : i32 to index
        %swap3A_878 = arith.constant 48 : index
        %swap3A_879 = tpu.vector_load %arg12[%swap3A_877, %swap3A_878] {strides = array<i32>} : memref<80x144xf32, #tpu.memory_space<vmem>>, vector<1x16xf32>,
        %swap3A_880 = vector.shape_cast %swap3A_879 : vector<1x16xf32> to vector<16xf32>
        %swap3A_881 = vector.shape_cast %mul3A_876 : vector<16xf32> to vector<1x16xf32>
        tpu.vector_store %arg12[%swap3A_877, %swap3A_878], %swap3A_881 {strides = array<i32>} : memref<80x144xf32, #tpu.memory_space<vmem>>, vector<1x16xf32>,
        %broadcast_in_dim3A_882 = arith.constant 4 : i32
        %broadcast_in_dim3A_883 = vector.broadcast %broadcast_in_dim3A_882 : i32 to vector<16x1xi32>
        %gather3A_884 = vector.shape_cast %broadcast_in_dim3A_883 : vector<16x1xi32> to vector<16xi32>
        %gather3A_885 = tpu.dynamic_gather %exp3A_820[%gather3A_884] in [0] : vector<16xf32>, vector<16xi32> -> vector<16xf32>
        %get3A_886 = arith.index_cast %scan3A_803 : i32 to index
        %get3A_887 = arith.constant 64 : index
        %get3A_888 = tpu.vector_load %arg12[%get3A_886, %get3A_887] {strides = array<i32>} : memref<80x144xf32, #tpu.memory_space<vmem>>, vector<1x16xf32>,
        %get3A_889 = vector.shape_cast %get3A_888 : vector<1x16xf32> to vector<16xf32>
        %mul3A_890 = arith.mulf %get3A_889, %gather3A_885 : vector<16xf32>
        %swap3A_891 = arith.index_cast %scan3A_803 : i32 to index
        %swap3A_892 = arith.constant 64 : index
        %swap3A_893 = tpu.vector_load %arg12[%swap3A_891, %swap3A_892] {strides = array<i32>} : memref<80x144xf32, #tpu.memory_space<vmem>>, vector<1x16xf32>,
        %swap3A_894 = vector.shape_cast %swap3A_893 : vector<1x16xf32> to vector<16xf32>
        %swap3A_895 = vector.shape_cast %mul3A_890 : vector<16xf32> to vector<1x16xf32>
        tpu.vector_store %arg12[%swap3A_891, %swap3A_892], %swap3A_895 {strides = array<i32>} : memref<80x144xf32, #tpu.memory_space<vmem>>, vector<1x16xf32>,
        %broadcast_in_dim3A_896 = arith.constant 5 : i32
        %broadcast_in_dim3A_897 = vector.broadcast %broadcast_in_dim3A_896 : i32 to vector<16x1xi32>
        %gather3A_898 = vector.shape_cast %broadcast_in_dim3A_897 : vector<16x1xi32> to vector<16xi32>
        %gather3A_899 = tpu.dynamic_gather %exp3A_820[%gather3A_898] in [0] : vector<16xf32>, vector<16xi32> -> vector<16xf32>
        %get3A_900 = arith.index_cast %scan3A_803 : i32 to index
        %get3A_901 = arith.constant 80 : index
        %get3A_902 = tpu.vector_load %arg12[%get3A_900, %get3A_901] {strides = array<i32>} : memref<80x144xf32, #tpu.memory_space<vmem>>, vector<1x16xf32>,
        %get3A_903 = vector.shape_cast %get3A_902 : vector<1x16xf32> to vector<16xf32>
        %mul3A_904 = arith.mulf %get3A_903, %gather3A_899 : vector<16xf32>
        %swap3A_905 = arith.index_cast %scan3A_803 : i32 to index
        %swap3A_906 = arith.constant 80 : index
        %swap3A_907 = tpu.vector_load %arg12[%swap3A_905, %swap3A_906] {strides = array<i32>} : memref<80x144xf32, #tpu.memory_space<vmem>>, vector<1x16xf32>,
        %swap3A_908 = vector.shape_cast %swap3A_907 : vector<1x16xf32> to vector<16xf32>
        %swap3A_909 = vector.shape_cast %mul3A_904 : vector<16xf32> to vector<1x16xf32>
        tpu.vector_store %arg12[%swap3A_905, %swap3A_906], %swap3A_909 {strides = array<i32>} : memref<80x144xf32, #tpu.memory_space<vmem>>, vector<1x16xf32>,
        %broadcast_in_dim3A_910 = arith.constant 6 : i32
        %broadcast_in_dim3A_911 = vector.broadcast %broadcast_in_dim3A_910 : i32 to vector<16x1xi32>
        %gather3A_912 = vector.shape_cast %broadcast_in_dim3A_911 : vector<16x1xi32> to vector<16xi32>
        %gather3A_913 = tpu.dynamic_gather %exp3A_820[%gather3A_912] in [0] : vector<16xf32>, vector<16xi32> -> vector<16xf32>
        %get3A_914 = arith.index_cast %scan3A_803 : i32 to index
        %get3A_915 = arith.constant 96 : index
        %get3A_916 = tpu.vector_load %arg12[%get3A_914, %get3A_915] {strides = array<i32>} : memref<80x144xf32, #tpu.memory_space<vmem>>, vector<1x16xf32>,
        %get3A_917 = vector.shape_cast %get3A_916 : vector<1x16xf32> to vector<16xf32>
        %mul3A_918 = arith.mulf %get3A_917, %gather3A_913 : vector<16xf32>
        %swap3A_919 = arith.index_cast %scan3A_803 : i32 to index
        %swap3A_920 = arith.constant 96 : index
        %swap3A_921 = tpu.vector_load %arg12[%swap3A_919, %swap3A_920] {strides = array<i32>} : memref<80x144xf32, #tpu.memory_space<vmem>>, vector<1x16xf32>,
        %swap3A_922 = vector.shape_cast %swap3A_921 : vector<1x16xf32> to vector<16xf32>
        %swap3A_923 = vector.shape_cast %mul3A_918 : vector<16xf32> to vector<1x16xf32>
        tpu.vector_store %arg12[%swap3A_919, %swap3A_920], %swap3A_923 {strides = array<i32>} : memref<80x144xf32, #tpu.memory_space<vmem>>, vector<1x16xf32>,
        %broadcast_in_dim3A_924 = arith.constant 7 : i32
        %broadcast_in_dim3A_925 = vector.broadcast %broadcast_in_dim3A_924 : i32 to vector<16x1xi32>
        %gather3A_926 = vector.shape_cast %broadcast_in_dim3A_925 : vector<16x1xi32> to vector<16xi32>
        %gather3A_927 = tpu.dynamic_gather %exp3A_820[%gather3A_926] in [0] : vector<16xf32>, vector<16xi32> -> vector<16xf32>
        %get3A_928 = arith.index_cast %scan3A_803 : i32 to index
        %get3A_929 = arith.constant 112 : index
        %get3A_930 = tpu.vector_load %arg12[%get3A_928, %get3A_929] {strides = array<i32>} : memref<80x144xf32, #tpu.memory_space<vmem>>, vector<1x16xf32>,
        %get3A_931 = vector.shape_cast %get3A_930 : vector<1x16xf32> to vector<16xf32>
        %mul3A_932 = arith.mulf %get3A_931, %gather3A_927 : vector<16xf32>
        %swap3A_933 = arith.index_cast %scan3A_803 : i32 to index
        %swap3A_934 = arith.constant 112 : index
        %swap3A_935 = tpu.vector_load %arg12[%swap3A_933, %swap3A_934] {strides = array<i32>} : memref<80x144xf32, #tpu.memory_space<vmem>>, vector<1x16xf32>,
        %swap3A_936 = vector.shape_cast %swap3A_935 : vector<1x16xf32> to vector<16xf32>
        %swap3A_937 = vector.shape_cast %mul3A_932 : vector<16xf32> to vector<1x16xf32>
        tpu.vector_store %arg12[%swap3A_933, %swap3A_934], %swap3A_937 {strides = array<i32>} : memref<80x144xf32, #tpu.memory_space<vmem>>, vector<1x16xf32>,
      }
      %scan3A_395 = arith.constant 80 : i32
      %dma_start3A_396 = arith.constant 0 : i32
      %dma_start3A_397 = arith.constant 0 : i32
      %dma_start3A_398 = tpu.memref_slice %arg15[%dma_start3A_396, %dma_start3A_397] : memref<10240x144xf32, #tpu.memory_space<vmem_shared>> -> memref<10240x144xf32, #tpu.memory_space<vmem_shared>>
      tpu.enqueue_indirect_dma source(%arg12 : memref<80x144xf32, #tpu.memory_space<vmem>>) target(%dma_start3A_398 : memref<10240x144xf32, #tpu.memory_space<vmem_shared>>) offsets(%arg10 : memref<80xi32, #tpu.memory_space<vmem>>) semaphore(%arg21 : memref<!tpu.dma_semaphore, #tpu.memory_space<semaphore_mem>>) {add = true}
    }
    %scan3A_139 = arith.constant 62 : i32
    %dma_wait3A = arith.constant 0 : i32
    %dma_wait3A_140 = arith.constant 0 : i32
    %dma_wait3A_141 = tpu.memref_slice %arg15[%dma_wait3A, %dma_wait3A_140] : memref<10240x144xf32, #tpu.memory_space<vmem_shared>> -> memref<10240x144xf32, #tpu.memory_space<vmem_shared>>
    tpu.wait_indirect_dma semaphore(%arg21 : memref<!tpu.dma_semaphore, #tpu.memory_space<semaphore_mem>>) src(%arg12 : memref<80x144xf32, #tpu.memory_space<vmem>>) dst(%dma_wait3A_141 : memref<10240x144xf32, #tpu.memory_space<vmem_shared>>)
    %dma_wait3A_142 = arith.constant 0 : i32
    %dma_wait3A_143 = arith.constant 0 : i32
    %dma_wait3A_144 = tpu.memref_slice %arg2[%dma_wait3A_142, %dma_wait3A_143] : memref<10000x144xf32, #tpu.memory_space<hbm>> -> memref<10000x144xf32, #tpu.memory_space<hbm>>
    tpu.wait_indirect_dma semaphore(%arg16 : memref<!tpu.dma_semaphore, #tpu.memory_space<semaphore_mem>>) src(%dma_wait3A_144 : memref<10000x144xf32, #tpu.memory_space<hbm>>) dst(%arg11 : memref<80x144xf32, #tpu.memory_space<vmem>>)
    %dma_wait3A_145 = arith.constant 0 : i32
    %dma_wait3A_146 = arith.constant 0 : i32
    %dma_wait3A_147 = tpu.memref_slice %arg3[%dma_wait3A_145, %dma_wait3A_146] : memref<10000x16xf32, #tpu.memory_space<hbm>> -> memref<10000x16xf32, #tpu.memory_space<hbm>>
    tpu.wait_indirect_dma semaphore(%arg18 : memref<!tpu.dma_semaphore, #tpu.memory_space<semaphore_mem>>) src(%dma_wait3A_147 : memref<10000x16xf32, #tpu.memory_space<hbm>>) dst(%arg13 : memref<80x16xf32, #tpu.memory_space<vmem>>)
    %scan3A_148 = arith.constant 0 : i32
    %scan3A_149 = arith.constant 0 : i32
    %scan3A_150 = arith.constant 80 : i32
    %scan3A_151 = arith.addi %scan3A_149, %scan3A_150 : i32
    %scan3A_152 = arith.constant 4 : i32
    scf.for %scan3A_165 = %scan3A_149 to %scan3A_151 step %scan3A_152  : i32 {
      %get3A_166 = arith.index_cast %scan3A_165 : i32 to index
      %get3A_167 = arith.constant 128 : index
      %get3A_168 = tpu.vector_load %arg11[%get3A_166, %get3A_167] {strides = array<i32>} : memref<80x144xf32, #tpu.memory_space<vmem>>, vector<1x16xf32>,
      %get3A_169 = vector.shape_cast %get3A_168 : vector<1x16xf32> to vector<16xf32>
      %get3A_170 = arith.index_cast %scan3A_165 : i32 to index
      %get3A_171 = arith.constant 0 : index
      %get3A_172 = tpu.vector_load %arg13[%get3A_170, %get3A_171] {strides = array<i32>} : memref<80x16xf32, #tpu.memory_space<vmem>>, vector<1x16xf32>,
      %get3A_173 = vector.shape_cast %get3A_172 : vector<1x16xf32> to vector<16xf32>
      %add3A_174 = arith.addf %get3A_169, %get3A_173 : vector<16xf32>
      %gt3A = arith.constant 0.000000e+00 : f32
      %gt3A_175 = vector.broadcast %gt3A : f32 to vector<16xf32>
      %gt3A_176 = arith.cmpf ogt, %add3A_174, %gt3A_175 : vector<16xf32>
      %mul3A_177 = arith.constant 2.000000e-01 : f32
      %mul3A_178 = vector.broadcast %mul3A_177 : f32 to vector<16xf32>
      %mul3A_179 = arith.mulf %add3A_174, %mul3A_178 : vector<16xf32>
      %select_n3A = arith.select %gt3A_176, %add3A_174, %mul3A_179 : vector<16xi1>, vector<16xf32>
      %exp3A = math.exp %select_n3A : vector<16xf32>
      %swap3A_180 = arith.index_cast %scan3A_165 : i32 to index
      %swap3A_181 = arith.constant 128 : index
      %swap3A_182 = tpu.vector_load %arg11[%swap3A_180, %swap3A_181] {strides = array<i32>} : memref<80x144xf32, #tpu.memory_space<vmem>>, vector<1x16xf32>,
      %swap3A_183 = vector.shape_cast %swap3A_182 : vector<1x16xf32> to vector<16xf32>
      %swap3A_184 = vector.shape_cast %exp3A : vector<16xf32> to vector<1x16xf32>
      tpu.vector_store %arg11[%swap3A_180, %swap3A_181], %swap3A_184 {strides = array<i32>} : memref<80x144xf32, #tpu.memory_space<vmem>>, vector<1x16xf32>,
      %broadcast_in_dim3A = arith.constant 0 : i32
      %broadcast_in_dim3A_185 = vector.broadcast %broadcast_in_dim3A : i32 to vector<16x1xi32>
      %gather3A = vector.shape_cast %broadcast_in_dim3A_185 : vector<16x1xi32> to vector<16xi32>
      %gather3A_186 = tpu.dynamic_gather %exp3A[%gather3A] in [0] : vector<16xf32>, vector<16xi32> -> vector<16xf32>
      %get3A_187 = arith.index_cast %scan3A_165 : i32 to index
      %get3A_188 = arith.constant 0 : index
      %get3A_189 = tpu.vector_load %arg11[%get3A_187, %get3A_188] {strides = array<i32>} : memref<80x144xf32, #tpu.memory_space<vmem>>, vector<1x16xf32>,
      %get3A_190 = vector.shape_cast %get3A_189 : vector<1x16xf32> to vector<16xf32>
      %mul3A_191 = arith.mulf %get3A_190, %gather3A_186 : vector<16xf32>
      %swap3A_192 = arith.index_cast %scan3A_165 : i32 to index
      %swap3A_193 = arith.constant 0 : index
      %swap3A_194 = tpu.vector_load %arg11[%swap3A_192, %swap3A_193] {strides = array<i32>} : memref<80x144xf32, #tpu.memory_space<vmem>>, vector<1x16xf32>,
      %swap3A_195 = vector.shape_cast %swap3A_194 : vector<1x16xf32> to vector<16xf32>
      %swap3A_196 = vector.shape_cast %mul3A_191 : vector<16xf32> to vector<1x16xf32>
      tpu.vector_store %arg11[%swap3A_192, %swap3A_193], %swap3A_196 {strides = array<i32>} : memref<80x144xf32, #tpu.memory_space<vmem>>, vector<1x16xf32>,
      %broadcast_in_dim3A_197 = arith.constant 1 : i32
      %broadcast_in_dim3A_198 = vector.broadcast %broadcast_in_dim3A_197 : i32 to vector<16x1xi32>
      %gather3A_199 = vector.shape_cast %broadcast_in_dim3A_198 : vector<16x1xi32> to vector<16xi32>
      %gather3A_200 = tpu.dynamic_gather %exp3A[%gather3A_199] in [0] : vector<16xf32>, vector<16xi32> -> vector<16xf32>
      %get3A_201 = arith.index_cast %scan3A_165 : i32 to index
      %get3A_202 = arith.constant 16 : index
      %get3A_203 = tpu.vector_load %arg11[%get3A_201, %get3A_202] {strides = array<i32>} : memref<80x144xf32, #tpu.memory_space<vmem>>, vector<1x16xf32>,
      %get3A_204 = vector.shape_cast %get3A_203 : vector<1x16xf32> to vector<16xf32>
      %mul3A_205 = arith.mulf %get3A_204, %gather3A_200 : vector<16xf32>
      %swap3A_206 = arith.index_cast %scan3A_165 : i32 to index
      %swap3A_207 = arith.constant 16 : index
      %swap3A_208 = tpu.vector_load %arg11[%swap3A_206, %swap3A_207] {strides = array<i32>} : memref<80x144xf32, #tpu.memory_space<vmem>>, vector<1x16xf32>,
      %swap3A_209 = vector.shape_cast %swap3A_208 : vector<1x16xf32> to vector<16xf32>
      %swap3A_210 = vector.shape_cast %mul3A_205 : vector<16xf32> to vector<1x16xf32>
      tpu.vector_store %arg11[%swap3A_206, %swap3A_207], %swap3A_210 {strides = array<i32>} : memref<80x144xf32, #tpu.memory_space<vmem>>, vector<1x16xf32>,
      %broadcast_in_dim3A_211 = arith.constant 2 : i32
      %broadcast_in_dim3A_212 = vector.broadcast %broadcast_in_dim3A_211 : i32 to vector<16x1xi32>
      %gather3A_213 = vector.shape_cast %broadcast_in_dim3A_212 : vector<16x1xi32> to vector<16xi32>
      %gather3A_214 = tpu.dynamic_gather %exp3A[%gather3A_213] in [0] : vector<16xf32>, vector<16xi32> -> vector<16xf32>
      %get3A_215 = arith.index_cast %scan3A_165 : i32 to index
      %get3A_216 = arith.constant 32 : index
      %get3A_217 = tpu.vector_load %arg11[%get3A_215, %get3A_216] {strides = array<i32>} : memref<80x144xf32, #tpu.memory_space<vmem>>, vector<1x16xf32>,
      %get3A_218 = vector.shape_cast %get3A_217 : vector<1x16xf32> to vector<16xf32>
      %mul3A_219 = arith.mulf %get3A_218, %gather3A_214 : vector<16xf32>
      %swap3A_220 = arith.index_cast %scan3A_165 : i32 to index
      %swap3A_221 = arith.constant 32 : index
      %swap3A_222 = tpu.vector_load %arg11[%swap3A_220, %swap3A_221] {strides = array<i32>} : memref<80x144xf32, #tpu.memory_space<vmem>>, vector<1x16xf32>,
      %swap3A_223 = vector.shape_cast %swap3A_222 : vector<1x16xf32> to vector<16xf32>
      %swap3A_224 = vector.shape_cast %mul3A_219 : vector<16xf32> to vector<1x16xf32>
      tpu.vector_store %arg11[%swap3A_220, %swap3A_221], %swap3A_224 {strides = array<i32>} : memref<80x144xf32, #tpu.memory_space<vmem>>, vector<1x16xf32>,
      %broadcast_in_dim3A_225 = arith.constant 3 : i32
      %broadcast_in_dim3A_226 = vector.broadcast %broadcast_in_dim3A_225 : i32 to vector<16x1xi32>
      %gather3A_227 = vector.shape_cast %broadcast_in_dim3A_226 : vector<16x1xi32> to vector<16xi32>
      %gather3A_228 = tpu.dynamic_gather %exp3A[%gather3A_227] in [0] : vector<16xf32>, vector<16xi32> -> vector<16xf32>
      %get3A_229 = arith.index_cast %scan3A_165 : i32 to index
      %get3A_230 = arith.constant 48 : index
      %get3A_231 = tpu.vector_load %arg11[%get3A_229, %get3A_230] {strides = array<i32>} : memref<80x144xf32, #tpu.memory_space<vmem>>, vector<1x16xf32>,
      %get3A_232 = vector.shape_cast %get3A_231 : vector<1x16xf32> to vector<16xf32>
      %mul3A_233 = arith.mulf %get3A_232, %gather3A_228 : vector<16xf32>
      %swap3A_234 = arith.index_cast %scan3A_165 : i32 to index
      %swap3A_235 = arith.constant 48 : index
      %swap3A_236 = tpu.vector_load %arg11[%swap3A_234, %swap3A_235] {strides = array<i32>} : memref<80x144xf32, #tpu.memory_space<vmem>>, vector<1x16xf32>,
      %swap3A_237 = vector.shape_cast %swap3A_236 : vector<1x16xf32> to vector<16xf32>
      %swap3A_238 = vector.shape_cast %mul3A_233 : vector<16xf32> to vector<1x16xf32>
      tpu.vector_store %arg11[%swap3A_234, %swap3A_235], %swap3A_238 {strides = array<i32>} : memref<80x144xf32, #tpu.memory_space<vmem>>, vector<1x16xf32>,
      %broadcast_in_dim3A_239 = arith.constant 4 : i32
      %broadcast_in_dim3A_240 = vector.broadcast %broadcast_in_dim3A_239 : i32 to vector<16x1xi32>
      %gather3A_241 = vector.shape_cast %broadcast_in_dim3A_240 : vector<16x1xi32> to vector<16xi32>
      %gather3A_242 = tpu.dynamic_gather %exp3A[%gather3A_241] in [0] : vector<16xf32>, vector<16xi32> -> vector<16xf32>
      %get3A_243 = arith.index_cast %scan3A_165 : i32 to index
      %get3A_244 = arith.constant 64 : index
      %get3A_245 = tpu.vector_load %arg11[%get3A_243, %get3A_244] {strides = array<i32>} : memref<80x144xf32, #tpu.memory_space<vmem>>, vector<1x16xf32>,
      %get3A_246 = vector.shape_cast %get3A_245 : vector<1x16xf32> to vector<16xf32>
      %mul3A_247 = arith.mulf %get3A_246, %gather3A_242 : vector<16xf32>
      %swap3A_248 = arith.index_cast %scan3A_165 : i32 to index
      %swap3A_249 = arith.constant 64 : index
      %swap3A_250 = tpu.vector_load %arg11[%swap3A_248, %swap3A_249] {strides = array<i32>} : memref<80x144xf32, #tpu.memory_space<vmem>>, vector<1x16xf32>,
      %swap3A_251 = vector.shape_cast %swap3A_250 : vector<1x16xf32> to vector<16xf32>
      %swap3A_252 = vector.shape_cast %mul3A_247 : vector<16xf32> to vector<1x16xf32>
      tpu.vector_store %arg11[%swap3A_248, %swap3A_249], %swap3A_252 {strides = array<i32>} : memref<80x144xf32, #tpu.memory_space<vmem>>, vector<1x16xf32>,
      %broadcast_in_dim3A_253 = arith.constant 5 : i32
      %broadcast_in_dim3A_254 = vector.broadcast %broadcast_in_dim3A_253 : i32 to vector<16x1xi32>
      %gather3A_255 = vector.shape_cast %broadcast_in_dim3A_254 : vector<16x1xi32> to vector<16xi32>
      %gather3A_256 = tpu.dynamic_gather %exp3A[%gather3A_255] in [0] : vector<16xf32>, vector<16xi32> -> vector<16xf32>
      %get3A_257 = arith.index_cast %scan3A_165 : i32 to index
      %get3A_258 = arith.constant 80 : index
      %get3A_259 = tpu.vector_load %arg11[%get3A_257, %get3A_258] {strides = array<i32>} : memref<80x144xf32, #tpu.memory_space<vmem>>, vector<1x16xf32>,
      %get3A_260 = vector.shape_cast %get3A_259 : vector<1x16xf32> to vector<16xf32>
      %mul3A_261 = arith.mulf %get3A_260, %gather3A_256 : vector<16xf32>
      %swap3A_262 = arith.index_cast %scan3A_165 : i32 to index
      %swap3A_263 = arith.constant 80 : index
      %swap3A_264 = tpu.vector_load %arg11[%swap3A_262, %swap3A_263] {strides = array<i32>} : memref<80x144xf32, #tpu.memory_space<vmem>>, vector<1x16xf32>,
      %swap3A_265 = vector.shape_cast %swap3A_264 : vector<1x16xf32> to vector<16xf32>
      %swap3A_266 = vector.shape_cast %mul3A_261 : vector<16xf32> to vector<1x16xf32>
      tpu.vector_store %arg11[%swap3A_262, %swap3A_263], %swap3A_266 {strides = array<i32>} : memref<80x144xf32, #tpu.memory_space<vmem>>, vector<1x16xf32>,
      %broadcast_in_dim3A_267 = arith.constant 6 : i32
      %broadcast_in_dim3A_268 = vector.broadcast %broadcast_in_dim3A_267 : i32 to vector<16x1xi32>
      %gather3A_269 = vector.shape_cast %broadcast_in_dim3A_268 : vector<16x1xi32> to vector<16xi32>
      %gather3A_270 = tpu.dynamic_gather %exp3A[%gather3A_269] in [0] : vector<16xf32>, vector<16xi32> -> vector<16xf32>
      %get3A_271 = arith.index_cast %scan3A_165 : i32 to index
      %get3A_272 = arith.constant 96 : index
      %get3A_273 = tpu.vector_load %arg11[%get3A_271, %get3A_272] {strides = array<i32>} : memref<80x144xf32, #tpu.memory_space<vmem>>, vector<1x16xf32>,
      %get3A_274 = vector.shape_cast %get3A_273 : vector<1x16xf32> to vector<16xf32>
      %mul3A_275 = arith.mulf %get3A_274, %gather3A_270 : vector<16xf32>
      %swap3A_276 = arith.index_cast %scan3A_165 : i32 to index
      %swap3A_277 = arith.constant 96 : index
      %swap3A_278 = tpu.vector_load %arg11[%swap3A_276, %swap3A_277] {strides = array<i32>} : memref<80x144xf32, #tpu.memory_space<vmem>>, vector<1x16xf32>,
      %swap3A_279 = vector.shape_cast %swap3A_278 : vector<1x16xf32> to vector<16xf32>
      %swap3A_280 = vector.shape_cast %mul3A_275 : vector<16xf32> to vector<1x16xf32>
      tpu.vector_store %arg11[%swap3A_276, %swap3A_277], %swap3A_280 {strides = array<i32>} : memref<80x144xf32, #tpu.memory_space<vmem>>, vector<1x16xf32>,
      %broadcast_in_dim3A_281 = arith.constant 7 : i32
      %broadcast_in_dim3A_282 = vector.broadcast %broadcast_in_dim3A_281 : i32 to vector<16x1xi32>
      %gather3A_283 = vector.shape_cast %broadcast_in_dim3A_282 : vector<16x1xi32> to vector<16xi32>
      %gather3A_284 = tpu.dynamic_gather %exp3A[%gather3A_283] in [0] : vector<16xf32>, vector<16xi32> -> vector<16xf32>
      %get3A_285 = arith.index_cast %scan3A_165 : i32 to index
      %get3A_286 = arith.constant 112 : index
      %get3A_287 = tpu.vector_load %arg11[%get3A_285, %get3A_286] {strides = array<i32>} : memref<80x144xf32, #tpu.memory_space<vmem>>, vector<1x16xf32>,
      %get3A_288 = vector.shape_cast %get3A_287 : vector<1x16xf32> to vector<16xf32>
      %mul3A_289 = arith.mulf %get3A_288, %gather3A_284 : vector<16xf32>
      %swap3A_290 = arith.index_cast %scan3A_165 : i32 to index
      %swap3A_291 = arith.constant 112 : index
      %swap3A_292 = tpu.vector_load %arg11[%swap3A_290, %swap3A_291] {strides = array<i32>} : memref<80x144xf32, #tpu.memory_space<vmem>>, vector<1x16xf32>,
      %swap3A_293 = vector.shape_cast %swap3A_292 : vector<1x16xf32> to vector<16xf32>
      %swap3A_294 = vector.shape_cast %mul3A_289 : vector<16xf32> to vector<1x16xf32>
      tpu.vector_store %arg11[%swap3A_290, %swap3A_291], %swap3A_294 {strides = array<i32>} : memref<80x144xf32, #tpu.memory_space<vmem>>, vector<1x16xf32>,
      %scan3A_295 = arith.constant 1 : i32
      %scan3A_296 = arith.addi %scan3A_165, %scan3A_295 : i32
      %get3A_297 = arith.index_cast %scan3A_296 : i32 to index
      %get3A_298 = arith.constant 128 : index
      %get3A_299 = tpu.vector_load %arg11[%get3A_297, %get3A_298] {strides = array<i32>} : memref<80x144xf32, #tpu.memory_space<vmem>>, vector<1x16xf32>,
      %get3A_300 = vector.shape_cast %get3A_299 : vector<1x16xf32> to vector<16xf32>
      %get3A_301 = arith.index_cast %scan3A_296 : i32 to index
      %get3A_302 = arith.constant 0 : index
      %get3A_303 = tpu.vector_load %arg13[%get3A_301, %get3A_302] {strides = array<i32>} : memref<80x16xf32, #tpu.memory_space<vmem>>, vector<1x16xf32>,
      %get3A_304 = vector.shape_cast %get3A_303 : vector<1x16xf32> to vector<16xf32>
      %add3A_305 = arith.addf %get3A_300, %get3A_304 : vector<16xf32>
      %gt3A_306 = arith.constant 0.000000e+00 : f32
      %gt3A_307 = vector.broadcast %gt3A_306 : f32 to vector<16xf32>
      %gt3A_308 = arith.cmpf ogt, %add3A_305, %gt3A_307 : vector<16xf32>
      %mul3A_309 = arith.constant 2.000000e-01 : f32
      %mul3A_310 = vector.broadcast %mul3A_309 : f32 to vector<16xf32>
      %mul3A_311 = arith.mulf %add3A_305, %mul3A_310 : vector<16xf32>
      %select_n3A_312 = arith.select %gt3A_308, %add3A_305, %mul3A_311 : vector<16xi1>, vector<16xf32>
      %exp3A_313 = math.exp %select_n3A_312 : vector<16xf32>
      %swap3A_314 = arith.index_cast %scan3A_296 : i32 to index
      %swap3A_315 = arith.constant 128 : index
      %swap3A_316 = tpu.vector_load %arg11[%swap3A_314, %swap3A_315] {strides = array<i32>} : memref<80x144xf32, #tpu.memory_space<vmem>>, vector<1x16xf32>,
      %swap3A_317 = vector.shape_cast %swap3A_316 : vector<1x16xf32> to vector<16xf32>
      %swap3A_318 = vector.shape_cast %exp3A_313 : vector<16xf32> to vector<1x16xf32>
      tpu.vector_store %arg11[%swap3A_314, %swap3A_315], %swap3A_318 {strides = array<i32>} : memref<80x144xf32, #tpu.memory_space<vmem>>, vector<1x16xf32>,
      %broadcast_in_dim3A_319 = arith.constant 0 : i32
      %broadcast_in_dim3A_320 = vector.broadcast %broadcast_in_dim3A_319 : i32 to vector<16x1xi32>
      %gather3A_321 = vector.shape_cast %broadcast_in_dim3A_320 : vector<16x1xi32> to vector<16xi32>
      %gather3A_322 = tpu.dynamic_gather %exp3A_313[%gather3A_321] in [0] : vector<16xf32>, vector<16xi32> -> vector<16xf32>
      %get3A_323 = arith.index_cast %scan3A_296 : i32 to index
      %get3A_324 = arith.constant 0 : index
      %get3A_325 = tpu.vector_load %arg11[%get3A_323, %get3A_324] {strides = array<i32>} : memref<80x144xf32, #tpu.memory_space<vmem>>, vector<1x16xf32>,
      %get3A_326 = vector.shape_cast %get3A_325 : vector<1x16xf32> to vector<16xf32>
      %mul3A_327 = arith.mulf %get3A_326, %gather3A_322 : vector<16xf32>
      %swap3A_328 = arith.index_cast %scan3A_296 : i32 to index
      %swap3A_329 = arith.constant 0 : index
      %swap3A_330 = tpu.vector_load %arg11[%swap3A_328, %swap3A_329] {strides = array<i32>} : memref<80x144xf32, #tpu.memory_space<vmem>>, vector<1x16xf32>,
      %swap3A_331 = vector.shape_cast %swap3A_330 : vector<1x16xf32> to vector<16xf32>
      %swap3A_332 = vector.shape_cast %mul3A_327 : vector<16xf32> to vector<1x16xf32>
      tpu.vector_store %arg11[%swap3A_328, %swap3A_329], %swap3A_332 {strides = array<i32>} : memref<80x144xf32, #tpu.memory_space<vmem>>, vector<1x16xf32>,
      %broadcast_in_dim3A_333 = arith.constant 1 : i32
      %broadcast_in_dim3A_334 = vector.broadcast %broadcast_in_dim3A_333 : i32 to vector<16x1xi32>
      %gather3A_335 = vector.shape_cast %broadcast_in_dim3A_334 : vector<16x1xi32> to vector<16xi32>
      %gather3A_336 = tpu.dynamic_gather %exp3A_313[%gather3A_335] in [0] : vector<16xf32>, vector<16xi32> -> vector<16xf32>
      %get3A_337 = arith.index_cast %scan3A_296 : i32 to index
      %get3A_338 = arith.constant 16 : index
      %get3A_339 = tpu.vector_load %arg11[%get3A_337, %get3A_338] {strides = array<i32>} : memref<80x144xf32, #tpu.memory_space<vmem>>, vector<1x16xf32>,
      %get3A_340 = vector.shape_cast %get3A_339 : vector<1x16xf32> to vector<16xf32>
      %mul3A_341 = arith.mulf %get3A_340, %gather3A_336 : vector<16xf32>
      %swap3A_342 = arith.index_cast %scan3A_296 : i32 to index
      %swap3A_343 = arith.constant 16 : index
      %swap3A_344 = tpu.vector_load %arg11[%swap3A_342, %swap3A_343] {strides = array<i32>} : memref<80x144xf32, #tpu.memory_space<vmem>>, vector<1x16xf32>,
      %swap3A_345 = vector.shape_cast %swap3A_344 : vector<1x16xf32> to vector<16xf32>
      %swap3A_346 = vector.shape_cast %mul3A_341 : vector<16xf32> to vector<1x16xf32>
      tpu.vector_store %arg11[%swap3A_342, %swap3A_343], %swap3A_346 {strides = array<i32>} : memref<80x144xf32, #tpu.memory_space<vmem>>, vector<1x16xf32>,
      %broadcast_in_dim3A_347 = arith.constant 2 : i32
      %broadcast_in_dim3A_348 = vector.broadcast %broadcast_in_dim3A_347 : i32 to vector<16x1xi32>
      %gather3A_349 = vector.shape_cast %broadcast_in_dim3A_348 : vector<16x1xi32> to vector<16xi32>
      %gather3A_350 = tpu.dynamic_gather %exp3A_313[%gather3A_349] in [0] : vector<16xf32>, vector<16xi32> -> vector<16xf32>
      %get3A_351 = arith.index_cast %scan3A_296 : i32 to index
      %get3A_352 = arith.constant 32 : index
      %get3A_353 = tpu.vector_load %arg11[%get3A_351, %get3A_352] {strides = array<i32>} : memref<80x144xf32, #tpu.memory_space<vmem>>, vector<1x16xf32>,
      %get3A_354 = vector.shape_cast %get3A_353 : vector<1x16xf32> to vector<16xf32>
      %mul3A_355 = arith.mulf %get3A_354, %gather3A_350 : vector<16xf32>
      %swap3A_356 = arith.index_cast %scan3A_296 : i32 to index
      %swap3A_357 = arith.constant 32 : index
      %swap3A_358 = tpu.vector_load %arg11[%swap3A_356, %swap3A_357] {strides = array<i32>} : memref<80x144xf32, #tpu.memory_space<vmem>>, vector<1x16xf32>,
      %swap3A_359 = vector.shape_cast %swap3A_358 : vector<1x16xf32> to vector<16xf32>
      %swap3A_360 = vector.shape_cast %mul3A_355 : vector<16xf32> to vector<1x16xf32>
      tpu.vector_store %arg11[%swap3A_356, %swap3A_357], %swap3A_360 {strides = array<i32>} : memref<80x144xf32, #tpu.memory_space<vmem>>, vector<1x16xf32>,
      %broadcast_in_dim3A_361 = arith.constant 3 : i32
      %broadcast_in_dim3A_362 = vector.broadcast %broadcast_in_dim3A_361 : i32 to vector<16x1xi32>
      %gather3A_363 = vector.shape_cast %broadcast_in_dim3A_362 : vector<16x1xi32> to vector<16xi32>
      %gather3A_364 = tpu.dynamic_gather %exp3A_313[%gather3A_363] in [0] : vector<16xf32>, vector<16xi32> -> vector<16xf32>
      %get3A_365 = arith.index_cast %scan3A_296 : i32 to index
      %get3A_366 = arith.constant 48 : index
      %get3A_367 = tpu.vector_load %arg11[%get3A_365, %get3A_366] {strides = array<i32>} : memref<80x144xf32, #tpu.memory_space<vmem>>, vector<1x16xf32>,
      %get3A_368 = vector.shape_cast %get3A_367 : vector<1x16xf32> to vector<16xf32>
      %mul3A_369 = arith.mulf %get3A_368, %gather3A_364 : vector<16xf32>
      %swap3A_370 = arith.index_cast %scan3A_296 : i32 to index
      %swap3A_371 = arith.constant 48 : index
      %swap3A_372 = tpu.vector_load %arg11[%swap3A_370, %swap3A_371] {strides = array<i32>} : memref<80x144xf32, #tpu.memory_space<vmem>>, vector<1x16xf32>,
      %swap3A_373 = vector.shape_cast %swap3A_372 : vector<1x16xf32> to vector<16xf32>
      %swap3A_374 = vector.shape_cast %mul3A_369 : vector<16xf32> to vector<1x16xf32>
      tpu.vector_store %arg11[%swap3A_370, %swap3A_371], %swap3A_374 {strides = array<i32>} : memref<80x144xf32, #tpu.memory_space<vmem>>, vector<1x16xf32>,
      %broadcast_in_dim3A_375 = arith.constant 4 : i32
      %broadcast_in_dim3A_376 = vector.broadcast %broadcast_in_dim3A_375 : i32 to vector<16x1xi32>
      %gather3A_377 = vector.shape_cast %broadcast_in_dim3A_376 : vector<16x1xi32> to vector<16xi32>
      %gather3A_378 = tpu.dynamic_gather %exp3A_313[%gather3A_377] in [0] : vector<16xf32>, vector<16xi32> -> vector<16xf32>
      %get3A_379 = arith.index_cast %scan3A_296 : i32 to index
      %get3A_380 = arith.constant 64 : index
      %get3A_381 = tpu.vector_load %arg11[%get3A_379, %get3A_380] {strides = array<i32>} : memref<80x144xf32, #tpu.memory_space<vmem>>, vector<1x16xf32>,
      %get3A_382 = vector.shape_cast %get3A_381 : vector<1x16xf32> to vector<16xf32>
      %mul3A_383 = arith.mulf %get3A_382, %gather3A_378 : vector<16xf32>
      %swap3A_384 = arith.index_cast %scan3A_296 : i32 to index
      %swap3A_385 = arith.constant 64 : index
      %swap3A_386 = tpu.vector_load %arg11[%swap3A_384, %swap3A_385] {strides = array<i32>} : memref<80x144xf32, #tpu.memory_space<vmem>>, vector<1x16xf32>,
      %swap3A_387 = vector.shape_cast %swap3A_386 : vector<1x16xf32> to vector<16xf32>
      %swap3A_388 = vector.shape_cast %mul3A_383 : vector<16xf32> to vector<1x16xf32>
      tpu.vector_store %arg11[%swap3A_384, %swap3A_385], %swap3A_388 {strides = array<i32>} : memref<80x144xf32, #tpu.memory_space<vmem>>, vector<1x16xf32>,
      %broadcast_in_dim3A_389 = arith.constant 5 : i32
      %broadcast_in_dim3A_390 = vector.broadcast %broadcast_in_dim3A_389 : i32 to vector<16x1xi32>
      %gather3A_391 = vector.shape_cast %broadcast_in_dim3A_390 : vector<16x1xi32> to vector<16xi32>
      %gather3A_392 = tpu.dynamic_gather %exp3A_313[%gather3A_391] in [0] : vector<16xf32>, vector<16xi32> -> vector<16xf32>
      %get3A_393 = arith.index_cast %scan3A_296 : i32 to index
      %get3A_394 = arith.constant 80 : index
      %get3A_395 = tpu.vector_load %arg11[%get3A_393, %get3A_394] {strides = array<i32>} : memref<80x144xf32, #tpu.memory_space<vmem>>, vector<1x16xf32>,
      %get3A_396 = vector.shape_cast %get3A_395 : vector<1x16xf32> to vector<16xf32>
      %mul3A_397 = arith.mulf %get3A_396, %gather3A_392 : vector<16xf32>
      %swap3A_398 = arith.index_cast %scan3A_296 : i32 to index
      %swap3A_399 = arith.constant 80 : index
      %swap3A_400 = tpu.vector_load %arg11[%swap3A_398, %swap3A_399] {strides = array<i32>} : memref<80x144xf32, #tpu.memory_space<vmem>>, vector<1x16xf32>,
      %swap3A_401 = vector.shape_cast %swap3A_400 : vector<1x16xf32> to vector<16xf32>
      %swap3A_402 = vector.shape_cast %mul3A_397 : vector<16xf32> to vector<1x16xf32>
      tpu.vector_store %arg11[%swap3A_398, %swap3A_399], %swap3A_402 {strides = array<i32>} : memref<80x144xf32, #tpu.memory_space<vmem>>, vector<1x16xf32>,
      %broadcast_in_dim3A_403 = arith.constant 6 : i32
      %broadcast_in_dim3A_404 = vector.broadcast %broadcast_in_dim3A_403 : i32 to vector<16x1xi32>
      %gather3A_405 = vector.shape_cast %broadcast_in_dim3A_404 : vector<16x1xi32> to vector<16xi32>
      %gather3A_406 = tpu.dynamic_gather %exp3A_313[%gather3A_405] in [0] : vector<16xf32>, vector<16xi32> -> vector<16xf32>
      %get3A_407 = arith.index_cast %scan3A_296 : i32 to index
      %get3A_408 = arith.constant 96 : index
      %get3A_409 = tpu.vector_load %arg11[%get3A_407, %get3A_408] {strides = array<i32>} : memref<80x144xf32, #tpu.memory_space<vmem>>, vector<1x16xf32>,
      %get3A_410 = vector.shape_cast %get3A_409 : vector<1x16xf32> to vector<16xf32>
      %mul3A_411 = arith.mulf %get3A_410, %gather3A_406 : vector<16xf32>
      %swap3A_412 = arith.index_cast %scan3A_296 : i32 to index
      %swap3A_413 = arith.constant 96 : index
      %swap3A_414 = tpu.vector_load %arg11[%swap3A_412, %swap3A_413] {strides = array<i32>} : memref<80x144xf32, #tpu.memory_space<vmem>>, vector<1x16xf32>,
      %swap3A_415 = vector.shape_cast %swap3A_414 : vector<1x16xf32> to vector<16xf32>
      %swap3A_416 = vector.shape_cast %mul3A_411 : vector<16xf32> to vector<1x16xf32>
      tpu.vector_store %arg11[%swap3A_412, %swap3A_413], %swap3A_416 {strides = array<i32>} : memref<80x144xf32, #tpu.memory_space<vmem>>, vector<1x16xf32>,
      %broadcast_in_dim3A_417 = arith.constant 7 : i32
      %broadcast_in_dim3A_418 = vector.broadcast %broadcast_in_dim3A_417 : i32 to vector<16x1xi32>
      %gather3A_419 = vector.shape_cast %broadcast_in_dim3A_418 : vector<16x1xi32> to vector<16xi32>
      %gather3A_420 = tpu.dynamic_gather %exp3A_313[%gather3A_419] in [0] : vector<16xf32>, vector<16xi32> -> vector<16xf32>
      %get3A_421 = arith.index_cast %scan3A_296 : i32 to index
      %get3A_422 = arith.constant 112 : index
      %get3A_423 = tpu.vector_load %arg11[%get3A_421, %get3A_422] {strides = array<i32>} : memref<80x144xf32, #tpu.memory_space<vmem>>, vector<1x16xf32>,
      %get3A_424 = vector.shape_cast %get3A_423 : vector<1x16xf32> to vector<16xf32>
      %mul3A_425 = arith.mulf %get3A_424, %gather3A_420 : vector<16xf32>
      %swap3A_426 = arith.index_cast %scan3A_296 : i32 to index
      %swap3A_427 = arith.constant 112 : index
      %swap3A_428 = tpu.vector_load %arg11[%swap3A_426, %swap3A_427] {strides = array<i32>} : memref<80x144xf32, #tpu.memory_space<vmem>>, vector<1x16xf32>,
      %swap3A_429 = vector.shape_cast %swap3A_428 : vector<1x16xf32> to vector<16xf32>
      %swap3A_430 = vector.shape_cast %mul3A_425 : vector<16xf32> to vector<1x16xf32>
      tpu.vector_store %arg11[%swap3A_426, %swap3A_427], %swap3A_430 {strides = array<i32>} : memref<80x144xf32, #tpu.memory_space<vmem>>, vector<1x16xf32>,
      %scan3A_431 = arith.constant 2 : i32
      %scan3A_432 = arith.addi %scan3A_165, %scan3A_431 : i32
      %get3A_433 = arith.index_cast %scan3A_432 : i32 to index
      %get3A_434 = arith.constant 128 : index
      %get3A_435 = tpu.vector_load %arg11[%get3A_433, %get3A_434] {strides = array<i32>} : memref<80x144xf32, #tpu.memory_space<vmem>>, vector<1x16xf32>,
      %get3A_436 = vector.shape_cast %get3A_435 : vector<1x16xf32> to vector<16xf32>
      %get3A_437 = arith.index_cast %scan3A_432 : i32 to index
      %get3A_438 = arith.constant 0 : index
      %get3A_439 = tpu.vector_load %arg13[%get3A_437, %get3A_438] {strides = array<i32>} : memref<80x16xf32, #tpu.memory_space<vmem>>, vector<1x16xf32>,
      %get3A_440 = vector.shape_cast %get3A_439 : vector<1x16xf32> to vector<16xf32>
      %add3A_441 = arith.addf %get3A_436, %get3A_440 : vector<16xf32>
      %gt3A_442 = arith.constant 0.000000e+00 : f32
      %gt3A_443 = vector.broadcast %gt3A_442 : f32 to vector<16xf32>
      %gt3A_444 = arith.cmpf ogt, %add3A_441, %gt3A_443 : vector<16xf32>
      %mul3A_445 = arith.constant 2.000000e-01 : f32
      %mul3A_446 = vector.broadcast %mul3A_445 : f32 to vector<16xf32>
      %mul3A_447 = arith.mulf %add3A_441, %mul3A_446 : vector<16xf32>
      %select_n3A_448 = arith.select %gt3A_444, %add3A_441, %mul3A_447 : vector<16xi1>, vector<16xf32>
      %exp3A_449 = math.exp %select_n3A_448 : vector<16xf32>
      %swap3A_450 = arith.index_cast %scan3A_432 : i32 to index
      %swap3A_451 = arith.constant 128 : index
      %swap3A_452 = tpu.vector_load %arg11[%swap3A_450, %swap3A_451] {strides = array<i32>} : memref<80x144xf32, #tpu.memory_space<vmem>>, vector<1x16xf32>,
      %swap3A_453 = vector.shape_cast %swap3A_452 : vector<1x16xf32> to vector<16xf32>
      %swap3A_454 = vector.shape_cast %exp3A_449 : vector<16xf32> to vector<1x16xf32>
      tpu.vector_store %arg11[%swap3A_450, %swap3A_451], %swap3A_454 {strides = array<i32>} : memref<80x144xf32, #tpu.memory_space<vmem>>, vector<1x16xf32>,
      %broadcast_in_dim3A_455 = arith.constant 0 : i32
      %broadcast_in_dim3A_456 = vector.broadcast %broadcast_in_dim3A_455 : i32 to vector<16x1xi32>
      %gather3A_457 = vector.shape_cast %broadcast_in_dim3A_456 : vector<16x1xi32> to vector<16xi32>
      %gather3A_458 = tpu.dynamic_gather %exp3A_449[%gather3A_457] in [0] : vector<16xf32>, vector<16xi32> -> vector<16xf32>
      %get3A_459 = arith.index_cast %scan3A_432 : i32 to index
      %get3A_460 = arith.constant 0 : index
      %get3A_461 = tpu.vector_load %arg11[%get3A_459, %get3A_460] {strides = array<i32>} : memref<80x144xf32, #tpu.memory_space<vmem>>, vector<1x16xf32>,
      %get3A_462 = vector.shape_cast %get3A_461 : vector<1x16xf32> to vector<16xf32>
      %mul3A_463 = arith.mulf %get3A_462, %gather3A_458 : vector<16xf32>
      %swap3A_464 = arith.index_cast %scan3A_432 : i32 to index
      %swap3A_465 = arith.constant 0 : index
      %swap3A_466 = tpu.vector_load %arg11[%swap3A_464, %swap3A_465] {strides = array<i32>} : memref<80x144xf32, #tpu.memory_space<vmem>>, vector<1x16xf32>,
      %swap3A_467 = vector.shape_cast %swap3A_466 : vector<1x16xf32> to vector<16xf32>
      %swap3A_468 = vector.shape_cast %mul3A_463 : vector<16xf32> to vector<1x16xf32>
      tpu.vector_store %arg11[%swap3A_464, %swap3A_465], %swap3A_468 {strides = array<i32>} : memref<80x144xf32, #tpu.memory_space<vmem>>, vector<1x16xf32>,
      %broadcast_in_dim3A_469 = arith.constant 1 : i32
      %broadcast_in_dim3A_470 = vector.broadcast %broadcast_in_dim3A_469 : i32 to vector<16x1xi32>
      %gather3A_471 = vector.shape_cast %broadcast_in_dim3A_470 : vector<16x1xi32> to vector<16xi32>
      %gather3A_472 = tpu.dynamic_gather %exp3A_449[%gather3A_471] in [0] : vector<16xf32>, vector<16xi32> -> vector<16xf32>
      %get3A_473 = arith.index_cast %scan3A_432 : i32 to index
      %get3A_474 = arith.constant 16 : index
      %get3A_475 = tpu.vector_load %arg11[%get3A_473, %get3A_474] {strides = array<i32>} : memref<80x144xf32, #tpu.memory_space<vmem>>, vector<1x16xf32>,
      %get3A_476 = vector.shape_cast %get3A_475 : vector<1x16xf32> to vector<16xf32>
      %mul3A_477 = arith.mulf %get3A_476, %gather3A_472 : vector<16xf32>
      %swap3A_478 = arith.index_cast %scan3A_432 : i32 to index
      %swap3A_479 = arith.constant 16 : index
      %swap3A_480 = tpu.vector_load %arg11[%swap3A_478, %swap3A_479] {strides = array<i32>} : memref<80x144xf32, #tpu.memory_space<vmem>>, vector<1x16xf32>,
      %swap3A_481 = vector.shape_cast %swap3A_480 : vector<1x16xf32> to vector<16xf32>
      %swap3A_482 = vector.shape_cast %mul3A_477 : vector<16xf32> to vector<1x16xf32>
      tpu.vector_store %arg11[%swap3A_478, %swap3A_479], %swap3A_482 {strides = array<i32>} : memref<80x144xf32, #tpu.memory_space<vmem>>, vector<1x16xf32>,
      %broadcast_in_dim3A_483 = arith.constant 2 : i32
      %broadcast_in_dim3A_484 = vector.broadcast %broadcast_in_dim3A_483 : i32 to vector<16x1xi32>
      %gather3A_485 = vector.shape_cast %broadcast_in_dim3A_484 : vector<16x1xi32> to vector<16xi32>
      %gather3A_486 = tpu.dynamic_gather %exp3A_449[%gather3A_485] in [0] : vector<16xf32>, vector<16xi32> -> vector<16xf32>
      %get3A_487 = arith.index_cast %scan3A_432 : i32 to index
      %get3A_488 = arith.constant 32 : index
      %get3A_489 = tpu.vector_load %arg11[%get3A_487, %get3A_488] {strides = array<i32>} : memref<80x144xf32, #tpu.memory_space<vmem>>, vector<1x16xf32>,
      %get3A_490 = vector.shape_cast %get3A_489 : vector<1x16xf32> to vector<16xf32>
      %mul3A_491 = arith.mulf %get3A_490, %gather3A_486 : vector<16xf32>
      %swap3A_492 = arith.index_cast %scan3A_432 : i32 to index
      %swap3A_493 = arith.constant 32 : index
      %swap3A_494 = tpu.vector_load %arg11[%swap3A_492, %swap3A_493] {strides = array<i32>} : memref<80x144xf32, #tpu.memory_space<vmem>>, vector<1x16xf32>,
      %swap3A_495 = vector.shape_cast %swap3A_494 : vector<1x16xf32> to vector<16xf32>
      %swap3A_496 = vector.shape_cast %mul3A_491 : vector<16xf32> to vector<1x16xf32>
      tpu.vector_store %arg11[%swap3A_492, %swap3A_493], %swap3A_496 {strides = array<i32>} : memref<80x144xf32, #tpu.memory_space<vmem>>, vector<1x16xf32>,
      %broadcast_in_dim3A_497 = arith.constant 3 : i32
      %broadcast_in_dim3A_498 = vector.broadcast %broadcast_in_dim3A_497 : i32 to vector<16x1xi32>
      %gather3A_499 = vector.shape_cast %broadcast_in_dim3A_498 : vector<16x1xi32> to vector<16xi32>
      %gather3A_500 = tpu.dynamic_gather %exp3A_449[%gather3A_499] in [0] : vector<16xf32>, vector<16xi32> -> vector<16xf32>
      %get3A_501 = arith.index_cast %scan3A_432 : i32 to index
      %get3A_502 = arith.constant 48 : index
      %get3A_503 = tpu.vector_load %arg11[%get3A_501, %get3A_502] {strides = array<i32>} : memref<80x144xf32, #tpu.memory_space<vmem>>, vector<1x16xf32>,
      %get3A_504 = vector.shape_cast %get3A_503 : vector<1x16xf32> to vector<16xf32>
      %mul3A_505 = arith.mulf %get3A_504, %gather3A_500 : vector<16xf32>
      %swap3A_506 = arith.index_cast %scan3A_432 : i32 to index
      %swap3A_507 = arith.constant 48 : index
      %swap3A_508 = tpu.vector_load %arg11[%swap3A_506, %swap3A_507] {strides = array<i32>} : memref<80x144xf32, #tpu.memory_space<vmem>>, vector<1x16xf32>,
      %swap3A_509 = vector.shape_cast %swap3A_508 : vector<1x16xf32> to vector<16xf32>
      %swap3A_510 = vector.shape_cast %mul3A_505 : vector<16xf32> to vector<1x16xf32>
      tpu.vector_store %arg11[%swap3A_506, %swap3A_507], %swap3A_510 {strides = array<i32>} : memref<80x144xf32, #tpu.memory_space<vmem>>, vector<1x16xf32>,
      %broadcast_in_dim3A_511 = arith.constant 4 : i32
      %broadcast_in_dim3A_512 = vector.broadcast %broadcast_in_dim3A_511 : i32 to vector<16x1xi32>
      %gather3A_513 = vector.shape_cast %broadcast_in_dim3A_512 : vector<16x1xi32> to vector<16xi32>
      %gather3A_514 = tpu.dynamic_gather %exp3A_449[%gather3A_513] in [0] : vector<16xf32>, vector<16xi32> -> vector<16xf32>
      %get3A_515 = arith.index_cast %scan3A_432 : i32 to index
      %get3A_516 = arith.constant 64 : index
      %get3A_517 = tpu.vector_load %arg11[%get3A_515, %get3A_516] {strides = array<i32>} : memref<80x144xf32, #tpu.memory_space<vmem>>, vector<1x16xf32>,
      %get3A_518 = vector.shape_cast %get3A_517 : vector<1x16xf32> to vector<16xf32>
      %mul3A_519 = arith.mulf %get3A_518, %gather3A_514 : vector<16xf32>
      %swap3A_520 = arith.index_cast %scan3A_432 : i32 to index
      %swap3A_521 = arith.constant 64 : index
      %swap3A_522 = tpu.vector_load %arg11[%swap3A_520, %swap3A_521] {strides = array<i32>} : memref<80x144xf32, #tpu.memory_space<vmem>>, vector<1x16xf32>,
      %swap3A_523 = vector.shape_cast %swap3A_522 : vector<1x16xf32> to vector<16xf32>
      %swap3A_524 = vector.shape_cast %mul3A_519 : vector<16xf32> to vector<1x16xf32>
      tpu.vector_store %arg11[%swap3A_520, %swap3A_521], %swap3A_524 {strides = array<i32>} : memref<80x144xf32, #tpu.memory_space<vmem>>, vector<1x16xf32>,
      %broadcast_in_dim3A_525 = arith.constant 5 : i32
      %broadcast_in_dim3A_526 = vector.broadcast %broadcast_in_dim3A_525 : i32 to vector<16x1xi32>
      %gather3A_527 = vector.shape_cast %broadcast_in_dim3A_526 : vector<16x1xi32> to vector<16xi32>
      %gather3A_528 = tpu.dynamic_gather %exp3A_449[%gather3A_527] in [0] : vector<16xf32>, vector<16xi32> -> vector<16xf32>
      %get3A_529 = arith.index_cast %scan3A_432 : i32 to index
      %get3A_530 = arith.constant 80 : index
      %get3A_531 = tpu.vector_load %arg11[%get3A_529, %get3A_530] {strides = array<i32>} : memref<80x144xf32, #tpu.memory_space<vmem>>, vector<1x16xf32>,
      %get3A_532 = vector.shape_cast %get3A_531 : vector<1x16xf32> to vector<16xf32>
      %mul3A_533 = arith.mulf %get3A_532, %gather3A_528 : vector<16xf32>
      %swap3A_534 = arith.index_cast %scan3A_432 : i32 to index
      %swap3A_535 = arith.constant 80 : index
      %swap3A_536 = tpu.vector_load %arg11[%swap3A_534, %swap3A_535] {strides = array<i32>} : memref<80x144xf32, #tpu.memory_space<vmem>>, vector<1x16xf32>,
      %swap3A_537 = vector.shape_cast %swap3A_536 : vector<1x16xf32> to vector<16xf32>
      %swap3A_538 = vector.shape_cast %mul3A_533 : vector<16xf32> to vector<1x16xf32>
      tpu.vector_store %arg11[%swap3A_534, %swap3A_535], %swap3A_538 {strides = array<i32>} : memref<80x144xf32, #tpu.memory_space<vmem>>, vector<1x16xf32>,
      %broadcast_in_dim3A_539 = arith.constant 6 : i32
      %broadcast_in_dim3A_540 = vector.broadcast %broadcast_in_dim3A_539 : i32 to vector<16x1xi32>
      %gather3A_541 = vector.shape_cast %broadcast_in_dim3A_540 : vector<16x1xi32> to vector<16xi32>
      %gather3A_542 = tpu.dynamic_gather %exp3A_449[%gather3A_541] in [0] : vector<16xf32>, vector<16xi32> -> vector<16xf32>
      %get3A_543 = arith.index_cast %scan3A_432 : i32 to index
      %get3A_544 = arith.constant 96 : index
      %get3A_545 = tpu.vector_load %arg11[%get3A_543, %get3A_544] {strides = array<i32>} : memref<80x144xf32, #tpu.memory_space<vmem>>, vector<1x16xf32>,
      %get3A_546 = vector.shape_cast %get3A_545 : vector<1x16xf32> to vector<16xf32>
      %mul3A_547 = arith.mulf %get3A_546, %gather3A_542 : vector<16xf32>
      %swap3A_548 = arith.index_cast %scan3A_432 : i32 to index
      %swap3A_549 = arith.constant 96 : index
      %swap3A_550 = tpu.vector_load %arg11[%swap3A_548, %swap3A_549] {strides = array<i32>} : memref<80x144xf32, #tpu.memory_space<vmem>>, vector<1x16xf32>,
      %swap3A_551 = vector.shape_cast %swap3A_550 : vector<1x16xf32> to vector<16xf32>
      %swap3A_552 = vector.shape_cast %mul3A_547 : vector<16xf32> to vector<1x16xf32>
      tpu.vector_store %arg11[%swap3A_548, %swap3A_549], %swap3A_552 {strides = array<i32>} : memref<80x144xf32, #tpu.memory_space<vmem>>, vector<1x16xf32>,
      %broadcast_in_dim3A_553 = arith.constant 7 : i32
      %broadcast_in_dim3A_554 = vector.broadcast %broadcast_in_dim3A_553 : i32 to vector<16x1xi32>
      %gather3A_555 = vector.shape_cast %broadcast_in_dim3A_554 : vector<16x1xi32> to vector<16xi32>
      %gather3A_556 = tpu.dynamic_gather %exp3A_449[%gather3A_555] in [0] : vector<16xf32>, vector<16xi32> -> vector<16xf32>
      %get3A_557 = arith.index_cast %scan3A_432 : i32 to index
      %get3A_558 = arith.constant 112 : index
      %get3A_559 = tpu.vector_load %arg11[%get3A_557, %get3A_558] {strides = array<i32>} : memref<80x144xf32, #tpu.memory_space<vmem>>, vector<1x16xf32>,
      %get3A_560 = vector.shape_cast %get3A_559 : vector<1x16xf32> to vector<16xf32>
      %mul3A_561 = arith.mulf %get3A_560, %gather3A_556 : vector<16xf32>
      %swap3A_562 = arith.index_cast %scan3A_432 : i32 to index
      %swap3A_563 = arith.constant 112 : index
      %swap3A_564 = tpu.vector_load %arg11[%swap3A_562, %swap3A_563] {strides = array<i32>} : memref<80x144xf32, #tpu.memory_space<vmem>>, vector<1x16xf32>,
      %swap3A_565 = vector.shape_cast %swap3A_564 : vector<1x16xf32> to vector<16xf32>
      %swap3A_566 = vector.shape_cast %mul3A_561 : vector<16xf32> to vector<1x16xf32>
      tpu.vector_store %arg11[%swap3A_562, %swap3A_563], %swap3A_566 {strides = array<i32>} : memref<80x144xf32, #tpu.memory_space<vmem>>, vector<1x16xf32>,
      %scan3A_567 = arith.constant 3 : i32
      %scan3A_568 = arith.addi %scan3A_165, %scan3A_567 : i32
      %get3A_569 = arith.index_cast %scan3A_568 : i32 to index
      %get3A_570 = arith.constant 128 : index
      %get3A_571 = tpu.vector_load %arg11[%get3A_569, %get3A_570] {strides = array<i32>} : memref<80x144xf32, #tpu.memory_space<vmem>>, vector<1x16xf32>,
      %get3A_572 = vector.shape_cast %get3A_571 : vector<1x16xf32> to vector<16xf32>
      %get3A_573 = arith.index_cast %scan3A_568 : i32 to index
      %get3A_574 = arith.constant 0 : index
      %get3A_575 = tpu.vector_load %arg13[%get3A_573, %get3A_574] {strides = array<i32>} : memref<80x16xf32, #tpu.memory_space<vmem>>, vector<1x16xf32>,
      %get3A_576 = vector.shape_cast %get3A_575 : vector<1x16xf32> to vector<16xf32>
      %add3A_577 = arith.addf %get3A_572, %get3A_576 : vector<16xf32>
      %gt3A_578 = arith.constant 0.000000e+00 : f32
      %gt3A_579 = vector.broadcast %gt3A_578 : f32 to vector<16xf32>
      %gt3A_580 = arith.cmpf ogt, %add3A_577, %gt3A_579 : vector<16xf32>
      %mul3A_581 = arith.constant 2.000000e-01 : f32
      %mul3A_582 = vector.broadcast %mul3A_581 : f32 to vector<16xf32>
      %mul3A_583 = arith.mulf %add3A_577, %mul3A_582 : vector<16xf32>
      %select_n3A_584 = arith.select %gt3A_580, %add3A_577, %mul3A_583 : vector<16xi1>, vector<16xf32>
      %exp3A_585 = math.exp %select_n3A_584 : vector<16xf32>
      %swap3A_586 = arith.index_cast %scan3A_568 : i32 to index
      %swap3A_587 = arith.constant 128 : index
      %swap3A_588 = tpu.vector_load %arg11[%swap3A_586, %swap3A_587] {strides = array<i32>} : memref<80x144xf32, #tpu.memory_space<vmem>>, vector<1x16xf32>,
      %swap3A_589 = vector.shape_cast %swap3A_588 : vector<1x16xf32> to vector<16xf32>
      %swap3A_590 = vector.shape_cast %exp3A_585 : vector<16xf32> to vector<1x16xf32>
      tpu.vector_store %arg11[%swap3A_586, %swap3A_587], %swap3A_590 {strides = array<i32>} : memref<80x144xf32, #tpu.memory_space<vmem>>, vector<1x16xf32>,
      %broadcast_in_dim3A_591 = arith.constant 0 : i32
      %broadcast_in_dim3A_592 = vector.broadcast %broadcast_in_dim3A_591 : i32 to vector<16x1xi32>
      %gather3A_593 = vector.shape_cast %broadcast_in_dim3A_592 : vector<16x1xi32> to vector<16xi32>
      %gather3A_594 = tpu.dynamic_gather %exp3A_585[%gather3A_593] in [0] : vector<16xf32>, vector<16xi32> -> vector<16xf32>
      %get3A_595 = arith.index_cast %scan3A_568 : i32 to index
      %get3A_596 = arith.constant 0 : index
      %get3A_597 = tpu.vector_load %arg11[%get3A_595, %get3A_596] {strides = array<i32>} : memref<80x144xf32, #tpu.memory_space<vmem>>, vector<1x16xf32>,
      %get3A_598 = vector.shape_cast %get3A_597 : vector<1x16xf32> to vector<16xf32>
      %mul3A_599 = arith.mulf %get3A_598, %gather3A_594 : vector<16xf32>
      %swap3A_600 = arith.index_cast %scan3A_568 : i32 to index
      %swap3A_601 = arith.constant 0 : index
      %swap3A_602 = tpu.vector_load %arg11[%swap3A_600, %swap3A_601] {strides = array<i32>} : memref<80x144xf32, #tpu.memory_space<vmem>>, vector<1x16xf32>,
      %swap3A_603 = vector.shape_cast %swap3A_602 : vector<1x16xf32> to vector<16xf32>
      %swap3A_604 = vector.shape_cast %mul3A_599 : vector<16xf32> to vector<1x16xf32>
      tpu.vector_store %arg11[%swap3A_600, %swap3A_601], %swap3A_604 {strides = array<i32>} : memref<80x144xf32, #tpu.memory_space<vmem>>, vector<1x16xf32>,
      %broadcast_in_dim3A_605 = arith.constant 1 : i32
      %broadcast_in_dim3A_606 = vector.broadcast %broadcast_in_dim3A_605 : i32 to vector<16x1xi32>
      %gather3A_607 = vector.shape_cast %broadcast_in_dim3A_606 : vector<16x1xi32> to vector<16xi32>
      %gather3A_608 = tpu.dynamic_gather %exp3A_585[%gather3A_607] in [0] : vector<16xf32>, vector<16xi32> -> vector<16xf32>
      %get3A_609 = arith.index_cast %scan3A_568 : i32 to index
      %get3A_610 = arith.constant 16 : index
      %get3A_611 = tpu.vector_load %arg11[%get3A_609, %get3A_610] {strides = array<i32>} : memref<80x144xf32, #tpu.memory_space<vmem>>, vector<1x16xf32>,
      %get3A_612 = vector.shape_cast %get3A_611 : vector<1x16xf32> to vector<16xf32>
      %mul3A_613 = arith.mulf %get3A_612, %gather3A_608 : vector<16xf32>
      %swap3A_614 = arith.index_cast %scan3A_568 : i32 to index
      %swap3A_615 = arith.constant 16 : index
      %swap3A_616 = tpu.vector_load %arg11[%swap3A_614, %swap3A_615] {strides = array<i32>} : memref<80x144xf32, #tpu.memory_space<vmem>>, vector<1x16xf32>,
      %swap3A_617 = vector.shape_cast %swap3A_616 : vector<1x16xf32> to vector<16xf32>
      %swap3A_618 = vector.shape_cast %mul3A_613 : vector<16xf32> to vector<1x16xf32>
      tpu.vector_store %arg11[%swap3A_614, %swap3A_615], %swap3A_618 {strides = array<i32>} : memref<80x144xf32, #tpu.memory_space<vmem>>, vector<1x16xf32>,
      %broadcast_in_dim3A_619 = arith.constant 2 : i32
      %broadcast_in_dim3A_620 = vector.broadcast %broadcast_in_dim3A_619 : i32 to vector<16x1xi32>
      %gather3A_621 = vector.shape_cast %broadcast_in_dim3A_620 : vector<16x1xi32> to vector<16xi32>
      %gather3A_622 = tpu.dynamic_gather %exp3A_585[%gather3A_621] in [0] : vector<16xf32>, vector<16xi32> -> vector<16xf32>
      %get3A_623 = arith.index_cast %scan3A_568 : i32 to index
      %get3A_624 = arith.constant 32 : index
      %get3A_625 = tpu.vector_load %arg11[%get3A_623, %get3A_624] {strides = array<i32>} : memref<80x144xf32, #tpu.memory_space<vmem>>, vector<1x16xf32>,
      %get3A_626 = vector.shape_cast %get3A_625 : vector<1x16xf32> to vector<16xf32>
      %mul3A_627 = arith.mulf %get3A_626, %gather3A_622 : vector<16xf32>
      %swap3A_628 = arith.index_cast %scan3A_568 : i32 to index
      %swap3A_629 = arith.constant 32 : index
      %swap3A_630 = tpu.vector_load %arg11[%swap3A_628, %swap3A_629] {strides = array<i32>} : memref<80x144xf32, #tpu.memory_space<vmem>>, vector<1x16xf32>,
      %swap3A_631 = vector.shape_cast %swap3A_630 : vector<1x16xf32> to vector<16xf32>
      %swap3A_632 = vector.shape_cast %mul3A_627 : vector<16xf32> to vector<1x16xf32>
      tpu.vector_store %arg11[%swap3A_628, %swap3A_629], %swap3A_632 {strides = array<i32>} : memref<80x144xf32, #tpu.memory_space<vmem>>, vector<1x16xf32>,
      %broadcast_in_dim3A_633 = arith.constant 3 : i32
      %broadcast_in_dim3A_634 = vector.broadcast %broadcast_in_dim3A_633 : i32 to vector<16x1xi32>
      %gather3A_635 = vector.shape_cast %broadcast_in_dim3A_634 : vector<16x1xi32> to vector<16xi32>
      %gather3A_636 = tpu.dynamic_gather %exp3A_585[%gather3A_635] in [0] : vector<16xf32>, vector<16xi32> -> vector<16xf32>
      %get3A_637 = arith.index_cast %scan3A_568 : i32 to index
      %get3A_638 = arith.constant 48 : index
      %get3A_639 = tpu.vector_load %arg11[%get3A_637, %get3A_638] {strides = array<i32>} : memref<80x144xf32, #tpu.memory_space<vmem>>, vector<1x16xf32>,
      %get3A_640 = vector.shape_cast %get3A_639 : vector<1x16xf32> to vector<16xf32>
      %mul3A_641 = arith.mulf %get3A_640, %gather3A_636 : vector<16xf32>
      %swap3A_642 = arith.index_cast %scan3A_568 : i32 to index
      %swap3A_643 = arith.constant 48 : index
      %swap3A_644 = tpu.vector_load %arg11[%swap3A_642, %swap3A_643] {strides = array<i32>} : memref<80x144xf32, #tpu.memory_space<vmem>>, vector<1x16xf32>,
      %swap3A_645 = vector.shape_cast %swap3A_644 : vector<1x16xf32> to vector<16xf32>
      %swap3A_646 = vector.shape_cast %mul3A_641 : vector<16xf32> to vector<1x16xf32>
      tpu.vector_store %arg11[%swap3A_642, %swap3A_643], %swap3A_646 {strides = array<i32>} : memref<80x144xf32, #tpu.memory_space<vmem>>, vector<1x16xf32>,
      %broadcast_in_dim3A_647 = arith.constant 4 : i32
      %broadcast_in_dim3A_648 = vector.broadcast %broadcast_in_dim3A_647 : i32 to vector<16x1xi32>
      %gather3A_649 = vector.shape_cast %broadcast_in_dim3A_648 : vector<16x1xi32> to vector<16xi32>
      %gather3A_650 = tpu.dynamic_gather %exp3A_585[%gather3A_649] in [0] : vector<16xf32>, vector<16xi32> -> vector<16xf32>
      %get3A_651 = arith.index_cast %scan3A_568 : i32 to index
      %get3A_652 = arith.constant 64 : index
      %get3A_653 = tpu.vector_load %arg11[%get3A_651, %get3A_652] {strides = array<i32>} : memref<80x144xf32, #tpu.memory_space<vmem>>, vector<1x16xf32>,
      %get3A_654 = vector.shape_cast %get3A_653 : vector<1x16xf32> to vector<16xf32>
      %mul3A_655 = arith.mulf %get3A_654, %gather3A_650 : vector<16xf32>
      %swap3A_656 = arith.index_cast %scan3A_568 : i32 to index
      %swap3A_657 = arith.constant 64 : index
      %swap3A_658 = tpu.vector_load %arg11[%swap3A_656, %swap3A_657] {strides = array<i32>} : memref<80x144xf32, #tpu.memory_space<vmem>>, vector<1x16xf32>,
      %swap3A_659 = vector.shape_cast %swap3A_658 : vector<1x16xf32> to vector<16xf32>
      %swap3A_660 = vector.shape_cast %mul3A_655 : vector<16xf32> to vector<1x16xf32>
      tpu.vector_store %arg11[%swap3A_656, %swap3A_657], %swap3A_660 {strides = array<i32>} : memref<80x144xf32, #tpu.memory_space<vmem>>, vector<1x16xf32>,
      %broadcast_in_dim3A_661 = arith.constant 5 : i32
      %broadcast_in_dim3A_662 = vector.broadcast %broadcast_in_dim3A_661 : i32 to vector<16x1xi32>
      %gather3A_663 = vector.shape_cast %broadcast_in_dim3A_662 : vector<16x1xi32> to vector<16xi32>
      %gather3A_664 = tpu.dynamic_gather %exp3A_585[%gather3A_663] in [0] : vector<16xf32>, vector<16xi32> -> vector<16xf32>
      %get3A_665 = arith.index_cast %scan3A_568 : i32 to index
      %get3A_666 = arith.constant 80 : index
      %get3A_667 = tpu.vector_load %arg11[%get3A_665, %get3A_666] {strides = array<i32>} : memref<80x144xf32, #tpu.memory_space<vmem>>, vector<1x16xf32>,
      %get3A_668 = vector.shape_cast %get3A_667 : vector<1x16xf32> to vector<16xf32>
      %mul3A_669 = arith.mulf %get3A_668, %gather3A_664 : vector<16xf32>
      %swap3A_670 = arith.index_cast %scan3A_568 : i32 to index
      %swap3A_671 = arith.constant 80 : index
      %swap3A_672 = tpu.vector_load %arg11[%swap3A_670, %swap3A_671] {strides = array<i32>} : memref<80x144xf32, #tpu.memory_space<vmem>>, vector<1x16xf32>,
      %swap3A_673 = vector.shape_cast %swap3A_672 : vector<1x16xf32> to vector<16xf32>
      %swap3A_674 = vector.shape_cast %mul3A_669 : vector<16xf32> to vector<1x16xf32>
      tpu.vector_store %arg11[%swap3A_670, %swap3A_671], %swap3A_674 {strides = array<i32>} : memref<80x144xf32, #tpu.memory_space<vmem>>, vector<1x16xf32>,
      %broadcast_in_dim3A_675 = arith.constant 6 : i32
      %broadcast_in_dim3A_676 = vector.broadcast %broadcast_in_dim3A_675 : i32 to vector<16x1xi32>
      %gather3A_677 = vector.shape_cast %broadcast_in_dim3A_676 : vector<16x1xi32> to vector<16xi32>
      %gather3A_678 = tpu.dynamic_gather %exp3A_585[%gather3A_677] in [0] : vector<16xf32>, vector<16xi32> -> vector<16xf32>
      %get3A_679 = arith.index_cast %scan3A_568 : i32 to index
      %get3A_680 = arith.constant 96 : index
      %get3A_681 = tpu.vector_load %arg11[%get3A_679, %get3A_680] {strides = array<i32>} : memref<80x144xf32, #tpu.memory_space<vmem>>, vector<1x16xf32>,
      %get3A_682 = vector.shape_cast %get3A_681 : vector<1x16xf32> to vector<16xf32>
      %mul3A_683 = arith.mulf %get3A_682, %gather3A_678 : vector<16xf32>
      %swap3A_684 = arith.index_cast %scan3A_568 : i32 to index
      %swap3A_685 = arith.constant 96 : index
      %swap3A_686 = tpu.vector_load %arg11[%swap3A_684, %swap3A_685] {strides = array<i32>} : memref<80x144xf32, #tpu.memory_space<vmem>>, vector<1x16xf32>,
      %swap3A_687 = vector.shape_cast %swap3A_686 : vector<1x16xf32> to vector<16xf32>
      %swap3A_688 = vector.shape_cast %mul3A_683 : vector<16xf32> to vector<1x16xf32>
      tpu.vector_store %arg11[%swap3A_684, %swap3A_685], %swap3A_688 {strides = array<i32>} : memref<80x144xf32, #tpu.memory_space<vmem>>, vector<1x16xf32>,
      %broadcast_in_dim3A_689 = arith.constant 7 : i32
      %broadcast_in_dim3A_690 = vector.broadcast %broadcast_in_dim3A_689 : i32 to vector<16x1xi32>
      %gather3A_691 = vector.shape_cast %broadcast_in_dim3A_690 : vector<16x1xi32> to vector<16xi32>
      %gather3A_692 = tpu.dynamic_gather %exp3A_585[%gather3A_691] in [0] : vector<16xf32>, vector<16xi32> -> vector<16xf32>
      %get3A_693 = arith.index_cast %scan3A_568 : i32 to index
      %get3A_694 = arith.constant 112 : index
      %get3A_695 = tpu.vector_load %arg11[%get3A_693, %get3A_694] {strides = array<i32>} : memref<80x144xf32, #tpu.memory_space<vmem>>, vector<1x16xf32>,
      %get3A_696 = vector.shape_cast %get3A_695 : vector<1x16xf32> to vector<16xf32>
      %mul3A_697 = arith.mulf %get3A_696, %gather3A_692 : vector<16xf32>
      %swap3A_698 = arith.index_cast %scan3A_568 : i32 to index
      %swap3A_699 = arith.constant 112 : index
      %swap3A_700 = tpu.vector_load %arg11[%swap3A_698, %swap3A_699] {strides = array<i32>} : memref<80x144xf32, #tpu.memory_space<vmem>>, vector<1x16xf32>,
      %swap3A_701 = vector.shape_cast %swap3A_700 : vector<1x16xf32> to vector<16xf32>
      %swap3A_702 = vector.shape_cast %mul3A_697 : vector<16xf32> to vector<1x16xf32>
      tpu.vector_store %arg11[%swap3A_698, %swap3A_699], %swap3A_702 {strides = array<i32>} : memref<80x144xf32, #tpu.memory_space<vmem>>, vector<1x16xf32>,
    }
    %scan3A_153 = arith.constant 80 : i32
    %dma_start3A_154 = arith.constant 0 : i32
    %dma_start3A_155 = arith.constant 0 : i32
    %dma_start3A_156 = tpu.memref_slice %arg15[%dma_start3A_154, %dma_start3A_155] : memref<10240x144xf32, #tpu.memory_space<vmem_shared>> -> memref<10240x144xf32, #tpu.memory_space<vmem_shared>>
    tpu.enqueue_indirect_dma source(%arg11 : memref<80x144xf32, #tpu.memory_space<vmem>>) target(%dma_start3A_156 : memref<10240x144xf32, #tpu.memory_space<vmem_shared>>) offsets(%arg8 : memref<80xi32, #tpu.memory_space<vmem>>) semaphore(%arg20 : memref<!tpu.dma_semaphore, #tpu.memory_space<semaphore_mem>>) {add = true}
    %dma_wait3A_157 = arith.constant 0 : i32
    %dma_wait3A_158 = arith.constant 0 : i32
    %dma_wait3A_159 = tpu.memref_slice %arg15[%dma_wait3A_157, %dma_wait3A_158] : memref<10240x144xf32, #tpu.memory_space<vmem_shared>> -> memref<10240x144xf32, #tpu.memory_space<vmem_shared>>
    tpu.wait_indirect_dma semaphore(%arg20 : memref<!tpu.dma_semaphore, #tpu.memory_space<semaphore_mem>>) src(%arg11 : memref<80x144xf32, #tpu.memory_space<vmem>>) dst(%dma_wait3A_159 : memref<10240x144xf32, #tpu.memory_space<vmem_shared>>)
    %barrier3A_160 = arith.constant 0 : index
    tpu.barrier barrier_id(%barrier3A_160)
    %mul3A_161 = arith.constant 640 : i32
    %mul3A_162 = arith.muli %arg1, %mul3A_161 : i32
    %mul3A_163 = arith.constant 640 : i32
    %mul3A_164 = arith.muli %arg1, %mul3A_163 : i32
    "tpu.region"() ({
      %run_scoped3A = tpu.sem_alloc : memref<!tpu.dma_semaphore, #tpu.memory_space<semaphore_mem>>
      %dma_start3A_165 = arith.constant 0 : i32
      %dma_start3A_166 = arith.constant 0 : i32
      %dma_start3A_167 = tpu.memref_slice %arg5[%arg0, %dma_start3A_165, %dma_start3A_166] : memref<2x10240x144xf32, #tpu.memory_space<hbm>> -> memref<1x10240x144xf32, #tpu.memory_space<hbm>>
      %dma_start3A_168 = tpu.memref_squeeze %dma_start3A_167 : memref<1x10240x144xf32, #tpu.memory_space<hbm>> -> memref<10240x144xf32, #tpu.memory_space<hbm>>
      %dma_start3A_169 = arith.constant 0 : i32
      %dma_start3A_170 = tpu.memref_slice %dma_start3A_168[%mul3A_164, %dma_start3A_169] : memref<10240x144xf32, #tpu.memory_space<hbm>> -> memref<640x144xf32, #tpu.memory_space<hbm>>
      %dma_start3A_171 = arith.constant 0 : i32
      %dma_start3A_172 = tpu.memref_slice %arg15[%mul3A_162, %dma_start3A_171] : memref<10240x144xf32, #tpu.memory_space<vmem_shared>> -> memref<640x144xf32, #tpu.memory_space<vmem_shared>>
      tpu.enqueue_dma source(%dma_start3A_172 : memref<640x144xf32, #tpu.memory_space<vmem_shared>>) target(%dma_start3A_170 : memref<640x144xf32, #tpu.memory_space<hbm>>) target_semaphore(%run_scoped3A : memref<!tpu.dma_semaphore, #tpu.memory_space<semaphore_mem>>)
      %dma_wait3A_173 = arith.constant 0 : i32
      %dma_wait3A_174 = arith.constant 0 : i32
      %dma_wait3A_175 = tpu.memref_slice %arg5[%arg0, %dma_wait3A_173, %dma_wait3A_174] : memref<2x10240x144xf32, #tpu.memory_space<hbm>> -> memref<1x10240x144xf32, #tpu.memory_space<hbm>>
      %dma_wait3A_176 = tpu.memref_squeeze %dma_wait3A_175 : memref<1x10240x144xf32, #tpu.memory_space<hbm>> -> memref<10240x144xf32, #tpu.memory_space<hbm>>
      %dma_wait3A_177 = arith.constant 0 : i32
      %dma_wait3A_178 = tpu.memref_slice %dma_wait3A_176[%mul3A_164, %dma_wait3A_177] : memref<10240x144xf32, #tpu.memory_space<hbm>> -> memref<640x144xf32, #tpu.memory_space<hbm>>
      %dma_wait3A_179 = arith.constant 0 : i32
      %dma_wait3A_180 = tpu.memref_slice %arg15[%mul3A_162, %dma_wait3A_179] : memref<10240x144xf32, #tpu.memory_space<vmem_shared>> -> memref<640x144xf32, #tpu.memory_space<vmem_shared>>
      tpu.wait_dma2 semaphore(%run_scoped3A : memref<!tpu.dma_semaphore, #tpu.memory_space<semaphore_mem>>) src(%dma_wait3A_180 : memref<640x144xf32, #tpu.memory_space<vmem_shared>>) dst(%dma_wait3A_178 : memref<640x144xf32, #tpu.memory_space<hbm>>)
      tpu.yield
    }) : () -> ()
    return
  }
}

#map = affine_map<(d0, d1) -> (0, 0)>
#map1 = affine_map<(d0, d1) -> (0, 0, 0)>
module attributes {stable_mosaic.version = 14 : i64} {
  func.func @edge_kernel(%arg0: i32, %arg1: i32, %arg2: memref<10000x48xf32, #tpu.memory_space<hbm>>, %arg3: memref<10000x16xf32, #tpu.memory_space<hbm>>, %arg4: memref<32x125x80xi32, #tpu.memory_space<hbm>>, %arg5: memref<2x10240x48xf32, #tpu.memory_space<hbm>>, %arg6: memref<125x80xi32, #tpu.memory_space<vmem>>, %arg7: memref<80xi32, #tpu.memory_space<vmem>>, %arg8: memref<80xi32, #tpu.memory_space<vmem>>, %arg9: memref<80xi32, #tpu.memory_space<vmem>>, %arg10: memref<80xi32, #tpu.memory_space<vmem>>, %arg11: memref<80x48xf32, #tpu.memory_space<vmem>>, %arg12: memref<80x48xf32, #tpu.memory_space<vmem>>, %arg13: memref<80x16xf32, #tpu.memory_space<vmem>>, %arg14: memref<80x16xf32, #tpu.memory_space<vmem>>, %arg15: memref<10240x48xf32, #tpu.memory_space<vmem_shared>>, %arg16: memref<!tpu.dma_semaphore, #tpu.memory_space<semaphore_mem>>, %arg17: memref<!tpu.dma_semaphore, #tpu.memory_space<semaphore_mem>>, %arg18: memref<!tpu.dma_semaphore, #tpu.memory_space<semaphore_mem>>, %arg19: memref<!tpu.dma_semaphore, #tpu.memory_space<semaphore_mem>>, %arg20: memref<!tpu.dma_semaphore, #tpu.memory_space<semaphore_mem>>, %arg21: memref<!tpu.dma_semaphore, #tpu.memory_space<semaphore_mem>>) attributes {dimension_semantics = [#tpu.dimension_semantics<core_parallel>, #tpu.dimension_semantics<subcore_parallel>], iteration_bounds = array<i64: 2, 16>, scalar_prefetch = 0 : i64, scratch_operands = 16 : i64, tpu.core_type = #tpu.core_type<sc_vector_subcore>, window_params = [{transform_indices = #map}, {transform_indices = #map}, {transform_indices = #map1}, {transform_indices = #map1}]} {
    %mul3A = arith.constant 16 : i32
    %mul3A_0 = arith.muli %arg0, %mul3A : i32
    %add3A = arith.addi %mul3A_0, %arg1 : i32
    %scan3A = arith.constant 0 : i32
    %scan3A_1 = arith.constant 0 : i32
    %scan3A_2 = arith.constant 80 : i32
    %scan3A_3 = arith.addi %scan3A_1, %scan3A_2 : i32
    %scan3A_4 = arith.constant 1 : i32
    scf.for %scan3A_165 = %scan3A_1 to %scan3A_3 step %scan3A_4  : i32 {
      %broadcast_in_dim3A = arith.constant 0.000000e+00 : f32
      %broadcast_in_dim3A_166 = vector.broadcast %broadcast_in_dim3A : f32 to vector<16xf32>
      %swap3A_167 = arith.index_cast %scan3A_165 : i32 to index
      %swap3A_168 = arith.constant 0 : index
      %swap3A_169 = tpu.vector_load %arg11[%swap3A_167, %swap3A_168] {strides = array<i32>} : memref<80x48xf32, #tpu.memory_space<vmem>>, vector<1x16xf32>,
      %swap3A_170 = vector.shape_cast %swap3A_169 : vector<1x16xf32> to vector<16xf32>
      %swap3A_171 = vector.shape_cast %broadcast_in_dim3A_166 : vector<16xf32> to vector<1x16xf32>
      tpu.vector_store %arg11[%swap3A_167, %swap3A_168], %swap3A_171 {strides = array<i32>} : memref<80x48xf32, #tpu.memory_space<vmem>>, vector<1x16xf32>,
      %broadcast_in_dim3A_172 = arith.constant 0.000000e+00 : f32
      %broadcast_in_dim3A_173 = vector.broadcast %broadcast_in_dim3A_172 : f32 to vector<16xf32>
      %swap3A_174 = arith.index_cast %scan3A_165 : i32 to index
      %swap3A_175 = arith.constant 16 : index
      %swap3A_176 = tpu.vector_load %arg11[%swap3A_174, %swap3A_175] {strides = array<i32>} : memref<80x48xf32, #tpu.memory_space<vmem>>, vector<1x16xf32>,
      %swap3A_177 = vector.shape_cast %swap3A_176 : vector<1x16xf32> to vector<16xf32>
      %swap3A_178 = vector.shape_cast %broadcast_in_dim3A_173 : vector<16xf32> to vector<1x16xf32>
      tpu.vector_store %arg11[%swap3A_174, %swap3A_175], %swap3A_178 {strides = array<i32>} : memref<80x48xf32, #tpu.memory_space<vmem>>, vector<1x16xf32>,
      %broadcast_in_dim3A_179 = arith.constant 0.000000e+00 : f32
      %broadcast_in_dim3A_180 = vector.broadcast %broadcast_in_dim3A_179 : f32 to vector<16xf32>
      %swap3A_181 = arith.index_cast %scan3A_165 : i32 to index
      %swap3A_182 = arith.constant 32 : index
      %swap3A_183 = tpu.vector_load %arg11[%swap3A_181, %swap3A_182] {strides = array<i32>} : memref<80x48xf32, #tpu.memory_space<vmem>>, vector<1x16xf32>,
      %swap3A_184 = vector.shape_cast %swap3A_183 : vector<1x16xf32> to vector<16xf32>
      %swap3A_185 = vector.shape_cast %broadcast_in_dim3A_180 : vector<16xf32> to vector<1x16xf32>
      tpu.vector_store %arg11[%swap3A_181, %swap3A_182], %swap3A_185 {strides = array<i32>} : memref<80x48xf32, #tpu.memory_space<vmem>>, vector<1x16xf32>,
    }
    %scan3A_5 = arith.constant 80 : i32
    %mul3A_6 = arith.constant 640 : i32
    %mul3A_7 = arith.muli %arg1, %mul3A_6 : i32
    %add3A_8 = arith.constant 0 : i32
    %add3A_9 = arith.addi %mul3A_7, %add3A_8 : i32
    "tpu.region"() ({
      %run_scoped3A = tpu.sem_alloc : memref<!tpu.dma_semaphore, #tpu.memory_space<semaphore_mem>>
      %dma_start3A_165 = arith.constant 0 : i32
      %dma_start3A_166 = tpu.memref_slice %arg15[%add3A_9, %dma_start3A_165] : memref<10240x48xf32, #tpu.memory_space<vmem_shared>> -> memref<80x48xf32, #tpu.memory_space<vmem_shared>>
      %dma_start3A_167 = arith.constant 0 : i32
      %dma_start3A_168 = tpu.memref_slice %arg15[%add3A_9, %dma_start3A_167] : memref<10240x48xf32, #tpu.memory_space<vmem_shared>> -> memref<80x48xf32, #tpu.memory_space<vmem_shared>>
      tpu.enqueue_dma source(%arg11 : memref<80x48xf32, #tpu.memory_space<vmem>>) target(%dma_start3A_168 : memref<80x48xf32, #tpu.memory_space<vmem_shared>>) target_semaphore(%run_scoped3A : memref<!tpu.dma_semaphore, #tpu.memory_space<semaphore_mem>>)
      %dma_wait3A_169 = arith.constant 0 : i32
      %dma_wait3A_170 = tpu.memref_slice %arg15[%add3A_9, %dma_wait3A_169] : memref<10240x48xf32, #tpu.memory_space<vmem_shared>> -> memref<80x48xf32, #tpu.memory_space<vmem_shared>>
      %dma_wait3A_171 = arith.constant 0 : i32
      %dma_wait3A_172 = tpu.memref_slice %arg15[%add3A_9, %dma_wait3A_171] : memref<10240x48xf32, #tpu.memory_space<vmem_shared>> -> memref<80x48xf32, #tpu.memory_space<vmem_shared>>
      tpu.wait_dma2 semaphore(%run_scoped3A : memref<!tpu.dma_semaphore, #tpu.memory_space<semaphore_mem>>) src(%arg11 : memref<80x48xf32, #tpu.memory_space<vmem>>) dst(%dma_wait3A_172 : memref<80x48xf32, #tpu.memory_space<vmem_shared>>)
      tpu.yield
    }) : () -> ()
    %mul3A_10 = arith.constant 640 : i32
    %mul3A_11 = arith.muli %arg1, %mul3A_10 : i32
    %add3A_12 = arith.constant 80 : i32
    %add3A_13 = arith.addi %mul3A_11, %add3A_12 : i32
    "tpu.region"() ({
      %run_scoped3A = tpu.sem_alloc : memref<!tpu.dma_semaphore, #tpu.memory_space<semaphore_mem>>
      %dma_start3A_165 = arith.constant 0 : i32
      %dma_start3A_166 = tpu.memref_slice %arg15[%add3A_13, %dma_start3A_165] : memref<10240x48xf32, #tpu.memory_space<vmem_shared>> -> memref<80x48xf32, #tpu.memory_space<vmem_shared>>
      %dma_start3A_167 = arith.constant 0 : i32
      %dma_start3A_168 = tpu.memref_slice %arg15[%add3A_13, %dma_start3A_167] : memref<10240x48xf32, #tpu.memory_space<vmem_shared>> -> memref<80x48xf32, #tpu.memory_space<vmem_shared>>
      tpu.enqueue_dma source(%arg11 : memref<80x48xf32, #tpu.memory_space<vmem>>) target(%dma_start3A_168 : memref<80x48xf32, #tpu.memory_space<vmem_shared>>) target_semaphore(%run_scoped3A : memref<!tpu.dma_semaphore, #tpu.memory_space<semaphore_mem>>)
      %dma_wait3A_169 = arith.constant 0 : i32
      %dma_wait3A_170 = tpu.memref_slice %arg15[%add3A_13, %dma_wait3A_169] : memref<10240x48xf32, #tpu.memory_space<vmem_shared>> -> memref<80x48xf32, #tpu.memory_space<vmem_shared>>
      %dma_wait3A_171 = arith.constant 0 : i32
      %dma_wait3A_172 = tpu.memref_slice %arg15[%add3A_13, %dma_wait3A_171] : memref<10240x48xf32, #tpu.memory_space<vmem_shared>> -> memref<80x48xf32, #tpu.memory_space<vmem_shared>>
      tpu.wait_dma2 semaphore(%run_scoped3A : memref<!tpu.dma_semaphore, #tpu.memory_space<semaphore_mem>>) src(%arg11 : memref<80x48xf32, #tpu.memory_space<vmem>>) dst(%dma_wait3A_172 : memref<80x48xf32, #tpu.memory_space<vmem_shared>>)
      tpu.yield
    }) : () -> ()
    %mul3A_14 = arith.constant 640 : i32
    %mul3A_15 = arith.muli %arg1, %mul3A_14 : i32
    %add3A_16 = arith.constant 160 : i32
    %add3A_17 = arith.addi %mul3A_15, %add3A_16 : i32
    "tpu.region"() ({
      %run_scoped3A = tpu.sem_alloc : memref<!tpu.dma_semaphore, #tpu.memory_space<semaphore_mem>>
      %dma_start3A_165 = arith.constant 0 : i32
      %dma_start3A_166 = tpu.memref_slice %arg15[%add3A_17, %dma_start3A_165] : memref<10240x48xf32, #tpu.memory_space<vmem_shared>> -> memref<80x48xf32, #tpu.memory_space<vmem_shared>>
      %dma_start3A_167 = arith.constant 0 : i32
      %dma_start3A_168 = tpu.memref_slice %arg15[%add3A_17, %dma_start3A_167] : memref<10240x48xf32, #tpu.memory_space<vmem_shared>> -> memref<80x48xf32, #tpu.memory_space<vmem_shared>>
      tpu.enqueue_dma source(%arg11 : memref<80x48xf32, #tpu.memory_space<vmem>>) target(%dma_start3A_168 : memref<80x48xf32, #tpu.memory_space<vmem_shared>>) target_semaphore(%run_scoped3A : memref<!tpu.dma_semaphore, #tpu.memory_space<semaphore_mem>>)
      %dma_wait3A_169 = arith.constant 0 : i32
      %dma_wait3A_170 = tpu.memref_slice %arg15[%add3A_17, %dma_wait3A_169] : memref<10240x48xf32, #tpu.memory_space<vmem_shared>> -> memref<80x48xf32, #tpu.memory_space<vmem_shared>>
      %dma_wait3A_171 = arith.constant 0 : i32
      %dma_wait3A_172 = tpu.memref_slice %arg15[%add3A_17, %dma_wait3A_171] : memref<10240x48xf32, #tpu.memory_space<vmem_shared>> -> memref<80x48xf32, #tpu.memory_space<vmem_shared>>
      tpu.wait_dma2 semaphore(%run_scoped3A : memref<!tpu.dma_semaphore, #tpu.memory_space<semaphore_mem>>) src(%arg11 : memref<80x48xf32, #tpu.memory_space<vmem>>) dst(%dma_wait3A_172 : memref<80x48xf32, #tpu.memory_space<vmem_shared>>)
      tpu.yield
    }) : () -> ()
    %mul3A_18 = arith.constant 640 : i32
    %mul3A_19 = arith.muli %arg1, %mul3A_18 : i32
    %add3A_20 = arith.constant 240 : i32
    %add3A_21 = arith.addi %mul3A_19, %add3A_20 : i32
    "tpu.region"() ({
      %run_scoped3A = tpu.sem_alloc : memref<!tpu.dma_semaphore, #tpu.memory_space<semaphore_mem>>
      %dma_start3A_165 = arith.constant 0 : i32
      %dma_start3A_166 = tpu.memref_slice %arg15[%add3A_21, %dma_start3A_165] : memref<10240x48xf32, #tpu.memory_space<vmem_shared>> -> memref<80x48xf32, #tpu.memory_space<vmem_shared>>
      %dma_start3A_167 = arith.constant 0 : i32
      %dma_start3A_168 = tpu.memref_slice %arg15[%add3A_21, %dma_start3A_167] : memref<10240x48xf32, #tpu.memory_space<vmem_shared>> -> memref<80x48xf32, #tpu.memory_space<vmem_shared>>
      tpu.enqueue_dma source(%arg11 : memref<80x48xf32, #tpu.memory_space<vmem>>) target(%dma_start3A_168 : memref<80x48xf32, #tpu.memory_space<vmem_shared>>) target_semaphore(%run_scoped3A : memref<!tpu.dma_semaphore, #tpu.memory_space<semaphore_mem>>)
      %dma_wait3A_169 = arith.constant 0 : i32
      %dma_wait3A_170 = tpu.memref_slice %arg15[%add3A_21, %dma_wait3A_169] : memref<10240x48xf32, #tpu.memory_space<vmem_shared>> -> memref<80x48xf32, #tpu.memory_space<vmem_shared>>
      %dma_wait3A_171 = arith.constant 0 : i32
      %dma_wait3A_172 = tpu.memref_slice %arg15[%add3A_21, %dma_wait3A_171] : memref<10240x48xf32, #tpu.memory_space<vmem_shared>> -> memref<80x48xf32, #tpu.memory_space<vmem_shared>>
      tpu.wait_dma2 semaphore(%run_scoped3A : memref<!tpu.dma_semaphore, #tpu.memory_space<semaphore_mem>>) src(%arg11 : memref<80x48xf32, #tpu.memory_space<vmem>>) dst(%dma_wait3A_172 : memref<80x48xf32, #tpu.memory_space<vmem_shared>>)
      tpu.yield
    }) : () -> ()
    %mul3A_22 = arith.constant 640 : i32
    %mul3A_23 = arith.muli %arg1, %mul3A_22 : i32
    %add3A_24 = arith.constant 320 : i32
    %add3A_25 = arith.addi %mul3A_23, %add3A_24 : i32
    "tpu.region"() ({
      %run_scoped3A = tpu.sem_alloc : memref<!tpu.dma_semaphore, #tpu.memory_space<semaphore_mem>>
      %dma_start3A_165 = arith.constant 0 : i32
      %dma_start3A_166 = tpu.memref_slice %arg15[%add3A_25, %dma_start3A_165] : memref<10240x48xf32, #tpu.memory_space<vmem_shared>> -> memref<80x48xf32, #tpu.memory_space<vmem_shared>>
      %dma_start3A_167 = arith.constant 0 : i32
      %dma_start3A_168 = tpu.memref_slice %arg15[%add3A_25, %dma_start3A_167] : memref<10240x48xf32, #tpu.memory_space<vmem_shared>> -> memref<80x48xf32, #tpu.memory_space<vmem_shared>>
      tpu.enqueue_dma source(%arg11 : memref<80x48xf32, #tpu.memory_space<vmem>>) target(%dma_start3A_168 : memref<80x48xf32, #tpu.memory_space<vmem_shared>>) target_semaphore(%run_scoped3A : memref<!tpu.dma_semaphore, #tpu.memory_space<semaphore_mem>>)
      %dma_wait3A_169 = arith.constant 0 : i32
      %dma_wait3A_170 = tpu.memref_slice %arg15[%add3A_25, %dma_wait3A_169] : memref<10240x48xf32, #tpu.memory_space<vmem_shared>> -> memref<80x48xf32, #tpu.memory_space<vmem_shared>>
      %dma_wait3A_171 = arith.constant 0 : i32
      %dma_wait3A_172 = tpu.memref_slice %arg15[%add3A_25, %dma_wait3A_171] : memref<10240x48xf32, #tpu.memory_space<vmem_shared>> -> memref<80x48xf32, #tpu.memory_space<vmem_shared>>
      tpu.wait_dma2 semaphore(%run_scoped3A : memref<!tpu.dma_semaphore, #tpu.memory_space<semaphore_mem>>) src(%arg11 : memref<80x48xf32, #tpu.memory_space<vmem>>) dst(%dma_wait3A_172 : memref<80x48xf32, #tpu.memory_space<vmem_shared>>)
      tpu.yield
    }) : () -> ()
    %mul3A_26 = arith.constant 640 : i32
    %mul3A_27 = arith.muli %arg1, %mul3A_26 : i32
    %add3A_28 = arith.constant 400 : i32
    %add3A_29 = arith.addi %mul3A_27, %add3A_28 : i32
    "tpu.region"() ({
      %run_scoped3A = tpu.sem_alloc : memref<!tpu.dma_semaphore, #tpu.memory_space<semaphore_mem>>
      %dma_start3A_165 = arith.constant 0 : i32
      %dma_start3A_166 = tpu.memref_slice %arg15[%add3A_29, %dma_start3A_165] : memref<10240x48xf32, #tpu.memory_space<vmem_shared>> -> memref<80x48xf32, #tpu.memory_space<vmem_shared>>
      %dma_start3A_167 = arith.constant 0 : i32
      %dma_start3A_168 = tpu.memref_slice %arg15[%add3A_29, %dma_start3A_167] : memref<10240x48xf32, #tpu.memory_space<vmem_shared>> -> memref<80x48xf32, #tpu.memory_space<vmem_shared>>
      tpu.enqueue_dma source(%arg11 : memref<80x48xf32, #tpu.memory_space<vmem>>) target(%dma_start3A_168 : memref<80x48xf32, #tpu.memory_space<vmem_shared>>) target_semaphore(%run_scoped3A : memref<!tpu.dma_semaphore, #tpu.memory_space<semaphore_mem>>)
      %dma_wait3A_169 = arith.constant 0 : i32
      %dma_wait3A_170 = tpu.memref_slice %arg15[%add3A_29, %dma_wait3A_169] : memref<10240x48xf32, #tpu.memory_space<vmem_shared>> -> memref<80x48xf32, #tpu.memory_space<vmem_shared>>
      %dma_wait3A_171 = arith.constant 0 : i32
      %dma_wait3A_172 = tpu.memref_slice %arg15[%add3A_29, %dma_wait3A_171] : memref<10240x48xf32, #tpu.memory_space<vmem_shared>> -> memref<80x48xf32, #tpu.memory_space<vmem_shared>>
      tpu.wait_dma2 semaphore(%run_scoped3A : memref<!tpu.dma_semaphore, #tpu.memory_space<semaphore_mem>>) src(%arg11 : memref<80x48xf32, #tpu.memory_space<vmem>>) dst(%dma_wait3A_172 : memref<80x48xf32, #tpu.memory_space<vmem_shared>>)
      tpu.yield
    }) : () -> ()
    %mul3A_30 = arith.constant 640 : i32
    %mul3A_31 = arith.muli %arg1, %mul3A_30 : i32
    %add3A_32 = arith.constant 480 : i32
    %add3A_33 = arith.addi %mul3A_31, %add3A_32 : i32
    "tpu.region"() ({
      %run_scoped3A = tpu.sem_alloc : memref<!tpu.dma_semaphore, #tpu.memory_space<semaphore_mem>>
      %dma_start3A_165 = arith.constant 0 : i32
      %dma_start3A_166 = tpu.memref_slice %arg15[%add3A_33, %dma_start3A_165] : memref<10240x48xf32, #tpu.memory_space<vmem_shared>> -> memref<80x48xf32, #tpu.memory_space<vmem_shared>>
      %dma_start3A_167 = arith.constant 0 : i32
      %dma_start3A_168 = tpu.memref_slice %arg15[%add3A_33, %dma_start3A_167] : memref<10240x48xf32, #tpu.memory_space<vmem_shared>> -> memref<80x48xf32, #tpu.memory_space<vmem_shared>>
      tpu.enqueue_dma source(%arg11 : memref<80x48xf32, #tpu.memory_space<vmem>>) target(%dma_start3A_168 : memref<80x48xf32, #tpu.memory_space<vmem_shared>>) target_semaphore(%run_scoped3A : memref<!tpu.dma_semaphore, #tpu.memory_space<semaphore_mem>>)
      %dma_wait3A_169 = arith.constant 0 : i32
      %dma_wait3A_170 = tpu.memref_slice %arg15[%add3A_33, %dma_wait3A_169] : memref<10240x48xf32, #tpu.memory_space<vmem_shared>> -> memref<80x48xf32, #tpu.memory_space<vmem_shared>>
      %dma_wait3A_171 = arith.constant 0 : i32
      %dma_wait3A_172 = tpu.memref_slice %arg15[%add3A_33, %dma_wait3A_171] : memref<10240x48xf32, #tpu.memory_space<vmem_shared>> -> memref<80x48xf32, #tpu.memory_space<vmem_shared>>
      tpu.wait_dma2 semaphore(%run_scoped3A : memref<!tpu.dma_semaphore, #tpu.memory_space<semaphore_mem>>) src(%arg11 : memref<80x48xf32, #tpu.memory_space<vmem>>) dst(%dma_wait3A_172 : memref<80x48xf32, #tpu.memory_space<vmem_shared>>)
      tpu.yield
    }) : () -> ()
    %mul3A_34 = arith.constant 640 : i32
    %mul3A_35 = arith.muli %arg1, %mul3A_34 : i32
    %add3A_36 = arith.constant 560 : i32
    %add3A_37 = arith.addi %mul3A_35, %add3A_36 : i32
    "tpu.region"() ({
      %run_scoped3A = tpu.sem_alloc : memref<!tpu.dma_semaphore, #tpu.memory_space<semaphore_mem>>
      %dma_start3A_165 = arith.constant 0 : i32
      %dma_start3A_166 = tpu.memref_slice %arg15[%add3A_37, %dma_start3A_165] : memref<10240x48xf32, #tpu.memory_space<vmem_shared>> -> memref<80x48xf32, #tpu.memory_space<vmem_shared>>
      %dma_start3A_167 = arith.constant 0 : i32
      %dma_start3A_168 = tpu.memref_slice %arg15[%add3A_37, %dma_start3A_167] : memref<10240x48xf32, #tpu.memory_space<vmem_shared>> -> memref<80x48xf32, #tpu.memory_space<vmem_shared>>
      tpu.enqueue_dma source(%arg11 : memref<80x48xf32, #tpu.memory_space<vmem>>) target(%dma_start3A_168 : memref<80x48xf32, #tpu.memory_space<vmem_shared>>) target_semaphore(%run_scoped3A : memref<!tpu.dma_semaphore, #tpu.memory_space<semaphore_mem>>)
      %dma_wait3A_169 = arith.constant 0 : i32
      %dma_wait3A_170 = tpu.memref_slice %arg15[%add3A_37, %dma_wait3A_169] : memref<10240x48xf32, #tpu.memory_space<vmem_shared>> -> memref<80x48xf32, #tpu.memory_space<vmem_shared>>
      %dma_wait3A_171 = arith.constant 0 : i32
      %dma_wait3A_172 = tpu.memref_slice %arg15[%add3A_37, %dma_wait3A_171] : memref<10240x48xf32, #tpu.memory_space<vmem_shared>> -> memref<80x48xf32, #tpu.memory_space<vmem_shared>>
      tpu.wait_dma2 semaphore(%run_scoped3A : memref<!tpu.dma_semaphore, #tpu.memory_space<semaphore_mem>>) src(%arg11 : memref<80x48xf32, #tpu.memory_space<vmem>>) dst(%dma_wait3A_172 : memref<80x48xf32, #tpu.memory_space<vmem_shared>>)
      tpu.yield
    }) : () -> ()
    "tpu.region"() ({
      %run_scoped3A = tpu.sem_alloc : memref<!tpu.dma_semaphore, #tpu.memory_space<semaphore_mem>>
      %dma_start3A_165 = arith.constant 0 : i32
      %dma_start3A_166 = arith.constant 0 : i32
      %dma_start3A_167 = tpu.memref_slice %arg4[%add3A, %dma_start3A_165, %dma_start3A_166] : memref<32x125x80xi32, #tpu.memory_space<hbm>> -> memref<1x125x80xi32, #tpu.memory_space<hbm>>
      %dma_start3A_168 = tpu.memref_squeeze %dma_start3A_167 : memref<1x125x80xi32, #tpu.memory_space<hbm>> -> memref<125x80xi32, #tpu.memory_space<hbm>>
      %dma_start3A_169 = arith.constant 0 : i32
      %dma_start3A_170 = arith.constant 0 : i32
      %dma_start3A_171 = tpu.memref_slice %arg4[%add3A, %dma_start3A_169, %dma_start3A_170] : memref<32x125x80xi32, #tpu.memory_space<hbm>> -> memref<1x125x80xi32, #tpu.memory_space<hbm>>
      %dma_start3A_172 = tpu.memref_squeeze %dma_start3A_171 : memref<1x125x80xi32, #tpu.memory_space<hbm>> -> memref<125x80xi32, #tpu.memory_space<hbm>>
      tpu.enqueue_dma source(%dma_start3A_172 : memref<125x80xi32, #tpu.memory_space<hbm>>) target(%arg6 : memref<125x80xi32, #tpu.memory_space<vmem>>) target_semaphore(%run_scoped3A : memref<!tpu.dma_semaphore, #tpu.memory_space<semaphore_mem>>)
      %dma_wait3A_173 = arith.constant 0 : i32
      %dma_wait3A_174 = arith.constant 0 : i32
      %dma_wait3A_175 = tpu.memref_slice %arg4[%add3A, %dma_wait3A_173, %dma_wait3A_174] : memref<32x125x80xi32, #tpu.memory_space<hbm>> -> memref<1x125x80xi32, #tpu.memory_space<hbm>>
      %dma_wait3A_176 = tpu.memref_squeeze %dma_wait3A_175 : memref<1x125x80xi32, #tpu.memory_space<hbm>> -> memref<125x80xi32, #tpu.memory_space<hbm>>
      %dma_wait3A_177 = arith.constant 0 : i32
      %dma_wait3A_178 = arith.constant 0 : i32
      %dma_wait3A_179 = tpu.memref_slice %arg4[%add3A, %dma_wait3A_177, %dma_wait3A_178] : memref<32x125x80xi32, #tpu.memory_space<hbm>> -> memref<1x125x80xi32, #tpu.memory_space<hbm>>
      %dma_wait3A_180 = tpu.memref_squeeze %dma_wait3A_179 : memref<1x125x80xi32, #tpu.memory_space<hbm>> -> memref<125x80xi32, #tpu.memory_space<hbm>>
      tpu.wait_dma2 semaphore(%run_scoped3A : memref<!tpu.dma_semaphore, #tpu.memory_space<semaphore_mem>>) src(%dma_wait3A_180 : memref<125x80xi32, #tpu.memory_space<hbm>>) dst(%arg6 : memref<125x80xi32, #tpu.memory_space<vmem>>)
      tpu.yield
    }) : () -> ()
    %barrier3A = arith.constant 0 : index
    tpu.barrier barrier_id(%barrier3A)
    %get3A = arith.constant 0 : i32
    %get3A_38 = arith.index_cast %get3A : i32 to index
    %get3A_39 = arith.constant 0 : index
    %get3A_40 = tpu.vector_load %arg6[%get3A_38, %get3A_39] {strides = array<i32>} : memref<125x80xi32, #tpu.memory_space<vmem>>, vector<1x16xi32>,
    %get3A_41 = vector.shape_cast %get3A_40 : vector<1x16xi32> to vector<16xi32>
    %and3A = arith.constant 65535 : i32
    %and3A_42 = vector.broadcast %and3A : i32 to vector<16xi32>
    %and3A_43 = arith.andi %get3A_41, %and3A_42 : vector<16xi32>
    %swap3A = arith.constant 0 : index
    %swap3A_44 = tpu.vector_load %arg7[%swap3A] {strides = array<i32>} : memref<80xi32, #tpu.memory_space<vmem>>, vector<16xi32>,
    %swap3A_45 = vector.shape_cast %swap3A_44 : vector<16xi32> to vector<16xi32>
    %swap3A_46 = vector.shape_cast %and3A_43 : vector<16xi32> to vector<16xi32>
    tpu.vector_store %arg7[%swap3A], %swap3A_46 {strides = array<i32>} : memref<80xi32, #tpu.memory_space<vmem>>, vector<16xi32>,
    %shift_right_logical3A = arith.constant 16 : i32
    %shift_right_logical3A_47 = vector.broadcast %shift_right_logical3A : i32 to vector<16xi32>
    %shift_right_logical3A_48 = arith.shrui %get3A_41, %shift_right_logical3A_47 : vector<16xi32>
    %swap3A_49 = arith.constant 0 : index
    %swap3A_50 = tpu.vector_load %arg8[%swap3A_49] {strides = array<i32>} : memref<80xi32, #tpu.memory_space<vmem>>, vector<16xi32>,
    %swap3A_51 = vector.shape_cast %swap3A_50 : vector<16xi32> to vector<16xi32>
    %swap3A_52 = vector.shape_cast %shift_right_logical3A_48 : vector<16xi32> to vector<16xi32>
    tpu.vector_store %arg8[%swap3A_49], %swap3A_52 {strides = array<i32>} : memref<80xi32, #tpu.memory_space<vmem>>, vector<16xi32>,
    %get3A_53 = arith.constant 0 : i32
    %get3A_54 = arith.index_cast %get3A_53 : i32 to index
    %get3A_55 = arith.constant 16 : index
    %get3A_56 = tpu.vector_load %arg6[%get3A_54, %get3A_55] {strides = array<i32>} : memref<125x80xi32, #tpu.memory_space<vmem>>, vector<1x16xi32>,
    %get3A_57 = vector.shape_cast %get3A_56 : vector<1x16xi32> to vector<16xi32>
    %and3A_58 = arith.constant 65535 : i32
    %and3A_59 = vector.broadcast %and3A_58 : i32 to vector<16xi32>
    %and3A_60 = arith.andi %get3A_57, %and3A_59 : vector<16xi32>
    %swap3A_61 = arith.constant 16 : index
    %swap3A_62 = tpu.vector_load %arg7[%swap3A_61] {strides = array<i32>} : memref<80xi32, #tpu.memory_space<vmem>>, vector<16xi32>,
    %swap3A_63 = vector.shape_cast %swap3A_62 : vector<16xi32> to vector<16xi32>
    %swap3A_64 = vector.shape_cast %and3A_60 : vector<16xi32> to vector<16xi32>
    tpu.vector_store %arg7[%swap3A_61], %swap3A_64 {strides = array<i32>} : memref<80xi32, #tpu.memory_space<vmem>>, vector<16xi32>,
    %shift_right_logical3A_65 = arith.constant 16 : i32
    %shift_right_logical3A_66 = vector.broadcast %shift_right_logical3A_65 : i32 to vector<16xi32>
    %shift_right_logical3A_67 = arith.shrui %get3A_57, %shift_right_logical3A_66 : vector<16xi32>
    %swap3A_68 = arith.constant 16 : index
    %swap3A_69 = tpu.vector_load %arg8[%swap3A_68] {strides = array<i32>} : memref<80xi32, #tpu.memory_space<vmem>>, vector<16xi32>,
    %swap3A_70 = vector.shape_cast %swap3A_69 : vector<16xi32> to vector<16xi32>
    %swap3A_71 = vector.shape_cast %shift_right_logical3A_67 : vector<16xi32> to vector<16xi32>
    tpu.vector_store %arg8[%swap3A_68], %swap3A_71 {strides = array<i32>} : memref<80xi32, #tpu.memory_space<vmem>>, vector<16xi32>,
    %get3A_72 = arith.constant 0 : i32
    %get3A_73 = arith.index_cast %get3A_72 : i32 to index
    %get3A_74 = arith.constant 32 : index
    %get3A_75 = tpu.vector_load %arg6[%get3A_73, %get3A_74] {strides = array<i32>} : memref<125x80xi32, #tpu.memory_space<vmem>>, vector<1x16xi32>,
    %get3A_76 = vector.shape_cast %get3A_75 : vector<1x16xi32> to vector<16xi32>
    %and3A_77 = arith.constant 65535 : i32
    %and3A_78 = vector.broadcast %and3A_77 : i32 to vector<16xi32>
    %and3A_79 = arith.andi %get3A_76, %and3A_78 : vector<16xi32>
    %swap3A_80 = arith.constant 32 : index
    %swap3A_81 = tpu.vector_load %arg7[%swap3A_80] {strides = array<i32>} : memref<80xi32, #tpu.memory_space<vmem>>, vector<16xi32>,
    %swap3A_82 = vector.shape_cast %swap3A_81 : vector<16xi32> to vector<16xi32>
    %swap3A_83 = vector.shape_cast %and3A_79 : vector<16xi32> to vector<16xi32>
    tpu.vector_store %arg7[%swap3A_80], %swap3A_83 {strides = array<i32>} : memref<80xi32, #tpu.memory_space<vmem>>, vector<16xi32>,
    %shift_right_logical3A_84 = arith.constant 16 : i32
    %shift_right_logical3A_85 = vector.broadcast %shift_right_logical3A_84 : i32 to vector<16xi32>
    %shift_right_logical3A_86 = arith.shrui %get3A_76, %shift_right_logical3A_85 : vector<16xi32>
    %swap3A_87 = arith.constant 32 : index
    %swap3A_88 = tpu.vector_load %arg8[%swap3A_87] {strides = array<i32>} : memref<80xi32, #tpu.memory_space<vmem>>, vector<16xi32>,
    %swap3A_89 = vector.shape_cast %swap3A_88 : vector<16xi32> to vector<16xi32>
    %swap3A_90 = vector.shape_cast %shift_right_logical3A_86 : vector<16xi32> to vector<16xi32>
    tpu.vector_store %arg8[%swap3A_87], %swap3A_90 {strides = array<i32>} : memref<80xi32, #tpu.memory_space<vmem>>, vector<16xi32>,
    %get3A_91 = arith.constant 0 : i32
    %get3A_92 = arith.index_cast %get3A_91 : i32 to index
    %get3A_93 = arith.constant 48 : index
    %get3A_94 = tpu.vector_load %arg6[%get3A_92, %get3A_93] {strides = array<i32>} : memref<125x80xi32, #tpu.memory_space<vmem>>, vector<1x16xi32>,
    %get3A_95 = vector.shape_cast %get3A_94 : vector<1x16xi32> to vector<16xi32>
    %and3A_96 = arith.constant 65535 : i32
    %and3A_97 = vector.broadcast %and3A_96 : i32 to vector<16xi32>
    %and3A_98 = arith.andi %get3A_95, %and3A_97 : vector<16xi32>
    %swap3A_99 = arith.constant 48 : index
    %swap3A_100 = tpu.vector_load %arg7[%swap3A_99] {strides = array<i32>} : memref<80xi32, #tpu.memory_space<vmem>>, vector<16xi32>,
    %swap3A_101 = vector.shape_cast %swap3A_100 : vector<16xi32> to vector<16xi32>
    %swap3A_102 = vector.shape_cast %and3A_98 : vector<16xi32> to vector<16xi32>
    tpu.vector_store %arg7[%swap3A_99], %swap3A_102 {strides = array<i32>} : memref<80xi32, #tpu.memory_space<vmem>>, vector<16xi32>,
    %shift_right_logical3A_103 = arith.constant 16 : i32
    %shift_right_logical3A_104 = vector.broadcast %shift_right_logical3A_103 : i32 to vector<16xi32>
    %shift_right_logical3A_105 = arith.shrui %get3A_95, %shift_right_logical3A_104 : vector<16xi32>
    %swap3A_106 = arith.constant 48 : index
    %swap3A_107 = tpu.vector_load %arg8[%swap3A_106] {strides = array<i32>} : memref<80xi32, #tpu.memory_space<vmem>>, vector<16xi32>,
    %swap3A_108 = vector.shape_cast %swap3A_107 : vector<16xi32> to vector<16xi32>
    %swap3A_109 = vector.shape_cast %shift_right_logical3A_105 : vector<16xi32> to vector<16xi32>
    tpu.vector_store %arg8[%swap3A_106], %swap3A_109 {strides = array<i32>} : memref<80xi32, #tpu.memory_space<vmem>>, vector<16xi32>,
    %get3A_110 = arith.constant 0 : i32
    %get3A_111 = arith.index_cast %get3A_110 : i32 to index
    %get3A_112 = arith.constant 64 : index
    %get3A_113 = tpu.vector_load %arg6[%get3A_111, %get3A_112] {strides = array<i32>} : memref<125x80xi32, #tpu.memory_space<vmem>>, vector<1x16xi32>,
    %get3A_114 = vector.shape_cast %get3A_113 : vector<1x16xi32> to vector<16xi32>
    %and3A_115 = arith.constant 65535 : i32
    %and3A_116 = vector.broadcast %and3A_115 : i32 to vector<16xi32>
    %and3A_117 = arith.andi %get3A_114, %and3A_116 : vector<16xi32>
    %swap3A_118 = arith.constant 64 : index
    %swap3A_119 = tpu.vector_load %arg7[%swap3A_118] {strides = array<i32>} : memref<80xi32, #tpu.memory_space<vmem>>, vector<16xi32>,
    %swap3A_120 = vector.shape_cast %swap3A_119 : vector<16xi32> to vector<16xi32>
    %swap3A_121 = vector.shape_cast %and3A_117 : vector<16xi32> to vector<16xi32>
    tpu.vector_store %arg7[%swap3A_118], %swap3A_121 {strides = array<i32>} : memref<80xi32, #tpu.memory_space<vmem>>, vector<16xi32>,
    %shift_right_logical3A_122 = arith.constant 16 : i32
    %shift_right_logical3A_123 = vector.broadcast %shift_right_logical3A_122 : i32 to vector<16xi32>
    %shift_right_logical3A_124 = arith.shrui %get3A_114, %shift_right_logical3A_123 : vector<16xi32>
    %swap3A_125 = arith.constant 64 : index
    %swap3A_126 = tpu.vector_load %arg8[%swap3A_125] {strides = array<i32>} : memref<80xi32, #tpu.memory_space<vmem>>, vector<16xi32>,
    %swap3A_127 = vector.shape_cast %swap3A_126 : vector<16xi32> to vector<16xi32>
    %swap3A_128 = vector.shape_cast %shift_right_logical3A_124 : vector<16xi32> to vector<16xi32>
    tpu.vector_store %arg8[%swap3A_125], %swap3A_128 {strides = array<i32>} : memref<80xi32, #tpu.memory_space<vmem>>, vector<16xi32>,
    %dma_start3A = arith.constant 0 : i32
    %dma_start3A_129 = arith.constant 0 : i32
    %dma_start3A_130 = tpu.memref_slice %arg2[%dma_start3A, %dma_start3A_129] : memref<10000x48xf32, #tpu.memory_space<hbm>> -> memref<10000x48xf32, #tpu.memory_space<hbm>>
    tpu.enqueue_indirect_dma source(%dma_start3A_130 : memref<10000x48xf32, #tpu.memory_space<hbm>>) target(%arg11 : memref<80x48xf32, #tpu.memory_space<vmem>>) offsets(%arg7 : memref<80xi32, #tpu.memory_space<vmem>>) semaphore(%arg16 : memref<!tpu.dma_semaphore, #tpu.memory_space<semaphore_mem>>)
    %dma_start3A_131 = arith.constant 0 : i32
    %dma_start3A_132 = arith.constant 0 : i32
    %dma_start3A_133 = tpu.memref_slice %arg3[%dma_start3A_131, %dma_start3A_132] : memref<10000x16xf32, #tpu.memory_space<hbm>> -> memref<10000x16xf32, #tpu.memory_space<hbm>>
    tpu.enqueue_indirect_dma source(%dma_start3A_133 : memref<10000x16xf32, #tpu.memory_space<hbm>>) target(%arg13 : memref<80x16xf32, #tpu.memory_space<vmem>>) offsets(%arg8 : memref<80xi32, #tpu.memory_space<vmem>>) semaphore(%arg18 : memref<!tpu.dma_semaphore, #tpu.memory_space<semaphore_mem>>)
    %scan3A_134 = arith.constant 0 : i32
    %scan3A_135 = arith.constant 0 : i32
    %scan3A_136 = arith.constant 62 : i32
    %scan3A_137 = arith.addi %scan3A_135, %scan3A_136 : i32
    %scan3A_138 = arith.constant 1 : i32
    scf.for %scan3A_165 = %scan3A_135 to %scan3A_137 step %scan3A_138  : i32 {
      %mul3A_166 = arith.constant 2 : i32
      %mul3A_167 = arith.muli %mul3A_166, %scan3A_165 : i32
      %add3A_168 = arith.constant 1 : i32
      %add3A_169 = arith.addi %mul3A_167, %add3A_168 : i32
      %gt3A = arith.constant 0 : i32
      %gt3A_170 = arith.cmpi sgt, %scan3A_165, %gt3A : i32
      %convert_element_type3A = arith.extui %gt3A_170 : i1 to i32
      %cond3A = arith.constant 0 : i32
      %cond3A_171 = arith.cmpi ne, %convert_element_type3A, %cond3A : i32
      scf.if %cond3A_171 {
        %dma_wait3A_399 = arith.constant 0 : i32
        %dma_wait3A_400 = arith.constant 0 : i32
        %dma_wait3A_401 = tpu.memref_slice %arg15[%dma_wait3A_399, %dma_wait3A_400] : memref<10240x48xf32, #tpu.memory_space<vmem_shared>> -> memref<10240x48xf32, #tpu.memory_space<vmem_shared>>
        tpu.wait_indirect_dma semaphore(%arg21 : memref<!tpu.dma_semaphore, #tpu.memory_space<semaphore_mem>>) src(%arg12 : memref<80x48xf32, #tpu.memory_space<vmem>>) dst(%dma_wait3A_401 : memref<10240x48xf32, #tpu.memory_space<vmem_shared>>)
      } else {
      }
      %get3A_172 = arith.index_cast %add3A_169 : i32 to index
      %get3A_173 = arith.constant 0 : index
      %get3A_174 = tpu.vector_load %arg6[%get3A_172, %get3A_173] {strides = array<i32>} : memref<125x80xi32, #tpu.memory_space<vmem>>, vector<1x16xi32>,
      %get3A_175 = vector.shape_cast %get3A_174 : vector<1x16xi32> to vector<16xi32>
      %and3A_176 = arith.constant 65535 : i32
      %and3A_177 = vector.broadcast %and3A_176 : i32 to vector<16xi32>
      %and3A_178 = arith.andi %get3A_175, %and3A_177 : vector<16xi32>
      %swap3A_179 = arith.constant 0 : index
      %swap3A_180 = tpu.vector_load %arg9[%swap3A_179] {strides = array<i32>} : memref<80xi32, #tpu.memory_space<vmem>>, vector<16xi32>,
      %swap3A_181 = vector.shape_cast %swap3A_180 : vector<16xi32> to vector<16xi32>
      %swap3A_182 = vector.shape_cast %and3A_178 : vector<16xi32> to vector<16xi32>
      tpu.vector_store %arg9[%swap3A_179], %swap3A_182 {strides = array<i32>} : memref<80xi32, #tpu.memory_space<vmem>>, vector<16xi32>,
      %shift_right_logical3A_183 = arith.constant 16 : i32
      %shift_right_logical3A_184 = vector.broadcast %shift_right_logical3A_183 : i32 to vector<16xi32>
      %shift_right_logical3A_185 = arith.shrui %get3A_175, %shift_right_logical3A_184 : vector<16xi32>
      %swap3A_186 = arith.constant 0 : index
      %swap3A_187 = tpu.vector_load %arg10[%swap3A_186] {strides = array<i32>} : memref<80xi32, #tpu.memory_space<vmem>>, vector<16xi32>,
      %swap3A_188 = vector.shape_cast %swap3A_187 : vector<16xi32> to vector<16xi32>
      %swap3A_189 = vector.shape_cast %shift_right_logical3A_185 : vector<16xi32> to vector<16xi32>
      tpu.vector_store %arg10[%swap3A_186], %swap3A_189 {strides = array<i32>} : memref<80xi32, #tpu.memory_space<vmem>>, vector<16xi32>,
      %get3A_190 = arith.index_cast %add3A_169 : i32 to index
      %get3A_191 = arith.constant 16 : index
      %get3A_192 = tpu.vector_load %arg6[%get3A_190, %get3A_191] {strides = array<i32>} : memref<125x80xi32, #tpu.memory_space<vmem>>, vector<1x16xi32>,
      %get3A_193 = vector.shape_cast %get3A_192 : vector<1x16xi32> to vector<16xi32>
      %and3A_194 = arith.constant 65535 : i32
      %and3A_195 = vector.broadcast %and3A_194 : i32 to vector<16xi32>
      %and3A_196 = arith.andi %get3A_193, %and3A_195 : vector<16xi32>
      %swap3A_197 = arith.constant 16 : index
      %swap3A_198 = tpu.vector_load %arg9[%swap3A_197] {strides = array<i32>} : memref<80xi32, #tpu.memory_space<vmem>>, vector<16xi32>,
      %swap3A_199 = vector.shape_cast %swap3A_198 : vector<16xi32> to vector<16xi32>
      %swap3A_200 = vector.shape_cast %and3A_196 : vector<16xi32> to vector<16xi32>
      tpu.vector_store %arg9[%swap3A_197], %swap3A_200 {strides = array<i32>} : memref<80xi32, #tpu.memory_space<vmem>>, vector<16xi32>,
      %shift_right_logical3A_201 = arith.constant 16 : i32
      %shift_right_logical3A_202 = vector.broadcast %shift_right_logical3A_201 : i32 to vector<16xi32>
      %shift_right_logical3A_203 = arith.shrui %get3A_193, %shift_right_logical3A_202 : vector<16xi32>
      %swap3A_204 = arith.constant 16 : index
      %swap3A_205 = tpu.vector_load %arg10[%swap3A_204] {strides = array<i32>} : memref<80xi32, #tpu.memory_space<vmem>>, vector<16xi32>,
      %swap3A_206 = vector.shape_cast %swap3A_205 : vector<16xi32> to vector<16xi32>
      %swap3A_207 = vector.shape_cast %shift_right_logical3A_203 : vector<16xi32> to vector<16xi32>
      tpu.vector_store %arg10[%swap3A_204], %swap3A_207 {strides = array<i32>} : memref<80xi32, #tpu.memory_space<vmem>>, vector<16xi32>,
      %get3A_208 = arith.index_cast %add3A_169 : i32 to index
      %get3A_209 = arith.constant 32 : index
      %get3A_210 = tpu.vector_load %arg6[%get3A_208, %get3A_209] {strides = array<i32>} : memref<125x80xi32, #tpu.memory_space<vmem>>, vector<1x16xi32>,
      %get3A_211 = vector.shape_cast %get3A_210 : vector<1x16xi32> to vector<16xi32>
      %and3A_212 = arith.constant 65535 : i32
      %and3A_213 = vector.broadcast %and3A_212 : i32 to vector<16xi32>
      %and3A_214 = arith.andi %get3A_211, %and3A_213 : vector<16xi32>
      %swap3A_215 = arith.constant 32 : index
      %swap3A_216 = tpu.vector_load %arg9[%swap3A_215] {strides = array<i32>} : memref<80xi32, #tpu.memory_space<vmem>>, vector<16xi32>,
      %swap3A_217 = vector.shape_cast %swap3A_216 : vector<16xi32> to vector<16xi32>
      %swap3A_218 = vector.shape_cast %and3A_214 : vector<16xi32> to vector<16xi32>
      tpu.vector_store %arg9[%swap3A_215], %swap3A_218 {strides = array<i32>} : memref<80xi32, #tpu.memory_space<vmem>>, vector<16xi32>,
      %shift_right_logical3A_219 = arith.constant 16 : i32
      %shift_right_logical3A_220 = vector.broadcast %shift_right_logical3A_219 : i32 to vector<16xi32>
      %shift_right_logical3A_221 = arith.shrui %get3A_211, %shift_right_logical3A_220 : vector<16xi32>
      %swap3A_222 = arith.constant 32 : index
      %swap3A_223 = tpu.vector_load %arg10[%swap3A_222] {strides = array<i32>} : memref<80xi32, #tpu.memory_space<vmem>>, vector<16xi32>,
      %swap3A_224 = vector.shape_cast %swap3A_223 : vector<16xi32> to vector<16xi32>
      %swap3A_225 = vector.shape_cast %shift_right_logical3A_221 : vector<16xi32> to vector<16xi32>
      tpu.vector_store %arg10[%swap3A_222], %swap3A_225 {strides = array<i32>} : memref<80xi32, #tpu.memory_space<vmem>>, vector<16xi32>,
      %get3A_226 = arith.index_cast %add3A_169 : i32 to index
      %get3A_227 = arith.constant 48 : index
      %get3A_228 = tpu.vector_load %arg6[%get3A_226, %get3A_227] {strides = array<i32>} : memref<125x80xi32, #tpu.memory_space<vmem>>, vector<1x16xi32>,
      %get3A_229 = vector.shape_cast %get3A_228 : vector<1x16xi32> to vector<16xi32>
      %and3A_230 = arith.constant 65535 : i32
      %and3A_231 = vector.broadcast %and3A_230 : i32 to vector<16xi32>
      %and3A_232 = arith.andi %get3A_229, %and3A_231 : vector<16xi32>
      %swap3A_233 = arith.constant 48 : index
      %swap3A_234 = tpu.vector_load %arg9[%swap3A_233] {strides = array<i32>} : memref<80xi32, #tpu.memory_space<vmem>>, vector<16xi32>,
      %swap3A_235 = vector.shape_cast %swap3A_234 : vector<16xi32> to vector<16xi32>
      %swap3A_236 = vector.shape_cast %and3A_232 : vector<16xi32> to vector<16xi32>
      tpu.vector_store %arg9[%swap3A_233], %swap3A_236 {strides = array<i32>} : memref<80xi32, #tpu.memory_space<vmem>>, vector<16xi32>,
      %shift_right_logical3A_237 = arith.constant 16 : i32
      %shift_right_logical3A_238 = vector.broadcast %shift_right_logical3A_237 : i32 to vector<16xi32>
      %shift_right_logical3A_239 = arith.shrui %get3A_229, %shift_right_logical3A_238 : vector<16xi32>
      %swap3A_240 = arith.constant 48 : index
      %swap3A_241 = tpu.vector_load %arg10[%swap3A_240] {strides = array<i32>} : memref<80xi32, #tpu.memory_space<vmem>>, vector<16xi32>,
      %swap3A_242 = vector.shape_cast %swap3A_241 : vector<16xi32> to vector<16xi32>
      %swap3A_243 = vector.shape_cast %shift_right_logical3A_239 : vector<16xi32> to vector<16xi32>
      tpu.vector_store %arg10[%swap3A_240], %swap3A_243 {strides = array<i32>} : memref<80xi32, #tpu.memory_space<vmem>>, vector<16xi32>,
      %get3A_244 = arith.index_cast %add3A_169 : i32 to index
      %get3A_245 = arith.constant 64 : index
      %get3A_246 = tpu.vector_load %arg6[%get3A_244, %get3A_245] {strides = array<i32>} : memref<125x80xi32, #tpu.memory_space<vmem>>, vector<1x16xi32>,
      %get3A_247 = vector.shape_cast %get3A_246 : vector<1x16xi32> to vector<16xi32>
      %and3A_248 = arith.constant 65535 : i32
      %and3A_249 = vector.broadcast %and3A_248 : i32 to vector<16xi32>
      %and3A_250 = arith.andi %get3A_247, %and3A_249 : vector<16xi32>
      %swap3A_251 = arith.constant 64 : index
      %swap3A_252 = tpu.vector_load %arg9[%swap3A_251] {strides = array<i32>} : memref<80xi32, #tpu.memory_space<vmem>>, vector<16xi32>,
      %swap3A_253 = vector.shape_cast %swap3A_252 : vector<16xi32> to vector<16xi32>
      %swap3A_254 = vector.shape_cast %and3A_250 : vector<16xi32> to vector<16xi32>
      tpu.vector_store %arg9[%swap3A_251], %swap3A_254 {strides = array<i32>} : memref<80xi32, #tpu.memory_space<vmem>>, vector<16xi32>,
      %shift_right_logical3A_255 = arith.constant 16 : i32
      %shift_right_logical3A_256 = vector.broadcast %shift_right_logical3A_255 : i32 to vector<16xi32>
      %shift_right_logical3A_257 = arith.shrui %get3A_247, %shift_right_logical3A_256 : vector<16xi32>
      %swap3A_258 = arith.constant 64 : index
      %swap3A_259 = tpu.vector_load %arg10[%swap3A_258] {strides = array<i32>} : memref<80xi32, #tpu.memory_space<vmem>>, vector<16xi32>,
      %swap3A_260 = vector.shape_cast %swap3A_259 : vector<16xi32> to vector<16xi32>
      %swap3A_261 = vector.shape_cast %shift_right_logical3A_257 : vector<16xi32> to vector<16xi32>
      tpu.vector_store %arg10[%swap3A_258], %swap3A_261 {strides = array<i32>} : memref<80xi32, #tpu.memory_space<vmem>>, vector<16xi32>,
      %dma_start3A_262 = arith.constant 0 : i32
      %dma_start3A_263 = arith.constant 0 : i32
      %dma_start3A_264 = tpu.memref_slice %arg2[%dma_start3A_262, %dma_start3A_263] : memref<10000x48xf32, #tpu.memory_space<hbm>> -> memref<10000x48xf32, #tpu.memory_space<hbm>>
      tpu.enqueue_indirect_dma source(%dma_start3A_264 : memref<10000x48xf32, #tpu.memory_space<hbm>>) target(%arg12 : memref<80x48xf32, #tpu.memory_space<vmem>>) offsets(%arg9 : memref<80xi32, #tpu.memory_space<vmem>>) semaphore(%arg17 : memref<!tpu.dma_semaphore, #tpu.memory_space<semaphore_mem>>)
      %dma_start3A_265 = arith.constant 0 : i32
      %dma_start3A_266 = arith.constant 0 : i32
      %dma_start3A_267 = tpu.memref_slice %arg3[%dma_start3A_265, %dma_start3A_266] : memref<10000x16xf32, #tpu.memory_space<hbm>> -> memref<10000x16xf32, #tpu.memory_space<hbm>>
      tpu.enqueue_indirect_dma source(%dma_start3A_267 : memref<10000x16xf32, #tpu.memory_space<hbm>>) target(%arg14 : memref<80x16xf32, #tpu.memory_space<vmem>>) offsets(%arg10 : memref<80xi32, #tpu.memory_space<vmem>>) semaphore(%arg19 : memref<!tpu.dma_semaphore, #tpu.memory_space<semaphore_mem>>)
      %dma_wait3A_268 = arith.constant 0 : i32
      %dma_wait3A_269 = arith.constant 0 : i32
      %dma_wait3A_270 = tpu.memref_slice %arg2[%dma_wait3A_268, %dma_wait3A_269] : memref<10000x48xf32, #tpu.memory_space<hbm>> -> memref<10000x48xf32, #tpu.memory_space<hbm>>
      tpu.wait_indirect_dma semaphore(%arg16 : memref<!tpu.dma_semaphore, #tpu.memory_space<semaphore_mem>>) src(%dma_wait3A_270 : memref<10000x48xf32, #tpu.memory_space<hbm>>) dst(%arg11 : memref<80x48xf32, #tpu.memory_space<vmem>>)
      %dma_wait3A_271 = arith.constant 0 : i32
      %dma_wait3A_272 = arith.constant 0 : i32
      %dma_wait3A_273 = tpu.memref_slice %arg3[%dma_wait3A_271, %dma_wait3A_272] : memref<10000x16xf32, #tpu.memory_space<hbm>> -> memref<10000x16xf32, #tpu.memory_space<hbm>>
      tpu.wait_indirect_dma semaphore(%arg18 : memref<!tpu.dma_semaphore, #tpu.memory_space<semaphore_mem>>) src(%dma_wait3A_273 : memref<10000x16xf32, #tpu.memory_space<hbm>>) dst(%arg13 : memref<80x16xf32, #tpu.memory_space<vmem>>)
      %scan3A_274 = arith.constant 0 : i32
      %scan3A_275 = arith.constant 0 : i32
      %scan3A_276 = arith.constant 80 : i32
      %scan3A_277 = arith.addi %scan3A_275, %scan3A_276 : i32
      %scan3A_278 = arith.constant 4 : i32
      scf.for %scan3A_399 = %scan3A_275 to %scan3A_277 step %scan3A_278  : i32 {
        %get3A_400 = arith.index_cast %scan3A_399 : i32 to index
        %get3A_401 = arith.constant 32 : index
        %get3A_402 = tpu.vector_load %arg11[%get3A_400, %get3A_401] {strides = array<i32>} : memref<80x48xf32, #tpu.memory_space<vmem>>, vector<1x16xf32>,
        %get3A_403 = vector.shape_cast %get3A_402 : vector<1x16xf32> to vector<16xf32>
        %get3A_404 = arith.index_cast %scan3A_399 : i32 to index
        %get3A_405 = arith.constant 0 : index
        %get3A_406 = tpu.vector_load %arg13[%get3A_404, %get3A_405] {strides = array<i32>} : memref<80x16xf32, #tpu.memory_space<vmem>>, vector<1x16xf32>,
        %get3A_407 = vector.shape_cast %get3A_406 : vector<1x16xf32> to vector<16xf32>
        %slice3A = vector.extract_strided_slice %get3A_403 {offsets = [9], sizes = [1], strides = [1]} : vector<16xf32> to vector<1xf32>
        %squeeze3A = vector.extract %slice3A[0] : f32 from vector<1xf32>
        %slice3A_408 = vector.extract_strided_slice %get3A_407 {offsets = [0], sizes = [1], strides = [1]} : vector<16xf32> to vector<1xf32>
        %squeeze3A_409 = vector.extract %slice3A_408[0] : f32 from vector<1xf32>
        %add3A_410 = arith.addf %squeeze3A, %squeeze3A_409 : f32
        %gt3A_411 = arith.constant 0.000000e+00 : f32
        %gt3A_412 = arith.cmpf ogt, %add3A_410, %gt3A_411 : f32
        %mul3A_413 = arith.constant 2.000000e-01 : f32
        %mul3A_414 = arith.mulf %add3A_410, %mul3A_413 : f32
        %select_n3A = arith.select %gt3A_412, %add3A_410, %mul3A_414 : f32
        %broadcast_in_dim3A = vector.broadcast %select_n3A : f32 to vector<16xf32>
        %exp3A = math.exp %broadcast_in_dim3A : vector<16xf32>
        %get3A_415 = arith.index_cast %scan3A_399 : i32 to index
        %get3A_416 = arith.constant 0 : index
        %get3A_417 = tpu.vector_load %arg11[%get3A_415, %get3A_416] {strides = array<i32>} : memref<80x48xf32, #tpu.memory_space<vmem>>, vector<1x16xf32>,
        %get3A_418 = vector.shape_cast %get3A_417 : vector<1x16xf32> to vector<16xf32>
        %mul3A_419 = arith.mulf %get3A_418, %exp3A : vector<16xf32>
        %swap3A_420 = arith.index_cast %scan3A_399 : i32 to index
        %swap3A_421 = arith.constant 0 : index
        %swap3A_422 = tpu.vector_load %arg11[%swap3A_420, %swap3A_421] {strides = array<i32>} : memref<80x48xf32, #tpu.memory_space<vmem>>, vector<1x16xf32>,
        %swap3A_423 = vector.shape_cast %swap3A_422 : vector<1x16xf32> to vector<16xf32>
        %swap3A_424 = vector.shape_cast %mul3A_419 : vector<16xf32> to vector<1x16xf32>
        tpu.vector_store %arg11[%swap3A_420, %swap3A_421], %swap3A_424 {strides = array<i32>} : memref<80x48xf32, #tpu.memory_space<vmem>>, vector<1x16xf32>,
        %get3A_425 = arith.index_cast %scan3A_399 : i32 to index
        %get3A_426 = arith.constant 16 : index
        %get3A_427 = tpu.vector_load %arg11[%get3A_425, %get3A_426] {strides = array<i32>} : memref<80x48xf32, #tpu.memory_space<vmem>>, vector<1x16xf32>,
        %get3A_428 = vector.shape_cast %get3A_427 : vector<1x16xf32> to vector<16xf32>
        %mul3A_429 = arith.mulf %get3A_428, %exp3A : vector<16xf32>
        %swap3A_430 = arith.index_cast %scan3A_399 : i32 to index
        %swap3A_431 = arith.constant 16 : index
        %swap3A_432 = tpu.vector_load %arg11[%swap3A_430, %swap3A_431] {strides = array<i32>} : memref<80x48xf32, #tpu.memory_space<vmem>>, vector<1x16xf32>,
        %swap3A_433 = vector.shape_cast %swap3A_432 : vector<1x16xf32> to vector<16xf32>
        %swap3A_434 = vector.shape_cast %mul3A_429 : vector<16xf32> to vector<1x16xf32>
        tpu.vector_store %arg11[%swap3A_430, %swap3A_431], %swap3A_434 {strides = array<i32>} : memref<80x48xf32, #tpu.memory_space<vmem>>, vector<1x16xf32>,
        %get3A_435 = arith.index_cast %scan3A_399 : i32 to index
        %get3A_436 = arith.constant 32 : index
        %get3A_437 = tpu.vector_load %arg11[%get3A_435, %get3A_436] {strides = array<i32>} : memref<80x48xf32, #tpu.memory_space<vmem>>, vector<1x16xf32>,
        %get3A_438 = vector.shape_cast %get3A_437 : vector<1x16xf32> to vector<16xf32>
        %mul3A_439 = arith.mulf %get3A_438, %exp3A : vector<16xf32>
        %swap3A_440 = arith.index_cast %scan3A_399 : i32 to index
        %swap3A_441 = arith.constant 32 : index
        %swap3A_442 = tpu.vector_load %arg11[%swap3A_440, %swap3A_441] {strides = array<i32>} : memref<80x48xf32, #tpu.memory_space<vmem>>, vector<1x16xf32>,
        %swap3A_443 = vector.shape_cast %swap3A_442 : vector<1x16xf32> to vector<16xf32>
        %swap3A_444 = vector.shape_cast %mul3A_439 : vector<16xf32> to vector<1x16xf32>
        tpu.vector_store %arg11[%swap3A_440, %swap3A_441], %swap3A_444 {strides = array<i32>} : memref<80x48xf32, #tpu.memory_space<vmem>>, vector<1x16xf32>,
        %scan3A_445 = arith.constant 1 : i32
        %scan3A_446 = arith.addi %scan3A_399, %scan3A_445 : i32
        %get3A_447 = arith.index_cast %scan3A_446 : i32 to index
        %get3A_448 = arith.constant 32 : index
        %get3A_449 = tpu.vector_load %arg11[%get3A_447, %get3A_448] {strides = array<i32>} : memref<80x48xf32, #tpu.memory_space<vmem>>, vector<1x16xf32>,
        %get3A_450 = vector.shape_cast %get3A_449 : vector<1x16xf32> to vector<16xf32>
        %get3A_451 = arith.index_cast %scan3A_446 : i32 to index
        %get3A_452 = arith.constant 0 : index
        %get3A_453 = tpu.vector_load %arg13[%get3A_451, %get3A_452] {strides = array<i32>} : memref<80x16xf32, #tpu.memory_space<vmem>>, vector<1x16xf32>,
        %get3A_454 = vector.shape_cast %get3A_453 : vector<1x16xf32> to vector<16xf32>
        %slice3A_455 = vector.extract_strided_slice %get3A_450 {offsets = [9], sizes = [1], strides = [1]} : vector<16xf32> to vector<1xf32>
        %squeeze3A_456 = vector.extract %slice3A_455[0] : f32 from vector<1xf32>
        %slice3A_457 = vector.extract_strided_slice %get3A_454 {offsets = [0], sizes = [1], strides = [1]} : vector<16xf32> to vector<1xf32>
        %squeeze3A_458 = vector.extract %slice3A_457[0] : f32 from vector<1xf32>
        %add3A_459 = arith.addf %squeeze3A_456, %squeeze3A_458 : f32
        %gt3A_460 = arith.constant 0.000000e+00 : f32
        %gt3A_461 = arith.cmpf ogt, %add3A_459, %gt3A_460 : f32
        %mul3A_462 = arith.constant 2.000000e-01 : f32
        %mul3A_463 = arith.mulf %add3A_459, %mul3A_462 : f32
        %select_n3A_464 = arith.select %gt3A_461, %add3A_459, %mul3A_463 : f32
        %broadcast_in_dim3A_465 = vector.broadcast %select_n3A_464 : f32 to vector<16xf32>
        %exp3A_466 = math.exp %broadcast_in_dim3A_465 : vector<16xf32>
        %get3A_467 = arith.index_cast %scan3A_446 : i32 to index
        %get3A_468 = arith.constant 0 : index
        %get3A_469 = tpu.vector_load %arg11[%get3A_467, %get3A_468] {strides = array<i32>} : memref<80x48xf32, #tpu.memory_space<vmem>>, vector<1x16xf32>,
        %get3A_470 = vector.shape_cast %get3A_469 : vector<1x16xf32> to vector<16xf32>
        %mul3A_471 = arith.mulf %get3A_470, %exp3A_466 : vector<16xf32>
        %swap3A_472 = arith.index_cast %scan3A_446 : i32 to index
        %swap3A_473 = arith.constant 0 : index
        %swap3A_474 = tpu.vector_load %arg11[%swap3A_472, %swap3A_473] {strides = array<i32>} : memref<80x48xf32, #tpu.memory_space<vmem>>, vector<1x16xf32>,
        %swap3A_475 = vector.shape_cast %swap3A_474 : vector<1x16xf32> to vector<16xf32>
        %swap3A_476 = vector.shape_cast %mul3A_471 : vector<16xf32> to vector<1x16xf32>
        tpu.vector_store %arg11[%swap3A_472, %swap3A_473], %swap3A_476 {strides = array<i32>} : memref<80x48xf32, #tpu.memory_space<vmem>>, vector<1x16xf32>,
        %get3A_477 = arith.index_cast %scan3A_446 : i32 to index
        %get3A_478 = arith.constant 16 : index
        %get3A_479 = tpu.vector_load %arg11[%get3A_477, %get3A_478] {strides = array<i32>} : memref<80x48xf32, #tpu.memory_space<vmem>>, vector<1x16xf32>,
        %get3A_480 = vector.shape_cast %get3A_479 : vector<1x16xf32> to vector<16xf32>
        %mul3A_481 = arith.mulf %get3A_480, %exp3A_466 : vector<16xf32>
        %swap3A_482 = arith.index_cast %scan3A_446 : i32 to index
        %swap3A_483 = arith.constant 16 : index
        %swap3A_484 = tpu.vector_load %arg11[%swap3A_482, %swap3A_483] {strides = array<i32>} : memref<80x48xf32, #tpu.memory_space<vmem>>, vector<1x16xf32>,
        %swap3A_485 = vector.shape_cast %swap3A_484 : vector<1x16xf32> to vector<16xf32>
        %swap3A_486 = vector.shape_cast %mul3A_481 : vector<16xf32> to vector<1x16xf32>
        tpu.vector_store %arg11[%swap3A_482, %swap3A_483], %swap3A_486 {strides = array<i32>} : memref<80x48xf32, #tpu.memory_space<vmem>>, vector<1x16xf32>,
        %get3A_487 = arith.index_cast %scan3A_446 : i32 to index
        %get3A_488 = arith.constant 32 : index
        %get3A_489 = tpu.vector_load %arg11[%get3A_487, %get3A_488] {strides = array<i32>} : memref<80x48xf32, #tpu.memory_space<vmem>>, vector<1x16xf32>,
        %get3A_490 = vector.shape_cast %get3A_489 : vector<1x16xf32> to vector<16xf32>
        %mul3A_491 = arith.mulf %get3A_490, %exp3A_466 : vector<16xf32>
        %swap3A_492 = arith.index_cast %scan3A_446 : i32 to index
        %swap3A_493 = arith.constant 32 : index
        %swap3A_494 = tpu.vector_load %arg11[%swap3A_492, %swap3A_493] {strides = array<i32>} : memref<80x48xf32, #tpu.memory_space<vmem>>, vector<1x16xf32>,
        %swap3A_495 = vector.shape_cast %swap3A_494 : vector<1x16xf32> to vector<16xf32>
        %swap3A_496 = vector.shape_cast %mul3A_491 : vector<16xf32> to vector<1x16xf32>
        tpu.vector_store %arg11[%swap3A_492, %swap3A_493], %swap3A_496 {strides = array<i32>} : memref<80x48xf32, #tpu.memory_space<vmem>>, vector<1x16xf32>,
        %scan3A_497 = arith.constant 2 : i32
        %scan3A_498 = arith.addi %scan3A_399, %scan3A_497 : i32
        %get3A_499 = arith.index_cast %scan3A_498 : i32 to index
        %get3A_500 = arith.constant 32 : index
        %get3A_501 = tpu.vector_load %arg11[%get3A_499, %get3A_500] {strides = array<i32>} : memref<80x48xf32, #tpu.memory_space<vmem>>, vector<1x16xf32>,
        %get3A_502 = vector.shape_cast %get3A_501 : vector<1x16xf32> to vector<16xf32>
        %get3A_503 = arith.index_cast %scan3A_498 : i32 to index
        %get3A_504 = arith.constant 0 : index
        %get3A_505 = tpu.vector_load %arg13[%get3A_503, %get3A_504] {strides = array<i32>} : memref<80x16xf32, #tpu.memory_space<vmem>>, vector<1x16xf32>,
        %get3A_506 = vector.shape_cast %get3A_505 : vector<1x16xf32> to vector<16xf32>
        %slice3A_507 = vector.extract_strided_slice %get3A_502 {offsets = [9], sizes = [1], strides = [1]} : vector<16xf32> to vector<1xf32>
        %squeeze3A_508 = vector.extract %slice3A_507[0] : f32 from vector<1xf32>
        %slice3A_509 = vector.extract_strided_slice %get3A_506 {offsets = [0], sizes = [1], strides = [1]} : vector<16xf32> to vector<1xf32>
        %squeeze3A_510 = vector.extract %slice3A_509[0] : f32 from vector<1xf32>
        %add3A_511 = arith.addf %squeeze3A_508, %squeeze3A_510 : f32
        %gt3A_512 = arith.constant 0.000000e+00 : f32
        %gt3A_513 = arith.cmpf ogt, %add3A_511, %gt3A_512 : f32
        %mul3A_514 = arith.constant 2.000000e-01 : f32
        %mul3A_515 = arith.mulf %add3A_511, %mul3A_514 : f32
        %select_n3A_516 = arith.select %gt3A_513, %add3A_511, %mul3A_515 : f32
        %broadcast_in_dim3A_517 = vector.broadcast %select_n3A_516 : f32 to vector<16xf32>
        %exp3A_518 = math.exp %broadcast_in_dim3A_517 : vector<16xf32>
        %get3A_519 = arith.index_cast %scan3A_498 : i32 to index
        %get3A_520 = arith.constant 0 : index
        %get3A_521 = tpu.vector_load %arg11[%get3A_519, %get3A_520] {strides = array<i32>} : memref<80x48xf32, #tpu.memory_space<vmem>>, vector<1x16xf32>,
        %get3A_522 = vector.shape_cast %get3A_521 : vector<1x16xf32> to vector<16xf32>
        %mul3A_523 = arith.mulf %get3A_522, %exp3A_518 : vector<16xf32>
        %swap3A_524 = arith.index_cast %scan3A_498 : i32 to index
        %swap3A_525 = arith.constant 0 : index
        %swap3A_526 = tpu.vector_load %arg11[%swap3A_524, %swap3A_525] {strides = array<i32>} : memref<80x48xf32, #tpu.memory_space<vmem>>, vector<1x16xf32>,
        %swap3A_527 = vector.shape_cast %swap3A_526 : vector<1x16xf32> to vector<16xf32>
        %swap3A_528 = vector.shape_cast %mul3A_523 : vector<16xf32> to vector<1x16xf32>
        tpu.vector_store %arg11[%swap3A_524, %swap3A_525], %swap3A_528 {strides = array<i32>} : memref<80x48xf32, #tpu.memory_space<vmem>>, vector<1x16xf32>,
        %get3A_529 = arith.index_cast %scan3A_498 : i32 to index
        %get3A_530 = arith.constant 16 : index
        %get3A_531 = tpu.vector_load %arg11[%get3A_529, %get3A_530] {strides = array<i32>} : memref<80x48xf32, #tpu.memory_space<vmem>>, vector<1x16xf32>,
        %get3A_532 = vector.shape_cast %get3A_531 : vector<1x16xf32> to vector<16xf32>
        %mul3A_533 = arith.mulf %get3A_532, %exp3A_518 : vector<16xf32>
        %swap3A_534 = arith.index_cast %scan3A_498 : i32 to index
        %swap3A_535 = arith.constant 16 : index
        %swap3A_536 = tpu.vector_load %arg11[%swap3A_534, %swap3A_535] {strides = array<i32>} : memref<80x48xf32, #tpu.memory_space<vmem>>, vector<1x16xf32>,
        %swap3A_537 = vector.shape_cast %swap3A_536 : vector<1x16xf32> to vector<16xf32>
        %swap3A_538 = vector.shape_cast %mul3A_533 : vector<16xf32> to vector<1x16xf32>
        tpu.vector_store %arg11[%swap3A_534, %swap3A_535], %swap3A_538 {strides = array<i32>} : memref<80x48xf32, #tpu.memory_space<vmem>>, vector<1x16xf32>,
        %get3A_539 = arith.index_cast %scan3A_498 : i32 to index
        %get3A_540 = arith.constant 32 : index
        %get3A_541 = tpu.vector_load %arg11[%get3A_539, %get3A_540] {strides = array<i32>} : memref<80x48xf32, #tpu.memory_space<vmem>>, vector<1x16xf32>,
        %get3A_542 = vector.shape_cast %get3A_541 : vector<1x16xf32> to vector<16xf32>
        %mul3A_543 = arith.mulf %get3A_542, %exp3A_518 : vector<16xf32>
        %swap3A_544 = arith.index_cast %scan3A_498 : i32 to index
        %swap3A_545 = arith.constant 32 : index
        %swap3A_546 = tpu.vector_load %arg11[%swap3A_544, %swap3A_545] {strides = array<i32>} : memref<80x48xf32, #tpu.memory_space<vmem>>, vector<1x16xf32>,
        %swap3A_547 = vector.shape_cast %swap3A_546 : vector<1x16xf32> to vector<16xf32>
        %swap3A_548 = vector.shape_cast %mul3A_543 : vector<16xf32> to vector<1x16xf32>
        tpu.vector_store %arg11[%swap3A_544, %swap3A_545], %swap3A_548 {strides = array<i32>} : memref<80x48xf32, #tpu.memory_space<vmem>>, vector<1x16xf32>,
        %scan3A_549 = arith.constant 3 : i32
        %scan3A_550 = arith.addi %scan3A_399, %scan3A_549 : i32
        %get3A_551 = arith.index_cast %scan3A_550 : i32 to index
        %get3A_552 = arith.constant 32 : index
        %get3A_553 = tpu.vector_load %arg11[%get3A_551, %get3A_552] {strides = array<i32>} : memref<80x48xf32, #tpu.memory_space<vmem>>, vector<1x16xf32>,
        %get3A_554 = vector.shape_cast %get3A_553 : vector<1x16xf32> to vector<16xf32>
        %get3A_555 = arith.index_cast %scan3A_550 : i32 to index
        %get3A_556 = arith.constant 0 : index
        %get3A_557 = tpu.vector_load %arg13[%get3A_555, %get3A_556] {strides = array<i32>} : memref<80x16xf32, #tpu.memory_space<vmem>>, vector<1x16xf32>,
        %get3A_558 = vector.shape_cast %get3A_557 : vector<1x16xf32> to vector<16xf32>
        %slice3A_559 = vector.extract_strided_slice %get3A_554 {offsets = [9], sizes = [1], strides = [1]} : vector<16xf32> to vector<1xf32>
        %squeeze3A_560 = vector.extract %slice3A_559[0] : f32 from vector<1xf32>
        %slice3A_561 = vector.extract_strided_slice %get3A_558 {offsets = [0], sizes = [1], strides = [1]} : vector<16xf32> to vector<1xf32>
        %squeeze3A_562 = vector.extract %slice3A_561[0] : f32 from vector<1xf32>
        %add3A_563 = arith.addf %squeeze3A_560, %squeeze3A_562 : f32
        %gt3A_564 = arith.constant 0.000000e+00 : f32
        %gt3A_565 = arith.cmpf ogt, %add3A_563, %gt3A_564 : f32
        %mul3A_566 = arith.constant 2.000000e-01 : f32
        %mul3A_567 = arith.mulf %add3A_563, %mul3A_566 : f32
        %select_n3A_568 = arith.select %gt3A_565, %add3A_563, %mul3A_567 : f32
        %broadcast_in_dim3A_569 = vector.broadcast %select_n3A_568 : f32 to vector<16xf32>
        %exp3A_570 = math.exp %broadcast_in_dim3A_569 : vector<16xf32>
        %get3A_571 = arith.index_cast %scan3A_550 : i32 to index
        %get3A_572 = arith.constant 0 : index
        %get3A_573 = tpu.vector_load %arg11[%get3A_571, %get3A_572] {strides = array<i32>} : memref<80x48xf32, #tpu.memory_space<vmem>>, vector<1x16xf32>,
        %get3A_574 = vector.shape_cast %get3A_573 : vector<1x16xf32> to vector<16xf32>
        %mul3A_575 = arith.mulf %get3A_574, %exp3A_570 : vector<16xf32>
        %swap3A_576 = arith.index_cast %scan3A_550 : i32 to index
        %swap3A_577 = arith.constant 0 : index
        %swap3A_578 = tpu.vector_load %arg11[%swap3A_576, %swap3A_577] {strides = array<i32>} : memref<80x48xf32, #tpu.memory_space<vmem>>, vector<1x16xf32>,
        %swap3A_579 = vector.shape_cast %swap3A_578 : vector<1x16xf32> to vector<16xf32>
        %swap3A_580 = vector.shape_cast %mul3A_575 : vector<16xf32> to vector<1x16xf32>
        tpu.vector_store %arg11[%swap3A_576, %swap3A_577], %swap3A_580 {strides = array<i32>} : memref<80x48xf32, #tpu.memory_space<vmem>>, vector<1x16xf32>,
        %get3A_581 = arith.index_cast %scan3A_550 : i32 to index
        %get3A_582 = arith.constant 16 : index
        %get3A_583 = tpu.vector_load %arg11[%get3A_581, %get3A_582] {strides = array<i32>} : memref<80x48xf32, #tpu.memory_space<vmem>>, vector<1x16xf32>,
        %get3A_584 = vector.shape_cast %get3A_583 : vector<1x16xf32> to vector<16xf32>
        %mul3A_585 = arith.mulf %get3A_584, %exp3A_570 : vector<16xf32>
        %swap3A_586 = arith.index_cast %scan3A_550 : i32 to index
        %swap3A_587 = arith.constant 16 : index
        %swap3A_588 = tpu.vector_load %arg11[%swap3A_586, %swap3A_587] {strides = array<i32>} : memref<80x48xf32, #tpu.memory_space<vmem>>, vector<1x16xf32>,
        %swap3A_589 = vector.shape_cast %swap3A_588 : vector<1x16xf32> to vector<16xf32>
        %swap3A_590 = vector.shape_cast %mul3A_585 : vector<16xf32> to vector<1x16xf32>
        tpu.vector_store %arg11[%swap3A_586, %swap3A_587], %swap3A_590 {strides = array<i32>} : memref<80x48xf32, #tpu.memory_space<vmem>>, vector<1x16xf32>,
        %get3A_591 = arith.index_cast %scan3A_550 : i32 to index
        %get3A_592 = arith.constant 32 : index
        %get3A_593 = tpu.vector_load %arg11[%get3A_591, %get3A_592] {strides = array<i32>} : memref<80x48xf32, #tpu.memory_space<vmem>>, vector<1x16xf32>,
        %get3A_594 = vector.shape_cast %get3A_593 : vector<1x16xf32> to vector<16xf32>
        %mul3A_595 = arith.mulf %get3A_594, %exp3A_570 : vector<16xf32>
        %swap3A_596 = arith.index_cast %scan3A_550 : i32 to index
        %swap3A_597 = arith.constant 32 : index
        %swap3A_598 = tpu.vector_load %arg11[%swap3A_596, %swap3A_597] {strides = array<i32>} : memref<80x48xf32, #tpu.memory_space<vmem>>, vector<1x16xf32>,
        %swap3A_599 = vector.shape_cast %swap3A_598 : vector<1x16xf32> to vector<16xf32>
        %swap3A_600 = vector.shape_cast %mul3A_595 : vector<16xf32> to vector<1x16xf32>
        tpu.vector_store %arg11[%swap3A_596, %swap3A_597], %swap3A_600 {strides = array<i32>} : memref<80x48xf32, #tpu.memory_space<vmem>>, vector<1x16xf32>,
      }
      %scan3A_279 = arith.constant 80 : i32
      %dma_start3A_280 = arith.constant 0 : i32
      %dma_start3A_281 = arith.constant 0 : i32
      %dma_start3A_282 = tpu.memref_slice %arg15[%dma_start3A_280, %dma_start3A_281] : memref<10240x48xf32, #tpu.memory_space<vmem_shared>> -> memref<10240x48xf32, #tpu.memory_space<vmem_shared>>
      tpu.enqueue_indirect_dma source(%arg11 : memref<80x48xf32, #tpu.memory_space<vmem>>) target(%dma_start3A_282 : memref<10240x48xf32, #tpu.memory_space<vmem_shared>>) offsets(%arg8 : memref<80xi32, #tpu.memory_space<vmem>>) semaphore(%arg20 : memref<!tpu.dma_semaphore, #tpu.memory_space<semaphore_mem>>) {add = true}
      %dma_wait3A_283 = arith.constant 0 : i32
      %dma_wait3A_284 = arith.constant 0 : i32
      %dma_wait3A_285 = tpu.memref_slice %arg15[%dma_wait3A_283, %dma_wait3A_284] : memref<10240x48xf32, #tpu.memory_space<vmem_shared>> -> memref<10240x48xf32, #tpu.memory_space<vmem_shared>>
      tpu.wait_indirect_dma semaphore(%arg20 : memref<!tpu.dma_semaphore, #tpu.memory_space<semaphore_mem>>) src(%arg11 : memref<80x48xf32, #tpu.memory_space<vmem>>) dst(%dma_wait3A_285 : memref<10240x48xf32, #tpu.memory_space<vmem_shared>>)
      %add3A_286 = arith.constant 2 : i32
      %add3A_287 = arith.addi %mul3A_167, %add3A_286 : i32
      %get3A_288 = arith.index_cast %add3A_287 : i32 to index
      %get3A_289 = arith.constant 0 : index
      %get3A_290 = tpu.vector_load %arg6[%get3A_288, %get3A_289] {strides = array<i32>} : memref<125x80xi32, #tpu.memory_space<vmem>>, vector<1x16xi32>,
      %get3A_291 = vector.shape_cast %get3A_290 : vector<1x16xi32> to vector<16xi32>
      %and3A_292 = arith.constant 65535 : i32
      %and3A_293 = vector.broadcast %and3A_292 : i32 to vector<16xi32>
      %and3A_294 = arith.andi %get3A_291, %and3A_293 : vector<16xi32>
      %swap3A_295 = arith.constant 0 : index
      %swap3A_296 = tpu.vector_load %arg7[%swap3A_295] {strides = array<i32>} : memref<80xi32, #tpu.memory_space<vmem>>, vector<16xi32>,
      %swap3A_297 = vector.shape_cast %swap3A_296 : vector<16xi32> to vector<16xi32>
      %swap3A_298 = vector.shape_cast %and3A_294 : vector<16xi32> to vector<16xi32>
      tpu.vector_store %arg7[%swap3A_295], %swap3A_298 {strides = array<i32>} : memref<80xi32, #tpu.memory_space<vmem>>, vector<16xi32>,
      %shift_right_logical3A_299 = arith.constant 16 : i32
      %shift_right_logical3A_300 = vector.broadcast %shift_right_logical3A_299 : i32 to vector<16xi32>
      %shift_right_logical3A_301 = arith.shrui %get3A_291, %shift_right_logical3A_300 : vector<16xi32>
      %swap3A_302 = arith.constant 0 : index
      %swap3A_303 = tpu.vector_load %arg8[%swap3A_302] {strides = array<i32>} : memref<80xi32, #tpu.memory_space<vmem>>, vector<16xi32>,
      %swap3A_304 = vector.shape_cast %swap3A_303 : vector<16xi32> to vector<16xi32>
      %swap3A_305 = vector.shape_cast %shift_right_logical3A_301 : vector<16xi32> to vector<16xi32>
      tpu.vector_store %arg8[%swap3A_302], %swap3A_305 {strides = array<i32>} : memref<80xi32, #tpu.memory_space<vmem>>, vector<16xi32>,
      %get3A_306 = arith.index_cast %add3A_287 : i32 to index
      %get3A_307 = arith.constant 16 : index
      %get3A_308 = tpu.vector_load %arg6[%get3A_306, %get3A_307] {strides = array<i32>} : memref<125x80xi32, #tpu.memory_space<vmem>>, vector<1x16xi32>,
      %get3A_309 = vector.shape_cast %get3A_308 : vector<1x16xi32> to vector<16xi32>
      %and3A_310 = arith.constant 65535 : i32
      %and3A_311 = vector.broadcast %and3A_310 : i32 to vector<16xi32>
      %and3A_312 = arith.andi %get3A_309, %and3A_311 : vector<16xi32>
      %swap3A_313 = arith.constant 16 : index
      %swap3A_314 = tpu.vector_load %arg7[%swap3A_313] {strides = array<i32>} : memref<80xi32, #tpu.memory_space<vmem>>, vector<16xi32>,
      %swap3A_315 = vector.shape_cast %swap3A_314 : vector<16xi32> to vector<16xi32>
      %swap3A_316 = vector.shape_cast %and3A_312 : vector<16xi32> to vector<16xi32>
      tpu.vector_store %arg7[%swap3A_313], %swap3A_316 {strides = array<i32>} : memref<80xi32, #tpu.memory_space<vmem>>, vector<16xi32>,
      %shift_right_logical3A_317 = arith.constant 16 : i32
      %shift_right_logical3A_318 = vector.broadcast %shift_right_logical3A_317 : i32 to vector<16xi32>
      %shift_right_logical3A_319 = arith.shrui %get3A_309, %shift_right_logical3A_318 : vector<16xi32>
      %swap3A_320 = arith.constant 16 : index
      %swap3A_321 = tpu.vector_load %arg8[%swap3A_320] {strides = array<i32>} : memref<80xi32, #tpu.memory_space<vmem>>, vector<16xi32>,
      %swap3A_322 = vector.shape_cast %swap3A_321 : vector<16xi32> to vector<16xi32>
      %swap3A_323 = vector.shape_cast %shift_right_logical3A_319 : vector<16xi32> to vector<16xi32>
      tpu.vector_store %arg8[%swap3A_320], %swap3A_323 {strides = array<i32>} : memref<80xi32, #tpu.memory_space<vmem>>, vector<16xi32>,
      %get3A_324 = arith.index_cast %add3A_287 : i32 to index
      %get3A_325 = arith.constant 32 : index
      %get3A_326 = tpu.vector_load %arg6[%get3A_324, %get3A_325] {strides = array<i32>} : memref<125x80xi32, #tpu.memory_space<vmem>>, vector<1x16xi32>,
      %get3A_327 = vector.shape_cast %get3A_326 : vector<1x16xi32> to vector<16xi32>
      %and3A_328 = arith.constant 65535 : i32
      %and3A_329 = vector.broadcast %and3A_328 : i32 to vector<16xi32>
      %and3A_330 = arith.andi %get3A_327, %and3A_329 : vector<16xi32>
      %swap3A_331 = arith.constant 32 : index
      %swap3A_332 = tpu.vector_load %arg7[%swap3A_331] {strides = array<i32>} : memref<80xi32, #tpu.memory_space<vmem>>, vector<16xi32>,
      %swap3A_333 = vector.shape_cast %swap3A_332 : vector<16xi32> to vector<16xi32>
      %swap3A_334 = vector.shape_cast %and3A_330 : vector<16xi32> to vector<16xi32>
      tpu.vector_store %arg7[%swap3A_331], %swap3A_334 {strides = array<i32>} : memref<80xi32, #tpu.memory_space<vmem>>, vector<16xi32>,
      %shift_right_logical3A_335 = arith.constant 16 : i32
      %shift_right_logical3A_336 = vector.broadcast %shift_right_logical3A_335 : i32 to vector<16xi32>
      %shift_right_logical3A_337 = arith.shrui %get3A_327, %shift_right_logical3A_336 : vector<16xi32>
      %swap3A_338 = arith.constant 32 : index
      %swap3A_339 = tpu.vector_load %arg8[%swap3A_338] {strides = array<i32>} : memref<80xi32, #tpu.memory_space<vmem>>, vector<16xi32>,
      %swap3A_340 = vector.shape_cast %swap3A_339 : vector<16xi32> to vector<16xi32>
      %swap3A_341 = vector.shape_cast %shift_right_logical3A_337 : vector<16xi32> to vector<16xi32>
      tpu.vector_store %arg8[%swap3A_338], %swap3A_341 {strides = array<i32>} : memref<80xi32, #tpu.memory_space<vmem>>, vector<16xi32>,
      %get3A_342 = arith.index_cast %add3A_287 : i32 to index
      %get3A_343 = arith.constant 48 : index
      %get3A_344 = tpu.vector_load %arg6[%get3A_342, %get3A_343] {strides = array<i32>} : memref<125x80xi32, #tpu.memory_space<vmem>>, vector<1x16xi32>,
      %get3A_345 = vector.shape_cast %get3A_344 : vector<1x16xi32> to vector<16xi32>
      %and3A_346 = arith.constant 65535 : i32
      %and3A_347 = vector.broadcast %and3A_346 : i32 to vector<16xi32>
      %and3A_348 = arith.andi %get3A_345, %and3A_347 : vector<16xi32>
      %swap3A_349 = arith.constant 48 : index
      %swap3A_350 = tpu.vector_load %arg7[%swap3A_349] {strides = array<i32>} : memref<80xi32, #tpu.memory_space<vmem>>, vector<16xi32>,
      %swap3A_351 = vector.shape_cast %swap3A_350 : vector<16xi32> to vector<16xi32>
      %swap3A_352 = vector.shape_cast %and3A_348 : vector<16xi32> to vector<16xi32>
      tpu.vector_store %arg7[%swap3A_349], %swap3A_352 {strides = array<i32>} : memref<80xi32, #tpu.memory_space<vmem>>, vector<16xi32>,
      %shift_right_logical3A_353 = arith.constant 16 : i32
      %shift_right_logical3A_354 = vector.broadcast %shift_right_logical3A_353 : i32 to vector<16xi32>
      %shift_right_logical3A_355 = arith.shrui %get3A_345, %shift_right_logical3A_354 : vector<16xi32>
      %swap3A_356 = arith.constant 48 : index
      %swap3A_357 = tpu.vector_load %arg8[%swap3A_356] {strides = array<i32>} : memref<80xi32, #tpu.memory_space<vmem>>, vector<16xi32>,
      %swap3A_358 = vector.shape_cast %swap3A_357 : vector<16xi32> to vector<16xi32>
      %swap3A_359 = vector.shape_cast %shift_right_logical3A_355 : vector<16xi32> to vector<16xi32>
      tpu.vector_store %arg8[%swap3A_356], %swap3A_359 {strides = array<i32>} : memref<80xi32, #tpu.memory_space<vmem>>, vector<16xi32>,
      %get3A_360 = arith.index_cast %add3A_287 : i32 to index
      %get3A_361 = arith.constant 64 : index
      %get3A_362 = tpu.vector_load %arg6[%get3A_360, %get3A_361] {strides = array<i32>} : memref<125x80xi32, #tpu.memory_space<vmem>>, vector<1x16xi32>,
      %get3A_363 = vector.shape_cast %get3A_362 : vector<1x16xi32> to vector<16xi32>
      %and3A_364 = arith.constant 65535 : i32
      %and3A_365 = vector.broadcast %and3A_364 : i32 to vector<16xi32>
      %and3A_366 = arith.andi %get3A_363, %and3A_365 : vector<16xi32>
      %swap3A_367 = arith.constant 64 : index
      %swap3A_368 = tpu.vector_load %arg7[%swap3A_367] {strides = array<i32>} : memref<80xi32, #tpu.memory_space<vmem>>, vector<16xi32>,
      %swap3A_369 = vector.shape_cast %swap3A_368 : vector<16xi32> to vector<16xi32>
      %swap3A_370 = vector.shape_cast %and3A_366 : vector<16xi32> to vector<16xi32>
      tpu.vector_store %arg7[%swap3A_367], %swap3A_370 {strides = array<i32>} : memref<80xi32, #tpu.memory_space<vmem>>, vector<16xi32>,
      %shift_right_logical3A_371 = arith.constant 16 : i32
      %shift_right_logical3A_372 = vector.broadcast %shift_right_logical3A_371 : i32 to vector<16xi32>
      %shift_right_logical3A_373 = arith.shrui %get3A_363, %shift_right_logical3A_372 : vector<16xi32>
      %swap3A_374 = arith.constant 64 : index
      %swap3A_375 = tpu.vector_load %arg8[%swap3A_374] {strides = array<i32>} : memref<80xi32, #tpu.memory_space<vmem>>, vector<16xi32>,
      %swap3A_376 = vector.shape_cast %swap3A_375 : vector<16xi32> to vector<16xi32>
      %swap3A_377 = vector.shape_cast %shift_right_logical3A_373 : vector<16xi32> to vector<16xi32>
      tpu.vector_store %arg8[%swap3A_374], %swap3A_377 {strides = array<i32>} : memref<80xi32, #tpu.memory_space<vmem>>, vector<16xi32>,
      %dma_start3A_378 = arith.constant 0 : i32
      %dma_start3A_379 = arith.constant 0 : i32
      %dma_start3A_380 = tpu.memref_slice %arg2[%dma_start3A_378, %dma_start3A_379] : memref<10000x48xf32, #tpu.memory_space<hbm>> -> memref<10000x48xf32, #tpu.memory_space<hbm>>
      tpu.enqueue_indirect_dma source(%dma_start3A_380 : memref<10000x48xf32, #tpu.memory_space<hbm>>) target(%arg11 : memref<80x48xf32, #tpu.memory_space<vmem>>) offsets(%arg7 : memref<80xi32, #tpu.memory_space<vmem>>) semaphore(%arg16 : memref<!tpu.dma_semaphore, #tpu.memory_space<semaphore_mem>>)
      %dma_start3A_381 = arith.constant 0 : i32
      %dma_start3A_382 = arith.constant 0 : i32
      %dma_start3A_383 = tpu.memref_slice %arg3[%dma_start3A_381, %dma_start3A_382] : memref<10000x16xf32, #tpu.memory_space<hbm>> -> memref<10000x16xf32, #tpu.memory_space<hbm>>
      tpu.enqueue_indirect_dma source(%dma_start3A_383 : memref<10000x16xf32, #tpu.memory_space<hbm>>) target(%arg13 : memref<80x16xf32, #tpu.memory_space<vmem>>) offsets(%arg8 : memref<80xi32, #tpu.memory_space<vmem>>) semaphore(%arg18 : memref<!tpu.dma_semaphore, #tpu.memory_space<semaphore_mem>>)
      %dma_wait3A_384 = arith.constant 0 : i32
      %dma_wait3A_385 = arith.constant 0 : i32
      %dma_wait3A_386 = tpu.memref_slice %arg2[%dma_wait3A_384, %dma_wait3A_385] : memref<10000x48xf32, #tpu.memory_space<hbm>> -> memref<10000x48xf32, #tpu.memory_space<hbm>>
      tpu.wait_indirect_dma semaphore(%arg17 : memref<!tpu.dma_semaphore, #tpu.memory_space<semaphore_mem>>) src(%dma_wait3A_386 : memref<10000x48xf32, #tpu.memory_space<hbm>>) dst(%arg12 : memref<80x48xf32, #tpu.memory_space<vmem>>)
      %dma_wait3A_387 = arith.constant 0 : i32
      %dma_wait3A_388 = arith.constant 0 : i32
      %dma_wait3A_389 = tpu.memref_slice %arg3[%dma_wait3A_387, %dma_wait3A_388] : memref<10000x16xf32, #tpu.memory_space<hbm>> -> memref<10000x16xf32, #tpu.memory_space<hbm>>
      tpu.wait_indirect_dma semaphore(%arg19 : memref<!tpu.dma_semaphore, #tpu.memory_space<semaphore_mem>>) src(%dma_wait3A_389 : memref<10000x16xf32, #tpu.memory_space<hbm>>) dst(%arg14 : memref<80x16xf32, #tpu.memory_space<vmem>>)
      %scan3A_390 = arith.constant 0 : i32
      %scan3A_391 = arith.constant 0 : i32
      %scan3A_392 = arith.constant 80 : i32
      %scan3A_393 = arith.addi %scan3A_391, %scan3A_392 : i32
      %scan3A_394 = arith.constant 4 : i32
      scf.for %scan3A_399 = %scan3A_391 to %scan3A_393 step %scan3A_394  : i32 {
        %get3A_400 = arith.index_cast %scan3A_399 : i32 to index
        %get3A_401 = arith.constant 32 : index
        %get3A_402 = tpu.vector_load %arg12[%get3A_400, %get3A_401] {strides = array<i32>} : memref<80x48xf32, #tpu.memory_space<vmem>>, vector<1x16xf32>,
        %get3A_403 = vector.shape_cast %get3A_402 : vector<1x16xf32> to vector<16xf32>
        %get3A_404 = arith.index_cast %scan3A_399 : i32 to index
        %get3A_405 = arith.constant 0 : index
        %get3A_406 = tpu.vector_load %arg14[%get3A_404, %get3A_405] {strides = array<i32>} : memref<80x16xf32, #tpu.memory_space<vmem>>, vector<1x16xf32>,
        %get3A_407 = vector.shape_cast %get3A_406 : vector<1x16xf32> to vector<16xf32>
        %slice3A = vector.extract_strided_slice %get3A_403 {offsets = [9], sizes = [1], strides = [1]} : vector<16xf32> to vector<1xf32>
        %squeeze3A = vector.extract %slice3A[0] : f32 from vector<1xf32>
        %slice3A_408 = vector.extract_strided_slice %get3A_407 {offsets = [0], sizes = [1], strides = [1]} : vector<16xf32> to vector<1xf32>
        %squeeze3A_409 = vector.extract %slice3A_408[0] : f32 from vector<1xf32>
        %add3A_410 = arith.addf %squeeze3A, %squeeze3A_409 : f32
        %gt3A_411 = arith.constant 0.000000e+00 : f32
        %gt3A_412 = arith.cmpf ogt, %add3A_410, %gt3A_411 : f32
        %mul3A_413 = arith.constant 2.000000e-01 : f32
        %mul3A_414 = arith.mulf %add3A_410, %mul3A_413 : f32
        %select_n3A = arith.select %gt3A_412, %add3A_410, %mul3A_414 : f32
        %broadcast_in_dim3A = vector.broadcast %select_n3A : f32 to vector<16xf32>
        %exp3A = math.exp %broadcast_in_dim3A : vector<16xf32>
        %get3A_415 = arith.index_cast %scan3A_399 : i32 to index
        %get3A_416 = arith.constant 0 : index
        %get3A_417 = tpu.vector_load %arg12[%get3A_415, %get3A_416] {strides = array<i32>} : memref<80x48xf32, #tpu.memory_space<vmem>>, vector<1x16xf32>,
        %get3A_418 = vector.shape_cast %get3A_417 : vector<1x16xf32> to vector<16xf32>
        %mul3A_419 = arith.mulf %get3A_418, %exp3A : vector<16xf32>
        %swap3A_420 = arith.index_cast %scan3A_399 : i32 to index
        %swap3A_421 = arith.constant 0 : index
        %swap3A_422 = tpu.vector_load %arg12[%swap3A_420, %swap3A_421] {strides = array<i32>} : memref<80x48xf32, #tpu.memory_space<vmem>>, vector<1x16xf32>,
        %swap3A_423 = vector.shape_cast %swap3A_422 : vector<1x16xf32> to vector<16xf32>
        %swap3A_424 = vector.shape_cast %mul3A_419 : vector<16xf32> to vector<1x16xf32>
        tpu.vector_store %arg12[%swap3A_420, %swap3A_421], %swap3A_424 {strides = array<i32>} : memref<80x48xf32, #tpu.memory_space<vmem>>, vector<1x16xf32>,
        %get3A_425 = arith.index_cast %scan3A_399 : i32 to index
        %get3A_426 = arith.constant 16 : index
        %get3A_427 = tpu.vector_load %arg12[%get3A_425, %get3A_426] {strides = array<i32>} : memref<80x48xf32, #tpu.memory_space<vmem>>, vector<1x16xf32>,
        %get3A_428 = vector.shape_cast %get3A_427 : vector<1x16xf32> to vector<16xf32>
        %mul3A_429 = arith.mulf %get3A_428, %exp3A : vector<16xf32>
        %swap3A_430 = arith.index_cast %scan3A_399 : i32 to index
        %swap3A_431 = arith.constant 16 : index
        %swap3A_432 = tpu.vector_load %arg12[%swap3A_430, %swap3A_431] {strides = array<i32>} : memref<80x48xf32, #tpu.memory_space<vmem>>, vector<1x16xf32>,
        %swap3A_433 = vector.shape_cast %swap3A_432 : vector<1x16xf32> to vector<16xf32>
        %swap3A_434 = vector.shape_cast %mul3A_429 : vector<16xf32> to vector<1x16xf32>
        tpu.vector_store %arg12[%swap3A_430, %swap3A_431], %swap3A_434 {strides = array<i32>} : memref<80x48xf32, #tpu.memory_space<vmem>>, vector<1x16xf32>,
        %get3A_435 = arith.index_cast %scan3A_399 : i32 to index
        %get3A_436 = arith.constant 32 : index
        %get3A_437 = tpu.vector_load %arg12[%get3A_435, %get3A_436] {strides = array<i32>} : memref<80x48xf32, #tpu.memory_space<vmem>>, vector<1x16xf32>,
        %get3A_438 = vector.shape_cast %get3A_437 : vector<1x16xf32> to vector<16xf32>
        %mul3A_439 = arith.mulf %get3A_438, %exp3A : vector<16xf32>
        %swap3A_440 = arith.index_cast %scan3A_399 : i32 to index
        %swap3A_441 = arith.constant 32 : index
        %swap3A_442 = tpu.vector_load %arg12[%swap3A_440, %swap3A_441] {strides = array<i32>} : memref<80x48xf32, #tpu.memory_space<vmem>>, vector<1x16xf32>,
        %swap3A_443 = vector.shape_cast %swap3A_442 : vector<1x16xf32> to vector<16xf32>
        %swap3A_444 = vector.shape_cast %mul3A_439 : vector<16xf32> to vector<1x16xf32>
        tpu.vector_store %arg12[%swap3A_440, %swap3A_441], %swap3A_444 {strides = array<i32>} : memref<80x48xf32, #tpu.memory_space<vmem>>, vector<1x16xf32>,
        %scan3A_445 = arith.constant 1 : i32
        %scan3A_446 = arith.addi %scan3A_399, %scan3A_445 : i32
        %get3A_447 = arith.index_cast %scan3A_446 : i32 to index
        %get3A_448 = arith.constant 32 : index
        %get3A_449 = tpu.vector_load %arg12[%get3A_447, %get3A_448] {strides = array<i32>} : memref<80x48xf32, #tpu.memory_space<vmem>>, vector<1x16xf32>,
        %get3A_450 = vector.shape_cast %get3A_449 : vector<1x16xf32> to vector<16xf32>
        %get3A_451 = arith.index_cast %scan3A_446 : i32 to index
        %get3A_452 = arith.constant 0 : index
        %get3A_453 = tpu.vector_load %arg14[%get3A_451, %get3A_452] {strides = array<i32>} : memref<80x16xf32, #tpu.memory_space<vmem>>, vector<1x16xf32>,
        %get3A_454 = vector.shape_cast %get3A_453 : vector<1x16xf32> to vector<16xf32>
        %slice3A_455 = vector.extract_strided_slice %get3A_450 {offsets = [9], sizes = [1], strides = [1]} : vector<16xf32> to vector<1xf32>
        %squeeze3A_456 = vector.extract %slice3A_455[0] : f32 from vector<1xf32>
        %slice3A_457 = vector.extract_strided_slice %get3A_454 {offsets = [0], sizes = [1], strides = [1]} : vector<16xf32> to vector<1xf32>
        %squeeze3A_458 = vector.extract %slice3A_457[0] : f32 from vector<1xf32>
        %add3A_459 = arith.addf %squeeze3A_456, %squeeze3A_458 : f32
        %gt3A_460 = arith.constant 0.000000e+00 : f32
        %gt3A_461 = arith.cmpf ogt, %add3A_459, %gt3A_460 : f32
        %mul3A_462 = arith.constant 2.000000e-01 : f32
        %mul3A_463 = arith.mulf %add3A_459, %mul3A_462 : f32
        %select_n3A_464 = arith.select %gt3A_461, %add3A_459, %mul3A_463 : f32
        %broadcast_in_dim3A_465 = vector.broadcast %select_n3A_464 : f32 to vector<16xf32>
        %exp3A_466 = math.exp %broadcast_in_dim3A_465 : vector<16xf32>
        %get3A_467 = arith.index_cast %scan3A_446 : i32 to index
        %get3A_468 = arith.constant 0 : index
        %get3A_469 = tpu.vector_load %arg12[%get3A_467, %get3A_468] {strides = array<i32>} : memref<80x48xf32, #tpu.memory_space<vmem>>, vector<1x16xf32>,
        %get3A_470 = vector.shape_cast %get3A_469 : vector<1x16xf32> to vector<16xf32>
        %mul3A_471 = arith.mulf %get3A_470, %exp3A_466 : vector<16xf32>
        %swap3A_472 = arith.index_cast %scan3A_446 : i32 to index
        %swap3A_473 = arith.constant 0 : index
        %swap3A_474 = tpu.vector_load %arg12[%swap3A_472, %swap3A_473] {strides = array<i32>} : memref<80x48xf32, #tpu.memory_space<vmem>>, vector<1x16xf32>,
        %swap3A_475 = vector.shape_cast %swap3A_474 : vector<1x16xf32> to vector<16xf32>
        %swap3A_476 = vector.shape_cast %mul3A_471 : vector<16xf32> to vector<1x16xf32>
        tpu.vector_store %arg12[%swap3A_472, %swap3A_473], %swap3A_476 {strides = array<i32>} : memref<80x48xf32, #tpu.memory_space<vmem>>, vector<1x16xf32>,
        %get3A_477 = arith.index_cast %scan3A_446 : i32 to index
        %get3A_478 = arith.constant 16 : index
        %get3A_479 = tpu.vector_load %arg12[%get3A_477, %get3A_478] {strides = array<i32>} : memref<80x48xf32, #tpu.memory_space<vmem>>, vector<1x16xf32>,
        %get3A_480 = vector.shape_cast %get3A_479 : vector<1x16xf32> to vector<16xf32>
        %mul3A_481 = arith.mulf %get3A_480, %exp3A_466 : vector<16xf32>
        %swap3A_482 = arith.index_cast %scan3A_446 : i32 to index
        %swap3A_483 = arith.constant 16 : index
        %swap3A_484 = tpu.vector_load %arg12[%swap3A_482, %swap3A_483] {strides = array<i32>} : memref<80x48xf32, #tpu.memory_space<vmem>>, vector<1x16xf32>,
        %swap3A_485 = vector.shape_cast %swap3A_484 : vector<1x16xf32> to vector<16xf32>
        %swap3A_486 = vector.shape_cast %mul3A_481 : vector<16xf32> to vector<1x16xf32>
        tpu.vector_store %arg12[%swap3A_482, %swap3A_483], %swap3A_486 {strides = array<i32>} : memref<80x48xf32, #tpu.memory_space<vmem>>, vector<1x16xf32>,
        %get3A_487 = arith.index_cast %scan3A_446 : i32 to index
        %get3A_488 = arith.constant 32 : index
        %get3A_489 = tpu.vector_load %arg12[%get3A_487, %get3A_488] {strides = array<i32>} : memref<80x48xf32, #tpu.memory_space<vmem>>, vector<1x16xf32>,
        %get3A_490 = vector.shape_cast %get3A_489 : vector<1x16xf32> to vector<16xf32>
        %mul3A_491 = arith.mulf %get3A_490, %exp3A_466 : vector<16xf32>
        %swap3A_492 = arith.index_cast %scan3A_446 : i32 to index
        %swap3A_493 = arith.constant 32 : index
        %swap3A_494 = tpu.vector_load %arg12[%swap3A_492, %swap3A_493] {strides = array<i32>} : memref<80x48xf32, #tpu.memory_space<vmem>>, vector<1x16xf32>,
        %swap3A_495 = vector.shape_cast %swap3A_494 : vector<1x16xf32> to vector<16xf32>
        %swap3A_496 = vector.shape_cast %mul3A_491 : vector<16xf32> to vector<1x16xf32>
        tpu.vector_store %arg12[%swap3A_492, %swap3A_493], %swap3A_496 {strides = array<i32>} : memref<80x48xf32, #tpu.memory_space<vmem>>, vector<1x16xf32>,
        %scan3A_497 = arith.constant 2 : i32
        %scan3A_498 = arith.addi %scan3A_399, %scan3A_497 : i32
        %get3A_499 = arith.index_cast %scan3A_498 : i32 to index
        %get3A_500 = arith.constant 32 : index
        %get3A_501 = tpu.vector_load %arg12[%get3A_499, %get3A_500] {strides = array<i32>} : memref<80x48xf32, #tpu.memory_space<vmem>>, vector<1x16xf32>,
        %get3A_502 = vector.shape_cast %get3A_501 : vector<1x16xf32> to vector<16xf32>
        %get3A_503 = arith.index_cast %scan3A_498 : i32 to index
        %get3A_504 = arith.constant 0 : index
        %get3A_505 = tpu.vector_load %arg14[%get3A_503, %get3A_504] {strides = array<i32>} : memref<80x16xf32, #tpu.memory_space<vmem>>, vector<1x16xf32>,
        %get3A_506 = vector.shape_cast %get3A_505 : vector<1x16xf32> to vector<16xf32>
        %slice3A_507 = vector.extract_strided_slice %get3A_502 {offsets = [9], sizes = [1], strides = [1]} : vector<16xf32> to vector<1xf32>
        %squeeze3A_508 = vector.extract %slice3A_507[0] : f32 from vector<1xf32>
        %slice3A_509 = vector.extract_strided_slice %get3A_506 {offsets = [0], sizes = [1], strides = [1]} : vector<16xf32> to vector<1xf32>
        %squeeze3A_510 = vector.extract %slice3A_509[0] : f32 from vector<1xf32>
        %add3A_511 = arith.addf %squeeze3A_508, %squeeze3A_510 : f32
        %gt3A_512 = arith.constant 0.000000e+00 : f32
        %gt3A_513 = arith.cmpf ogt, %add3A_511, %gt3A_512 : f32
        %mul3A_514 = arith.constant 2.000000e-01 : f32
        %mul3A_515 = arith.mulf %add3A_511, %mul3A_514 : f32
        %select_n3A_516 = arith.select %gt3A_513, %add3A_511, %mul3A_515 : f32
        %broadcast_in_dim3A_517 = vector.broadcast %select_n3A_516 : f32 to vector<16xf32>
        %exp3A_518 = math.exp %broadcast_in_dim3A_517 : vector<16xf32>
        %get3A_519 = arith.index_cast %scan3A_498 : i32 to index
        %get3A_520 = arith.constant 0 : index
        %get3A_521 = tpu.vector_load %arg12[%get3A_519, %get3A_520] {strides = array<i32>} : memref<80x48xf32, #tpu.memory_space<vmem>>, vector<1x16xf32>,
        %get3A_522 = vector.shape_cast %get3A_521 : vector<1x16xf32> to vector<16xf32>
        %mul3A_523 = arith.mulf %get3A_522, %exp3A_518 : vector<16xf32>
        %swap3A_524 = arith.index_cast %scan3A_498 : i32 to index
        %swap3A_525 = arith.constant 0 : index
        %swap3A_526 = tpu.vector_load %arg12[%swap3A_524, %swap3A_525] {strides = array<i32>} : memref<80x48xf32, #tpu.memory_space<vmem>>, vector<1x16xf32>,
        %swap3A_527 = vector.shape_cast %swap3A_526 : vector<1x16xf32> to vector<16xf32>
        %swap3A_528 = vector.shape_cast %mul3A_523 : vector<16xf32> to vector<1x16xf32>
        tpu.vector_store %arg12[%swap3A_524, %swap3A_525], %swap3A_528 {strides = array<i32>} : memref<80x48xf32, #tpu.memory_space<vmem>>, vector<1x16xf32>,
        %get3A_529 = arith.index_cast %scan3A_498 : i32 to index
        %get3A_530 = arith.constant 16 : index
        %get3A_531 = tpu.vector_load %arg12[%get3A_529, %get3A_530] {strides = array<i32>} : memref<80x48xf32, #tpu.memory_space<vmem>>, vector<1x16xf32>,
        %get3A_532 = vector.shape_cast %get3A_531 : vector<1x16xf32> to vector<16xf32>
        %mul3A_533 = arith.mulf %get3A_532, %exp3A_518 : vector<16xf32>
        %swap3A_534 = arith.index_cast %scan3A_498 : i32 to index
        %swap3A_535 = arith.constant 16 : index
        %swap3A_536 = tpu.vector_load %arg12[%swap3A_534, %swap3A_535] {strides = array<i32>} : memref<80x48xf32, #tpu.memory_space<vmem>>, vector<1x16xf32>,
        %swap3A_537 = vector.shape_cast %swap3A_536 : vector<1x16xf32> to vector<16xf32>
        %swap3A_538 = vector.shape_cast %mul3A_533 : vector<16xf32> to vector<1x16xf32>
        tpu.vector_store %arg12[%swap3A_534, %swap3A_535], %swap3A_538 {strides = array<i32>} : memref<80x48xf32, #tpu.memory_space<vmem>>, vector<1x16xf32>,
        %get3A_539 = arith.index_cast %scan3A_498 : i32 to index
        %get3A_540 = arith.constant 32 : index
        %get3A_541 = tpu.vector_load %arg12[%get3A_539, %get3A_540] {strides = array<i32>} : memref<80x48xf32, #tpu.memory_space<vmem>>, vector<1x16xf32>,
        %get3A_542 = vector.shape_cast %get3A_541 : vector<1x16xf32> to vector<16xf32>
        %mul3A_543 = arith.mulf %get3A_542, %exp3A_518 : vector<16xf32>
        %swap3A_544 = arith.index_cast %scan3A_498 : i32 to index
        %swap3A_545 = arith.constant 32 : index
        %swap3A_546 = tpu.vector_load %arg12[%swap3A_544, %swap3A_545] {strides = array<i32>} : memref<80x48xf32, #tpu.memory_space<vmem>>, vector<1x16xf32>,
        %swap3A_547 = vector.shape_cast %swap3A_546 : vector<1x16xf32> to vector<16xf32>
        %swap3A_548 = vector.shape_cast %mul3A_543 : vector<16xf32> to vector<1x16xf32>
        tpu.vector_store %arg12[%swap3A_544, %swap3A_545], %swap3A_548 {strides = array<i32>} : memref<80x48xf32, #tpu.memory_space<vmem>>, vector<1x16xf32>,
        %scan3A_549 = arith.constant 3 : i32
        %scan3A_550 = arith.addi %scan3A_399, %scan3A_549 : i32
        %get3A_551 = arith.index_cast %scan3A_550 : i32 to index
        %get3A_552 = arith.constant 32 : index
        %get3A_553 = tpu.vector_load %arg12[%get3A_551, %get3A_552] {strides = array<i32>} : memref<80x48xf32, #tpu.memory_space<vmem>>, vector<1x16xf32>,
        %get3A_554 = vector.shape_cast %get3A_553 : vector<1x16xf32> to vector<16xf32>
        %get3A_555 = arith.index_cast %scan3A_550 : i32 to index
        %get3A_556 = arith.constant 0 : index
        %get3A_557 = tpu.vector_load %arg14[%get3A_555, %get3A_556] {strides = array<i32>} : memref<80x16xf32, #tpu.memory_space<vmem>>, vector<1x16xf32>,
        %get3A_558 = vector.shape_cast %get3A_557 : vector<1x16xf32> to vector<16xf32>
        %slice3A_559 = vector.extract_strided_slice %get3A_554 {offsets = [9], sizes = [1], strides = [1]} : vector<16xf32> to vector<1xf32>
        %squeeze3A_560 = vector.extract %slice3A_559[0] : f32 from vector<1xf32>
        %slice3A_561 = vector.extract_strided_slice %get3A_558 {offsets = [0], sizes = [1], strides = [1]} : vector<16xf32> to vector<1xf32>
        %squeeze3A_562 = vector.extract %slice3A_561[0] : f32 from vector<1xf32>
        %add3A_563 = arith.addf %squeeze3A_560, %squeeze3A_562 : f32
        %gt3A_564 = arith.constant 0.000000e+00 : f32
        %gt3A_565 = arith.cmpf ogt, %add3A_563, %gt3A_564 : f32
        %mul3A_566 = arith.constant 2.000000e-01 : f32
        %mul3A_567 = arith.mulf %add3A_563, %mul3A_566 : f32
        %select_n3A_568 = arith.select %gt3A_565, %add3A_563, %mul3A_567 : f32
        %broadcast_in_dim3A_569 = vector.broadcast %select_n3A_568 : f32 to vector<16xf32>
        %exp3A_570 = math.exp %broadcast_in_dim3A_569 : vector<16xf32>
        %get3A_571 = arith.index_cast %scan3A_550 : i32 to index
        %get3A_572 = arith.constant 0 : index
        %get3A_573 = tpu.vector_load %arg12[%get3A_571, %get3A_572] {strides = array<i32>} : memref<80x48xf32, #tpu.memory_space<vmem>>, vector<1x16xf32>,
        %get3A_574 = vector.shape_cast %get3A_573 : vector<1x16xf32> to vector<16xf32>
        %mul3A_575 = arith.mulf %get3A_574, %exp3A_570 : vector<16xf32>
        %swap3A_576 = arith.index_cast %scan3A_550 : i32 to index
        %swap3A_577 = arith.constant 0 : index
        %swap3A_578 = tpu.vector_load %arg12[%swap3A_576, %swap3A_577] {strides = array<i32>} : memref<80x48xf32, #tpu.memory_space<vmem>>, vector<1x16xf32>,
        %swap3A_579 = vector.shape_cast %swap3A_578 : vector<1x16xf32> to vector<16xf32>
        %swap3A_580 = vector.shape_cast %mul3A_575 : vector<16xf32> to vector<1x16xf32>
        tpu.vector_store %arg12[%swap3A_576, %swap3A_577], %swap3A_580 {strides = array<i32>} : memref<80x48xf32, #tpu.memory_space<vmem>>, vector<1x16xf32>,
        %get3A_581 = arith.index_cast %scan3A_550 : i32 to index
        %get3A_582 = arith.constant 16 : index
        %get3A_583 = tpu.vector_load %arg12[%get3A_581, %get3A_582] {strides = array<i32>} : memref<80x48xf32, #tpu.memory_space<vmem>>, vector<1x16xf32>,
        %get3A_584 = vector.shape_cast %get3A_583 : vector<1x16xf32> to vector<16xf32>
        %mul3A_585 = arith.mulf %get3A_584, %exp3A_570 : vector<16xf32>
        %swap3A_586 = arith.index_cast %scan3A_550 : i32 to index
        %swap3A_587 = arith.constant 16 : index
        %swap3A_588 = tpu.vector_load %arg12[%swap3A_586, %swap3A_587] {strides = array<i32>} : memref<80x48xf32, #tpu.memory_space<vmem>>, vector<1x16xf32>,
        %swap3A_589 = vector.shape_cast %swap3A_588 : vector<1x16xf32> to vector<16xf32>
        %swap3A_590 = vector.shape_cast %mul3A_585 : vector<16xf32> to vector<1x16xf32>
        tpu.vector_store %arg12[%swap3A_586, %swap3A_587], %swap3A_590 {strides = array<i32>} : memref<80x48xf32, #tpu.memory_space<vmem>>, vector<1x16xf32>,
        %get3A_591 = arith.index_cast %scan3A_550 : i32 to index
        %get3A_592 = arith.constant 32 : index
        %get3A_593 = tpu.vector_load %arg12[%get3A_591, %get3A_592] {strides = array<i32>} : memref<80x48xf32, #tpu.memory_space<vmem>>, vector<1x16xf32>,
        %get3A_594 = vector.shape_cast %get3A_593 : vector<1x16xf32> to vector<16xf32>
        %mul3A_595 = arith.mulf %get3A_594, %exp3A_570 : vector<16xf32>
        %swap3A_596 = arith.index_cast %scan3A_550 : i32 to index
        %swap3A_597 = arith.constant 32 : index
        %swap3A_598 = tpu.vector_load %arg12[%swap3A_596, %swap3A_597] {strides = array<i32>} : memref<80x48xf32, #tpu.memory_space<vmem>>, vector<1x16xf32>,
        %swap3A_599 = vector.shape_cast %swap3A_598 : vector<1x16xf32> to vector<16xf32>
        %swap3A_600 = vector.shape_cast %mul3A_595 : vector<16xf32> to vector<1x16xf32>
        tpu.vector_store %arg12[%swap3A_596, %swap3A_597], %swap3A_600 {strides = array<i32>} : memref<80x48xf32, #tpu.memory_space<vmem>>, vector<1x16xf32>,
      }
      %scan3A_395 = arith.constant 80 : i32
      %dma_start3A_396 = arith.constant 0 : i32
      %dma_start3A_397 = arith.constant 0 : i32
      %dma_start3A_398 = tpu.memref_slice %arg15[%dma_start3A_396, %dma_start3A_397] : memref<10240x48xf32, #tpu.memory_space<vmem_shared>> -> memref<10240x48xf32, #tpu.memory_space<vmem_shared>>
      tpu.enqueue_indirect_dma source(%arg12 : memref<80x48xf32, #tpu.memory_space<vmem>>) target(%dma_start3A_398 : memref<10240x48xf32, #tpu.memory_space<vmem_shared>>) offsets(%arg10 : memref<80xi32, #tpu.memory_space<vmem>>) semaphore(%arg21 : memref<!tpu.dma_semaphore, #tpu.memory_space<semaphore_mem>>) {add = true}
    }
    %scan3A_139 = arith.constant 62 : i32
    %dma_wait3A = arith.constant 0 : i32
    %dma_wait3A_140 = arith.constant 0 : i32
    %dma_wait3A_141 = tpu.memref_slice %arg15[%dma_wait3A, %dma_wait3A_140] : memref<10240x48xf32, #tpu.memory_space<vmem_shared>> -> memref<10240x48xf32, #tpu.memory_space<vmem_shared>>
    tpu.wait_indirect_dma semaphore(%arg21 : memref<!tpu.dma_semaphore, #tpu.memory_space<semaphore_mem>>) src(%arg12 : memref<80x48xf32, #tpu.memory_space<vmem>>) dst(%dma_wait3A_141 : memref<10240x48xf32, #tpu.memory_space<vmem_shared>>)
    %dma_wait3A_142 = arith.constant 0 : i32
    %dma_wait3A_143 = arith.constant 0 : i32
    %dma_wait3A_144 = tpu.memref_slice %arg2[%dma_wait3A_142, %dma_wait3A_143] : memref<10000x48xf32, #tpu.memory_space<hbm>> -> memref<10000x48xf32, #tpu.memory_space<hbm>>
    tpu.wait_indirect_dma semaphore(%arg16 : memref<!tpu.dma_semaphore, #tpu.memory_space<semaphore_mem>>) src(%dma_wait3A_144 : memref<10000x48xf32, #tpu.memory_space<hbm>>) dst(%arg11 : memref<80x48xf32, #tpu.memory_space<vmem>>)
    %dma_wait3A_145 = arith.constant 0 : i32
    %dma_wait3A_146 = arith.constant 0 : i32
    %dma_wait3A_147 = tpu.memref_slice %arg3[%dma_wait3A_145, %dma_wait3A_146] : memref<10000x16xf32, #tpu.memory_space<hbm>> -> memref<10000x16xf32, #tpu.memory_space<hbm>>
    tpu.wait_indirect_dma semaphore(%arg18 : memref<!tpu.dma_semaphore, #tpu.memory_space<semaphore_mem>>) src(%dma_wait3A_147 : memref<10000x16xf32, #tpu.memory_space<hbm>>) dst(%arg13 : memref<80x16xf32, #tpu.memory_space<vmem>>)
    %scan3A_148 = arith.constant 0 : i32
    %scan3A_149 = arith.constant 0 : i32
    %scan3A_150 = arith.constant 80 : i32
    %scan3A_151 = arith.addi %scan3A_149, %scan3A_150 : i32
    %scan3A_152 = arith.constant 4 : i32
    scf.for %scan3A_165 = %scan3A_149 to %scan3A_151 step %scan3A_152  : i32 {
      %get3A_166 = arith.index_cast %scan3A_165 : i32 to index
      %get3A_167 = arith.constant 32 : index
      %get3A_168 = tpu.vector_load %arg11[%get3A_166, %get3A_167] {strides = array<i32>} : memref<80x48xf32, #tpu.memory_space<vmem>>, vector<1x16xf32>,
      %get3A_169 = vector.shape_cast %get3A_168 : vector<1x16xf32> to vector<16xf32>
      %get3A_170 = arith.index_cast %scan3A_165 : i32 to index
      %get3A_171 = arith.constant 0 : index
      %get3A_172 = tpu.vector_load %arg13[%get3A_170, %get3A_171] {strides = array<i32>} : memref<80x16xf32, #tpu.memory_space<vmem>>, vector<1x16xf32>,
      %get3A_173 = vector.shape_cast %get3A_172 : vector<1x16xf32> to vector<16xf32>
      %slice3A = vector.extract_strided_slice %get3A_169 {offsets = [9], sizes = [1], strides = [1]} : vector<16xf32> to vector<1xf32>
      %squeeze3A = vector.extract %slice3A[0] : f32 from vector<1xf32>
      %slice3A_174 = vector.extract_strided_slice %get3A_173 {offsets = [0], sizes = [1], strides = [1]} : vector<16xf32> to vector<1xf32>
      %squeeze3A_175 = vector.extract %slice3A_174[0] : f32 from vector<1xf32>
      %add3A_176 = arith.addf %squeeze3A, %squeeze3A_175 : f32
      %gt3A = arith.constant 0.000000e+00 : f32
      %gt3A_177 = arith.cmpf ogt, %add3A_176, %gt3A : f32
      %mul3A_178 = arith.constant 2.000000e-01 : f32
      %mul3A_179 = arith.mulf %add3A_176, %mul3A_178 : f32
      %select_n3A = arith.select %gt3A_177, %add3A_176, %mul3A_179 : f32
      %broadcast_in_dim3A = vector.broadcast %select_n3A : f32 to vector<16xf32>
      %exp3A = math.exp %broadcast_in_dim3A : vector<16xf32>
      %get3A_180 = arith.index_cast %scan3A_165 : i32 to index
      %get3A_181 = arith.constant 0 : index
      %get3A_182 = tpu.vector_load %arg11[%get3A_180, %get3A_181] {strides = array<i32>} : memref<80x48xf32, #tpu.memory_space<vmem>>, vector<1x16xf32>,
      %get3A_183 = vector.shape_cast %get3A_182 : vector<1x16xf32> to vector<16xf32>
      %mul3A_184 = arith.mulf %get3A_183, %exp3A : vector<16xf32>
      %swap3A_185 = arith.index_cast %scan3A_165 : i32 to index
      %swap3A_186 = arith.constant 0 : index
      %swap3A_187 = tpu.vector_load %arg11[%swap3A_185, %swap3A_186] {strides = array<i32>} : memref<80x48xf32, #tpu.memory_space<vmem>>, vector<1x16xf32>,
      %swap3A_188 = vector.shape_cast %swap3A_187 : vector<1x16xf32> to vector<16xf32>
      %swap3A_189 = vector.shape_cast %mul3A_184 : vector<16xf32> to vector<1x16xf32>
      tpu.vector_store %arg11[%swap3A_185, %swap3A_186], %swap3A_189 {strides = array<i32>} : memref<80x48xf32, #tpu.memory_space<vmem>>, vector<1x16xf32>,
      %get3A_190 = arith.index_cast %scan3A_165 : i32 to index
      %get3A_191 = arith.constant 16 : index
      %get3A_192 = tpu.vector_load %arg11[%get3A_190, %get3A_191] {strides = array<i32>} : memref<80x48xf32, #tpu.memory_space<vmem>>, vector<1x16xf32>,
      %get3A_193 = vector.shape_cast %get3A_192 : vector<1x16xf32> to vector<16xf32>
      %mul3A_194 = arith.mulf %get3A_193, %exp3A : vector<16xf32>
      %swap3A_195 = arith.index_cast %scan3A_165 : i32 to index
      %swap3A_196 = arith.constant 16 : index
      %swap3A_197 = tpu.vector_load %arg11[%swap3A_195, %swap3A_196] {strides = array<i32>} : memref<80x48xf32, #tpu.memory_space<vmem>>, vector<1x16xf32>,
      %swap3A_198 = vector.shape_cast %swap3A_197 : vector<1x16xf32> to vector<16xf32>
      %swap3A_199 = vector.shape_cast %mul3A_194 : vector<16xf32> to vector<1x16xf32>
      tpu.vector_store %arg11[%swap3A_195, %swap3A_196], %swap3A_199 {strides = array<i32>} : memref<80x48xf32, #tpu.memory_space<vmem>>, vector<1x16xf32>,
      %get3A_200 = arith.index_cast %scan3A_165 : i32 to index
      %get3A_201 = arith.constant 32 : index
      %get3A_202 = tpu.vector_load %arg11[%get3A_200, %get3A_201] {strides = array<i32>} : memref<80x48xf32, #tpu.memory_space<vmem>>, vector<1x16xf32>,
      %get3A_203 = vector.shape_cast %get3A_202 : vector<1x16xf32> to vector<16xf32>
      %mul3A_204 = arith.mulf %get3A_203, %exp3A : vector<16xf32>
      %swap3A_205 = arith.index_cast %scan3A_165 : i32 to index
      %swap3A_206 = arith.constant 32 : index
      %swap3A_207 = tpu.vector_load %arg11[%swap3A_205, %swap3A_206] {strides = array<i32>} : memref<80x48xf32, #tpu.memory_space<vmem>>, vector<1x16xf32>,
      %swap3A_208 = vector.shape_cast %swap3A_207 : vector<1x16xf32> to vector<16xf32>
      %swap3A_209 = vector.shape_cast %mul3A_204 : vector<16xf32> to vector<1x16xf32>
      tpu.vector_store %arg11[%swap3A_205, %swap3A_206], %swap3A_209 {strides = array<i32>} : memref<80x48xf32, #tpu.memory_space<vmem>>, vector<1x16xf32>,
      %scan3A_210 = arith.constant 1 : i32
      %scan3A_211 = arith.addi %scan3A_165, %scan3A_210 : i32
      %get3A_212 = arith.index_cast %scan3A_211 : i32 to index
      %get3A_213 = arith.constant 32 : index
      %get3A_214 = tpu.vector_load %arg11[%get3A_212, %get3A_213] {strides = array<i32>} : memref<80x48xf32, #tpu.memory_space<vmem>>, vector<1x16xf32>,
      %get3A_215 = vector.shape_cast %get3A_214 : vector<1x16xf32> to vector<16xf32>
      %get3A_216 = arith.index_cast %scan3A_211 : i32 to index
      %get3A_217 = arith.constant 0 : index
      %get3A_218 = tpu.vector_load %arg13[%get3A_216, %get3A_217] {strides = array<i32>} : memref<80x16xf32, #tpu.memory_space<vmem>>, vector<1x16xf32>,
      %get3A_219 = vector.shape_cast %get3A_218 : vector<1x16xf32> to vector<16xf32>
      %slice3A_220 = vector.extract_strided_slice %get3A_215 {offsets = [9], sizes = [1], strides = [1]} : vector<16xf32> to vector<1xf32>
      %squeeze3A_221 = vector.extract %slice3A_220[0] : f32 from vector<1xf32>
      %slice3A_222 = vector.extract_strided_slice %get3A_219 {offsets = [0], sizes = [1], strides = [1]} : vector<16xf32> to vector<1xf32>
      %squeeze3A_223 = vector.extract %slice3A_222[0] : f32 from vector<1xf32>
      %add3A_224 = arith.addf %squeeze3A_221, %squeeze3A_223 : f32
      %gt3A_225 = arith.constant 0.000000e+00 : f32
      %gt3A_226 = arith.cmpf ogt, %add3A_224, %gt3A_225 : f32
      %mul3A_227 = arith.constant 2.000000e-01 : f32
      %mul3A_228 = arith.mulf %add3A_224, %mul3A_227 : f32
      %select_n3A_229 = arith.select %gt3A_226, %add3A_224, %mul3A_228 : f32
      %broadcast_in_dim3A_230 = vector.broadcast %select_n3A_229 : f32 to vector<16xf32>
      %exp3A_231 = math.exp %broadcast_in_dim3A_230 : vector<16xf32>
      %get3A_232 = arith.index_cast %scan3A_211 : i32 to index
      %get3A_233 = arith.constant 0 : index
      %get3A_234 = tpu.vector_load %arg11[%get3A_232, %get3A_233] {strides = array<i32>} : memref<80x48xf32, #tpu.memory_space<vmem>>, vector<1x16xf32>,
      %get3A_235 = vector.shape_cast %get3A_234 : vector<1x16xf32> to vector<16xf32>
      %mul3A_236 = arith.mulf %get3A_235, %exp3A_231 : vector<16xf32>
      %swap3A_237 = arith.index_cast %scan3A_211 : i32 to index
      %swap3A_238 = arith.constant 0 : index
      %swap3A_239 = tpu.vector_load %arg11[%swap3A_237, %swap3A_238] {strides = array<i32>} : memref<80x48xf32, #tpu.memory_space<vmem>>, vector<1x16xf32>,
      %swap3A_240 = vector.shape_cast %swap3A_239 : vector<1x16xf32> to vector<16xf32>
      %swap3A_241 = vector.shape_cast %mul3A_236 : vector<16xf32> to vector<1x16xf32>
      tpu.vector_store %arg11[%swap3A_237, %swap3A_238], %swap3A_241 {strides = array<i32>} : memref<80x48xf32, #tpu.memory_space<vmem>>, vector<1x16xf32>,
      %get3A_242 = arith.index_cast %scan3A_211 : i32 to index
      %get3A_243 = arith.constant 16 : index
      %get3A_244 = tpu.vector_load %arg11[%get3A_242, %get3A_243] {strides = array<i32>} : memref<80x48xf32, #tpu.memory_space<vmem>>, vector<1x16xf32>,
      %get3A_245 = vector.shape_cast %get3A_244 : vector<1x16xf32> to vector<16xf32>
      %mul3A_246 = arith.mulf %get3A_245, %exp3A_231 : vector<16xf32>
      %swap3A_247 = arith.index_cast %scan3A_211 : i32 to index
      %swap3A_248 = arith.constant 16 : index
      %swap3A_249 = tpu.vector_load %arg11[%swap3A_247, %swap3A_248] {strides = array<i32>} : memref<80x48xf32, #tpu.memory_space<vmem>>, vector<1x16xf32>,
      %swap3A_250 = vector.shape_cast %swap3A_249 : vector<1x16xf32> to vector<16xf32>
      %swap3A_251 = vector.shape_cast %mul3A_246 : vector<16xf32> to vector<1x16xf32>
      tpu.vector_store %arg11[%swap3A_247, %swap3A_248], %swap3A_251 {strides = array<i32>} : memref<80x48xf32, #tpu.memory_space<vmem>>, vector<1x16xf32>,
      %get3A_252 = arith.index_cast %scan3A_211 : i32 to index
      %get3A_253 = arith.constant 32 : index
      %get3A_254 = tpu.vector_load %arg11[%get3A_252, %get3A_253] {strides = array<i32>} : memref<80x48xf32, #tpu.memory_space<vmem>>, vector<1x16xf32>,
      %get3A_255 = vector.shape_cast %get3A_254 : vector<1x16xf32> to vector<16xf32>
      %mul3A_256 = arith.mulf %get3A_255, %exp3A_231 : vector<16xf32>
      %swap3A_257 = arith.index_cast %scan3A_211 : i32 to index
      %swap3A_258 = arith.constant 32 : index
      %swap3A_259 = tpu.vector_load %arg11[%swap3A_257, %swap3A_258] {strides = array<i32>} : memref<80x48xf32, #tpu.memory_space<vmem>>, vector<1x16xf32>,
      %swap3A_260 = vector.shape_cast %swap3A_259 : vector<1x16xf32> to vector<16xf32>
      %swap3A_261 = vector.shape_cast %mul3A_256 : vector<16xf32> to vector<1x16xf32>
      tpu.vector_store %arg11[%swap3A_257, %swap3A_258], %swap3A_261 {strides = array<i32>} : memref<80x48xf32, #tpu.memory_space<vmem>>, vector<1x16xf32>,
      %scan3A_262 = arith.constant 2 : i32
      %scan3A_263 = arith.addi %scan3A_165, %scan3A_262 : i32
      %get3A_264 = arith.index_cast %scan3A_263 : i32 to index
      %get3A_265 = arith.constant 32 : index
      %get3A_266 = tpu.vector_load %arg11[%get3A_264, %get3A_265] {strides = array<i32>} : memref<80x48xf32, #tpu.memory_space<vmem>>, vector<1x16xf32>,
      %get3A_267 = vector.shape_cast %get3A_266 : vector<1x16xf32> to vector<16xf32>
      %get3A_268 = arith.index_cast %scan3A_263 : i32 to index
      %get3A_269 = arith.constant 0 : index
      %get3A_270 = tpu.vector_load %arg13[%get3A_268, %get3A_269] {strides = array<i32>} : memref<80x16xf32, #tpu.memory_space<vmem>>, vector<1x16xf32>,
      %get3A_271 = vector.shape_cast %get3A_270 : vector<1x16xf32> to vector<16xf32>
      %slice3A_272 = vector.extract_strided_slice %get3A_267 {offsets = [9], sizes = [1], strides = [1]} : vector<16xf32> to vector<1xf32>
      %squeeze3A_273 = vector.extract %slice3A_272[0] : f32 from vector<1xf32>
      %slice3A_274 = vector.extract_strided_slice %get3A_271 {offsets = [0], sizes = [1], strides = [1]} : vector<16xf32> to vector<1xf32>
      %squeeze3A_275 = vector.extract %slice3A_274[0] : f32 from vector<1xf32>
      %add3A_276 = arith.addf %squeeze3A_273, %squeeze3A_275 : f32
      %gt3A_277 = arith.constant 0.000000e+00 : f32
      %gt3A_278 = arith.cmpf ogt, %add3A_276, %gt3A_277 : f32
      %mul3A_279 = arith.constant 2.000000e-01 : f32
      %mul3A_280 = arith.mulf %add3A_276, %mul3A_279 : f32
      %select_n3A_281 = arith.select %gt3A_278, %add3A_276, %mul3A_280 : f32
      %broadcast_in_dim3A_282 = vector.broadcast %select_n3A_281 : f32 to vector<16xf32>
      %exp3A_283 = math.exp %broadcast_in_dim3A_282 : vector<16xf32>
      %get3A_284 = arith.index_cast %scan3A_263 : i32 to index
      %get3A_285 = arith.constant 0 : index
      %get3A_286 = tpu.vector_load %arg11[%get3A_284, %get3A_285] {strides = array<i32>} : memref<80x48xf32, #tpu.memory_space<vmem>>, vector<1x16xf32>,
      %get3A_287 = vector.shape_cast %get3A_286 : vector<1x16xf32> to vector<16xf32>
      %mul3A_288 = arith.mulf %get3A_287, %exp3A_283 : vector<16xf32>
      %swap3A_289 = arith.index_cast %scan3A_263 : i32 to index
      %swap3A_290 = arith.constant 0 : index
      %swap3A_291 = tpu.vector_load %arg11[%swap3A_289, %swap3A_290] {strides = array<i32>} : memref<80x48xf32, #tpu.memory_space<vmem>>, vector<1x16xf32>,
      %swap3A_292 = vector.shape_cast %swap3A_291 : vector<1x16xf32> to vector<16xf32>
      %swap3A_293 = vector.shape_cast %mul3A_288 : vector<16xf32> to vector<1x16xf32>
      tpu.vector_store %arg11[%swap3A_289, %swap3A_290], %swap3A_293 {strides = array<i32>} : memref<80x48xf32, #tpu.memory_space<vmem>>, vector<1x16xf32>,
      %get3A_294 = arith.index_cast %scan3A_263 : i32 to index
      %get3A_295 = arith.constant 16 : index
      %get3A_296 = tpu.vector_load %arg11[%get3A_294, %get3A_295] {strides = array<i32>} : memref<80x48xf32, #tpu.memory_space<vmem>>, vector<1x16xf32>,
      %get3A_297 = vector.shape_cast %get3A_296 : vector<1x16xf32> to vector<16xf32>
      %mul3A_298 = arith.mulf %get3A_297, %exp3A_283 : vector<16xf32>
      %swap3A_299 = arith.index_cast %scan3A_263 : i32 to index
      %swap3A_300 = arith.constant 16 : index
      %swap3A_301 = tpu.vector_load %arg11[%swap3A_299, %swap3A_300] {strides = array<i32>} : memref<80x48xf32, #tpu.memory_space<vmem>>, vector<1x16xf32>,
      %swap3A_302 = vector.shape_cast %swap3A_301 : vector<1x16xf32> to vector<16xf32>
      %swap3A_303 = vector.shape_cast %mul3A_298 : vector<16xf32> to vector<1x16xf32>
      tpu.vector_store %arg11[%swap3A_299, %swap3A_300], %swap3A_303 {strides = array<i32>} : memref<80x48xf32, #tpu.memory_space<vmem>>, vector<1x16xf32>,
      %get3A_304 = arith.index_cast %scan3A_263 : i32 to index
      %get3A_305 = arith.constant 32 : index
      %get3A_306 = tpu.vector_load %arg11[%get3A_304, %get3A_305] {strides = array<i32>} : memref<80x48xf32, #tpu.memory_space<vmem>>, vector<1x16xf32>,
      %get3A_307 = vector.shape_cast %get3A_306 : vector<1x16xf32> to vector<16xf32>
      %mul3A_308 = arith.mulf %get3A_307, %exp3A_283 : vector<16xf32>
      %swap3A_309 = arith.index_cast %scan3A_263 : i32 to index
      %swap3A_310 = arith.constant 32 : index
      %swap3A_311 = tpu.vector_load %arg11[%swap3A_309, %swap3A_310] {strides = array<i32>} : memref<80x48xf32, #tpu.memory_space<vmem>>, vector<1x16xf32>,
      %swap3A_312 = vector.shape_cast %swap3A_311 : vector<1x16xf32> to vector<16xf32>
      %swap3A_313 = vector.shape_cast %mul3A_308 : vector<16xf32> to vector<1x16xf32>
      tpu.vector_store %arg11[%swap3A_309, %swap3A_310], %swap3A_313 {strides = array<i32>} : memref<80x48xf32, #tpu.memory_space<vmem>>, vector<1x16xf32>,
      %scan3A_314 = arith.constant 3 : i32
      %scan3A_315 = arith.addi %scan3A_165, %scan3A_314 : i32
      %get3A_316 = arith.index_cast %scan3A_315 : i32 to index
      %get3A_317 = arith.constant 32 : index
      %get3A_318 = tpu.vector_load %arg11[%get3A_316, %get3A_317] {strides = array<i32>} : memref<80x48xf32, #tpu.memory_space<vmem>>, vector<1x16xf32>,
      %get3A_319 = vector.shape_cast %get3A_318 : vector<1x16xf32> to vector<16xf32>
      %get3A_320 = arith.index_cast %scan3A_315 : i32 to index
      %get3A_321 = arith.constant 0 : index
      %get3A_322 = tpu.vector_load %arg13[%get3A_320, %get3A_321] {strides = array<i32>} : memref<80x16xf32, #tpu.memory_space<vmem>>, vector<1x16xf32>,
      %get3A_323 = vector.shape_cast %get3A_322 : vector<1x16xf32> to vector<16xf32>
      %slice3A_324 = vector.extract_strided_slice %get3A_319 {offsets = [9], sizes = [1], strides = [1]} : vector<16xf32> to vector<1xf32>
      %squeeze3A_325 = vector.extract %slice3A_324[0] : f32 from vector<1xf32>
      %slice3A_326 = vector.extract_strided_slice %get3A_323 {offsets = [0], sizes = [1], strides = [1]} : vector<16xf32> to vector<1xf32>
      %squeeze3A_327 = vector.extract %slice3A_326[0] : f32 from vector<1xf32>
      %add3A_328 = arith.addf %squeeze3A_325, %squeeze3A_327 : f32
      %gt3A_329 = arith.constant 0.000000e+00 : f32
      %gt3A_330 = arith.cmpf ogt, %add3A_328, %gt3A_329 : f32
      %mul3A_331 = arith.constant 2.000000e-01 : f32
      %mul3A_332 = arith.mulf %add3A_328, %mul3A_331 : f32
      %select_n3A_333 = arith.select %gt3A_330, %add3A_328, %mul3A_332 : f32
      %broadcast_in_dim3A_334 = vector.broadcast %select_n3A_333 : f32 to vector<16xf32>
      %exp3A_335 = math.exp %broadcast_in_dim3A_334 : vector<16xf32>
      %get3A_336 = arith.index_cast %scan3A_315 : i32 to index
      %get3A_337 = arith.constant 0 : index
      %get3A_338 = tpu.vector_load %arg11[%get3A_336, %get3A_337] {strides = array<i32>} : memref<80x48xf32, #tpu.memory_space<vmem>>, vector<1x16xf32>,
      %get3A_339 = vector.shape_cast %get3A_338 : vector<1x16xf32> to vector<16xf32>
      %mul3A_340 = arith.mulf %get3A_339, %exp3A_335 : vector<16xf32>
      %swap3A_341 = arith.index_cast %scan3A_315 : i32 to index
      %swap3A_342 = arith.constant 0 : index
      %swap3A_343 = tpu.vector_load %arg11[%swap3A_341, %swap3A_342] {strides = array<i32>} : memref<80x48xf32, #tpu.memory_space<vmem>>, vector<1x16xf32>,
      %swap3A_344 = vector.shape_cast %swap3A_343 : vector<1x16xf32> to vector<16xf32>
      %swap3A_345 = vector.shape_cast %mul3A_340 : vector<16xf32> to vector<1x16xf32>
      tpu.vector_store %arg11[%swap3A_341, %swap3A_342], %swap3A_345 {strides = array<i32>} : memref<80x48xf32, #tpu.memory_space<vmem>>, vector<1x16xf32>,
      %get3A_346 = arith.index_cast %scan3A_315 : i32 to index
      %get3A_347 = arith.constant 16 : index
      %get3A_348 = tpu.vector_load %arg11[%get3A_346, %get3A_347] {strides = array<i32>} : memref<80x48xf32, #tpu.memory_space<vmem>>, vector<1x16xf32>,
      %get3A_349 = vector.shape_cast %get3A_348 : vector<1x16xf32> to vector<16xf32>
      %mul3A_350 = arith.mulf %get3A_349, %exp3A_335 : vector<16xf32>
      %swap3A_351 = arith.index_cast %scan3A_315 : i32 to index
      %swap3A_352 = arith.constant 16 : index
      %swap3A_353 = tpu.vector_load %arg11[%swap3A_351, %swap3A_352] {strides = array<i32>} : memref<80x48xf32, #tpu.memory_space<vmem>>, vector<1x16xf32>,
      %swap3A_354 = vector.shape_cast %swap3A_353 : vector<1x16xf32> to vector<16xf32>
      %swap3A_355 = vector.shape_cast %mul3A_350 : vector<16xf32> to vector<1x16xf32>
      tpu.vector_store %arg11[%swap3A_351, %swap3A_352], %swap3A_355 {strides = array<i32>} : memref<80x48xf32, #tpu.memory_space<vmem>>, vector<1x16xf32>,
      %get3A_356 = arith.index_cast %scan3A_315 : i32 to index
      %get3A_357 = arith.constant 32 : index
      %get3A_358 = tpu.vector_load %arg11[%get3A_356, %get3A_357] {strides = array<i32>} : memref<80x48xf32, #tpu.memory_space<vmem>>, vector<1x16xf32>,
      %get3A_359 = vector.shape_cast %get3A_358 : vector<1x16xf32> to vector<16xf32>
      %mul3A_360 = arith.mulf %get3A_359, %exp3A_335 : vector<16xf32>
      %swap3A_361 = arith.index_cast %scan3A_315 : i32 to index
      %swap3A_362 = arith.constant 32 : index
      %swap3A_363 = tpu.vector_load %arg11[%swap3A_361, %swap3A_362] {strides = array<i32>} : memref<80x48xf32, #tpu.memory_space<vmem>>, vector<1x16xf32>,
      %swap3A_364 = vector.shape_cast %swap3A_363 : vector<1x16xf32> to vector<16xf32>
      %swap3A_365 = vector.shape_cast %mul3A_360 : vector<16xf32> to vector<1x16xf32>
      tpu.vector_store %arg11[%swap3A_361, %swap3A_362], %swap3A_365 {strides = array<i32>} : memref<80x48xf32, #tpu.memory_space<vmem>>, vector<1x16xf32>,
    }
    %scan3A_153 = arith.constant 80 : i32
    %dma_start3A_154 = arith.constant 0 : i32
    %dma_start3A_155 = arith.constant 0 : i32
    %dma_start3A_156 = tpu.memref_slice %arg15[%dma_start3A_154, %dma_start3A_155] : memref<10240x48xf32, #tpu.memory_space<vmem_shared>> -> memref<10240x48xf32, #tpu.memory_space<vmem_shared>>
    tpu.enqueue_indirect_dma source(%arg11 : memref<80x48xf32, #tpu.memory_space<vmem>>) target(%dma_start3A_156 : memref<10240x48xf32, #tpu.memory_space<vmem_shared>>) offsets(%arg8 : memref<80xi32, #tpu.memory_space<vmem>>) semaphore(%arg20 : memref<!tpu.dma_semaphore, #tpu.memory_space<semaphore_mem>>) {add = true}
    %dma_wait3A_157 = arith.constant 0 : i32
    %dma_wait3A_158 = arith.constant 0 : i32
    %dma_wait3A_159 = tpu.memref_slice %arg15[%dma_wait3A_157, %dma_wait3A_158] : memref<10240x48xf32, #tpu.memory_space<vmem_shared>> -> memref<10240x48xf32, #tpu.memory_space<vmem_shared>>
    tpu.wait_indirect_dma semaphore(%arg20 : memref<!tpu.dma_semaphore, #tpu.memory_space<semaphore_mem>>) src(%arg11 : memref<80x48xf32, #tpu.memory_space<vmem>>) dst(%dma_wait3A_159 : memref<10240x48xf32, #tpu.memory_space<vmem_shared>>)
    %barrier3A_160 = arith.constant 0 : index
    tpu.barrier barrier_id(%barrier3A_160)
    %mul3A_161 = arith.constant 640 : i32
    %mul3A_162 = arith.muli %arg1, %mul3A_161 : i32
    %mul3A_163 = arith.constant 640 : i32
    %mul3A_164 = arith.muli %arg1, %mul3A_163 : i32
    "tpu.region"() ({
      %run_scoped3A = tpu.sem_alloc : memref<!tpu.dma_semaphore, #tpu.memory_space<semaphore_mem>>
      %dma_start3A_165 = arith.constant 0 : i32
      %dma_start3A_166 = arith.constant 0 : i32
      %dma_start3A_167 = tpu.memref_slice %arg5[%arg0, %dma_start3A_165, %dma_start3A_166] : memref<2x10240x48xf32, #tpu.memory_space<hbm>> -> memref<1x10240x48xf32, #tpu.memory_space<hbm>>
      %dma_start3A_168 = tpu.memref_squeeze %dma_start3A_167 : memref<1x10240x48xf32, #tpu.memory_space<hbm>> -> memref<10240x48xf32, #tpu.memory_space<hbm>>
      %dma_start3A_169 = arith.constant 0 : i32
      %dma_start3A_170 = tpu.memref_slice %dma_start3A_168[%mul3A_164, %dma_start3A_169] : memref<10240x48xf32, #tpu.memory_space<hbm>> -> memref<640x48xf32, #tpu.memory_space<hbm>>
      %dma_start3A_171 = arith.constant 0 : i32
      %dma_start3A_172 = tpu.memref_slice %arg15[%mul3A_162, %dma_start3A_171] : memref<10240x48xf32, #tpu.memory_space<vmem_shared>> -> memref<640x48xf32, #tpu.memory_space<vmem_shared>>
      tpu.enqueue_dma source(%dma_start3A_172 : memref<640x48xf32, #tpu.memory_space<vmem_shared>>) target(%dma_start3A_170 : memref<640x48xf32, #tpu.memory_space<hbm>>) target_semaphore(%run_scoped3A : memref<!tpu.dma_semaphore, #tpu.memory_space<semaphore_mem>>)
      %dma_wait3A_173 = arith.constant 0 : i32
      %dma_wait3A_174 = arith.constant 0 : i32
      %dma_wait3A_175 = tpu.memref_slice %arg5[%arg0, %dma_wait3A_173, %dma_wait3A_174] : memref<2x10240x48xf32, #tpu.memory_space<hbm>> -> memref<1x10240x48xf32, #tpu.memory_space<hbm>>
      %dma_wait3A_176 = tpu.memref_squeeze %dma_wait3A_175 : memref<1x10240x48xf32, #tpu.memory_space<hbm>> -> memref<10240x48xf32, #tpu.memory_space<hbm>>
      %dma_wait3A_177 = arith.constant 0 : i32
      %dma_wait3A_178 = tpu.memref_slice %dma_wait3A_176[%mul3A_164, %dma_wait3A_177] : memref<10240x48xf32, #tpu.memory_space<hbm>> -> memref<640x48xf32, #tpu.memory_space<hbm>>
      %dma_wait3A_179 = arith.constant 0 : i32
      %dma_wait3A_180 = tpu.memref_slice %arg15[%mul3A_162, %dma_wait3A_179] : memref<10240x48xf32, #tpu.memory_space<vmem_shared>> -> memref<640x48xf32, #tpu.memory_space<vmem_shared>>
      tpu.wait_dma2 semaphore(%run_scoped3A : memref<!tpu.dma_semaphore, #tpu.memory_space<semaphore_mem>>) src(%dma_wait3A_180 : memref<640x48xf32, #tpu.memory_space<vmem_shared>>) dst(%dma_wait3A_178 : memref<640x48xf32, #tpu.memory_space<hbm>>)
      tpu.yield
    }) : () -> ()
    return
  }
}

module attributes {stable_mosaic.version = 14 : i64} {
  func.func @_dense1_body(%arg0: i32, %arg1: memref<1000x128xf32, #tpu.memory_space<vmem>>, %arg2: memref<128x128xf32, #tpu.memory_space<vmem>>, %arg3: memref<128x8xf32, #tpu.memory_space<vmem>>, %arg4: memref<128x8xf32, #tpu.memory_space<vmem>>, %arg5: memref<1000x144xf32, #tpu.memory_space<vmem>>, %arg6: memref<1000x16xf32, #tpu.memory_space<vmem>>) attributes {dimension_semantics = [#tpu.dimension_semantics<arbitrary>], iteration_bounds = array<i64: 10>, scalar_prefetch = 0 : i64, scratch_operands = 0 : i64, tpu.core_type = #tpu.core_type<tc>, window_params = [{transform_indices = @transform_0, window_bounds = array<i64: 1000, 128>}, {pipeline_mode = #tpu.pipeline_mode<synchronous>, transform_indices = @transform_1, window_bounds = array<i64: 128, 128>}, {pipeline_mode = #tpu.pipeline_mode<synchronous>, transform_indices = @transform_2, window_bounds = array<i64: 128, 8>}, {pipeline_mode = #tpu.pipeline_mode<synchronous>, transform_indices = @transform_3, window_bounds = array<i64: 128, 8>}, {transform_indices = @transform_4, window_bounds = array<i64: 1000, 144>}, {transform_indices = @transform_5, window_bounds = array<i64: 1000, 16>}]} {
    %get3A = arith.constant 0 : index
    %get3A_0 = arith.constant 0 : index
    %get3A_1 = vector.load %arg1[%get3A, %get3A_0] : memref<1000x128xf32, #tpu.memory_space<vmem>>, vector<1000x128xf32>
    %get3A_2 = arith.constant 0 : index
    %get3A_3 = arith.constant 0 : index
    %get3A_4 = vector.load %arg2[%get3A_2, %get3A_3] : memref<128x128xf32, #tpu.memory_space<vmem>>, vector<128x128xf32>
    %dot_general3A = arith.constant dense<0.000000e+00> : vector<1000x128xf32>
    %dot_general3A_5 = tpu.matmul %get3A_1, %get3A_4, %dot_general3A {dimension_numbers = #tpu.dot_dimension_numbers<[1], [0], [0], [1], [0, 0, 1, 1], [], []>, transpose_lhs_hint = false} : vector<1000x128xf32>, vector<128x128xf32>, vector<1000x128xf32> -> vector<1000x128xf32>
    %get3A_6 = arith.constant 0 : index
    %get3A_7 = arith.constant 0 : index
    %get3A_8 = vector.load %arg3[%get3A_6, %get3A_7] : memref<128x8xf32, #tpu.memory_space<vmem>>, vector<128x8xf32>
    %dot_general3A_9 = arith.constant dense<0.000000e+00> : vector<1000x8xf32>
    %dot_general3A_10 = tpu.matmul %dot_general3A_5, %get3A_8, %dot_general3A_9 {dimension_numbers = #tpu.dot_dimension_numbers<[1], [0], [0], [1], [0, 0, 1, 1], [], []>, transpose_lhs_hint = false} : vector<1000x128xf32>, vector<128x8xf32>, vector<1000x8xf32> -> vector<1000x8xf32>
    %get3A_11 = arith.constant 0 : index
    %get3A_12 = arith.constant 0 : index
    %get3A_13 = vector.load %arg4[%get3A_11, %get3A_12] : memref<128x8xf32, #tpu.memory_space<vmem>>, vector<128x8xf32>
    %dot_general3A_14 = arith.constant dense<0.000000e+00> : vector<1000x8xf32>
    %dot_general3A_15 = tpu.matmul %dot_general3A_5, %get3A_13, %dot_general3A_14 {dimension_numbers = #tpu.dot_dimension_numbers<[1], [0], [0], [1], [0, 0, 1, 1], [], []>, transpose_lhs_hint = false} : vector<1000x128xf32>, vector<128x8xf32>, vector<1000x8xf32> -> vector<1000x8xf32>
    %broadcast_in_dim3A = arith.constant 1.000000e+00 : f32
    %broadcast_in_dim3A_16 = vector.broadcast %broadcast_in_dim3A : f32 to vector<1000x8xf32>
    %concatenate3A = tpu.concatenate %dot_general3A_5, %dot_general3A_10, %broadcast_in_dim3A_16 in 1 : vector<1000x128xf32>, vector<1000x8xf32>, vector<1000x8xf32> -> vector<1000x144xf32>
    %swap3A = arith.constant 0 : index
    %swap3A_17 = arith.constant 0 : index
    %swap3A_18 = vector.load %arg5[%swap3A, %swap3A_17] : memref<1000x144xf32, #tpu.memory_space<vmem>>, vector<1000x144xf32>
    tpu.vector_store %arg5[%swap3A, %swap3A_17], %concatenate3A {strides = array<i32>} : memref<1000x144xf32, #tpu.memory_space<vmem>>, vector<1000x144xf32>,
    %broadcast_in_dim3A_19 = arith.constant 0.000000e+00 : f32
    %broadcast_in_dim3A_20 = vector.broadcast %broadcast_in_dim3A_19 : f32 to vector<1000x8xf32>
    %concatenate3A_21 = tpu.concatenate %dot_general3A_15, %broadcast_in_dim3A_20 in 1 : vector<1000x8xf32>, vector<1000x8xf32> -> vector<1000x16xf32>
    %swap3A_22 = arith.constant 0 : index
    %swap3A_23 = arith.constant 0 : index
    %swap3A_24 = vector.load %arg6[%swap3A_22, %swap3A_23] : memref<1000x16xf32, #tpu.memory_space<vmem>>, vector<1000x16xf32>
    tpu.vector_store %arg6[%swap3A_22, %swap3A_23], %concatenate3A_21 {strides = array<i32>} : memref<1000x16xf32, #tpu.memory_space<vmem>>, vector<1000x16xf32>,
    return
  }
  func.func @transform_0(%arg0: i32) -> (i32, i32) {
    %c0_i32 = arith.constant 0 : i32
    %c0_i32_0 = arith.constant 0 : i32
    return %arg0, %c0_i32 : i32, i32
  }
  func.func @transform_1(%arg0: i32) -> (i32, i32) {
    %c0_i32 = arith.constant 0 : i32
    %c0_i32_0 = arith.constant 0 : i32
    %c0_i32_1 = arith.constant 0 : i32
    return %c0_i32, %c0_i32_0 : i32, i32
  }
  func.func @transform_2(%arg0: i32) -> (i32, i32) {
    %c0_i32 = arith.constant 0 : i32
    %c0_i32_0 = arith.constant 0 : i32
    %c0_i32_1 = arith.constant 0 : i32
    return %c0_i32, %c0_i32_0 : i32, i32
  }
  func.func @transform_3(%arg0: i32) -> (i32, i32) {
    %c0_i32 = arith.constant 0 : i32
    %c0_i32_0 = arith.constant 0 : i32
    %c0_i32_1 = arith.constant 0 : i32
    return %c0_i32, %c0_i32_0 : i32, i32
  }
  func.func @transform_4(%arg0: i32) -> (i32, i32) {
    %c0_i32 = arith.constant 0 : i32
    %c0_i32_0 = arith.constant 0 : i32
    return %arg0, %c0_i32 : i32, i32
  }
  func.func @transform_5(%arg0: i32) -> (i32, i32) {
    %c0_i32 = arith.constant 0 : i32
    %c0_i32_0 = arith.constant 0 : i32
    return %arg0, %c0_i32 : i32, i32
  }
}

module attributes {stable_mosaic.version = 14 : i64} {
  func.func @_finish1_body(%arg0: i32, %arg1: memref<1000x144xf32, #tpu.memory_space<vmem>>, %arg2: memref<1000x144xf32, #tpu.memory_space<vmem>>, %arg3: memref<1x128xf32, #tpu.memory_space<vmem>>, %arg4: memref<128x48xf32, #tpu.memory_space<vmem>>, %arg5: memref<128x16xf32, #tpu.memory_space<vmem>>, %arg6: memref<1x48xf32, #tpu.memory_space<vmem>>, %arg7: memref<1000x48xf32, #tpu.memory_space<vmem>>, %arg8: memref<1000x16xf32, #tpu.memory_space<vmem>>) attributes {dimension_semantics = [#tpu.dimension_semantics<arbitrary>], iteration_bounds = array<i64: 10>, scalar_prefetch = 0 : i64, scratch_operands = 0 : i64, tpu.core_type = #tpu.core_type<tc>, window_params = [{transform_indices = @transform_0, window_bounds = array<i64: 1000, 144>}, {transform_indices = @transform_1, window_bounds = array<i64: 1000, 144>}, {pipeline_mode = #tpu.pipeline_mode<synchronous>, transform_indices = @transform_2, window_bounds = array<i64: 1, 128>}, {pipeline_mode = #tpu.pipeline_mode<synchronous>, transform_indices = @transform_3, window_bounds = array<i64: 128, 48>}, {pipeline_mode = #tpu.pipeline_mode<synchronous>, transform_indices = @transform_4, window_bounds = array<i64: 128, 16>}, {pipeline_mode = #tpu.pipeline_mode<synchronous>, transform_indices = @transform_5, window_bounds = array<i64: 1, 48>}, {transform_indices = @transform_6, window_bounds = array<i64: 1000, 48>}, {transform_indices = @transform_7, window_bounds = array<i64: 1000, 16>}]} {
    %get3A = arith.constant 0 : index
    %get3A_0 = arith.constant 0 : index
    %get3A_1 = vector.load %arg1[%get3A, %get3A_0] : memref<1000x144xf32, #tpu.memory_space<vmem>>, vector<1000x144xf32>
    %get3A_2 = arith.constant 0 : index
    %get3A_3 = arith.constant 0 : index
    %get3A_4 = vector.load %arg2[%get3A_2, %get3A_3] : memref<1000x144xf32, #tpu.memory_space<vmem>>, vector<1000x144xf32>
    %add3A = arith.addf %get3A_1, %get3A_4 : vector<1000x144xf32>
    %slice3A = vector.extract_strided_slice %add3A {offsets = [0, 128], sizes = [1000, 1], strides = [1, 1]} : vector<1000x144xf32> to vector<1000x1xf32>
    %add3A_5 = arith.constant 1.000000e-16 : f32
    %add3A_6 = vector.broadcast %add3A_5 : f32 to vector<1000x1xf32>
    %add3A_7 = arith.addf %slice3A, %add3A_6 : vector<1000x1xf32>
    %slice3A_8 = vector.extract_strided_slice %add3A {offsets = [0, 0], sizes = [1000, 16], strides = [1, 1]} : vector<1000x144xf32> to vector<1000x16xf32>
    %div3A = vector.broadcast %add3A_7 : vector<1000x1xf32> to vector<1000x16xf32>
    %div3A_9 = arith.divf %slice3A_8, %div3A : vector<1000x16xf32>
    %slice3A_10 = vector.extract_strided_slice %add3A {offsets = [0, 129], sizes = [1000, 1], strides = [1, 1]} : vector<1000x144xf32> to vector<1000x1xf32>
    %add3A_11 = arith.constant 1.000000e-16 : f32
    %add3A_12 = vector.broadcast %add3A_11 : f32 to vector<1000x1xf32>
    %add3A_13 = arith.addf %slice3A_10, %add3A_12 : vector<1000x1xf32>
    %slice3A_14 = vector.extract_strided_slice %add3A {offsets = [0, 16], sizes = [1000, 16], strides = [1, 1]} : vector<1000x144xf32> to vector<1000x16xf32>
    %div3A_15 = vector.broadcast %add3A_13 : vector<1000x1xf32> to vector<1000x16xf32>
    %div3A_16 = arith.divf %slice3A_14, %div3A_15 : vector<1000x16xf32>
    %slice3A_17 = vector.extract_strided_slice %add3A {offsets = [0, 130], sizes = [1000, 1], strides = [1, 1]} : vector<1000x144xf32> to vector<1000x1xf32>
    %add3A_18 = arith.constant 1.000000e-16 : f32
    %add3A_19 = vector.broadcast %add3A_18 : f32 to vector<1000x1xf32>
    %add3A_20 = arith.addf %slice3A_17, %add3A_19 : vector<1000x1xf32>
    %slice3A_21 = vector.extract_strided_slice %add3A {offsets = [0, 32], sizes = [1000, 16], strides = [1, 1]} : vector<1000x144xf32> to vector<1000x16xf32>
    %div3A_22 = vector.broadcast %add3A_20 : vector<1000x1xf32> to vector<1000x16xf32>
    %div3A_23 = arith.divf %slice3A_21, %div3A_22 : vector<1000x16xf32>
    %slice3A_24 = vector.extract_strided_slice %add3A {offsets = [0, 131], sizes = [1000, 1], strides = [1, 1]} : vector<1000x144xf32> to vector<1000x1xf32>
    %add3A_25 = arith.constant 1.000000e-16 : f32
    %add3A_26 = vector.broadcast %add3A_25 : f32 to vector<1000x1xf32>
    %add3A_27 = arith.addf %slice3A_24, %add3A_26 : vector<1000x1xf32>
    %slice3A_28 = vector.extract_strided_slice %add3A {offsets = [0, 48], sizes = [1000, 16], strides = [1, 1]} : vector<1000x144xf32> to vector<1000x16xf32>
    %div3A_29 = vector.broadcast %add3A_27 : vector<1000x1xf32> to vector<1000x16xf32>
    %div3A_30 = arith.divf %slice3A_28, %div3A_29 : vector<1000x16xf32>
    %slice3A_31 = vector.extract_strided_slice %add3A {offsets = [0, 132], sizes = [1000, 1], strides = [1, 1]} : vector<1000x144xf32> to vector<1000x1xf32>
    %add3A_32 = arith.constant 1.000000e-16 : f32
    %add3A_33 = vector.broadcast %add3A_32 : f32 to vector<1000x1xf32>
    %add3A_34 = arith.addf %slice3A_31, %add3A_33 : vector<1000x1xf32>
    %slice3A_35 = vector.extract_strided_slice %add3A {offsets = [0, 64], sizes = [1000, 16], strides = [1, 1]} : vector<1000x144xf32> to vector<1000x16xf32>
    %div3A_36 = vector.broadcast %add3A_34 : vector<1000x1xf32> to vector<1000x16xf32>
    %div3A_37 = arith.divf %slice3A_35, %div3A_36 : vector<1000x16xf32>
    %slice3A_38 = vector.extract_strided_slice %add3A {offsets = [0, 133], sizes = [1000, 1], strides = [1, 1]} : vector<1000x144xf32> to vector<1000x1xf32>
    %add3A_39 = arith.constant 1.000000e-16 : f32
    %add3A_40 = vector.broadcast %add3A_39 : f32 to vector<1000x1xf32>
    %add3A_41 = arith.addf %slice3A_38, %add3A_40 : vector<1000x1xf32>
    %slice3A_42 = vector.extract_strided_slice %add3A {offsets = [0, 80], sizes = [1000, 16], strides = [1, 1]} : vector<1000x144xf32> to vector<1000x16xf32>
    %div3A_43 = vector.broadcast %add3A_41 : vector<1000x1xf32> to vector<1000x16xf32>
    %div3A_44 = arith.divf %slice3A_42, %div3A_43 : vector<1000x16xf32>
    %slice3A_45 = vector.extract_strided_slice %add3A {offsets = [0, 134], sizes = [1000, 1], strides = [1, 1]} : vector<1000x144xf32> to vector<1000x1xf32>
    %add3A_46 = arith.constant 1.000000e-16 : f32
    %add3A_47 = vector.broadcast %add3A_46 : f32 to vector<1000x1xf32>
    %add3A_48 = arith.addf %slice3A_45, %add3A_47 : vector<1000x1xf32>
    %slice3A_49 = vector.extract_strided_slice %add3A {offsets = [0, 96], sizes = [1000, 16], strides = [1, 1]} : vector<1000x144xf32> to vector<1000x16xf32>
    %div3A_50 = vector.broadcast %add3A_48 : vector<1000x1xf32> to vector<1000x16xf32>
    %div3A_51 = arith.divf %slice3A_49, %div3A_50 : vector<1000x16xf32>
    %slice3A_52 = vector.extract_strided_slice %add3A {offsets = [0, 135], sizes = [1000, 1], strides = [1, 1]} : vector<1000x144xf32> to vector<1000x1xf32>
    %add3A_53 = arith.constant 1.000000e-16 : f32
    %add3A_54 = vector.broadcast %add3A_53 : f32 to vector<1000x1xf32>
    %add3A_55 = arith.addf %slice3A_52, %add3A_54 : vector<1000x1xf32>
    %slice3A_56 = vector.extract_strided_slice %add3A {offsets = [0, 112], sizes = [1000, 16], strides = [1, 1]} : vector<1000x144xf32> to vector<1000x16xf32>
    %div3A_57 = vector.broadcast %add3A_55 : vector<1000x1xf32> to vector<1000x16xf32>
    %div3A_58 = arith.divf %slice3A_56, %div3A_57 : vector<1000x16xf32>
    %concatenate3A = tpu.concatenate %div3A_9, %div3A_16, %div3A_23, %div3A_30, %div3A_37, %div3A_44, %div3A_51, %div3A_58 in 1 : vector<1000x16xf32>, vector<1000x16xf32>, vector<1000x16xf32>, vector<1000x16xf32>, vector<1000x16xf32>, vector<1000x16xf32>, vector<1000x16xf32>, vector<1000x16xf32> -> vector<1000x128xf32>
    %get3A_59 = arith.constant 0 : index
    %get3A_60 = arith.constant 0 : index
    %get3A_61 = vector.load %arg3[%get3A_59, %get3A_60] : memref<1x128xf32, #tpu.memory_space<vmem>>, vector<1x128xf32>
    %add3A_62 = vector.broadcast %get3A_61 : vector<1x128xf32> to vector<1000x128xf32>
    %add3A_63 = arith.addf %concatenate3A, %add3A_62 : vector<1000x128xf32>
    %gt3A = arith.constant 0.000000e+00 : f32
    %gt3A_64 = vector.broadcast %gt3A : f32 to vector<1000x128xf32>
    %gt3A_65 = arith.cmpf ogt, %add3A_63, %gt3A_64 : vector<1000x128xf32>
    %exp3A = math.exp %add3A_63 : vector<1000x128xf32>
    %sub3A = arith.constant 1.000000e+00 : f32
    %sub3A_66 = vector.broadcast %sub3A : f32 to vector<1000x128xf32>
    %sub3A_67 = arith.subf %exp3A, %sub3A_66 : vector<1000x128xf32>
    %select_n3A = arith.select %gt3A_65, %add3A_63, %sub3A_67 : vector<1000x128xi1>, vector<1000x128xf32>
    %get3A_68 = arith.constant 0 : index
    %get3A_69 = arith.constant 0 : index
    %get3A_70 = vector.load %arg4[%get3A_68, %get3A_69] : memref<128x48xf32, #tpu.memory_space<vmem>>, vector<128x48xf32>
    %dot_general3A = arith.constant dense<0.000000e+00> : vector<1000x48xf32>
    %dot_general3A_71 = tpu.matmul %select_n3A, %get3A_70, %dot_general3A {dimension_numbers = #tpu.dot_dimension_numbers<[1], [0], [0], [1], [0, 0, 1, 1], [], []>, transpose_lhs_hint = false} : vector<1000x128xf32>, vector<128x48xf32>, vector<1000x48xf32> -> vector<1000x48xf32>
    %get3A_72 = arith.constant 0 : index
    %get3A_73 = arith.constant 0 : index
    %get3A_74 = vector.load %arg6[%get3A_72, %get3A_73] : memref<1x48xf32, #tpu.memory_space<vmem>>, vector<1x48xf32>
    %add3A_75 = vector.broadcast %get3A_74 : vector<1x48xf32> to vector<1000x48xf32>
    %add3A_76 = arith.addf %dot_general3A_71, %add3A_75 : vector<1000x48xf32>
    %swap3A = arith.constant 0 : index
    %swap3A_77 = arith.constant 0 : index
    %swap3A_78 = vector.load %arg7[%swap3A, %swap3A_77] : memref<1000x48xf32, #tpu.memory_space<vmem>>, vector<1000x48xf32>
    tpu.vector_store %arg7[%swap3A, %swap3A_77], %add3A_76 {strides = array<i32>} : memref<1000x48xf32, #tpu.memory_space<vmem>>, vector<1000x48xf32>,
    %get3A_79 = arith.constant 0 : index
    %get3A_80 = arith.constant 0 : index
    %get3A_81 = vector.load %arg5[%get3A_79, %get3A_80] : memref<128x16xf32, #tpu.memory_space<vmem>>, vector<128x16xf32>
    %dot_general3A_82 = arith.constant dense<0.000000e+00> : vector<1000x16xf32>
    %dot_general3A_83 = tpu.matmul %select_n3A, %get3A_81, %dot_general3A_82 {dimension_numbers = #tpu.dot_dimension_numbers<[1], [0], [0], [1], [0, 0, 1, 1], [], []>, transpose_lhs_hint = false} : vector<1000x128xf32>, vector<128x16xf32>, vector<1000x16xf32> -> vector<1000x16xf32>
    %swap3A_84 = arith.constant 0 : index
    %swap3A_85 = arith.constant 0 : index
    %swap3A_86 = vector.load %arg8[%swap3A_84, %swap3A_85] : memref<1000x16xf32, #tpu.memory_space<vmem>>, vector<1000x16xf32>
    tpu.vector_store %arg8[%swap3A_84, %swap3A_85], %dot_general3A_83 {strides = array<i32>} : memref<1000x16xf32, #tpu.memory_space<vmem>>, vector<1000x16xf32>,
    return
  }
  func.func @transform_0(%arg0: i32) -> (i32, i32) {
    %c0_i32 = arith.constant 0 : i32
    %c0_i32_0 = arith.constant 0 : i32
    return %arg0, %c0_i32 : i32, i32
  }
  func.func @transform_1(%arg0: i32) -> (i32, i32) {
    %c0_i32 = arith.constant 0 : i32
    %c0_i32_0 = arith.constant 0 : i32
    return %arg0, %c0_i32 : i32, i32
  }
  func.func @transform_2(%arg0: i32) -> (i32, i32) {
    %c0_i32 = arith.constant 0 : i32
    %c0_i32_0 = arith.constant 0 : i32
    %c0_i32_1 = arith.constant 0 : i32
    return %c0_i32, %c0_i32_0 : i32, i32
  }
  func.func @transform_3(%arg0: i32) -> (i32, i32) {
    %c0_i32 = arith.constant 0 : i32
    %c0_i32_0 = arith.constant 0 : i32
    %c0_i32_1 = arith.constant 0 : i32
    return %c0_i32, %c0_i32_0 : i32, i32
  }
  func.func @transform_4(%arg0: i32) -> (i32, i32) {
    %c0_i32 = arith.constant 0 : i32
    %c0_i32_0 = arith.constant 0 : i32
    %c0_i32_1 = arith.constant 0 : i32
    return %c0_i32, %c0_i32_0 : i32, i32
  }
  func.func @transform_5(%arg0: i32) -> (i32, i32) {
    %c0_i32 = arith.constant 0 : i32
    %c0_i32_0 = arith.constant 0 : i32
    %c0_i32_1 = arith.constant 0 : i32
    return %c0_i32, %c0_i32_0 : i32, i32
  }
  func.func @transform_6(%arg0: i32) -> (i32, i32) {
    %c0_i32 = arith.constant 0 : i32
    %c0_i32_0 = arith.constant 0 : i32
    return %arg0, %c0_i32 : i32, i32
  }
  func.func @transform_7(%arg0: i32) -> (i32, i32) {
    %c0_i32 = arith.constant 0 : i32
    %c0_i32_0 = arith.constant 0 : i32
    return %arg0, %c0_i32 : i32, i32
  }
}

module attributes {stable_mosaic.version = 14 : i64} {
  func.func @_finish2_body(%arg0: i32, %arg1: memref<1000x48xf32, #tpu.memory_space<vmem>>, %arg2: memref<1000x48xf32, #tpu.memory_space<vmem>>, %arg3: memref<1x40xf32, #tpu.memory_space<vmem>>, %arg4: memref<1000x40xf32, #tpu.memory_space<vmem>>) attributes {dimension_semantics = [#tpu.dimension_semantics<arbitrary>], iteration_bounds = array<i64: 10>, scalar_prefetch = 0 : i64, scratch_operands = 0 : i64, tpu.core_type = #tpu.core_type<tc>, window_params = [{transform_indices = @transform_0, window_bounds = array<i64: 1000, 48>}, {transform_indices = @transform_1, window_bounds = array<i64: 1000, 48>}, {pipeline_mode = #tpu.pipeline_mode<synchronous>, transform_indices = @transform_2, window_bounds = array<i64: 1, 40>}, {transform_indices = @transform_3, window_bounds = array<i64: 1000, 40>}]} {
    %get3A = arith.constant 0 : index
    %get3A_0 = arith.constant 0 : index
    %get3A_1 = vector.load %arg1[%get3A, %get3A_0] : memref<1000x48xf32, #tpu.memory_space<vmem>>, vector<1000x48xf32>
    %get3A_2 = arith.constant 0 : index
    %get3A_3 = arith.constant 0 : index
    %get3A_4 = vector.load %arg2[%get3A_2, %get3A_3] : memref<1000x48xf32, #tpu.memory_space<vmem>>, vector<1000x48xf32>
    %add3A = arith.addf %get3A_1, %get3A_4 : vector<1000x48xf32>
    %slice3A = vector.extract_strided_slice %add3A {offsets = [0, 0], sizes = [1000, 40], strides = [1, 1]} : vector<1000x48xf32> to vector<1000x40xf32>
    %slice3A_5 = vector.extract_strided_slice %add3A {offsets = [0, 40], sizes = [1000, 1], strides = [1, 1]} : vector<1000x48xf32> to vector<1000x1xf32>
    %add3A_6 = arith.constant 1.000000e-16 : f32
    %add3A_7 = vector.broadcast %add3A_6 : f32 to vector<1000x1xf32>
    %add3A_8 = arith.addf %slice3A_5, %add3A_7 : vector<1000x1xf32>
    %div3A = vector.broadcast %add3A_8 : vector<1000x1xf32> to vector<1000x40xf32>
    %div3A_9 = arith.divf %slice3A, %div3A : vector<1000x40xf32>
    %get3A_10 = arith.constant 0 : index
    %get3A_11 = arith.constant 0 : index
    %get3A_12 = vector.load %arg3[%get3A_10, %get3A_11] : memref<1x40xf32, #tpu.memory_space<vmem>>, vector<1x40xf32>
    %add3A_13 = vector.broadcast %get3A_12 : vector<1x40xf32> to vector<1000x40xf32>
    %add3A_14 = arith.addf %div3A_9, %add3A_13 : vector<1000x40xf32>
    %swap3A = arith.constant 0 : index
    %swap3A_15 = arith.constant 0 : index
    %swap3A_16 = vector.load %arg4[%swap3A, %swap3A_15] : memref<1000x40xf32, #tpu.memory_space<vmem>>, vector<1000x40xf32>
    tpu.vector_store %arg4[%swap3A, %swap3A_15], %add3A_14 {strides = array<i32>} : memref<1000x40xf32, #tpu.memory_space<vmem>>, vector<1000x40xf32>,
    return
  }
  func.func @transform_0(%arg0: i32) -> (i32, i32) {
    %c0_i32 = arith.constant 0 : i32
    %c0_i32_0 = arith.constant 0 : i32
    return %arg0, %c0_i32 : i32, i32
  }
  func.func @transform_1(%arg0: i32) -> (i32, i32) {
    %c0_i32 = arith.constant 0 : i32
    %c0_i32_0 = arith.constant 0 : i32
    return %arg0, %c0_i32 : i32, i32
  }
  func.func @transform_2(%arg0: i32) -> (i32, i32) {
    %c0_i32 = arith.constant 0 : i32
    %c0_i32_0 = arith.constant 0 : i32
    %c0_i32_1 = arith.constant 0 : i32
    return %c0_i32, %c0_i32_0 : i32, i32
  }
  func.func @transform_3(%arg0: i32) -> (i32, i32) {
    %c0_i32 = arith.constant 0 : i32
    %c0_i32_0 = arith.constant 0 : i32
    return %arg0, %c0_i32 : i32, i32
  }
}

</mosaic_0001>

<sc_bundles>
// kernel: kernel.10.cloned.1.call-start
scs
__scs_entry_jumppad:
0x0: {  	(pc) =	sbr.rel $0x88, $3  }
0x1: {  	(tag) =	ssettag $0x0;
	lr =	simm.s32 $0x1  }
0x2: {  	[smem:$0x3F97] =	sst lr;
	_ =	strace $0xD0000000  }
0x3: {  	_ = 	snop  }
0x4: {  	_ = 	snop  }
0x5: {  	_ = 	snop  }
0x6: {  	_ = 	snop  }
0x7: {  	_ = 	snop  }
__scs_overlays_trampoline_lowered:
0x8: {  	[smem:$0x3FA6] =	sst s0  }
0x9: {  	[smem:$0x3FA7] =	sst s1  }
0xa: {  	[smem:$0x3FA8] =	sst s2  }
0xb: {  	[smem:$0x3FA9] =	sst s3  }
0xc: {  	[smem:$0x3FAA] =	sst s4  }
0xd: {  	[smem:$0x3FAB] =	sst s5  }
0xe: {  	[smem:$0x3FAC] =	sst s6  }
0xf: {  	[smem:$0x3FAD] =	sst s7  }
0x10: {  	[smem:$0x3FAE] =	sst s8  }
0x11: {  	[smem:$0x3FAF] =	sst s9;
	s0 =	simm.s32 @!p0 $0x0  }
0x12: {  	s1 =	sld [smem:$0x3F95];
	s0 =	simm.s32 @p0 $0x1  }
0x13: {  	[smem:$0x3FB0] =	sst s0;
	s0 =	simm.s32 @!p1 $0x0  }
0x14: {  	s2 =	sld [smem:$0x3F94];
	s0 =	simm.s32 @p1 $0x1  }
0x15: {  	[smem:$0x3FB1] =	sst s0;
	s0 =	simm.s32 @!p2 $0x0  }
0x16: {  	s3 =	sld [smem:$0x3FDB];
	s0 =	simm.s32 @p2 $0x1  }
0x17: {  	s4 =	simm.s32 $0x1BF5;
	[smem:$0x3FB3] =	sst s0  }
0x18: {  	s0 =	sld [smem:$0x3F96];
	_ =	swait.ge [sflag:s4], $0x0  }
0x19: {  	s7 =	sld [smem:$0x3F97]  }
0x1a: {  	s8 =	sadd.s32 $0xFFFFE003, lr  }
0x1b: {  	s9 =	sadd.s32 $0xFFFFFEF7, lr;
	s5 =	simm.s32 $0xFFFFFFFF;
	p2 =	slt.u32 s8, $0xFFFFF086  }
0x1c: {  	p1 =	slt.u32 s9, $0xF7A;
	s5 =	simm.s32 @!p2 $0x0  }
0x1d: {  	s5 =	simm.s32 @p1 $0x1;
	p0 =	seq.s32 s7, s2  }
0x1e: {  	s7 =	smul.u32 @!p0 $0xF7A, s2;
	p2 =	seq.s32 @!p0 s5, $0x0  }
0x1f: {  	s9 =	smul.u32 $0xF7A, s1;
	s8 =	simm.s32 @!p0 $0x1BF5;
	p2 =	por !p2, p0  }
0x20: {  	[sflag:s8] =	ssyncset.s32 @!p0 $0xFFFFF086;
	s6 =	sadd.s32 @!p0 s3, s7;
	s7 =	simm.s32 @!p0 $0x108  }
0x21: {  	s3 =	sadd.s32 s3, s9;
	s6 =	sadd.s32 @!p0 $0x88, s6;
	s7 =	simm.s32 @p2 $0x1082  }
0x22: {  	[simem:s7], [sflag:s8] =	dma.local @!p0 [hbm:s6], $0xF7A  }
0x23: {  	s9 =	sor.u32 $0xD0000000, s2;
	s6 =	simm.s32 $0x108;
	_ =	swait.ge @!p0 [sflag:s8], $0x0  }
0x24: {  	s3 =	sadd.s32 $0x88, s3;
	s6 =	simm.s32 @!p1 $0x1082;
	[sflag:s4] =	ssyncset.s32 $0xFFFFF086  }
0x25: {  	[simem:s6], [sflag:s4] =	dma.local [hbm:s3], $0xF7A  }
0x26: {  	[smem:$0x3F97] =	sst s1;
	(tag) =	ssettag s2;
	_ =	strace s9  }
0x27: {  	s1 =	sld [smem:$0x3FA7]  }
0x28: {  	s2 =	sld [smem:$0x3FA8]  }
0x29: {  	s4 =	sld [smem:$0x3FAA]  }
0x2a: {  	p0 =	seq.s32 s5, $0x0;
	s5 =	sld [smem:$0x3FAB]  }
0x2b: {  	s6 =	sld [smem:$0x3FAC]  }
0x2c: {  	s7 =	sld [smem:$0x3FAD]  }
0x2d: {  	s3 =	simm.s32 $0x108;
	s8 =	sld [smem:$0x3FAE]  }
0x2e: {  	s3 =	simm.s32 @!p0 $0x1082;
	s9 =	sld [smem:$0x3FAF]  }
0x2f: {  	lr =	sadd.s32 s0, s3;
	s0 =	sld [smem:$0x3FA6]  }
0x30: {  	s3 =	sld [smem:$0x3FA9]  }
0x31: {  	[smem:$0x3FB2] =	sst s10  }
0x32: {  	s10 =	sld [smem:$0x3FB0];
	_ =	sdelay $0x3  }
0x33: {  	p0 =	seq.s32 s10, $0x1;
	s10 =	sld [smem:$0x3FB2];
	_ =	sdelay $0x3  }
0x34: {  	[smem:$0x3FB2] =	sst s10  }
0x35: {  	s10 =	sld [smem:$0x3FB1];
	_ =	sdelay $0x3  }
0x36: {  	p1 =	seq.s32 s10, $0x1;
	s10 =	sld [smem:$0x3FB2];
	_ =	sdelay $0x3  }
0x37: {  	[smem:$0x3FB2] =	sst s10  }
0x38: {  	s10 =	sld [smem:$0x3FB3]  }
0x39: {  	_ = 	snop;
	(pc) =	sbr.ind lr, $3  }
0x3a: {  	_ = 	snop  }
0x3b: {  	_ = 	snop  }
0x3c: {  	p2 =	seq.s32 s10, $0x1;
	s10 =	sld [smem:$0x3FB2]  }
0x3d: {  	_ =	shalt  }
0x3e: {  	_ =	shalt  }
0x3f: {  	_ =	shalt  }
0x40: {  	_ =	shalt  }
0x41: {  	_ =	shalt  }
0x42: {  	_ =	shalt  }
0x43: {  	_ =	shalt  }
0x44: {  	_ =	shalt  }
0x45: {  	_ =	shalt  }
0x46: {  	_ =	shalt  }
0x47: {  	_ =	shalt  }
0x48: {  	_ =	shalt  }
0x49: {  	_ =	shalt  }
0x4a: {  	_ =	shalt  }
0x4b: {  	_ =	shalt  }
0x4c: {  	_ =	shalt  }
0x4d: {  	_ =	shalt  }
0x4e: {  	_ =	shalt  }
0x4f: {  	_ =	shalt  }
0x50: {  	_ =	shalt  }
0x51: {  	_ =	shalt  }
0x52: {  	_ =	shalt  }
0x53: {  	_ =	shalt  }
0x54: {  	_ =	shalt  }
0x55: {  	_ =	shalt  }
0x56: {  	_ =	shalt  }
0x57: {  	_ =	shalt  }
0x58: {  	_ =	shalt  }
0x59: {  	_ =	shalt  }
0x5a: {  	_ =	shalt  }
0x5b: {  	_ =	shalt  }
0x5c: {  	_ =	shalt  }
0x5d: {  	_ =	shalt  }
0x5e: {  	_ =	shalt  }
0x5f: {  	_ =	shalt  }
0x60: {  	_ =	shalt  }
0x61: {  	_ =	shalt  }
0x62: {  	_ =	shalt  }
0x63: {  	_ =	shalt  }
0x64: {  	_ =	shalt  }
0x65: {  	_ =	shalt  }
0x66: {  	_ =	shalt  }
0x67: {  	_ =	shalt  }
0x68: {  	_ =	shalt  }
0x69: {  	_ =	shalt  }
0x6a: {  	_ =	shalt  }
0x6b: {  	_ =	shalt  }
0x6c: {  	_ =	shalt  }
0x6d: {  	_ =	shalt  }
0x6e: {  	_ =	shalt  }
0x6f: {  	_ =	shalt  }
0x70: {  	_ =	shalt  }
0x71: {  	_ =	shalt  }
0x72: {  	_ =	shalt  }
0x73: {  	_ =	shalt  }
0x74: {  	_ =	shalt  }
0x75: {  	_ =	shalt  }
0x76: {  	_ =	shalt  }
0x77: {  	_ =	shalt  }
0x78: {  	_ =	shalt  }
0x79: {  	_ =	shalt  }
0x7a: {  	_ =	shalt  }
0x7b: {  	_ =	shalt  }
0x7c: {  	_ =	shalt  }
0x7d: {  	_ =	shalt  }
0x7e: {  	_ =	shalt  }
0x7f: {  	_ =	shalt  }
0x80: {  	_ =	shalt  }
0x81: {  	_ =	shalt  }
0x82: {  	_ =	shalt  }
0x83: {  	_ =	shalt  }
0x84: {  	_ =	shalt  }
0x85: {  	_ =	shalt  }
0x86: {  	_ =	shalt  }
0x87: {  	_ =	shalt  }
.Lfunc_end0:
.L_simem_size_0:
called_computation.1_lowered:
.L_overlay_start_0:
0x88: {  	s2 =	sld [smem:$0x3FD9]  }
0x89: {  	s3 =	sld [smem:$0x3FFE];
	_ =	sdelay $0x1  }
0x8a: {  	s1 =	srdreg.scid  }
0x8b: {  	s0 =	sand.u32 $0x1, s1  }
0x8c: {  	s17 =	sshll.u32 s0, $0xA;
	s2 =	sadd.s32 s3, s2  }
0x8d: {  	s2 =	sadd.s32 s2, s17  }
0x8e: {  	[smem:$0x3FBE] =	sst s2  }
0x8f: {  	_ = 	snop  }
0x90: {  	s2 =	sld [smem:$0x3FD0];
	(tm) =	ssettm $0x1  }
0x91: {  	s18 =	sld [smem:$0x3FFB];
	_ =	sdelay $0x3  }
0x92: {  	_ =	strace s18  }
0x93: {  	s3 =	sld [smem:$0x3FFC];
	_ =	sdelay $0x3  }
0x94: {  	_ =	strace s3  }
0x95: {  	s3 =	sld [smem:$0x3FFD];
	_ =	sdelay $0x3  }
0x96: {  	_ =	strace s3  }
0x97: {  	_ =	strace $0x8FFFFFFF  }
0x98: {  	s19 =	sld [smem:$0x3FDB];
	_ =	sdelay $0x1  }
0x99: {  	s4 =	simm.s32 $_scs_section_size  }
0x9a: {  	s5 =	simm.s32 $_size__tile_overlayer_lowered;
	s6 =	simm.s32 $_tile_overlayer_lowered  }
0x9b: {  	s22 =	simm.s32 $0x1BFF;
	s21 =	sshll.u32 s6, $0x1;
	s3 =	sadd.s32 s4, s19  }
0x9c: {  	s7 =	simm.s32 $0x0;
	s20 =	sshll.u32 s5, $0x1;
	s5 =	sadd.s32 s21, s3  }
0x9d: {  	[timem:s7], [sflag:s22] =	dma.local [hbm:s5], s20  }
0x9e: {  	_ =	swait.ge [sflag:s22], s20  }
0x9f: {  	s4 =	ssub.s32 $0x0, s20;
	[sflag:s22] =	ssyncset.done $0x0  }
0xa0: {  	[sflag:s22] =	ssyncadd.s32 s4;
	_ =	sdelay $0x1  }
0xa1: {  	s23 =	simm.s32 $0x1B8B  }
0xa2: {  	_ =	swait.ge [sflag:s23], $0x1  }
0xa3: {  	[sflag:s23] =	ssyncset.done $0x0  }
0xa4: {  	s25 =	simm.s32 $0x1B8E;
	s24 =	sld [smem:$0x3FFE];
	[sflag:s23] =	ssyncadd.s32 $0xFFFFFFFF  }
0xa5: {  	s26 =	simm.s32 $execute0_lowered;
	[smem:$0x3FD2] =	sst s25  }
0xa6: {  	s5 =	sshll.u32 s26, $0x1;
	_ =	strace $0x80000049;
	[dreg:$0x1] =	wrdreg $0xFFFFFFFF  }
0xa7: {  	s28 =	simm.s32 $_size_execute0_lowered;
	s3 =	sadd.s32 s3, s5;
	[dreg:$0x0] =	wrdreg $0x0  }
0xa8: {  	s5 =	sshll.u32 s28, $0x1;
	[dreg:$0x2] =	wrdreg s3  }
0xa9: {  	[dreg:$0x3] =	wrdreg s5  }
0xaa: {  	[dreg:$0x4] =	wrdreg $0xC0  }
0xab: {  	_ =	task [dreg:s7], $0x5FFFF  }
0xac: {  	[dreg:$0x1] =	wrdreg $0xFFFFFFFF  }
0xad: {  	[dreg:$0x0] =	wrdreg $0x60  }
0xae: {  	[dreg:$0x2] =	wrdreg s24  }
0xaf: {  	[dreg:$0x3] =	wrdreg s2  }
0xb0: {  	[dreg:$0x4] =	wrdreg $0x50500  }
0xb1: {  	[dreg:$0x5] =	wrdreg $0x9  }
0xb2: {  	_ =	task.clear_ibuf [dreg:s7], $0x6FFFF;
	_ =	strace $0x90000049  }
0xb3: {  	s29 =	simm.s32 $0x9;
	_ =	strace $0x8000004B  }
0xb4: {  	_ =	swait.ge [sflag:s29], $0x1  }
0xb5: {  	[sflag:s29] =	ssyncadd.s32 $0xFFFFFFFF  }
0xb6: {  	_ =	strace $0x9000004B  }
0xb7: {  	_ =	sfence  }
0xb8: {  	s30 =	sld [smem:$0x0];
	_ =	sdelay $0x2  }
0xb9: {  	s31 =	sshll.u32 s1, $0xD;
	s1 =	sshrl.u32 s1, $0x2  }
0xba: {  	s3 =	sand.u32 $0x4000, s31;
	s1 =	sadd.s32 s1, s30  }
0xbb: {  	s0 =	sor.u32 s3, s0;
	s1 =	sshll.u32 s1, $0x11  }
0xbc: {  	s0 =	sor.u32 s1, s0  }
0xbd: {  	s0 =	sadd.s32 $0x8F2B, s0  }
0xbe: {  	[sflag:s0] =	ssyncadd.remote.s32 $0x1  }
0xbf: {  	_ =	sfence.sel $0xFFFF  }
0xc0: {  	[dreg:$0x0] =	wrdreg $0xFFFFFFFF;
	(pc) =	sbr.abs _section_cstart, $3  }
0xc1: {  	[dreg:$0x1] =	wrdreg $0xFFFFFFFF  }
0xc2: {  	_ =	task.clear_ibuf [dreg:s7], $0x2FFFF;
	_ =	strace $0x9FFFFFFF  }
0xc3: {  	(tm) =	ssettm $0x7FFFFFFF  }
tec
execute0_lowered:
.L_overlay_start_1:
0x0: {  	(tag) =	ssettag $0x1  }
0x1: {  	s0 =	rddreg [dreg:$0x0]  }
0x2: {  	s3 =	rddreg [dreg:$0x1]  }
0x3: {  	s1 =	rddreg [dreg:$0x2]  }
0x4: {  	s2 =	simm.s32 $0x0;
	s4 =	srdreg.scid;
	s11 =	stileid.u32  }
0x5: {  	s16 =	simm.s32 $0x2850;
	s17 =	simm.s32 $0x7;
	s28 =	simm.s32 $0x1  }
0x6: {  	s29 =	simm.s32 $0x3;
	s30 =	simm.s32 $0x5;
	s31 =	simm.s32 $0x2  }
0x7: {  	[smem:$0x7FF] =	sst s2;
	s6 =	sand.u32 $0x1, s4;
	s9 =	smul.u32 $0x1E000, s11  }
0x8: {  	s4 =	sadd.s32 $0x1000, s0;
	s5 =	sadd.s32 $0xFC00, s0;
	s10 =	smul.u32 $0x7800, s11  }
0x9: {  	_ =	strace $0x8000004A;
	s7 =	smul.u32 $0xF000, s6;
	s8 =	ssub.s32 $0x2, s6  }
0xa: {  	s6 =	sshll.u32 s6, $0x4;
	s18 =	sshrl.u32 s8, $0x1;
	s9 =	sshrl.u32 s9, $0x2  }
0xb: {  	s19 =	sor.u32 s11, s6;
	s6 =	sadd.s32 s10, s1;
	s9 =	sadd.s32 s9, s1  }
0xc: {  	s26 =	sshrl.u32 s10, $0x3;
	s0 =	sadd.s32 s7, s0;
	s20 =	sadd.s32 $0xF00, s9  }
0xd: {  	s7 =	ssub.s32 s8, s18;
	s21 =	sadd.s32 $0x1E00, s9;
	[dreg:$0x4] =	wrdreg s20  }
0xe: {  	s8 =	smul.u32 $0x4E2, s19;
	s22 =	sadd.s32 $0x2D00, s9;
	[dreg:$0x5] =	wrdreg s21  }
0xf: {  	s18 =	simm.s32 $0x50;
	s23 =	sadd.s32 $0x3C00, s9;
	[dreg:$0x6] =	wrdreg s22  }
0x10: {  	s19 =	simm.s32 $0x2710;
	s24 =	sadd.s32 $0x4B00, s9;
	[dreg:$0x7] =	wrdreg s23  }
0x11: {  	s25 =	sadd.s32 $0x5A00, s9;
	s9 =	sadd.s32 $0x6900, s9;
	[dreg:$0x8] =	wrdreg s24  }
0x12: {  	s0 =	sadd.s32 $0x14C00, s0;
	s15 =	smax.u32 s7, $0x1;
	[dreg:$0x9] =	wrdreg s25  }
0x13: {  	[dreg:$0xa] =	wrdreg s9;
	s3 =	sadd.s32 s3, s8;
	s20 =	simm.s32 $0x2760  }
0x14: {  	s21 =	simm.s32 $0x4650;
	s22 =	simm.s32 $0x27B0;
	s23 =	simm.s32 $0x3750  }
0x15: {  	s24 =	sadd.s32 s26, s0;
	s25 =	simm.s32 $0x2800;
	s26 =	simm.s32 $0x4B50  }
0x16: {  	v0 =	vimm.f32 $0.0e+00;
	s0 =	simm.s32 $0x4;
	[dreg:$0xb] =	wrdreg s3;
	s3 =	simm.s32 $0x6  }
.LBB2_1:
0x17: {  	s7 =	simm.s32 $0xC0;
	s8 =	simm.s32 $0x0  }
.LBB2_2:
0x18: {  	p0 =	sne.s32 s7, $0x3B40;
	[tilespmem:s8+$0x2870] =	vst v0;
	s9 =	smov.u32 s7;
	s7 =	sadd.s32 $0xC0, s7  }
.Ltmp0:
0x19: {  	[tilespmem:s8+$0x2850] =	vst v0;
	(pc) =	sbr.rel @p0 .LBB2_2-.Ltmp0, $2  }
0x1a: {  	[tilespmem:s8+$0x2860] =	vst v0;
	_ =	sdelay $0x2  }
0x1b: {  	s8 =	sshra.s32 s9, $0x2  }
0x1c: {  	[tilespmem:s8+$0x2870] =	vst v0  }
0x1d: {  	[tilespmem:s8+$0x2850] =	vst v0  }
0x1e: {  	[tilespmem:s8+$0x2860] =	vst v0  }
0x1f: {  	[spmem:s6] =	stream.linear.scatter [tilespmem:s16], [sflag:$0x7], $0xF00, $0x38;
	[tilespmem:$0xC850] =	vst v63  }
0x20: {  	_ =	swait.ge [sflag:s17], $0xF00  }
0x21: {  	[sflag:s17] =	ssyncset.done $0x0  }
0x22: {  	s7 =	rddreg [dreg:$0x4];
	[sflag:s17] =	ssyncadd.s32 $0xFFFFF100  }
0x23: {  	[spmem:s7] =	stream.linear.scatter [tilespmem:s16], [sflag:$0x7], $0xF00, $0x38;
	[tilespmem:$0xC850] =	vst v63  }
0x24: {  	_ =	swait.ge [sflag:s17], $0xF00  }
0x25: {  	[sflag:s17] =	ssyncset.done $0x0  }
0x26: {  	s8 =	rddreg [dreg:$0x5];
	[sflag:s17] =	ssyncadd.s32 $0xFFFFF100  }
0x27: {  	[spmem:s8] =	stream.linear.scatter [tilespmem:s16], [sflag:$0x7], $0xF00, $0x38;
	[tilespmem:$0xC850] =	vst v63  }
0x28: {  	_ =	swait.ge [sflag:s17], $0xF00  }
0x29: {  	[sflag:s17] =	ssyncset.done $0x0  }
0x2a: {  	s9 =	rddreg [dreg:$0x6];
	[sflag:s17] =	ssyncadd.s32 $0xFFFFF100  }
0x2b: {  	[spmem:s9] =	stream.linear.scatter [tilespmem:s16], [sflag:$0x7], $0xF00, $0x38;
	[tilespmem:$0xC850] =	vst v63  }
0x2c: {  	_ =	swait.ge [sflag:s17], $0xF00  }
0x2d: {  	[sflag:s17] =	ssyncset.done $0x0  }
0x2e: {  	s10 =	rddreg [dreg:$0x7];
	[sflag:s17] =	ssyncadd.s32 $0xFFFFF100  }
0x2f: {  	[spmem:s10] =	stream.linear.scatter [tilespmem:s16], [sflag:$0x7], $0xF00, $0x38;
	[tilespmem:$0xC850] =	vst v63  }
0x30: {  	_ =	swait.ge [sflag:s17], $0xF00  }
0x31: {  	[sflag:s17] =	ssyncset.done $0x0  }
0x32: {  	s11 =	rddreg [dreg:$0x8];
	[sflag:s17] =	ssyncadd.s32 $0xFFFFF100  }
0x33: {  	[spmem:s11] =	stream.linear.scatter [tilespmem:s16], [sflag:$0x7], $0xF00, $0x38;
	[tilespmem:$0xC850] =	vst v63  }
0x34: {  	_ =	swait.ge [sflag:s17], $0xF00  }
0x35: {  	[sflag:s17] =	ssyncset.done $0x0  }
0x36: {  	s12 =	rddreg [dreg:$0x9];
	[sflag:s17] =	ssyncadd.s32 $0xFFFFF100  }
0x37: {  	[spmem:s12] =	stream.linear.scatter [tilespmem:s16], [sflag:$0x7], $0xF00, $0x38;
	[tilespmem:$0xC850] =	vst v63  }
0x38: {  	_ =	swait.ge [sflag:s17], $0xF00  }
0x39: {  	[sflag:s17] =	ssyncset.done $0x0  }
0x3a: {  	s13 =	rddreg [dreg:$0xa];
	[sflag:s17] =	ssyncadd.s32 $0xFFFFF100  }
0x3b: {  	[spmem:s13] =	stream.linear.scatter [tilespmem:s16], [sflag:$0x7], $0xF00, $0x38;
	[tilespmem:$0xC850] =	vst v63  }
0x3c: {  	_ =	swait.ge [sflag:s17], $0xF00  }
0x3d: {  	[sflag:s17] =	ssyncset.done $0x0  }
0x3e: {  	s7 =	simm.s32 $0x0;
	s14 =	rddreg [dreg:$0xb];
	[sflag:s17] =	ssyncadd.s32 $0xFFFFF100  }
0x3f: {  	[tilespmem:s7], [sflag:$0x7] =	stream.linear.gather [hbm4b:s14+s7], $0x2710, $0x38;
	[tilespmem:$0xC850] =	vst v63  }
0x40: {  	_ =	swait.ge [sflag:s17], $0x2710  }
0x41: {  	[sflag:s17] =	ssyncset.done $0x0  }
0x42: {  	[sflag:s17] =	ssyncadd.s32 $0xFFFFD8F0  }
0x43: {  	[bflag:$0x0] =	sbarrier.arrive $0xFFFF  }
0x44: {  	v1 =	vld [tilespmem:$0x0];
	_ =	sdelay $0x1  }
0x45: {  	v2 =	vld [tilespmem:$0x10];
	_ =	sdelay $0x1  }
0x46: {  	v3 =	vld [tilespmem:$0x20]  }
0x47: {  	v4 =	vand.u32 $0xFFFF, v1  }
0x48: {  	v63 =	vld [tilespmem:$0x30];
	v1 =	vshrl.u32 v1, $0x10;
	[tilespmem:$0x2710] =	vst v4  }
0x49: {  	[tilespmem:$0x2760] =	vst v1;
	v1 =	vand.u32 $0xFFFF, v2  }
0x4a: {  	[tilespmem:$0x2720] =	vst v1;
	v1 =	vshrl.u32 v2, $0x10;
	v2 =	vld [tilespmem:$0x40]  }
0x4b: {  	[tilespmem:$0x2770] =	vst v1;
	v1 =	vand.u32 $0xFFFF, v3  }
0x4c: {  	[tilespmem:$0x2730] =	vst v1;
	v1 =	vshrl.u32 v3, $0x10  }
0x4d: {  	[tilespmem:$0x2780] =	vst v1;
	v1 =	vand.u32 $0xFFFF, v63  }
0x4e: {  	[tilespmem:$0x2740] =	vst v1;
	v1 =	vshrl.u32 v63, $0x10  }
0x4f: {  	[tilespmem:$0x2790] =	vst v1;
	v1 =	vand.u32 $0xFFFF, v2  }
0x50: {  	[tilespmem:$0x2750] =	vst v1;
	v1 =	vshrl.u32 v2, $0x10  }
0x51: {  	[tilespmem:$0x27A0] =	vst v1  }
0x52: {  	[tilespmem:s16], [sflag:$0x1] =	stream.indirect.gather [hbm4b:s4+s18], $0x30, s19, s18, $0xb8;
	[tilespmem:$0xC850] =	vst v63  }
0x53: {  	_ = 	snop  }
0x54: {  	[tilespmem:s21], [sflag:$0x3] =	stream.indirect.gather [hbm4b:s5+s18], $0x10, s20, s18, $0xb8;
	[tilespmem:$0xC850] =	vst v63  }
.LBB2_4:
0x55: {  	p0 =	seq.s32 s7, $0x0  }
0x56: {  	s8 =	simm.s32 @!p0 $0x6  }
0x57: {  	s9 =	smul.u32 $0x280, s7;
	_ =	swait.ge @!p0 [sflag:s8], $0xF00  }
0x58: {  	[sflag:s8] =	ssyncset.done @!p0 $0x0  }
0x59: {  	[sflag:s8] =	ssyncadd.s32 @!p0 $0xFFFFF100;
	s8 =	sshra.s32 s9, $0x2  }
0x5a: {  	v1 =	vld [tilespmem:s8+$0x50];
	_ =	sdelay $0x4  }
0x5b: {  	v2 =	vand.u32 $0xFFFF, v1  }
0x5c: {  	v1 =	vshrl.u32 v1, $0x10;
	[tilespmem:$0x27B0] =	vst v2  }
0x5d: {  	[tilespmem:$0x2800] =	vst v1  }
0x5e: {  	v1 =	vld [tilespmem:s8+$0x60];
	_ =	sdelay $0x4  }
0x5f: {  	v2 =	vand.u32 $0xFFFF, v1  }
0x60: {  	v1 =	vshrl.u32 v1, $0x10;
	[tilespmem:$0x27C0] =	vst v2  }
0x61: {  	[tilespmem:$0x2810] =	vst v1  }
0x62: {  	v1 =	vld [tilespmem:s8+$0x70];
	_ =	sdelay $0x4  }
0x63: {  	v2 =	vand.u32 $0xFFFF, v1  }
0x64: {  	v1 =	vshrl.u32 v1, $0x10;
	[tilespmem:$0x27D0] =	vst v2  }
0x65: {  	[tilespmem:$0x2820] =	vst v1  }
0x66: {  	v1 =	vld [tilespmem:s8+$0x80];
	_ =	sdelay $0x4  }
0x67: {  	v2 =	vand.u32 $0xFFFF, v1  }
0x68: {  	v1 =	vshrl.u32 v1, $0x10;
	[tilespmem:$0x27E0] =	vst v2  }
0x69: {  	[tilespmem:$0x2830] =	vst v1  }
0x6a: {  	v1 =	vld [tilespmem:s8+$0x90];
	_ =	sdelay $0x4  }
0x6b: {  	v2 =	vand.u32 $0xFFFF, v1  }
0x6c: {  	v1 =	vshrl.u32 v1, $0x10;
	[tilespmem:$0x27F0] =	vst v2  }
0x6d: {  	[tilespmem:$0x2840] =	vst v1  }
0x6e: {  	[tilespmem:s23], [sflag:$0x2] =	stream.indirect.gather [hbm4b:s4+s18], $0x30, s22, s18, $0xb8;
	[tilespmem:$0xC850] =	vst v63  }
0x6f: {  	_ = 	snop  }
0x70: {  	[tilespmem:s26], [sflag:$0x4] =	stream.indirect.gather [hbm4b:s5+s18], $0x10, s25, s18, $0xb8;
	[tilespmem:$0xC850] =	vst v63  }
0x71: {  	_ =	swait.ge [sflag:s28], $0xF00  }
0x72: {  	[sflag:s28] =	ssyncset.done $0x0  }
0x73: {  	[sflag:s28] =	ssyncadd.s32 $0xFFFFF100  }
0x74: {  	_ =	swait.ge [sflag:s29], $0x500  }
0x75: {  	[sflag:s29] =	ssyncset.done $0x0  }
0x76: {  	s9 =	simm.s32 $0x28B0;
	[sflag:s29] =	ssyncadd.s32 $0xFFFFFB00  }
0x77: {  	s10 =	simm.s32 $0x4670;
	v1 =	vld [tilespmem:s9+$0xFFFFFFC0]  }
0x78: {  	v2 =	vld [tilespmem:s10+$0xFFFFFFE0];
	_ =	sdelay $0x3  }
0x79: {  	(v2sf) =	vpush v1, $0x9  }
0x7a: {  	(v2sf) =	vpush v2, $0x0;
	_ =	sdelay $0xd  }
0x7b: {  	s11 =	spop (v2sf)  }
0x7c: {  	s12 =	spop (v2sf)  }
0x7d: {  	s11 =	sadd.f32 s12, s11;
	_ =	sdelay $0x1  }
0x7e: {  	p0 =	sgt.f32 s11, $0.0e+00;
	s12 =	smul.f32 $2.000000030e-01, s11  }
0x7f: {  	_ = 	snop  }
0x80: {  	s12 =	smov.u32 @p0 s11  }
0x81: {  	v2 =	vmov s12  }
0x82: {  	v2 =	vmul.f32 $1.442695020e+00, v2;
	_ =	sdelay $0x1  }
0x83: {  	v2 =	vbroadcast v2, $0x0;
	_ =	sdelay $0x1  }
0x84: {  	(erf) = vpow2.f32 v2;
	_ =	sdelay $0x4  }
0x85: {  	v2 =	vld [tilespmem:s9+$0xFFFFFFB0]  }
0x86: {  	v3 =	vld [tilespmem:s9+$0xFFFFFFA0];
	_ =	sdelay $0x2  }
0x87: {  	v4 =	vpop (erf)  }
0x88: {  	v2 =	vmul.f32 v4, v2  }
0x89: {  	v3 =	vmul.f32 v4, v3  }
0x8a: {  	v1 =	vmul.f32 v4, v1;
	[tilespmem:s9+$0xFFFFFFB0] =	vst v2  }
0x8b: {  	[tilespmem:s9+$0xFFFFFFA0] =	vst v3  }
0x8c: {  	[tilespmem:s9+$0xFFFFFFC0] =	vst v1;
	v1 =	vld [tilespmem:s9+$0xFFFFFFF0]  }
0x8d: {  	v2 =	vld [tilespmem:s10+$0xFFFFFFF0];
	_ =	sdelay $0x3  }
0x8e: {  	(v2sf) =	vpush v1, $0x9  }
0x8f: {  	(v2sf) =	vpush v2, $0x0;
	_ =	sdelay $0xd  }
0x90: {  	s13 =	spop (v2sf)  }
0x91: {  	s14 =	spop (v2sf)  }
0x92: {  	s11 =	sadd.f32 s14, s13;
	_ =	sdelay $0x1  }
0x93: {  	p0 =	sgt.f32 s11, $0.0e+00;
	s12 =	smul.f32 $2.000000030e-01, s11  }
0x94: {  	_ = 	snop  }
0x95: {  	s12 =	smov.u32 @p0 s11  }
0x96: {  	v2 =	vmov s12  }
0x97: {  	v2 =	vmul.f32 $1.442695020e+00, v2;
	_ =	sdelay $0x1  }
0x98: {  	v2 =	vbroadcast v2, $0x0;
	_ =	sdelay $0x1  }
0x99: {  	(erf) = vpow2.f32 v2;
	_ =	sdelay $0x4  }
0x9a: {  	v2 =	vld [tilespmem:s9+$0xFFFFFFD0]  }
0x9b: {  	v3 =	vld [tilespmem:s9+$0xFFFFFFE0];
	_ =	sdelay $0x2  }
0x9c: {  	v4 =	vpop (erf)  }
0x9d: {  	v2 =	vmul.f32 v4, v2  }
0x9e: {  	v3 =	vmul.f32 v4, v3  }
0x9f: {  	v1 =	vmul.f32 v4, v1;
	[tilespmem:s9+$0xFFFFFFD0] =	vst v2  }
0xa0: {  	[tilespmem:s9+$0xFFFFFFE0] =	vst v3  }
0xa1: {  	[tilespmem:s9+$0xFFFFFFF0] =	vst v1;
	v1 =	vld [tilespmem:s9+$0x20]  }
0xa2: {  	v2 =	vld [tilespmem:s10+$0x0];
	_ =	sdelay $0x3  }
0xa3: {  	(v2sf) =	vpush v1, $0x9  }
0xa4: {  	(v2sf) =	vpush v2, $0x0;
	_ =	sdelay $0xd  }
0xa5: {  	s13 =	spop (v2sf)  }
0xa6: {  	s14 =	spop (v2sf)  }
0xa7: {  	s11 =	sadd.f32 s14, s13;
	_ =	sdelay $0x1  }
0xa8: {  	p0 =	sgt.f32 s11, $0.0e+00;
	s12 =	smul.f32 $2.000000030e-01, s11  }
0xa9: {  	_ = 	snop  }
0xaa: {  	s12 =	smov.u32 @p0 s11  }
0xab: {  	v2 =	vmov s12  }
0xac: {  	v2 =	vmul.f32 $1.442695020e+00, v2;
	_ =	sdelay $0x1  }
0xad: {  	v2 =	vbroadcast v2, $0x0;
	_ =	sdelay $0x1  }
0xae: {  	(erf) = vpow2.f32 v2;
	_ =	sdelay $0x4  }
0xaf: {  	v2 =	vld [tilespmem:s9+$0x0];
	_ =	sdelay $0x1  }
0xb0: {  	v3 =	vld [tilespmem:s9+$0x10];
	_ =	sdelay $0x1  }
0xb1: {  	v4 =	vpop (erf)  }
0xb2: {  	v2 =	vmul.f32 v4, v2  }
0xb3: {  	v1 =	vmul.f32 v4, v1  }
0xb4: {  	v3 =	vmul.f32 v4, v3;
	[tilespmem:s9+$0x0] =	vst v2  }
0xb5: {  	[tilespmem:s9+$0x20] =	vst v1  }
0xb6: {  	[tilespmem:s9+$0x10] =	vst v3;
	v1 =	vld [tilespmem:s9+$0x50]  }
0xb7: {  	v2 =	vld [tilespmem:s10+$0x10];
	_ =	sdelay $0x3  }
0xb8: {  	(v2sf) =	vpush v1, $0x9  }
0xb9: {  	(v2sf) =	vpush v2, $0x0;
	_ =	sdelay $0xd  }
0xba: {  	s13 =	spop (v2sf)  }
0xbb: {  	s14 =	spop (v2sf)  }
0xbc: {  	s11 =	sadd.f32 s14, s13;
	_ =	sdelay $0x1  }
0xbd: {  	p0 =	sgt.f32 s11, $0.0e+00;
	s12 =	smul.f32 $2.000000030e-01, s11  }
0xbe: {  	_ = 	snop  }
0xbf: {  	s12 =	smov.u32 @p0 s11  }
0xc0: {  	v2 =	vmov s12  }
0xc1: {  	v2 =	vmul.f32 $1.442695020e+00, v2;
	_ =	sdelay $0x1  }
0xc2: {  	v3 =	vbroadcast v2, $0x0;
	_ =	sdelay $0x1  }
0xc3: {  	(erf) = vpow2.f32 v3;
	_ =	sdelay $0x3  }
0xc4: {  	v2 =	vld [tilespmem:s9+$0x30]  }
0xc5: {  	s11 =	simm.s32 $0x28B0;
	s12 =	simm.s32 $0x0;
	v3 =	vld [tilespmem:s9+$0x40]  }
.LBB2_5:
0xc6: {  	s12 =	sadd.s32 $0x4, s12;
	s9 =	sadd.s32 $0xC0, s9;
	s10 =	sadd.s32 $0x40, s10  }
0xc7: {  	p0 =	slt.u32 s12, $0x4C;
	_ =	sdelay $0x1  }
0xc8: {  	v4 =	vpop (erf)  }
0xc9: {  	v2 =	vmul.f32 v4, v2;
	v3 =	vmul.f32 v4, v3  }
0xca: {  	v1 =	vmul.f32 v4, v1  }
0xcb: {  	[tilespmem:s11+$0x30] =	vst v2  }
0xcc: {  	[tilespmem:s11+$0x50] =	vst v1  }
0xcd: {  	v1 =	vld [tilespmem:s9+$0xFFFFFFC0];
	[tilespmem:s11+$0x40] =	vst v3;
	s11 =	smov.u32 s9  }
0xce: {  	v2 =	vld [tilespmem:s10+$0xFFFFFFE0];
	_ =	sdelay $0x3  }
0xcf: {  	(v2sf) =	vpush v1, $0x9  }
0xd0: {  	(v2sf) =	vpush v2, $0x0;
	_ =	sdelay $0xd  }
0xd1: {  	s13 =	spop (v2sf)  }
0xd2: {  	s14 =	spop (v2sf)  }
0xd3: {  	s13 =	sadd.f32 s14, s13;
	_ =	sdelay $0x1  }
0xd4: {  	p1 =	sgt.f32 s13, $0.0e+00;
	s14 =	smul.f32 $2.000000030e-01, s13  }
0xd5: {  	_ = 	snop  }
0xd6: {  	s14 =	smov.u32 @p1 s13  }
0xd7: {  	v2 =	vmov s14  }
0xd8: {  	v2 =	vmul.f32 $1.442695020e+00, v2;
	_ =	sdelay $0x1  }
0xd9: {  	v2 =	vbroadcast v2, $0x0;
	_ =	sdelay $0x1  }
0xda: {  	(erf) = vpow2.f32 v2;
	_ =	sdelay $0x4  }
0xdb: {  	v2 =	vld [tilespmem:s9+$0xFFFFFFB0]  }
0xdc: {  	v3 =	vld [tilespmem:s9+$0xFFFFFFA0];
	_ =	sdelay $0x2  }
0xdd: {  	v4 =	vpop (erf)  }
0xde: {  	v2 =	vmul.f32 v4, v2;
	v1 =	vmul.f32 v4, v1  }
0xdf: {  	v3 =	vmul.f32 v4, v3  }
0xe0: {  	[tilespmem:s9+$0xFFFFFFB0] =	vst v2  }
0xe1: {  	[tilespmem:s9+$0xFFFFFFA0] =	vst v3  }
0xe2: {  	[tilespmem:s9+$0xFFFFFFC0] =	vst v1;
	v1 =	vld [tilespmem:s9+$0xFFFFFFF0]  }
0xe3: {  	v2 =	vld [tilespmem:s10+$0xFFFFFFF0];
	_ =	sdelay $0x3  }
0xe4: {  	(v2sf) =	vpush v1, $0x9  }
0xe5: {  	(v2sf) =	vpush v2, $0x0;
	_ =	sdelay $0xd  }
0xe6: {  	s13 =	spop (v2sf)  }
0xe7: {  	s14 =	spop (v2sf)  }
0xe8: {  	s13 =	sadd.f32 s14, s13;
	_ =	sdelay $0x1  }
0xe9: {  	p1 =	sgt.f32 s13, $0.0e+00;
	s14 =	smul.f32 $2.000000030e-01, s13  }
0xea: {  	_ = 	snop  }
0xeb: {  	s14 =	smov.u32 @p1 s13  }
0xec: {  	v2 =	vmov s14  }
0xed: {  	v2 =	vmul.f32 $1.442695020e+00, v2;
	_ =	sdelay $0x1  }
0xee: {  	v2 =	vbroadcast v2, $0x0;
	_ =	sdelay $0x1  }
0xef: {  	(erf) = vpow2.f32 v2;
	_ =	sdelay $0x3  }
0xf0: {  	v2 =	vld [tilespmem:s9+$0xFFFFFFE0]  }
0xf1: {  	v3 =	vld [tilespmem:s9+$0xFFFFFFD0];
	_ =	sdelay $0x3  }
0xf2: {  	v4 =	vpop (erf)  }
0xf3: {  	v3 =	vmul.f32 v4, v3;
	v2 =	vmul.f32 v4, v2  }
0xf4: {  	v1 =	vmul.f32 v4, v1  }
0xf5: {  	[tilespmem:s9+$0xFFFFFFD0] =	vst v3  }
0xf6: {  	[tilespmem:s9+$0xFFFFFFE0] =	vst v2  }
0xf7: {  	[tilespmem:s9+$0xFFFFFFF0] =	vst v1;
	v1 =	vld [tilespmem:s9+$0x20]  }
0xf8: {  	v2 =	vld [tilespmem:s10+$0x0];
	_ =	sdelay $0x3  }
0xf9: {  	(v2sf) =	vpush v1, $0x9  }
0xfa: {  	(v2sf) =	vpush v2, $0x0;
	_ =	sdelay $0xd  }
0xfb: {  	s13 =	spop (v2sf)  }
0xfc: {  	s14 =	spop (v2sf)  }
0xfd: {  	s13 =	sadd.f32 s14, s13;
	_ =	sdelay $0x1  }
0xfe: {  	p1 =	sgt.f32 s13, $0.0e+00;
	s14 =	smul.f32 $2.000000030e-01, s13  }
0xff: {  	_ = 	snop  }
0x100: {  	s14 =	smov.u32 @p1 s13  }
0x101: {  	v2 =	vmov s14  }
0x102: {  	v2 =	vmul.f32 $1.442695020e+00, v2;
	_ =	sdelay $0x1  }
0x103: {  	v2 =	vbroadcast v2, $0x0;
	_ =	sdelay $0x1  }
0x104: {  	(erf) = vpow2.f32 v2;
	_ =	sdelay $0x3  }
0x105: {  	v2 =	vld [tilespmem:s9+$0x10]  }
0x106: {  	v3 =	vld [tilespmem:s9+$0x0];
	_ =	sdelay $0x3  }
0x107: {  	v4 =	vpop (erf)  }
0x108: {  	v3 =	vmul.f32 v4, v3;
	v2 =	vmul.f32 v4, v2  }
0x109: {  	v1 =	vmul.f32 v4, v1  }
0x10a: {  	[tilespmem:s9+$0x0] =	vst v3  }
0x10b: {  	[tilespmem:s9+$0x20] =	vst v1  }
0x10c: {  	[tilespmem:s9+$0x10] =	vst v2;
	v1 =	vld [tilespmem:s9+$0x50]  }
0x10d: {  	v2 =	vld [tilespmem:s10+$0x10];
	_ =	sdelay $0x3  }
0x10e: {  	(v2sf) =	vpush v1, $0x9  }
0x10f: {  	(v2sf) =	vpush v2, $0x0;
	_ =	sdelay $0xd  }
0x110: {  	s13 =	spop (v2sf)  }
0x111: {  	s14 =	spop (v2sf)  }
0x112: {  	s13 =	sadd.f32 s14, s13;
	_ =	sdelay $0x1  }
0x113: {  	p1 =	sgt.f32 s13, $0.0e+00;
	s14 =	smul.f32 $2.000000030e-01, s13  }
0x114: {  	_ = 	snop  }
0x115: {  	s14 =	smov.u32 @p1 s13  }
0x116: {  	v2 =	vmov s14  }
0x117: {  	v2 =	vmul.f32 $1.442695020e+00, v2;
	_ =	sdelay $0x1  }
0x118: {  	v2 =	vbroadcast v2, $0x0;
	_ =	sdelay $0x1  }
0x119: {  	(erf) = vpow2.f32 v2  }
.Ltmp1:
0x11a: {  	(pc) =	sbr.rel @p0 .LBB2_5-.Ltmp1, $3  }
0x11b: {  	_ =	sdelay $0x1  }
0x11c: {  	v2 =	vld [tilespmem:s9+$0x30]  }
0x11d: {  	v3 =	vld [tilespmem:s9+$0x40]  }
0x11e: {  	_ =	sdelay $0x2  }
0x11f: {  	v4 =	vpop (erf)  }
0x120: {  	v2 =	vmul.f32 v4, v2  }
0x121: {  	v1 =	vmul.f32 v4, v1  }
0x122: {  	v3 =	vmul.f32 v4, v3;
	[tilespmem:s11+$0x30] =	vst v2  }
0x123: {  	[tilespmem:s11+$0x50] =	vst v1  }
0x124: {  	[tilespmem:s11+$0x40] =	vst v3  }
0x125: {  	[spmem:s1] =	stream.indirect.scatter.add.f32 [tilespmem:s16], [sflag:$0x5], $0x30, s20, s18, $0xb8;
	[tilespmem:$0xC850] =	vst v63  }
0x126: {  	_ =	swait.ge [sflag:s30], $0xF00  }
0x127: {  	[sflag:s30] =	ssyncset.done $0x0  }
0x128: {  	[sflag:s30] =	ssyncadd.s32 $0xFFFFF100  }
0x129: {  	v1 =	vld [tilespmem:s8+$0xA0];
	_ =	sdelay $0x4  }
0x12a: {  	v2 =	vand.u32 $0xFFFF, v1  }
0x12b: {  	v1 =	vshrl.u32 v1, $0x10;
	[tilespmem:$0x2710] =	vst v2  }
0x12c: {  	[tilespmem:$0x2760] =	vst v1  }
0x12d: {  	v1 =	vld [tilespmem:s8+$0xB0];
	_ =	sdelay $0x4  }
0x12e: {  	v2 =	vand.u32 $0xFFFF, v1  }
0x12f: {  	v1 =	vshrl.u32 v1, $0x10;
	[tilespmem:$0x2720] =	vst v2  }
0x130: {  	[tilespmem:$0x2770] =	vst v1  }
0x131: {  	v1 =	vld [tilespmem:s8+$0xC0];
	_ =	sdelay $0x4  }
0x132: {  	v2 =	vand.u32 $0xFFFF, v1  }
0x133: {  	v1 =	vshrl.u32 v1, $0x10;
	[tilespmem:$0x2730] =	vst v2  }
0x134: {  	[tilespmem:$0x2780] =	vst v1  }
0x135: {  	v1 =	vld [tilespmem:s8+$0xD0];
	_ =	sdelay $0x4  }
0x136: {  	v2 =	vand.u32 $0xFFFF, v1  }
0x137: {  	v1 =	vshrl.u32 v1, $0x10;
	[tilespmem:$0x2740] =	vst v2  }
0x138: {  	[tilespmem:$0x2790] =	vst v1  }
0x139: {  	v1 =	vld [tilespmem:s8+$0xE0];
	_ =	sdelay $0x4  }
0x13a: {  	v2 =	vand.u32 $0xFFFF, v1  }
0x13b: {  	v1 =	vshrl.u32 v1, $0x10;
	[tilespmem:$0x2750] =	vst v2  }
0x13c: {  	[tilespmem:$0x27A0] =	vst v1  }
0x13d: {  	[tilespmem:s16], [sflag:$0x1] =	stream.indirect.gather [hbm4b:s4+s18], $0x30, s19, s18, $0xb8;
	[tilespmem:$0xC850] =	vst v63  }
0x13e: {  	_ = 	snop  }
0x13f: {  	[tilespmem:s21], [sflag:$0x3] =	stream.indirect.gather [hbm4b:s5+s18], $0x10, s20, s18, $0xb8;
	[tilespmem:$0xC850] =	vst v63  }
0x140: {  	_ =	swait.ge [sflag:s31], $0xF00  }
0x141: {  	[sflag:s31] =	ssyncset.done $0x0  }
0x142: {  	[sflag:s31] =	ssyncadd.s32 $0xFFFFF100  }
0x143: {  	_ =	swait.ge [sflag:s0], $0x500  }
0x144: {  	[sflag:s0] =	ssyncset.done $0x0  }
0x145: {  	s8 =	simm.s32 $0x37B0;
	[sflag:s0] =	ssyncadd.s32 $0xFFFFFB00  }
0x146: {  	s9 =	simm.s32 $0x4B70;
	v1 =	vld [tilespmem:s8+$0xFFFFFFC0]  }
0x147: {  	v2 =	vld [tilespmem:s9+$0xFFFFFFE0];
	_ =	sdelay $0x3  }
0x148: {  	(v2sf) =	vpush v1, $0x9  }
0x149: {  	(v2sf) =	vpush v2, $0x0;
	_ =	sdelay $0xd  }
0x14a: {  	s10 =	spop (v2sf)  }
0x14b: {  	s12 =	spop (v2sf)  }
0x14c: {  	s10 =	sadd.f32 s12, s10;
	_ =	sdelay $0x1  }
0x14d: {  	p0 =	sgt.f32 s10, $0.0e+00;
	s11 =	smul.f32 $2.000000030e-01, s10  }
0x14e: {  	_ = 	snop  }
0x14f: {  	s11 =	smov.u32 @p0 s10  }
0x150: {  	v2 =	vmov s11  }
0x151: {  	v2 =	vmul.f32 $1.442695020e+00, v2;
	_ =	sdelay $0x1  }
0x152: {  	v2 =	vbroadcast v2, $0x0;
	_ =	sdelay $0x1  }
0x153: {  	(erf) = vpow2.f32 v2;
	_ =	sdelay $0x4  }
0x154: {  	v2 =	vld [tilespmem:s8+$0xFFFFFFB0]  }
0x155: {  	v3 =	vld [tilespmem:s8+$0xFFFFFFA0];
	_ =	sdelay $0x2  }
0x156: {  	v4 =	vpop (erf)  }
0x157: {  	v2 =	vmul.f32 v4, v2  }
0x158: {  	v3 =	vmul.f32 v4, v3  }
0x159: {  	v1 =	vmul.f32 v4, v1;
	[tilespmem:s8+$0xFFFFFFB0] =	vst v2  }
0x15a: {  	[tilespmem:s8+$0xFFFFFFA0] =	vst v3  }
0x15b: {  	[tilespmem:s8+$0xFFFFFFC0] =	vst v1;
	v1 =	vld [tilespmem:s8+$0xFFFFFFF0]  }
0x15c: {  	v2 =	vld [tilespmem:s9+$0xFFFFFFF0];
	_ =	sdelay $0x3  }
0x15d: {  	(v2sf) =	vpush v1, $0x9  }
0x15e: {  	(v2sf) =	vpush v2, $0x0;
	_ =	sdelay $0xd  }
0x15f: {  	s13 =	spop (v2sf)  }
0x160: {  	s14 =	spop (v2sf)  }
0x161: {  	s10 =	sadd.f32 s14, s13;
	_ =	sdelay $0x1  }
0x162: {  	p0 =	sgt.f32 s10, $0.0e+00;
	s11 =	smul.f32 $2.000000030e-01, s10  }
0x163: {  	_ = 	snop  }
0x164: {  	s11 =	smov.u32 @p0 s10  }
0x165: {  	v2 =	vmov s11  }
0x166: {  	v2 =	vmul.f32 $1.442695020e+00, v2;
	_ =	sdelay $0x1  }
0x167: {  	v2 =	vbroadcast v2, $0x0;
	_ =	sdelay $0x1  }
0x168: {  	(erf) = vpow2.f32 v2;
	_ =	sdelay $0x4  }
0x169: {  	v2 =	vld [tilespmem:s8+$0xFFFFFFD0]  }
0x16a: {  	v3 =	vld [tilespmem:s8+$0xFFFFFFE0];
	_ =	sdelay $0x2  }
0x16b: {  	v4 =	vpop (erf)  }
0x16c: {  	v2 =	vmul.f32 v4, v2  }
0x16d: {  	v3 =	vmul.f32 v4, v3  }
0x16e: {  	v1 =	vmul.f32 v4, v1;
	[tilespmem:s8+$0xFFFFFFD0] =	vst v2  }
0x16f: {  	[tilespmem:s8+$0xFFFFFFE0] =	vst v3  }
0x170: {  	[tilespmem:s8+$0xFFFFFFF0] =	vst v1;
	v1 =	vld [tilespmem:s8+$0x20]  }
0x171: {  	v2 =	vld [tilespmem:s9+$0x0];
	_ =	sdelay $0x3  }
0x172: {  	(v2sf) =	vpush v1, $0x9  }
0x173: {  	(v2sf) =	vpush v2, $0x0;
	_ =	sdelay $0xd  }
0x174: {  	s11 =	spop (v2sf)  }
0x175: {  	s12 =	spop (v2sf)  }
0x176: {  	s10 =	sadd.f32 s12, s11;
	_ =	sdelay $0x1  }
0x177: {  	p0 =	sgt.f32 s10, $0.0e+00;
	s11 =	smul.f32 $2.000000030e-01, s10  }
0x178: {  	_ = 	snop  }
0x179: {  	s11 =	smov.u32 @p0 s10  }
0x17a: {  	v2 =	vmov s11  }
0x17b: {  	v2 =	vmul.f32 $1.442695020e+00, v2;
	_ =	sdelay $0x1  }
0x17c: {  	v2 =	vbroadcast v2, $0x0;
	_ =	sdelay $0x1  }
0x17d: {  	(erf) = vpow2.f32 v2;
	_ =	sdelay $0x4  }
0x17e: {  	v2 =	vld [tilespmem:s8+$0x0];
	_ =	sdelay $0x1  }
0x17f: {  	v3 =	vld [tilespmem:s8+$0x10];
	_ =	sdelay $0x1  }
0x180: {  	v4 =	vpop (erf)  }
0x181: {  	v2 =	vmul.f32 v4, v2  }
0x182: {  	v1 =	vmul.f32 v4, v1  }
0x183: {  	v3 =	vmul.f32 v4, v3;
	[tilespmem:s8+$0x0] =	vst v2  }
0x184: {  	[tilespmem:s8+$0x20] =	vst v1  }
0x185: {  	[tilespmem:s8+$0x10] =	vst v3;
	v1 =	vld [tilespmem:s8+$0x50]  }
0x186: {  	v2 =	vld [tilespmem:s9+$0x10];
	_ =	sdelay $0x3  }
0x187: {  	(v2sf) =	vpush v1, $0x9  }
0x188: {  	(v2sf) =	vpush v2, $0x0;
	_ =	sdelay $0xd  }
0x189: {  	s13 =	spop (v2sf)  }
0x18a: {  	s14 =	spop (v2sf)  }
0x18b: {  	s10 =	sadd.f32 s14, s13;
	_ =	sdelay $0x1  }
0x18c: {  	p0 =	sgt.f32 s10, $0.0e+00;
	s11 =	smul.f32 $2.000000030e-01, s10  }
0x18d: {  	_ = 	snop  }
0x18e: {  	s11 =	smov.u32 @p0 s10  }
0x18f: {  	v2 =	vmov s11  }
0x190: {  	v2 =	vmul.f32 $1.442695020e+00, v2;
	_ =	sdelay $0x1  }
0x191: {  	v3 =	vbroadcast v2, $0x0;
	_ =	sdelay $0x1  }
0x192: {  	(erf) = vpow2.f32 v3;
	_ =	sdelay $0x3  }
0x193: {  	v2 =	vld [tilespmem:s8+$0x30]  }
0x194: {  	s10 =	simm.s32 $0x37B0;
	s11 =	simm.s32 $0x0;
	v3 =	vld [tilespmem:s8+$0x40]  }
.LBB2_7:
0x195: {  	s11 =	sadd.s32 $0x4, s11;
	s8 =	sadd.s32 $0xC0, s8;
	s9 =	sadd.s32 $0x40, s9  }
0x196: {  	p0 =	slt.u32 s11, $0x4C;
	_ =	sdelay $0x1  }
0x197: {  	v4 =	vpop (erf)  }
0x198: {  	v2 =	vmul.f32 v4, v2;
	v3 =	vmul.f32 v4, v3  }
0x199: {  	v1 =	vmul.f32 v4, v1  }
0x19a: {  	[tilespmem:s10+$0x30] =	vst v2  }
0x19b: {  	[tilespmem:s10+$0x50] =	vst v1  }
0x19c: {  	v1 =	vld [tilespmem:s8+$0xFFFFFFC0];
	[tilespmem:s10+$0x40] =	vst v3;
	s10 =	smov.u32 s8  }
0x19d: {  	v2 =	vld [tilespmem:s9+$0xFFFFFFE0];
	_ =	sdelay $0x3  }
0x19e: {  	(v2sf) =	vpush v1, $0x9  }
0x19f: {  	(v2sf) =	vpush v2, $0x0;
	_ =	sdelay $0xd  }
0x1a0: {  	s12 =	spop (v2sf)  }
0x1a1: {  	s13 =	spop (v2sf)  }
0x1a2: {  	s12 =	sadd.f32 s13, s12;
	_ =	sdelay $0x1  }
0x1a3: {  	p1 =	sgt.f32 s12, $0.0e+00;
	s13 =	smul.f32 $2.000000030e-01, s12  }
0x1a4: {  	_ = 	snop  }
0x1a5: {  	s13 =	smov.u32 @p1 s12  }
0x1a6: {  	v2 =	vmov s13  }
0x1a7: {  	v2 =	vmul.f32 $1.442695020e+00, v2;
	_ =	sdelay $0x1  }
0x1a8: {  	v2 =	vbroadcast v2, $0x0;
	_ =	sdelay $0x1  }
0x1a9: {  	(erf) = vpow2.f32 v2;
	_ =	sdelay $0x4  }
0x1aa: {  	v2 =	vld [tilespmem:s8+$0xFFFFFFB0]  }
0x1ab: {  	v3 =	vld [tilespmem:s8+$0xFFFFFFA0];
	_ =	sdelay $0x2  }
0x1ac: {  	v4 =	vpop (erf)  }
0x1ad: {  	v2 =	vmul.f32 v4, v2;
	v1 =	vmul.f32 v4, v1  }
0x1ae: {  	v3 =	vmul.f32 v4, v3  }
0x1af: {  	[tilespmem:s8+$0xFFFFFFB0] =	vst v2  }
0x1b0: {  	[tilespmem:s8+$0xFFFFFFA0] =	vst v3  }
0x1b1: {  	[tilespmem:s8+$0xFFFFFFC0] =	vst v1;
	v1 =	vld [tilespmem:s8+$0xFFFFFFF0]  }
0x1b2: {  	v2 =	vld [tilespmem:s9+$0xFFFFFFF0];
	_ =	sdelay $0x3  }
0x1b3: {  	(v2sf) =	vpush v1, $0x9  }
0x1b4: {  	(v2sf) =	vpush v2, $0x0;
	_ =	sdelay $0xd  }
0x1b5: {  	s12 =	spop (v2sf)  }
0x1b6: {  	s13 =	spop (v2sf)  }
0x1b7: {  	s12 =	sadd.f32 s13, s12;
	_ =	sdelay $0x1  }
0x1b8: {  	p1 =	sgt.f32 s12, $0.0e+00;
	s13 =	smul.f32 $2.000000030e-01, s12  }
0x1b9: {  	_ = 	snop  }
0x1ba: {  	s13 =	smov.u32 @p1 s12  }
0x1bb: {  	v2 =	vmov s13  }
0x1bc: {  	v2 =	vmul.f32 $1.442695020e+00, v2;
	_ =	sdelay $0x1  }
0x1bd: {  	v2 =	vbroadcast v2, $0x0;
	_ =	sdelay $0x1  }
0x1be: {  	(erf) = vpow2.f32 v2;
	_ =	sdelay $0x3  }
0x1bf: {  	v2 =	vld [tilespmem:s8+$0xFFFFFFE0]  }
0x1c0: {  	v3 =	vld [tilespmem:s8+$0xFFFFFFD0];
	_ =	sdelay $0x3  }
0x1c1: {  	v4 =	vpop (erf)  }
0x1c2: {  	v3 =	vmul.f32 v4, v3;
	v2 =	vmul.f32 v4, v2  }
0x1c3: {  	v1 =	vmul.f32 v4, v1  }
0x1c4: {  	[tilespmem:s8+$0xFFFFFFD0] =	vst v3  }
0x1c5: {  	[tilespmem:s8+$0xFFFFFFE0] =	vst v2  }
0x1c6: {  	[tilespmem:s8+$0xFFFFFFF0] =	vst v1;
	v1 =	vld [tilespmem:s8+$0x20]  }
0x1c7: {  	v2 =	vld [tilespmem:s9+$0x0];
	_ =	sdelay $0x3  }
0x1c8: {  	(v2sf) =	vpush v1, $0x9  }
0x1c9: {  	(v2sf) =	vpush v2, $0x0;
	_ =	sdelay $0xd  }
0x1ca: {  	s12 =	spop (v2sf)  }
0x1cb: {  	s13 =	spop (v2sf)  }
0x1cc: {  	s12 =	sadd.f32 s13, s12;
	_ =	sdelay $0x1  }
0x1cd: {  	p1 =	sgt.f32 s12, $0.0e+00;
	s13 =	smul.f32 $2.000000030e-01, s12  }
0x1ce: {  	_ = 	snop  }
0x1cf: {  	s13 =	smov.u32 @p1 s12  }
0x1d0: {  	v2 =	vmov s13  }
0x1d1: {  	v2 =	vmul.f32 $1.442695020e+00, v2;
	_ =	sdelay $0x1  }
0x1d2: {  	v2 =	vbroadcast v2, $0x0;
	_ =	sdelay $0x1  }
0x1d3: {  	(erf) = vpow2.f32 v2;
	_ =	sdelay $0x3  }
0x1d4: {  	v2 =	vld [tilespmem:s8+$0x10]  }
0x1d5: {  	v3 =	vld [tilespmem:s8+$0x0];
	_ =	sdelay $0x3  }
0x1d6: {  	v4 =	vpop (erf)  }
0x1d7: {  	v3 =	vmul.f32 v4, v3;
	v2 =	vmul.f32 v4, v2  }
0x1d8: {  	v1 =	vmul.f32 v4, v1  }
0x1d9: {  	[tilespmem:s8+$0x0] =	vst v3  }
0x1da: {  	[tilespmem:s8+$0x20] =	vst v1  }
0x1db: {  	[tilespmem:s8+$0x10] =	vst v2;
	v1 =	vld [tilespmem:s8+$0x50]  }
0x1dc: {  	v2 =	vld [tilespmem:s9+$0x10];
	_ =	sdelay $0x3  }
0x1dd: {  	(v2sf) =	vpush v1, $0x9  }
0x1de: {  	(v2sf) =	vpush v2, $0x0;
	_ =	sdelay $0xd  }
0x1df: {  	s12 =	spop (v2sf)  }
0x1e0: {  	s13 =	spop (v2sf)  }
0x1e1: {  	s12 =	sadd.f32 s13, s12;
	_ =	sdelay $0x1  }
0x1e2: {  	p1 =	sgt.f32 s12, $0.0e+00;
	s13 =	smul.f32 $2.000000030e-01, s12  }
0x1e3: {  	_ = 	snop  }
0x1e4: {  	s13 =	smov.u32 @p1 s12  }
0x1e5: {  	v2 =	vmov s13  }
0x1e6: {  	v2 =	vmul.f32 $1.442695020e+00, v2;
	_ =	sdelay $0x1  }
0x1e7: {  	v2 =	vbroadcast v2, $0x0;
	_ =	sdelay $0x1  }
0x1e8: {  	(erf) = vpow2.f32 v2  }
.Ltmp2:
0x1e9: {  	(pc) =	sbr.rel @p0 .LBB2_7-.Ltmp2, $3  }
0x1ea: {  	_ =	sdelay $0x1  }
0x1eb: {  	v2 =	vld [tilespmem:s8+$0x30]  }
0x1ec: {  	v3 =	vld [tilespmem:s8+$0x40]  }
0x1ed: {  	_ =	sdelay $0x2  }
0x1ee: {  	s7 =	sadd.s32 $0x1, s7;
	v4 =	vpop (erf)  }
0x1ef: {  	p0 =	sne.s32 s7, $0x3E;
	v2 =	vmul.f32 v4, v2  }
.Ltmp3:
0x1f0: {  	v1 =	vmul.f32 v4, v1;
	(pc) =	sbr.rel @p0 .LBB2_4-.Ltmp3, $4  }
0x1f1: {  	v3 =	vmul.f32 v4, v3;
	[tilespmem:s10+$0x30] =	vst v2  }
0x1f2: {  	[tilespmem:s10+$0x50] =	vst v1  }
0x1f3: {  	[tilespmem:s10+$0x40] =	vst v3  }
0x1f4: {  	[spmem:s1] =	stream.indirect.scatter.add.f32 [tilespmem:s23], [sflag:$0x6], $0x30, s25, s18, $0xb8;
	[tilespmem:$0xC850] =	vst v63  }
0x1f5: {  	_ =	swait.ge [sflag:s3], $0xF00  }
0x1f6: {  	[sflag:s3] =	ssyncset.done $0x0  }
0x1f7: {  	[sflag:s3] =	ssyncadd.s32 $0xFFFFF100  }
0x1f8: {  	_ =	swait.ge [sflag:s28], $0xF00  }
0x1f9: {  	[sflag:s28] =	ssyncset.done $0x0  }
0x1fa: {  	[sflag:s28] =	ssyncadd.s32 $0xFFFFF100  }
0x1fb: {  	_ =	swait.ge [sflag:s29], $0x500  }
0x1fc: {  	[sflag:s29] =	ssyncset.done $0x0  }
0x1fd: {  	s7 =	simm.s32 $0x28B0;
	[sflag:s29] =	ssyncadd.s32 $0xFFFFFB00  }
0x1fe: {  	s8 =	simm.s32 $0x4670;
	v1 =	vld [tilespmem:s7+$0xFFFFFFC0]  }
0x1ff: {  	v2 =	vld [tilespmem:s8+$0xFFFFFFE0];
	_ =	sdelay $0x3  }
0x200: {  	(v2sf) =	vpush v1, $0x9  }
0x201: {  	(v2sf) =	vpush v2, $0x0;
	_ =	sdelay $0xd  }
0x202: {  	s9 =	spop (v2sf)  }
0x203: {  	s10 =	spop (v2sf)  }
0x204: {  	s9 =	sadd.f32 s10, s9;
	_ =	sdelay $0x1  }
0x205: {  	p0 =	sgt.f32 s9, $0.0e+00;
	s10 =	smul.f32 $2.000000030e-01, s9  }
0x206: {  	_ = 	snop  }
0x207: {  	s10 =	smov.u32 @p0 s9  }
0x208: {  	v2 =	vmov s10  }
0x209: {  	v2 =	vmul.f32 $1.442695020e+00, v2;
	_ =	sdelay $0x1  }
0x20a: {  	v2 =	vbroadcast v2, $0x0;
	_ =	sdelay $0x1  }
0x20b: {  	(erf) = vpow2.f32 v2;
	_ =	sdelay $0x4  }
0x20c: {  	v2 =	vld [tilespmem:s7+$0xFFFFFFB0]  }
0x20d: {  	v3 =	vld [tilespmem:s7+$0xFFFFFFA0];
	_ =	sdelay $0x2  }
0x20e: {  	v4 =	vpop (erf)  }
0x20f: {  	v2 =	vmul.f32 v4, v2  }
0x210: {  	v3 =	vmul.f32 v4, v3  }
0x211: {  	v1 =	vmul.f32 v4, v1;
	[tilespmem:s7+$0xFFFFFFB0] =	vst v2  }
0x212: {  	[tilespmem:s7+$0xFFFFFFA0] =	vst v3  }
0x213: {  	[tilespmem:s7+$0xFFFFFFC0] =	vst v1;
	v1 =	vld [tilespmem:s7+$0xFFFFFFF0]  }
0x214: {  	v2 =	vld [tilespmem:s8+$0xFFFFFFF0];
	_ =	sdelay $0x3  }
0x215: {  	(v2sf) =	vpush v1, $0x9  }
0x216: {  	(v2sf) =	vpush v2, $0x0;
	_ =	sdelay $0xd  }
0x217: {  	s13 =	spop (v2sf)  }
0x218: {  	s14 =	spop (v2sf)  }
0x219: {  	s9 =	sadd.f32 s14, s13;
	_ =	sdelay $0x1  }
0x21a: {  	p0 =	sgt.f32 s9, $0.0e+00;
	s10 =	smul.f32 $2.000000030e-01, s9  }
0x21b: {  	_ = 	snop  }
0x21c: {  	s10 =	smov.u32 @p0 s9  }
0x21d: {  	v2 =	vmov s10  }
0x21e: {  	v2 =	vmul.f32 $1.442695020e+00, v2;
	_ =	sdelay $0x1  }
0x21f: {  	v2 =	vbroadcast v2, $0x0;
	_ =	sdelay $0x1  }
0x220: {  	(erf) = vpow2.f32 v2;
	_ =	sdelay $0x4  }
0x221: {  	v2 =	vld [tilespmem:s7+$0xFFFFFFD0]  }
0x222: {  	v3 =	vld [tilespmem:s7+$0xFFFFFFE0];
	_ =	sdelay $0x2  }
0x223: {  	v4 =	vpop (erf)  }
0x224: {  	v2 =	vmul.f32 v4, v2  }
0x225: {  	v3 =	vmul.f32 v4, v3  }
0x226: {  	v1 =	vmul.f32 v4, v1;
	[tilespmem:s7+$0xFFFFFFD0] =	vst v2  }
0x227: {  	[tilespmem:s7+$0xFFFFFFE0] =	vst v3  }
0x228: {  	[tilespmem:s7+$0xFFFFFFF0] =	vst v1;
	v1 =	vld [tilespmem:s7+$0x20]  }
0x229: {  	v2 =	vld [tilespmem:s8+$0x0];
	_ =	sdelay $0x3  }
0x22a: {  	(v2sf) =	vpush v1, $0x9  }
0x22b: {  	(v2sf) =	vpush v2, $0x0;
	_ =	sdelay $0xd  }
0x22c: {  	s11 =	spop (v2sf)  }
0x22d: {  	s12 =	spop (v2sf)  }
0x22e: {  	s9 =	sadd.f32 s12, s11;
	_ =	sdelay $0x1  }
0x22f: {  	p0 =	sgt.f32 s9, $0.0e+00;
	s10 =	smul.f32 $2.000000030e-01, s9  }
0x230: {  	_ = 	snop  }
0x231: {  	s10 =	smov.u32 @p0 s9  }
0x232: {  	v2 =	vmov s10  }
0x233: {  	v2 =	vmul.f32 $1.442695020e+00, v2;
	_ =	sdelay $0x1  }
0x234: {  	v2 =	vbroadcast v2, $0x0;
	_ =	sdelay $0x1  }
0x235: {  	(erf) = vpow2.f32 v2;
	_ =	sdelay $0x4  }
0x236: {  	v2 =	vld [tilespmem:s7+$0x0];
	_ =	sdelay $0x1  }
0x237: {  	v3 =	vld [tilespmem:s7+$0x10];
	_ =	sdelay $0x1  }
0x238: {  	v4 =	vpop (erf)  }
0x239: {  	v2 =	vmul.f32 v4, v2  }
0x23a: {  	v1 =	vmul.f32 v4, v1  }
0x23b: {  	v3 =	vmul.f32 v4, v3;
	[tilespmem:s7+$0x0] =	vst v2  }
0x23c: {  	[tilespmem:s7+$0x20] =	vst v1  }
0x23d: {  	[tilespmem:s7+$0x10] =	vst v3;
	v1 =	vld [tilespmem:s7+$0x50]  }
0x23e: {  	v2 =	vld [tilespmem:s8+$0x10];
	_ =	sdelay $0x3  }
0x23f: {  	(v2sf) =	vpush v1, $0x9  }
0x240: {  	(v2sf) =	vpush v2, $0x0;
	_ =	sdelay $0xd  }
0x241: {  	s13 =	spop (v2sf)  }
0x242: {  	s14 =	spop (v2sf)  }
0x243: {  	s9 =	sadd.f32 s14, s13;
	_ =	sdelay $0x1  }
0x244: {  	p0 =	sgt.f32 s9, $0.0e+00;
	s10 =	smul.f32 $2.000000030e-01, s9  }
0x245: {  	_ = 	snop  }
0x246: {  	s10 =	smov.u32 @p0 s9  }
0x247: {  	v2 =	vmov s10  }
0x248: {  	v2 =	vmul.f32 $1.442695020e+00, v2;
	_ =	sdelay $0x1  }
0x249: {  	v3 =	vbroadcast v2, $0x0;
	_ =	sdelay $0x1  }
0x24a: {  	(erf) = vpow2.f32 v3;
	_ =	sdelay $0x3  }
0x24b: {  	v2 =	vld [tilespmem:s7+$0x30]  }
0x24c: {  	s9 =	simm.s32 $0x28B0;
	s10 =	simm.s32 $0x0;
	v3 =	vld [tilespmem:s7+$0x40]  }
.LBB2_10:
0x24d: {  	s10 =	sadd.s32 $0x4, s10;
	s7 =	sadd.s32 $0xC0, s7;
	s8 =	sadd.s32 $0x40, s8  }
0x24e: {  	p0 =	slt.u32 s10, $0x4C;
	_ =	sdelay $0x1  }
0x24f: {  	v4 =	vpop (erf)  }
0x250: {  	v2 =	vmul.f32 v4, v2;
	v3 =	vmul.f32 v4, v3  }
0x251: {  	v1 =	vmul.f32 v4, v1  }
0x252: {  	[tilespmem:s9+$0x30] =	vst v2  }
0x253: {  	[tilespmem:s9+$0x50] =	vst v1  }
0x254: {  	v1 =	vld [tilespmem:s7+$0xFFFFFFC0];
	[tilespmem:s9+$0x40] =	vst v3;
	s9 =	smov.u32 s7  }
0x255: {  	v2 =	vld [tilespmem:s8+$0xFFFFFFE0];
	_ =	sdelay $0x3  }
0x256: {  	(v2sf) =	vpush v1, $0x9  }
0x257: {  	(v2sf) =	vpush v2, $0x0;
	_ =	sdelay $0xd  }
0x258: {  	s11 =	spop (v2sf)  }
0x259: {  	s12 =	spop (v2sf)  }
0x25a: {  	s11 =	sadd.f32 s12, s11;
	_ =	sdelay $0x1  }
0x25b: {  	p1 =	sgt.f32 s11, $0.0e+00;
	s12 =	smul.f32 $2.000000030e-01, s11  }
0x25c: {  	_ = 	snop  }
0x25d: {  	s12 =	smov.u32 @p1 s11  }
0x25e: {  	v2 =	vmov s12  }
0x25f: {  	v2 =	vmul.f32 $1.442695020e+00, v2;
	_ =	sdelay $0x1  }
0x260: {  	v2 =	vbroadcast v2, $0x0;
	_ =	sdelay $0x1  }
0x261: {  	(erf) = vpow2.f32 v2;
	_ =	sdelay $0x4  }
0x262: {  	v2 =	vld [tilespmem:s7+$0xFFFFFFB0]  }
0x263: {  	v3 =	vld [tilespmem:s7+$0xFFFFFFA0];
	_ =	sdelay $0x2  }
0x264: {  	v4 =	vpop (erf)  }
0x265: {  	v2 =	vmul.f32 v4, v2;
	v1 =	vmul.f32 v4, v1  }
0x266: {  	v3 =	vmul.f32 v4, v3  }
0x267: {  	[tilespmem:s7+$0xFFFFFFB0] =	vst v2  }
0x268: {  	[tilespmem:s7+$0xFFFFFFA0] =	vst v3  }
0x269: {  	[tilespmem:s7+$0xFFFFFFC0] =	vst v1;
	v1 =	vld [tilespmem:s7+$0xFFFFFFF0]  }
0x26a: {  	v2 =	vld [tilespmem:s8+$0xFFFFFFF0];
	_ =	sdelay $0x3  }
0x26b: {  	(v2sf) =	vpush v1, $0x9  }
0x26c: {  	(v2sf) =	vpush v2, $0x0;
	_ =	sdelay $0xd  }
0x26d: {  	s11 =	spop (v2sf)  }
0x26e: {  	s12 =	spop (v2sf)  }
0x26f: {  	s11 =	sadd.f32 s12, s11;
	_ =	sdelay $0x1  }
0x270: {  	p1 =	sgt.f32 s11, $0.0e+00;
	s12 =	smul.f32 $2.000000030e-01, s11  }
0x271: {  	_ = 	snop  }
0x272: {  	s12 =	smov.u32 @p1 s11  }
0x273: {  	v2 =	vmov s12  }
0x274: {  	v2 =	vmul.f32 $1.442695020e+00, v2;
	_ =	sdelay $0x1  }
0x275: {  	v2 =	vbroadcast v2, $0x0;
	_ =	sdelay $0x1  }
0x276: {  	(erf) = vpow2.f32 v2;
	_ =	sdelay $0x3  }
0x277: {  	v2 =	vld [tilespmem:s7+$0xFFFFFFE0]  }
0x278: {  	v3 =	vld [tilespmem:s7+$0xFFFFFFD0];
	_ =	sdelay $0x3  }
0x279: {  	v4 =	vpop (erf)  }
0x27a: {  	v3 =	vmul.f32 v4, v3;
	v2 =	vmul.f32 v4, v2  }
0x27b: {  	v1 =	vmul.f32 v4, v1  }
0x27c: {  	[tilespmem:s7+$0xFFFFFFD0] =	vst v3  }
0x27d: {  	[tilespmem:s7+$0xFFFFFFE0] =	vst v2  }
0x27e: {  	[tilespmem:s7+$0xFFFFFFF0] =	vst v1;
	v1 =	vld [tilespmem:s7+$0x20]  }
0x27f: {  	v2 =	vld [tilespmem:s8+$0x0];
	_ =	sdelay $0x3  }
0x280: {  	(v2sf) =	vpush v1, $0x9  }
0x281: {  	(v2sf) =	vpush v2, $0x0;
	_ =	sdelay $0xd  }
0x282: {  	s11 =	spop (v2sf)  }
0x283: {  	s12 =	spop (v2sf)  }
0x284: {  	s11 =	sadd.f32 s12, s11;
	_ =	sdelay $0x1  }
0x285: {  	p1 =	sgt.f32 s11, $0.0e+00;
	s12 =	smul.f32 $2.000000030e-01, s11  }
0x286: {  	_ = 	snop  }
0x287: {  	s12 =	smov.u32 @p1 s11  }
0x288: {  	v2 =	vmov s12  }
0x289: {  	v2 =	vmul.f32 $1.442695020e+00, v2;
	_ =	sdelay $0x1  }
0x28a: {  	v2 =	vbroadcast v2, $0x0;
	_ =	sdelay $0x1  }
0x28b: {  	(erf) = vpow2.f32 v2;
	_ =	sdelay $0x3  }
0x28c: {  	v2 =	vld [tilespmem:s7+$0x10]  }
0x28d: {  	v3 =	vld [tilespmem:s7+$0x0];
	_ =	sdelay $0x3  }
0x28e: {  	v4 =	vpop (erf)  }
0x28f: {  	v3 =	vmul.f32 v4, v3;
	v2 =	vmul.f32 v4, v2  }
0x290: {  	v1 =	vmul.f32 v4, v1  }
0x291: {  	[tilespmem:s7+$0x0] =	vst v3  }
0x292: {  	[tilespmem:s7+$0x20] =	vst v1  }
0x293: {  	[tilespmem:s7+$0x10] =	vst v2;
	v1 =	vld [tilespmem:s7+$0x50]  }
0x294: {  	v2 =	vld [tilespmem:s8+$0x10];
	_ =	sdelay $0x3  }
0x295: {  	(v2sf) =	vpush v1, $0x9  }
0x296: {  	(v2sf) =	vpush v2, $0x0;
	_ =	sdelay $0xd  }
0x297: {  	s11 =	spop (v2sf)  }
0x298: {  	s12 =	spop (v2sf)  }
0x299: {  	s11 =	sadd.f32 s12, s11;
	_ =	sdelay $0x1  }
0x29a: {  	p1 =	sgt.f32 s11, $0.0e+00;
	s12 =	smul.f32 $2.000000030e-01, s11  }
0x29b: {  	_ = 	snop  }
0x29c: {  	s12 =	smov.u32 @p1 s11  }
0x29d: {  	v2 =	vmov s12  }
0x29e: {  	v2 =	vmul.f32 $1.442695020e+00, v2;
	_ =	sdelay $0x1  }
0x29f: {  	v2 =	vbroadcast v2, $0x0;
	_ =	sdelay $0x1  }
0x2a0: {  	(erf) = vpow2.f32 v2  }
.Ltmp4:
0x2a1: {  	(pc) =	sbr.rel @p0 .LBB2_10-.Ltmp4, $3  }
0x2a2: {  	_ =	sdelay $0x1  }
0x2a3: {  	v2 =	vld [tilespmem:s7+$0x30]  }
0x2a4: {  	v3 =	vld [tilespmem:s7+$0x40]  }
0x2a5: {  	_ =	sdelay $0x2  }
0x2a6: {  	v4 =	vpop (erf)  }
0x2a7: {  	v2 =	vmul.f32 v4, v2  }
0x2a8: {  	v1 =	vmul.f32 v4, v1  }
0x2a9: {  	v3 =	vmul.f32 v4, v3;
	[tilespmem:s9+$0x30] =	vst v2  }
0x2aa: {  	[tilespmem:s9+$0x50] =	vst v1  }
0x2ab: {  	[tilespmem:s9+$0x40] =	vst v3  }
0x2ac: {  	[spmem:s1] =	stream.indirect.scatter.add.f32 [tilespmem:s16], [sflag:$0x5], $0x30, s20, s18, $0xb8;
	[tilespmem:$0xC850] =	vst v63  }
0x2ad: {  	s7 =	stileid.u32;
	_ =	swait.ge [sflag:s30], $0xF00  }
0x2ae: {  	s8 =	sshrl.u32 s6, $0x3;
	s2 =	sadd.s32 $0x1, s2;
	[sflag:s30] =	ssyncset.done $0x0  }
0x2af: {  	s7 =	sshll.u32 s7, $0x6;
	p0 =	sne.s32 s2, s15;
	[sflag:s30] =	ssyncadd.s32 $0xFFFFF100  }
.Ltmp5:
0x2b0: {  	s7 =	sor.u32 $0x1C07, s7;
	[bflag:$0x0] =	sbarrier.arrive $0xFFFF;
	(pc) =	sbr.rel @p0 .LBB2_1-.Ltmp5, $4  }
0x2b1: {  	[hbm:s24], [sflag:s7] =	dma.local [spmem:s8], $0xF00  }
0x2b2: {  	_ =	swait.ge [sflag:s17], $0xF00  }
0x2b3: {  	[sflag:s17] =	ssyncset.done $0x0  }
0x2b4: {  	[sflag:s17] =	ssyncadd.s32 $0xFFFFF100  }
0x2b5: {  	_ =	sfence.sel $0x180000  }
0x2b6: {  	[bflag:$0x0] =	sbarrier.arrive $0xFFFF  }
0x2b7: {  	_ =	strace $0x9000004A  }
0x2b8: {  	s0 =	stileid.u32;
	[bflag:$0x2] =	sbarrier.arrive $0xFFFF  }
0x2b9: {  	p0 =	sne.s32 s0, $0x0;
	s0 =	rddreg [dreg:$0x3]  }
0x2ba: {  	s0 =	sadd.s32 @!p0 $0x100000, s0  }
0x2bb: {  	[sflag:s0] =	ssyncadd.tile.s32 @!p0 $0x1;
	_ =	shalt  }
.Lfunc_end2:
_tile_overlayer_lowered:
.L_overlay_start_2:
0x2bc: {  	(tag) =	ssettag $0x2  }
0x2bd: {  	s0 =	rddreg [dreg:$0x0];
	s2 =	stileid.u32  }
0x2be: {  	s1 =	rddreg [dreg:$0x1];
	p0 =	sne.s32 s2, $0x0  }
0x2bf: {  	s3 =	rddreg [dreg:$0x2];
	[bflag:$0x3] =	sbarrier.arrive $0xFFFF;
	s2 =	simm.s32 @!p0 $0x1C07  }
0x2c0: {  	[timem:s3], [sflag:s2] =	dma.local @!p0 [hbm:s0], s1  }
0x2c1: {  	s0 =	simm.s32 @!p0 $0x7  }
0x2c2: {  	_ =	swait.ge @!p0 [sflag:s0], s1  }
0x2c3: {  	s1 =	ssub.s32 @!p0 $0x0, s1;
	[sflag:s0] =	ssyncset.done @!p0 $0x0  }
0x2c4: {  	[sflag:s0] =	ssyncadd.s32 @!p0 s1  }
0x2c5: {  	[bflag:$0x3] =	sbarrier.arrive $0xFFFF  }
0x2c6: {  	_ =	shalt  }

// kernel: kernel.7.cloned.1.call-start
scs
__scs_entry_jumppad:
0x0: {  	(pc) =	sbr.rel $0x88, $3  }
0x1: {  	(tag) =	ssettag $0x0;
	lr =	simm.s32 $0x1  }
0x2: {  	[smem:$0x3F97] =	sst lr;
	_ =	strace $0xD0000000  }
0x3: {  	_ = 	snop  }
0x4: {  	_ = 	snop  }
0x5: {  	_ = 	snop  }
0x6: {  	_ = 	snop  }
0x7: {  	_ = 	snop  }
__scs_overlays_trampoline_lowered:
0x8: {  	[smem:$0x3FA6] =	sst s0  }
0x9: {  	[smem:$0x3FA7] =	sst s1  }
0xa: {  	[smem:$0x3FA8] =	sst s2  }
0xb: {  	[smem:$0x3FA9] =	sst s3  }
0xc: {  	[smem:$0x3FAA] =	sst s4  }
0xd: {  	[smem:$0x3FAB] =	sst s5  }
0xe: {  	[smem:$0x3FAC] =	sst s6  }
0xf: {  	[smem:$0x3FAD] =	sst s7  }
0x10: {  	[smem:$0x3FAE] =	sst s8  }
0x11: {  	[smem:$0x3FAF] =	sst s9;
	s0 =	simm.s32 @!p0 $0x0  }
0x12: {  	s1 =	sld [smem:$0x3F95];
	s0 =	simm.s32 @p0 $0x1  }
0x13: {  	[smem:$0x3FB0] =	sst s0;
	s0 =	simm.s32 @!p1 $0x0  }
0x14: {  	s2 =	sld [smem:$0x3F94];
	s0 =	simm.s32 @p1 $0x1  }
0x15: {  	[smem:$0x3FB1] =	sst s0;
	s0 =	simm.s32 @!p2 $0x0  }
0x16: {  	s3 =	sld [smem:$0x3FDB];
	s0 =	simm.s32 @p2 $0x1  }
0x17: {  	s4 =	simm.s32 $0x1BF5;
	[smem:$0x3FB3] =	sst s0  }
0x18: {  	s0 =	sld [smem:$0x3F96];
	_ =	swait.ge [sflag:s4], $0x0  }
0x19: {  	s7 =	sld [smem:$0x3F97]  }
0x1a: {  	s8 =	sadd.s32 $0xFFFFE003, lr  }
0x1b: {  	s9 =	sadd.s32 $0xFFFFFEF7, lr;
	s5 =	simm.s32 $0xFFFFFFFF;
	p2 =	slt.u32 s8, $0xFFFFF086  }
0x1c: {  	p1 =	slt.u32 s9, $0xF7A;
	s5 =	simm.s32 @!p2 $0x0  }
0x1d: {  	s5 =	simm.s32 @p1 $0x1;
	p0 =	seq.s32 s7, s2  }
0x1e: {  	s7 =	smul.u32 @!p0 $0xF7A, s2;
	p2 =	seq.s32 @!p0 s5, $0x0  }
0x1f: {  	s9 =	smul.u32 $0xF7A, s1;
	s8 =	simm.s32 @!p0 $0x1BF5;
	p2 =	por !p2, p0  }
0x20: {  	[sflag:s8] =	ssyncset.s32 @!p0 $0xFFFFF086;
	s6 =	sadd.s32 @!p0 s3, s7;
	s7 =	simm.s32 @!p0 $0x108  }
0x21: {  	s3 =	sadd.s32 s3, s9;
	s6 =	sadd.s32 @!p0 $0x88, s6;
	s7 =	simm.s32 @p2 $0x1082  }
0x22: {  	[simem:s7], [sflag:s8] =	dma.local @!p0 [hbm:s6], $0xF7A  }
0x23: {  	s9 =	sor.u32 $0xD0000000, s2;
	s6 =	simm.s32 $0x108;
	_ =	swait.ge @!p0 [sflag:s8], $0x0  }
0x24: {  	s3 =	sadd.s32 $0x88, s3;
	s6 =	simm.s32 @!p1 $0x1082;
	[sflag:s4] =	ssyncset.s32 $0xFFFFF086  }
0x25: {  	[simem:s6], [sflag:s4] =	dma.local [hbm:s3], $0xF7A  }
0x26: {  	[smem:$0x3F97] =	sst s1;
	(tag) =	ssettag s2;
	_ =	strace s9  }
0x27: {  	s1 =	sld [smem:$0x3FA7]  }
0x28: {  	s2 =	sld [smem:$0x3FA8]  }
0x29: {  	s4 =	sld [smem:$0x3FAA]  }
0x2a: {  	p0 =	seq.s32 s5, $0x0;
	s5 =	sld [smem:$0x3FAB]  }
0x2b: {  	s6 =	sld [smem:$0x3FAC]  }
0x2c: {  	s7 =	sld [smem:$0x3FAD]  }
0x2d: {  	s3 =	simm.s32 $0x108;
	s8 =	sld [smem:$0x3FAE]  }
0x2e: {  	s3 =	simm.s32 @!p0 $0x1082;
	s9 =	sld [smem:$0x3FAF]  }
0x2f: {  	lr =	sadd.s32 s0, s3;
	s0 =	sld [smem:$0x3FA6]  }
0x30: {  	s3 =	sld [smem:$0x3FA9]  }
0x31: {  	[smem:$0x3FB2] =	sst s10  }
0x32: {  	s10 =	sld [smem:$0x3FB0];
	_ =	sdelay $0x3  }
0x33: {  	p0 =	seq.s32 s10, $0x1;
	s10 =	sld [smem:$0x3FB2];
	_ =	sdelay $0x3  }
0x34: {  	[smem:$0x3FB2] =	sst s10  }
0x35: {  	s10 =	sld [smem:$0x3FB1];
	_ =	sdelay $0x3  }
0x36: {  	p1 =	seq.s32 s10, $0x1;
	s10 =	sld [smem:$0x3FB2];
	_ =	sdelay $0x3  }
0x37: {  	[smem:$0x3FB2] =	sst s10  }
0x38: {  	s10 =	sld [smem:$0x3FB3]  }
0x39: {  	_ = 	snop;
	(pc) =	sbr.ind lr, $3  }
0x3a: {  	_ = 	snop  }
0x3b: {  	_ = 	snop  }
0x3c: {  	p2 =	seq.s32 s10, $0x1;
	s10 =	sld [smem:$0x3FB2]  }
0x3d: {  	_ =	shalt  }
0x3e: {  	_ =	shalt  }
0x3f: {  	_ =	shalt  }
0x40: {  	_ =	shalt  }
0x41: {  	_ =	shalt  }
0x42: {  	_ =	shalt  }
0x43: {  	_ =	shalt  }
0x44: {  	_ =	shalt  }
0x45: {  	_ =	shalt  }
0x46: {  	_ =	shalt  }
0x47: {  	_ =	shalt  }
0x48: {  	_ =	shalt  }
0x49: {  	_ =	shalt  }
0x4a: {  	_ =	shalt  }
0x4b: {  	_ =	shalt  }
0x4c: {  	_ =	shalt  }
0x4d: {  	_ =	shalt  }
0x4e: {  	_ =	shalt  }
0x4f: {  	_ =	shalt  }
0x50: {  	_ =	shalt  }
0x51: {  	_ =	shalt  }
0x52: {  	_ =	shalt  }
0x53: {  	_ =	shalt  }
0x54: {  	_ =	shalt  }
0x55: {  	_ =	shalt  }
0x56: {  	_ =	shalt  }
0x57: {  	_ =	shalt  }
0x58: {  	_ =	shalt  }
0x59: {  	_ =	shalt  }
0x5a: {  	_ =	shalt  }
0x5b: {  	_ =	shalt  }
0x5c: {  	_ =	shalt  }
0x5d: {  	_ =	shalt  }
0x5e: {  	_ =	shalt  }
0x5f: {  	_ =	shalt  }
0x60: {  	_ =	shalt  }
0x61: {  	_ =	shalt  }
0x62: {  	_ =	shalt  }
0x63: {  	_ =	shalt  }
0x64: {  	_ =	shalt  }
0x65: {  	_ =	shalt  }
0x66: {  	_ =	shalt  }
0x67: {  	_ =	shalt  }
0x68: {  	_ =	shalt  }
0x69: {  	_ =	shalt  }
0x6a: {  	_ =	shalt  }
0x6b: {  	_ =	shalt  }
0x6c: {  	_ =	shalt  }
0x6d: {  	_ =	shalt  }
0x6e: {  	_ =	shalt  }
0x6f: {  	_ =	shalt  }
0x70: {  	_ =	shalt  }
0x71: {  	_ =	shalt  }
0x72: {  	_ =	shalt  }
0x73: {  	_ =	shalt  }
0x74: {  	_ =	shalt  }
0x75: {  	_ =	shalt  }
0x76: {  	_ =	shalt  }
0x77: {  	_ =	shalt  }
0x78: {  	_ =	shalt  }
0x79: {  	_ =	shalt  }
0x7a: {  	_ =	shalt  }
0x7b: {  	_ =	shalt  }
0x7c: {  	_ =	shalt  }
0x7d: {  	_ =	shalt  }
0x7e: {  	_ =	shalt  }
0x7f: {  	_ =	shalt  }
0x80: {  	_ =	shalt  }
0x81: {  	_ =	shalt  }
0x82: {  	_ =	shalt  }
0x83: {  	_ =	shalt  }
0x84: {  	_ =	shalt  }
0x85: {  	_ =	shalt  }
0x86: {  	_ =	shalt  }
0x87: {  	_ =	shalt  }
.Lfunc_end0:
.L_simem_size_0:
called_computation_lowered:
.L_overlay_start_0:
0x88: {  	s2 =	sld [smem:$0x3FD9]  }
0x89: {  	s3 =	sld [smem:$0x3FFE];
	_ =	sdelay $0x1  }
0x8a: {  	s1 =	srdreg.scid  }
0x8b: {  	s0 =	sand.u32 $0x1, s1  }
0x8c: {  	s17 =	sshll.u32 s0, $0xA;
	s2 =	sadd.s32 s3, s2  }
0x8d: {  	s2 =	sadd.s32 s2, s17  }
0x8e: {  	[smem:$0x3FBE] =	sst s2  }
0x8f: {  	_ = 	snop  }
0x90: {  	s2 =	sld [smem:$0x3FD0];
	(tm) =	ssettm $0x1  }
0x91: {  	s18 =	sld [smem:$0x3FFB];
	_ =	sdelay $0x3  }
0x92: {  	_ =	strace s18  }
0x93: {  	s3 =	sld [smem:$0x3FFC];
	_ =	sdelay $0x3  }
0x94: {  	_ =	strace s3  }
0x95: {  	s3 =	sld [smem:$0x3FFD];
	_ =	sdelay $0x3  }
0x96: {  	_ =	strace s3  }
0x97: {  	_ =	strace $0x8FFFFFFF  }
0x98: {  	s19 =	sld [smem:$0x3FDB];
	_ =	sdelay $0x1  }
0x99: {  	s4 =	simm.s32 $_scs_section_size  }
0x9a: {  	s5 =	simm.s32 $_size__tile_overlayer_lowered;
	s6 =	simm.s32 $_tile_overlayer_lowered  }
0x9b: {  	s22 =	simm.s32 $0x1BFF;
	s21 =	sshll.u32 s6, $0x1;
	s3 =	sadd.s32 s4, s19  }
0x9c: {  	s7 =	simm.s32 $0x0;
	s20 =	sshll.u32 s5, $0x1;
	s5 =	sadd.s32 s21, s3  }
0x9d: {  	[timem:s7], [sflag:s22] =	dma.local [hbm:s5], s20  }
0x9e: {  	_ =	swait.ge [sflag:s22], s20  }
0x9f: {  	s4 =	ssub.s32 $0x0, s20;
	[sflag:s22] =	ssyncset.done $0x0  }
0xa0: {  	[sflag:s22] =	ssyncadd.s32 s4;
	_ =	sdelay $0x1  }
0xa1: {  	s23 =	simm.s32 $0x1B8B  }
0xa2: {  	_ =	swait.ge [sflag:s23], $0x1  }
0xa3: {  	[sflag:s23] =	ssyncset.done $0x0  }
0xa4: {  	s25 =	simm.s32 $0x1B8E;
	s24 =	sld [smem:$0x3FFE];
	[sflag:s23] =	ssyncadd.s32 $0xFFFFFFFF  }
0xa5: {  	s26 =	simm.s32 $execute0_lowered;
	[smem:$0x3FD2] =	sst s25  }
0xa6: {  	s5 =	sshll.u32 s26, $0x1;
	_ =	strace $0x80000046;
	[dreg:$0x1] =	wrdreg $0xFFFFFFFF  }
0xa7: {  	s28 =	simm.s32 $_size_execute0_lowered;
	s3 =	sadd.s32 s3, s5;
	[dreg:$0x0] =	wrdreg $0x0  }
0xa8: {  	s5 =	sshll.u32 s28, $0x1;
	[dreg:$0x2] =	wrdreg s3  }
0xa9: {  	[dreg:$0x3] =	wrdreg s5  }
0xaa: {  	[dreg:$0x4] =	wrdreg $0xC0  }
0xab: {  	_ =	task [dreg:s7], $0x5FFFF  }
0xac: {  	[dreg:$0x1] =	wrdreg $0xFFFFFFFF  }
0xad: {  	[dreg:$0x0] =	wrdreg $0x60  }
0xae: {  	[dreg:$0x2] =	wrdreg s24  }
0xaf: {  	[dreg:$0x3] =	wrdreg s2  }
0xb0: {  	[dreg:$0x4] =	wrdreg $0x8C500  }
0xb1: {  	[dreg:$0x5] =	wrdreg $0x9  }
0xb2: {  	_ =	task.clear_ibuf [dreg:s7], $0x6FFFF;
	_ =	strace $0x90000046  }
0xb3: {  	s29 =	simm.s32 $0x9;
	_ =	strace $0x80000048  }
0xb4: {  	_ =	swait.ge [sflag:s29], $0x1  }
0xb5: {  	[sflag:s29] =	ssyncadd.s32 $0xFFFFFFFF  }
0xb6: {  	_ =	strace $0x90000048  }
0xb7: {  	_ =	sfence  }
0xb8: {  	s30 =	sld [smem:$0x0];
	_ =	sdelay $0x2  }
0xb9: {  	s31 =	sshll.u32 s1, $0xD;
	s1 =	sshrl.u32 s1, $0x2  }
0xba: {  	s3 =	sand.u32 $0x4000, s31;
	s1 =	sadd.s32 s1, s30  }
0xbb: {  	s0 =	sor.u32 s3, s0;
	s1 =	sshll.u32 s1, $0x11  }
0xbc: {  	s0 =	sor.u32 s1, s0  }
0xbd: {  	s0 =	sadd.s32 $0x8F2B, s0  }
0xbe: {  	[sflag:s0] =	ssyncadd.remote.s32 $0x1  }
0xbf: {  	_ =	sfence.sel $0xFFFF  }
0xc0: {  	[dreg:$0x0] =	wrdreg $0xFFFFFFFF;
	(pc) =	sbr.abs _section_cstart, $3  }
0xc1: {  	[dreg:$0x1] =	wrdreg $0xFFFFFFFF  }
0xc2: {  	_ =	task.clear_ibuf [dreg:s7], $0x2FFFF;
	_ =	strace $0x9FFFFFFF  }
0xc3: {  	(tm) =	ssettm $0x7FFFFFFF  }
tec
execute0_lowered:
.L_overlay_start_1:
0x0: {  	(tag) =	ssettag $0x1  }
0x1: {  	s0 =	rddreg [dreg:$0x0]  }
0x2: {  	s3 =	rddreg [dreg:$0x1]  }
0x3: {  	s1 =	rddreg [dreg:$0x2];
	s2 =	simm.s32 $0x0;
	s4 =	srdreg.scid  }
0x4: {  	s11 =	stileid.u32;
	s16 =	simm.s32 $0x2850;
	s17 =	simm.s32 $0x7  }
0x5: {  	s28 =	simm.s32 $0x1;
	s29 =	simm.s32 $0x3;
	s30 =	simm.s32 $0x5  }
0x6: {  	s31 =	simm.s32 $0x2;
	[smem:$0x7FF] =	sst s2;
	s9 =	smul.u32 $0x5A000, s11  }
0x7: {  	s6 =	sand.u32 $0x1, s4;
	s4 =	sadd.s32 $0x1000, s0;
	s10 =	smul.u32 $0x16800, s11  }
0x8: {  	s5 =	sadd.s32 $0x2D000, s0;
	_ =	strace $0x80000047;
	s7 =	smul.u32 $0x2D000, s6  }
0x9: {  	s8 =	ssub.s32 $0x2, s6;
	s6 =	sshll.u32 s6, $0x4;
	s9 =	sshrl.u32 s9, $0x2  }
0xa: {  	s18 =	sshrl.u32 s8, $0x1;
	s19 =	sor.u32 s11, s6;
	s9 =	sadd.s32 s9, s1  }
0xb: {  	s6 =	sadd.s32 s10, s1;
	s26 =	sshrl.u32 s10, $0x3;
	s20 =	sadd.s32 $0x2D00, s9  }
0xc: {  	s0 =	sadd.s32 s7, s0;
	s21 =	sadd.s32 $0x5A00, s9;
	[dreg:$0x4] =	wrdreg s20  }
0xd: {  	s7 =	ssub.s32 s8, s18;
	s22 =	sadd.s32 $0x8700, s9;
	[dreg:$0x5] =	wrdreg s21  }
0xe: {  	s8 =	smul.u32 $0x4E2, s19;
	s23 =	sadd.s32 $0xB400, s9;
	[dreg:$0x6] =	wrdreg s22  }
0xf: {  	s18 =	simm.s32 $0x50;
	s24 =	sadd.s32 $0xE100, s9;
	[dreg:$0x7] =	wrdreg s23  }
0x10: {  	s19 =	simm.s32 $0x2710;
	s25 =	sadd.s32 $0x10E00, s9;
	[dreg:$0x8] =	wrdreg s24  }
0x11: {  	s9 =	sadd.s32 $0x13B00, s9;
	s0 =	sadd.s32 $0x32000, s0;
	[dreg:$0x9] =	wrdreg s25  }
0x12: {  	s15 =	smax.u32 s7, $0x1;
	[dreg:$0xa] =	wrdreg s9;
	s14 =	sadd.s32 s3, s8  }
0x13: {  	v0 =	vimm.f32 $0.0e+00;
	v1 =	vimm.s32 $0x0;
	v2 =	vimm.s32 $0x1;
	s20 =	simm.s32 $0x2760;
	s21 =	simm.s32 $0x8250;
	s22 =	simm.s32 $0x27B0  }
0x14: {  	v3 =	vimm.s32 $0x2;
	v4 =	vimm.s32 $0x3;
	v5 =	vimm.s32 $0x4;
	s23 =	simm.s32 $0x5550;
	s24 =	sadd.s32 s26, s0;
	s25 =	simm.s32 $0x2800  }
0x15: {  	v6 =	vimm.s32 $0x5;
	v7 =	vimm.s32 $0x6;
	v8 =	vimm.s32 $0x7;
	s26 =	simm.s32 $0x8750;
	s0 =	simm.s32 $0x4;
	s3 =	simm.s32 $0x6  }
.LBB2_1:
0x16: {  	s7 =	simm.s32 $0x0;
	s8 =	simm.s32 $0x240  }
.LBB2_2:
0x17: {  	p0 =	sne.s32 s8, $0xB1C0;
	[tilespmem:s7+$0x28D0] =	vst v0  }
0x18: {  	[tilespmem:s7+$0x2850] =	vst v0  }
0x19: {  	[tilespmem:s7+$0x2860] =	vst v0  }
0x1a: {  	[tilespmem:s7+$0x2870] =	vst v0  }
.Ltmp0:
0x1b: {  	[tilespmem:s7+$0x2880] =	vst v0;
	(pc) =	sbr.rel @p0 .LBB2_2-.Ltmp0, $4  }
0x1c: {  	[tilespmem:s7+$0x2890] =	vst v0  }
0x1d: {  	[tilespmem:s7+$0x28A0] =	vst v0  }
0x1e: {  	[tilespmem:s7+$0x28B0] =	vst v0  }
0x1f: {  	[tilespmem:s7+$0x28C0] =	vst v0;
	s7 =	sshra.s32 s8, $0x2;
	s8 =	sadd.s32 $0x240, s8  }
0x20: {  	[tilespmem:s7+$0x28D0] =	vst v0  }
0x21: {  	[tilespmem:s7+$0x2850] =	vst v0  }
0x22: {  	[tilespmem:s7+$0x2860] =	vst v0  }
0x23: {  	[tilespmem:s7+$0x2870] =	vst v0  }
0x24: {  	[tilespmem:s7+$0x2880] =	vst v0  }
0x25: {  	[tilespmem:s7+$0x2890] =	vst v0  }
0x26: {  	[tilespmem:s7+$0x28A0] =	vst v0  }
0x27: {  	[tilespmem:s7+$0x28B0] =	vst v0  }
0x28: {  	[tilespmem:s7+$0x28C0] =	vst v0  }
0x29: {  	[spmem:s6] =	stream.linear.scatter [tilespmem:s16], [sflag:$0x7], $0x2D00, $0x38;
	[tilespmem:$0x1F450] =	vst v63  }
0x2a: {  	_ =	swait.ge [sflag:s17], $0x2D00  }
0x2b: {  	[sflag:s17] =	ssyncset.done $0x0  }
0x2c: {  	s13 =	rddreg [dreg:$0x4];
	[sflag:s17] =	ssyncadd.s32 $0xFFFFD300  }
0x2d: {  	[spmem:s13] =	stream.linear.scatter [tilespmem:s16], [sflag:$0x7], $0x2D00, $0x38;
	[tilespmem:$0x1F450] =	vst v63  }
0x2e: {  	_ =	swait.ge [sflag:s17], $0x2D00  }
0x2f: {  	[sflag:s17] =	ssyncset.done $0x0  }
0x30: {  	s8 =	rddreg [dreg:$0x5];
	[sflag:s17] =	ssyncadd.s32 $0xFFFFD300  }
0x31: {  	[spmem:s8] =	stream.linear.scatter [tilespmem:s16], [sflag:$0x7], $0x2D00, $0x38;
	[tilespmem:$0x1F450] =	vst v63  }
0x32: {  	_ =	swait.ge [sflag:s17], $0x2D00  }
0x33: {  	[sflag:s17] =	ssyncset.done $0x0  }
0x34: {  	s9 =	rddreg [dreg:$0x6];
	[sflag:s17] =	ssyncadd.s32 $0xFFFFD300  }
0x35: {  	[spmem:s9] =	stream.linear.scatter [tilespmem:s16], [sflag:$0x7], $0x2D00, $0x38;
	[tilespmem:$0x1F450] =	vst v63  }
0x36: {  	_ =	swait.ge [sflag:s17], $0x2D00  }
0x37: {  	[sflag:s17] =	ssyncset.done $0x0  }
0x38: {  	s10 =	rddreg [dreg:$0x7];
	[sflag:s17] =	ssyncadd.s32 $0xFFFFD300  }
0x39: {  	[spmem:s10] =	stream.linear.scatter [tilespmem:s16], [sflag:$0x7], $0x2D00, $0x38;
	[tilespmem:$0x1F450] =	vst v63  }
0x3a: {  	_ =	swait.ge [sflag:s17], $0x2D00  }
0x3b: {  	[sflag:s17] =	ssyncset.done $0x0  }
0x3c: {  	s11 =	rddreg [dreg:$0x8];
	[sflag:s17] =	ssyncadd.s32 $0xFFFFD300  }
0x3d: {  	[spmem:s11] =	stream.linear.scatter [tilespmem:s16], [sflag:$0x7], $0x2D00, $0x38;
	[tilespmem:$0x1F450] =	vst v63  }
0x3e: {  	_ =	swait.ge [sflag:s17], $0x2D00  }
0x3f: {  	[sflag:s17] =	ssyncset.done $0x0  }
0x40: {  	s12 =	rddreg [dreg:$0x9];
	[sflag:s17] =	ssyncadd.s32 $0xFFFFD300  }
0x41: {  	[spmem:s12] =	stream.linear.scatter [tilespmem:s16], [sflag:$0x7], $0x2D00, $0x38;
	[tilespmem:$0x1F450] =	vst v63  }
0x42: {  	_ =	swait.ge [sflag:s17], $0x2D00  }
0x43: {  	[sflag:s17] =	ssyncset.done $0x0  }
0x44: {  	s13 =	rddreg [dreg:$0xa];
	[sflag:s17] =	ssyncadd.s32 $0xFFFFD300  }
0x45: {  	[spmem:s13] =	stream.linear.scatter [tilespmem:s16], [sflag:$0x7], $0x2D00, $0x38;
	[tilespmem:$0x1F450] =	vst v63  }
0x46: {  	_ =	swait.ge [sflag:s17], $0x2D00  }
0x47: {  	[sflag:s17] =	ssyncset.done $0x0  }
0x48: {  	s7 =	simm.s32 $0x0;
	[sflag:s17] =	ssyncadd.s32 $0xFFFFD300  }
0x49: {  	[tilespmem:s7], [sflag:$0x7] =	stream.linear.gather [hbm4b:s14+s7], $0x2710, $0x38;
	[tilespmem:$0x1F450] =	vst v63  }
0x4a: {  	_ =	swait.ge [sflag:s17], $0x2710  }
0x4b: {  	[sflag:s17] =	ssyncset.done $0x0  }
0x4c: {  	[sflag:s17] =	ssyncadd.s32 $0xFFFFD8F0  }
0x4d: {  	[bflag:$0x0] =	sbarrier.arrive $0xFFFF  }
0x4e: {  	v9 =	vld [tilespmem:$0x0];
	_ =	sdelay $0x1  }
0x4f: {  	v10 =	vld [tilespmem:$0x10];
	_ =	sdelay $0x1  }
0x50: {  	v11 =	vld [tilespmem:$0x20]  }
0x51: {  	v12 =	vand.u32 $0xFFFF, v9  }
0x52: {  	v63 =	vld [tilespmem:$0x30];
	v9 =	vshrl.u32 v9, $0x10;
	[tilespmem:$0x2710] =	vst v12  }
0x53: {  	[tilespmem:$0x2760] =	vst v9;
	v9 =	vand.u32 $0xFFFF, v10  }
0x54: {  	[tilespmem:$0x2720] =	vst v9;
	v9 =	vshrl.u32 v10, $0x10;
	v10 =	vld [tilespmem:$0x40]  }
0x55: {  	[tilespmem:$0x2770] =	vst v9;
	v9 =	vand.u32 $0xFFFF, v11  }
0x56: {  	[tilespmem:$0x2730] =	vst v9;
	v9 =	vshrl.u32 v11, $0x10  }
0x57: {  	[tilespmem:$0x2780] =	vst v9;
	v9 =	vand.u32 $0xFFFF, v63  }
0x58: {  	[tilespmem:$0x2740] =	vst v9;
	v9 =	vshrl.u32 v63, $0x10  }
0x59: {  	[tilespmem:$0x2790] =	vst v9;
	v9 =	vand.u32 $0xFFFF, v10  }
0x5a: {  	[tilespmem:$0x2750] =	vst v9;
	v9 =	vshrl.u32 v10, $0x10  }
0x5b: {  	[tilespmem:$0x27A0] =	vst v9  }
0x5c: {  	[tilespmem:s16], [sflag:$0x1] =	stream.indirect.gather [hbm4b:s4+s18], $0x90, s19, s18, $0xb8;
	[tilespmem:$0x1F450] =	vst v63  }
0x5d: {  	_ = 	snop  }
0x5e: {  	[tilespmem:s21], [sflag:$0x3] =	stream.indirect.gather [hbm4b:s5+s18], $0x10, s20, s18, $0xb8;
	[tilespmem:$0x1F450] =	vst v63  }
.LBB2_4:
0x5f: {  	p0 =	seq.s32 s7, $0x0  }
0x60: {  	s8 =	simm.s32 @!p0 $0x6  }
0x61: {  	s9 =	smul.u32 $0x280, s7;
	_ =	swait.ge @!p0 [sflag:s8], $0x2D00  }
0x62: {  	[sflag:s8] =	ssyncset.done @!p0 $0x0  }
0x63: {  	[sflag:s8] =	ssyncadd.s32 @!p0 $0xFFFFD300;
	s8 =	sshra.s32 s9, $0x2  }
0x64: {  	v9 =	vld [tilespmem:s8+$0x50];
	_ =	sdelay $0x4  }
0x65: {  	v10 =	vand.u32 $0xFFFF, v9  }
0x66: {  	v9 =	vshrl.u32 v9, $0x10;
	[tilespmem:$0x27B0] =	vst v10  }
0x67: {  	[tilespmem:$0x2800] =	vst v9  }
0x68: {  	v9 =	vld [tilespmem:s8+$0x60];
	_ =	sdelay $0x4  }
0x69: {  	v10 =	vand.u32 $0xFFFF, v9  }
0x6a: {  	v9 =	vshrl.u32 v9, $0x10;
	[tilespmem:$0x27C0] =	vst v10  }
0x6b: {  	[tilespmem:$0x2810] =	vst v9  }
0x6c: {  	v9 =	vld [tilespmem:s8+$0x70];
	_ =	sdelay $0x4  }
0x6d: {  	v10 =	vand.u32 $0xFFFF, v9  }
0x6e: {  	v9 =	vshrl.u32 v9, $0x10;
	[tilespmem:$0x27D0] =	vst v10  }
0x6f: {  	[tilespmem:$0x2820] =	vst v9  }
0x70: {  	v9 =	vld [tilespmem:s8+$0x80];
	_ =	sdelay $0x4  }
0x71: {  	v10 =	vand.u32 $0xFFFF, v9  }
0x72: {  	v9 =	vshrl.u32 v9, $0x10;
	[tilespmem:$0x27E0] =	vst v10  }
0x73: {  	[tilespmem:$0x2830] =	vst v9  }
0x74: {  	v9 =	vld [tilespmem:s8+$0x90];
	_ =	sdelay $0x4  }
0x75: {  	v10 =	vand.u32 $0xFFFF, v9  }
0x76: {  	v9 =	vshrl.u32 v9, $0x10;
	[tilespmem:$0x27F0] =	vst v10  }
0x77: {  	[tilespmem:$0x2840] =	vst v9  }
0x78: {  	[tilespmem:s23], [sflag:$0x2] =	stream.indirect.gather [hbm4b:s4+s18], $0x90, s22, s18, $0xb8;
	[tilespmem:$0x1F450] =	vst v63  }
0x79: {  	_ = 	snop  }
0x7a: {  	[tilespmem:s26], [sflag:$0x4] =	stream.indirect.gather [hbm4b:s5+s18], $0x10, s25, s18, $0xb8;
	[tilespmem:$0x1F450] =	vst v63  }
0x7b: {  	_ =	swait.ge [sflag:s28], $0x2D00  }
0x7c: {  	[sflag:s28] =	ssyncset.done $0x0  }
0x7d: {  	[sflag:s28] =	ssyncadd.s32 $0xFFFFD300  }
0x7e: {  	_ =	swait.ge [sflag:s29], $0x500  }
0x7f: {  	[sflag:s29] =	ssyncset.done $0x0  }
0x80: {  	s9 =	simm.s32 $0x2970;
	[sflag:s29] =	ssyncadd.s32 $0xFFFFFB00  }
0x81: {  	s10 =	simm.s32 $0x8270;
	v9 =	vld [tilespmem:s9+$0xFFFFFF60]  }
0x82: {  	v10 =	vld [tilespmem:s10+$0xFFFFFFE0];
	_ =	sdelay $0x4  }
0x83: {  	v9 =	vadd.f32 v10, v9;
	_ =	sdelay $0x1  }
0x84: {  	v10 =	vmul.f32 $2.000000030e-01, v9  }
0x85: {  	vm0 =	vgt.f32 v9, $0.0e+00  }
0x86: {  	v9 =	vsel vm0, v9, v10  }
0x87: {  	v9 =	vmul.f32 $1.442695020e+00, v9;
	_ =	sdelay $0x1  }
0x88: {  	(erf) = vpow2.f32 v9;
	_ =	sdelay $0x6  }
0x89: {  	v10 =	vld [tilespmem:s9+$0xFFFFFF50]  }
0x8a: {  	v11 =	vld [tilespmem:s9+$0xFFFFFEF0]  }
0x8b: {  	v12 =	vld [tilespmem:s9+$0xFFFFFEE0];
	v13 =	vpop (erf)  }
0x8c: {  	v14 =	vld [tilespmem:s9+$0xFFFFFF10];
	v15 =	vperm.xlane v13, v8  }
0x8d: {  	v17 =	vld [tilespmem:s9+$0xFFFFFF00];
	v16 =	vperm.xlane v13, v2  }
0x8e: {  	v9 =	vld [tilespmem:s9+$0xFFFFFF40];
	v19 =	vperm.xlane v13, v1;
	v10 =	vmul.f32 v10, v15  }
0x8f: {  	v18 =	vld [tilespmem:s9+$0xFFFFFF20];
	[tilespmem:s9+$0xFFFFFF60] =	vst v13;
	v11 =	vmul.f32 v11, v16;
	v16 =	vperm.xlane v13, v4  }
0x90: {  	v15 =	vld [tilespmem:s9+$0xFFFFFF30];
	v12 =	vmul.f32 v12, v19;
	v19 =	vperm.xlane v13, v3;
	[tilespmem:s9+$0xFFFFFF50] =	vst v10  }
0x91: {  	v10 =	vperm.xlane v13, v7;
	[tilespmem:s9+$0xFFFFFEF0] =	vst v11;
	v11 =	vmul.f32 v14, v16  }
0x92: {  	v14 =	vperm.xlane v13, v5;
	[tilespmem:s9+$0xFFFFFEE0] =	vst v12;
	v12 =	vmul.f32 v17, v19  }
0x93: {  	v13 =	vperm.xlane v13, v6;
	[tilespmem:s9+$0xFFFFFF10] =	vst v11;
	v9 =	vmul.f32 v9, v10  }
0x94: {  	v10 =	vmul.f32 v18, v14;
	[tilespmem:s9+$0xFFFFFF00] =	vst v12  }
0x95: {  	v11 =	vmul.f32 v15, v13;
	[tilespmem:s9+$0xFFFFFF40] =	vst v9  }
0x96: {  	[tilespmem:s9+$0xFFFFFF20] =	vst v10  }
0x97: {  	v9 =	vld [tilespmem:s9+$0xFFFFFFF0];
	[tilespmem:s9+$0xFFFFFF30] =	vst v11  }
0x98: {  	v10 =	vld [tilespmem:s10+$0xFFFFFFF0];
	_ =	sdelay $0x4  }
0x99: {  	v9 =	vadd.f32 v10, v9;
	_ =	sdelay $0x1  }
0x9a: {  	v10 =	vmul.f32 $2.000000030e-01, v9  }
0x9b: {  	vm14 =	vgt.f32 v9, $0.0e+00  }
0x9c: {  	v9 =	vsel vm14, v9, v10  }
0x9d: {  	v9 =	vmul.f32 $1.442695020e+00, v9;
	_ =	sdelay $0x1  }
0x9e: {  	(erf) = vpow2.f32 v9;
	_ =	sdelay $0x5  }
0x9f: {  	v14 =	vld [tilespmem:s9+$0xFFFFFFC0]  }
0xa0: {  	v10 =	vld [tilespmem:s9+$0xFFFFFF90]  }
0xa1: {  	v11 =	vld [tilespmem:s9+$0xFFFFFFB0]  }
0xa2: {  	v13 =	vld [tilespmem:s9+$0xFFFFFF70];
	v12 =	vpop (erf)  }
0xa3: {  	v15 =	vperm.xlane v12, v3  }
0xa4: {  	v16 =	vld [tilespmem:s9+$0xFFFFFF80];
	v17 =	vperm.xlane v12, v5;
	v18 =	vperm.xlane v12, v1  }
0xa5: {  	v19 =	vld [tilespmem:s9+$0xFFFFFFD0];
	v20 =	vperm.xlane v12, v6;
	v10 =	vmul.f32 v10, v15  }
0xa6: {  	v9 =	vld [tilespmem:s9+$0xFFFFFFE0];
	[tilespmem:s9+$0xFFFFFFF0] =	vst v12;
	v11 =	vmul.f32 v11, v17;
	v17 =	vperm.xlane v12, v2  }
0xa7: {  	v15 =	vld [tilespmem:s9+$0xFFFFFFA0];
	v13 =	vmul.f32 v13, v18;
	v14 =	vmul.f32 v14, v20;
	[tilespmem:s9+$0xFFFFFF90] =	vst v10  }
0xa8: {  	v10 =	vperm.xlane v12, v7;
	[tilespmem:s9+$0xFFFFFFB0] =	vst v11;
	v11 =	vperm.xlane v12, v4  }
0xa9: {  	[tilespmem:s9+$0xFFFFFF70] =	vst v13;
	v13 =	vmul.f32 v16, v17;
	v12 =	vperm.xlane v12, v8  }
0xaa: {  	[tilespmem:s9+$0xFFFFFFC0] =	vst v14;
	v10 =	vmul.f32 v19, v10  }
0xab: {  	[tilespmem:s9+$0xFFFFFF80] =	vst v13;
	v9 =	vmul.f32 v9, v12  }
0xac: {  	v11 =	vmul.f32 v15, v11;
	[tilespmem:s9+$0xFFFFFFD0] =	vst v10  }
0xad: {  	[tilespmem:s9+$0xFFFFFFE0] =	vst v9  }
0xae: {  	v9 =	vld [tilespmem:s9+$0x80];
	[tilespmem:s9+$0xFFFFFFA0] =	vst v11  }
0xaf: {  	v10 =	vld [tilespmem:s10+$0x0];
	_ =	sdelay $0x4  }
0xb0: {  	v9 =	vadd.f32 v10, v9;
	_ =	sdelay $0x1  }
0xb1: {  	v10 =	vmul.f32 $2.000000030e-01, v9  }
0xb2: {  	vm15 =	vgt.f32 v9, $0.0e+00  }
0xb3: {  	v9 =	vsel vm15, v9, v10  }
0xb4: {  	v9 =	vmul.f32 $1.442695020e+00, v9;
	_ =	sdelay $0x1  }
0xb5: {  	(erf) = vpow2.f32 v9;
	_ =	sdelay $0x5  }
0xb6: {  	v13 =	vld [tilespmem:s9+$0x50]  }
0xb7: {  	v11 =	vld [tilespmem:s9+$0x0]  }
0xb8: {  	v10 =	vld [tilespmem:s9+$0x20]  }
0xb9: {  	v15 =	vld [tilespmem:s9+$0x40];
	v9 =	vpop (erf)  }
0xba: {  	v18 =	vld [tilespmem:s9+$0x70];
	v14 =	vperm.xlane v9, v1;
	v16 =	vperm.xlane v9, v8  }
0xbb: {  	v12 =	vld [tilespmem:s9+$0x30];
	v17 =	vperm.xlane v9, v3;
	v19 =	vperm.xlane v9, v6  }
0xbc: {  	v21 =	vperm.xlane v9, v5;
	v63 =	vmul.f32 v11, v14;
	v11 =	vld [tilespmem:s9+$0x10]  }
0xbd: {  	[tilespmem:s9+$0x80] =	vst v9;
	v22 =	vmul.f32 v10, v17;
	v17 =	vmul.f32 v13, v19;
	v13 =	vld [tilespmem:s9+$0x60]  }
0xbe: {  	v14 =	vperm.xlane v9, v4;
	v10 =	vmul.f32 v15, v21;
	[tilespmem:s9+$0x0] =	vst v63  }
0xbf: {  	s12 =	simm.s32 $0x0;
	s13 =	simm.s32 $0x2970;
	s11 =	simm.s32 $0x8270;
	v15 =	vperm.xlane v9, v2;
	v16 =	vmul.f32 v18, v16;
	[tilespmem:s9+$0x20] =	vst v22  }
.LBB2_5:
0xc0: {  	s12 =	sadd.s32 $0x4, s12;
	v12 =	vmul.f32 v12, v14;
	[tilespmem:s9+$0x50] =	vst v17;
	v9 =	vperm.xlane v9, v7;
	s13 =	sadd.s32 $0x240, s13;
	s10 =	sadd.s32 $0x40, s10  }
0xc1: {  	p0 =	slt.u32 s12, $0x4C;
	v11 =	vmul.f32 v11, v15;
	[tilespmem:s9+$0x70] =	vst v16  }
0xc2: {  	[tilespmem:s9+$0x30] =	vst v12;
	v9 =	vmul.f32 v13, v9  }
0xc3: {  	[tilespmem:s9+$0x10] =	vst v11  }
0xc4: {  	[tilespmem:s9+$0x60] =	vst v9  }
0xc5: {  	[tilespmem:s9+$0x40] =	vst v10;
	v9 =	vld [tilespmem:s9+$0x110]  }
0xc6: {  	v10 =	vld [tilespmem:s11+$0x10];
	s11 =	smov.u32 s10;
	_ =	sdelay $0x4  }
0xc7: {  	v9 =	vadd.f32 v10, v9;
	_ =	sdelay $0x1  }
0xc8: {  	v10 =	vmul.f32 $2.000000030e-01, v9  }
0xc9: {  	vm0 =	vgt.f32 v9, $0.0e+00  }
0xca: {  	v9 =	vsel vm0, v9, v10  }
0xcb: {  	v9 =	vmul.f32 $1.442695020e+00, v9;
	_ =	sdelay $0x1  }
0xcc: {  	(erf) = vpow2.f32 v9;
	_ =	sdelay $0x4  }
0xcd: {  	v9 =	vld [tilespmem:s9+$0x100]  }
0xce: {  	v10 =	vld [tilespmem:s9+$0xF0]  }
0xcf: {  	v11 =	vld [tilespmem:s9+$0xB0]  }
0xd0: {  	v12 =	vld [tilespmem:s9+$0xC0]  }
0xd1: {  	v13 =	vld [tilespmem:s9+$0xD0];
	v14 =	vpop (erf)  }
0xd2: {  	[tilespmem:s9+$0x110] =	vst v14;
	v15 =	vperm.xlane v14, v1;
	v16 =	vperm.xlane v14, v2;
	v17 =	vld [tilespmem:s9+$0xE0]  }
0xd3: {  	v19 =	vperm.xlane v14, v3;
	v20 =	vperm.xlane v14, v4;
	v18 =	vld [tilespmem:s9+$0x90]  }
0xd4: {  	v22 =	vperm.xlane v14, v5;
	v23 =	vperm.xlane v14, v6;
	v21 =	vld [tilespmem:s9+$0xA0]  }
0xd5: {  	v11 =	vmul.f32 v11, v19;
	v12 =	vmul.f32 v12, v20  }
0xd6: {  	v19 =	vperm.xlane v14, v7;
	v13 =	vmul.f32 v13, v22  }
0xd7: {  	v14 =	vperm.xlane v14, v8;
	[tilespmem:s9+$0xB0] =	vst v11;
	v11 =	vmul.f32 v17, v23  }
0xd8: {  	v10 =	vmul.f32 v10, v19;
	v15 =	vmul.f32 v18, v15;
	[tilespmem:s9+$0xC0] =	vst v12  }
0xd9: {  	v9 =	vmul.f32 v9, v14;
	v12 =	vmul.f32 v21, v16;
	[tilespmem:s9+$0xD0] =	vst v13  }
0xda: {  	[tilespmem:s9+$0xE0] =	vst v11  }
0xdb: {  	[tilespmem:s9+$0xF0] =	vst v10  }
0xdc: {  	[tilespmem:s9+$0x100] =	vst v9  }
0xdd: {  	[tilespmem:s9+$0x90] =	vst v15  }
0xde: {  	[tilespmem:s9+$0xA0] =	vst v12;
	s9 =	smov.u32 s13  }
0xdf: {  	v9 =	vld [tilespmem:s13+$0xFFFFFF60]  }
0xe0: {  	v10 =	vld [tilespmem:s10+$0xFFFFFFE0];
	_ =	sdelay $0x4  }
0xe1: {  	v9 =	vadd.f32 v10, v9;
	_ =	sdelay $0x1  }
0xe2: {  	vm0 =	vgt.f32 v9, $0.0e+00;
	v10 =	vmul.f32 $2.000000030e-01, v9;
	_ =	sdelay $0x1  }
0xe3: {  	v9 =	vsel vm0, v9, v10  }
0xe4: {  	v9 =	vmul.f32 $1.442695020e+00, v9;
	_ =	sdelay $0x1  }
0xe5: {  	(erf) = vpow2.f32 v9;
	_ =	sdelay $0x4  }
0xe6: {  	v9 =	vld [tilespmem:s13+$0xFFFFFF40]  }
0xe7: {  	v10 =	vld [tilespmem:s13+$0xFFFFFF20]  }
0xe8: {  	v11 =	vld [tilespmem:s13+$0xFFFFFF50]  }
0xe9: {  	v12 =	vld [tilespmem:s13+$0xFFFFFEF0]  }
0xea: {  	v13 =	vld [tilespmem:s13+$0xFFFFFEE0];
	v14 =	vpop (erf)  }
0xeb: {  	[tilespmem:s13+$0xFFFFFF60] =	vst v14;
	v15 =	vld [tilespmem:s13+$0xFFFFFF10];
	v16 =	vperm.xlane v14, v7;
	v17 =	vperm.xlane v14, v8  }
0xec: {  	v18 =	vperm.xlane v14, v2;
	v20 =	vperm.xlane v14, v5;
	v19 =	vld [tilespmem:s13+$0xFFFFFF00]  }
0xed: {  	v21 =	vperm.xlane v14, v1;
	v22 =	vld [tilespmem:s13+$0xFFFFFF30];
	v11 =	vmul.f32 v11, v17  }
0xee: {  	v17 =	vperm.xlane v14, v4;
	v12 =	vmul.f32 v12, v18  }
0xef: {  	v18 =	vperm.xlane v14, v3;
	v13 =	vmul.f32 v13, v21;
	[tilespmem:s13+$0xFFFFFF50] =	vst v11  }
0xf0: {  	[tilespmem:s13+$0xFFFFFEF0] =	vst v12;
	v11 =	vmul.f32 v15, v17;
	v12 =	vperm.xlane v14, v6  }
0xf1: {  	v10 =	vmul.f32 v10, v20;
	[tilespmem:s13+$0xFFFFFEE0] =	vst v13;
	v13 =	vmul.f32 v19, v18  }
0xf2: {  	v9 =	vmul.f32 v9, v16;
	[tilespmem:s13+$0xFFFFFF10] =	vst v11;
	v11 =	vmul.f32 v22, v12  }
0xf3: {  	[tilespmem:s13+$0xFFFFFF00] =	vst v13  }
0xf4: {  	[tilespmem:s13+$0xFFFFFF40] =	vst v9  }
0xf5: {  	[tilespmem:s13+$0xFFFFFF20] =	vst v10  }
0xf6: {  	[tilespmem:s13+$0xFFFFFF30] =	vst v11;
	v9 =	vld [tilespmem:s13+$0xFFFFFFF0]  }
0xf7: {  	v10 =	vld [tilespmem:s10+$0xFFFFFFF0];
	_ =	sdelay $0x4  }
0xf8: {  	v9 =	vadd.f32 v10, v9;
	_ =	sdelay $0x1  }
0xf9: {  	v10 =	vmul.f32 $2.000000030e-01, v9  }
0xfa: {  	vm0 =	vgt.f32 v9, $0.0e+00  }
0xfb: {  	v9 =	vsel vm0, v9, v10  }
0xfc: {  	v9 =	vmul.f32 $1.442695020e+00, v9;
	_ =	sdelay $0x1  }
0xfd: {  	(erf) = vpow2.f32 v9;
	_ =	sdelay $0x4  }
0xfe: {  	v9 =	vld [tilespmem:s13+$0xFFFFFFA0]  }
0xff: {  	v10 =	vld [tilespmem:s13+$0xFFFFFFE0]  }
0x100: {  	v11 =	vld [tilespmem:s13+$0xFFFFFFC0]  }
0x101: {  	v12 =	vld [tilespmem:s13+$0xFFFFFF90]  }
0x102: {  	v13 =	vld [tilespmem:s13+$0xFFFFFFB0];
	v14 =	vpop (erf)  }
0x103: {  	[tilespmem:s13+$0xFFFFFFF0] =	vst v14;
	v15 =	vperm.xlane v14, v1;
	v16 =	vld [tilespmem:s13+$0xFFFFFF70];
	v17 =	vperm.xlane v14, v2  }
0x104: {  	v18 =	vperm.xlane v14, v3;
	v20 =	vperm.xlane v14, v8;
	v19 =	vld [tilespmem:s13+$0xFFFFFFD0]  }
0x105: {  	v22 =	vperm.xlane v14, v4;
	v23 =	vperm.xlane v14, v5;
	v21 =	vld [tilespmem:s13+$0xFFFFFF80]  }
0x106: {  	v12 =	vmul.f32 v12, v18;
	v18 =	vperm.xlane v14, v6  }
0x107: {  	v14 =	vperm.xlane v14, v7;
	v13 =	vmul.f32 v13, v23  }
0x108: {  	v15 =	vmul.f32 v16, v15;
	[tilespmem:s13+$0xFFFFFF90] =	vst v12;
	v11 =	vmul.f32 v11, v18  }
0x109: {  	v10 =	vmul.f32 v10, v20;
	[tilespmem:s13+$0xFFFFFFB0] =	vst v13;
	v12 =	vmul.f32 v19, v14  }
0x10a: {  	v9 =	vmul.f32 v9, v22;
	[tilespmem:s13+$0xFFFFFF70] =	vst v15;
	v13 =	vmul.f32 v21, v17  }
0x10b: {  	[tilespmem:s13+$0xFFFFFFC0] =	vst v11  }
0x10c: {  	[tilespmem:s13+$0xFFFFFF80] =	vst v13  }
0x10d: {  	[tilespmem:s13+$0xFFFFFFD0] =	vst v12  }
0x10e: {  	[tilespmem:s13+$0xFFFFFFA0] =	vst v9  }
0x10f: {  	[tilespmem:s13+$0xFFFFFFE0] =	vst v10;
	v9 =	vld [tilespmem:s13+$0x80]  }
0x110: {  	v10 =	vld [tilespmem:s10+$0x0];
	_ =	sdelay $0x4  }
0x111: {  	v9 =	vadd.f32 v10, v9;
	_ =	sdelay $0x1  }
0x112: {  	v10 =	vmul.f32 $2.000000030e-01, v9  }
0x113: {  	vm0 =	vgt.f32 v9, $0.0e+00  }
0x114: {  	v9 =	vsel vm0, v9, v10  }
0x115: {  	v9 =	vmul.f32 $1.442695020e+00, v9;
	_ =	sdelay $0x1  }
0x116: {  	(erf) = vpow2.f32 v9;
	_ =	sdelay $0x5  }
0x117: {  	v10 =	vld [tilespmem:s13+$0x20]  }
0x118: {  	v11 =	vld [tilespmem:s13+$0x0]  }
0x119: {  	v15 =	vld [tilespmem:s13+$0x50]  }
0x11a: {  	v16 =	vld [tilespmem:s13+$0x40];
	v9 =	vpop (erf)  }
0x11b: {  	[tilespmem:s13+$0x80] =	vst v9;
	v13 =	vperm.xlane v9, v1;
	v18 =	vperm.xlane v9, v8;
	v19 =	vld [tilespmem:s13+$0x70]  }
.Ltmp1:
0x11c: {  	v14 =	vperm.xlane v9, v3;
	v17 =	vperm.xlane v9, v6;
	v12 =	vld [tilespmem:s13+$0x30];
	(pc) =	sbr.rel @p0 .LBB2_5-.Ltmp1, $4  }
0x11d: {  	v21 =	vperm.xlane v9, v5;
	v20 =	vmul.f32 v11, v13;
	v11 =	vld [tilespmem:s13+$0x10]  }
0x11e: {  	v22 =	vmul.f32 v10, v14;
	v14 =	vperm.xlane v9, v4;
	v13 =	vld [tilespmem:s13+$0x60]  }
0x11f: {  	v17 =	vmul.f32 v15, v17;
	[tilespmem:s13+$0x0] =	vst v20;
	v10 =	vmul.f32 v16, v21  }
0x120: {  	v15 =	vperm.xlane v9, v2;
	[tilespmem:s13+$0x20] =	vst v22;
	v16 =	vmul.f32 v19, v18  }
0x121: {  	[tilespmem:s9+$0x50] =	vst v17  }
0x122: {  	v12 =	vmul.f32 v12, v14;
	v9 =	vperm.xlane v9, v7;
	[tilespmem:s9+$0x40] =	vst v10  }
0x123: {  	v11 =	vmul.f32 v11, v15;
	[tilespmem:s9+$0x70] =	vst v16  }
0x124: {  	[tilespmem:s9+$0x30] =	vst v12;
	v9 =	vmul.f32 v13, v9  }
0x125: {  	[tilespmem:s9+$0x10] =	vst v11  }
0x126: {  	[tilespmem:s9+$0x60] =	vst v9;
	v9 =	vld [tilespmem:s9+$0x110]  }
0x127: {  	v10 =	vld [tilespmem:s11+$0x10];
	_ =	sdelay $0x4  }
0x128: {  	v9 =	vadd.f32 v10, v9;
	_ =	sdelay $0x1  }
0x129: {  	v10 =	vmul.f32 $2.000000030e-01, v9  }
0x12a: {  	vm0 =	vgt.f32 v9, $0.0e+00  }
0x12b: {  	v9 =	vsel vm0, v9, v10  }
0x12c: {  	v9 =	vmul.f32 $1.442695020e+00, v9;
	_ =	sdelay $0x1  }
0x12d: {  	(erf) = vpow2.f32 v9;
	_ =	sdelay $0x6  }
0x12e: {  	v11 =	vld [tilespmem:s9+$0xB0]  }
0x12f: {  	v12 =	vld [tilespmem:s9+$0xC0]  }
0x130: {  	v14 =	vld [tilespmem:s9+$0xD0];
	v13 =	vpop (erf)  }
0x131: {  	v15 =	vld [tilespmem:s9+$0xE0];
	v16 =	vperm.xlane v13, v3  }
0x132: {  	v10 =	vld [tilespmem:s9+$0xF0];
	v17 =	vperm.xlane v13, v4  }
0x133: {  	v9 =	vld [tilespmem:s9+$0x100];
	v19 =	vperm.xlane v13, v5;
	v11 =	vmul.f32 v11, v16  }
0x134: {  	v18 =	vld [tilespmem:s9+$0x90];
	[tilespmem:s9+$0x110] =	vst v13;
	v20 =	vperm.xlane v13, v6;
	v12 =	vmul.f32 v12, v17  }
0x135: {  	v16 =	vld [tilespmem:s9+$0xA0];
	v14 =	vmul.f32 v14, v19;
	v17 =	vperm.xlane v13, v7;
	[tilespmem:s9+$0xB0] =	vst v11  }
0x136: {  	v11 =	vmul.f32 v15, v20;
	v15 =	vperm.xlane v13, v8;
	[tilespmem:s9+$0xC0] =	vst v12  }
0x137: {  	v12 =	vperm.xlane v13, v1;
	v10 =	vmul.f32 v10, v17;
	[tilespmem:s9+$0xD0] =	vst v14  }
0x138: {  	v13 =	vperm.xlane v13, v2;
	v9 =	vmul.f32 v9, v15;
	[tilespmem:s9+$0xE0] =	vst v11  }
0x139: {  	v11 =	vmul.f32 v18, v12;
	[tilespmem:s9+$0xF0] =	vst v10  }
0x13a: {  	v10 =	vmul.f32 v16, v13;
	[tilespmem:s9+$0x100] =	vst v9  }
0x13b: {  	[tilespmem:s9+$0x90] =	vst v11  }
0x13c: {  	[tilespmem:s9+$0xA0] =	vst v10  }
0x13d: {  	[spmem:s1] =	stream.indirect.scatter.add.f32 [tilespmem:s16], [sflag:$0x5], $0x90, s20, s18, $0xb8;
	[tilespmem:$0x1F450] =	vst v63  }
0x13e: {  	_ =	swait.ge [sflag:s30], $0x2D00  }
0x13f: {  	[sflag:s30] =	ssyncset.done $0x0  }
0x140: {  	[sflag:s30] =	ssyncadd.s32 $0xFFFFD300  }
0x141: {  	v9 =	vld [tilespmem:s8+$0xA0];
	_ =	sdelay $0x4  }
0x142: {  	v10 =	vand.u32 $0xFFFF, v9  }
0x143: {  	v9 =	vshrl.u32 v9, $0x10;
	[tilespmem:$0x2710] =	vst v10  }
0x144: {  	[tilespmem:$0x2760] =	vst v9  }
0x145: {  	v9 =	vld [tilespmem:s8+$0xB0];
	_ =	sdelay $0x4  }
0x146: {  	v10 =	vand.u32 $0xFFFF, v9  }
0x147: {  	v9 =	vshrl.u32 v9, $0x10;
	[tilespmem:$0x2720] =	vst v10  }
0x148: {  	[tilespmem:$0x2770] =	vst v9  }
0x149: {  	v9 =	vld [tilespmem:s8+$0xC0];
	_ =	sdelay $0x4  }
0x14a: {  	v10 =	vand.u32 $0xFFFF, v9  }
0x14b: {  	v9 =	vshrl.u32 v9, $0x10;
	[tilespmem:$0x2730] =	vst v10  }
0x14c: {  	[tilespmem:$0x2780] =	vst v9  }
0x14d: {  	v9 =	vld [tilespmem:s8+$0xD0];
	_ =	sdelay $0x4  }
0x14e: {  	v10 =	vand.u32 $0xFFFF, v9  }
0x14f: {  	v9 =	vshrl.u32 v9, $0x10;
	[tilespmem:$0x2740] =	vst v10  }
0x150: {  	[tilespmem:$0x2790] =	vst v9  }
0x151: {  	v9 =	vld [tilespmem:s8+$0xE0];
	_ =	sdelay $0x4  }
0x152: {  	v10 =	vand.u32 $0xFFFF, v9  }
0x153: {  	v9 =	vshrl.u32 v9, $0x10;
	[tilespmem:$0x2750] =	vst v10  }
0x154: {  	[tilespmem:$0x27A0] =	vst v9  }
0x155: {  	[tilespmem:s16], [sflag:$0x1] =	stream.indirect.gather [hbm4b:s4+s18], $0x90, s19, s18, $0xb8;
	[tilespmem:$0x1F450] =	vst v63  }
0x156: {  	_ = 	snop  }
0x157: {  	[tilespmem:s21], [sflag:$0x3] =	stream.indirect.gather [hbm4b:s5+s18], $0x10, s20, s18, $0xb8;
	[tilespmem:$0x1F450] =	vst v63  }
0x158: {  	_ =	swait.ge [sflag:s31], $0x2D00  }
0x159: {  	[sflag:s31] =	ssyncset.done $0x0  }
0x15a: {  	[sflag:s31] =	ssyncadd.s32 $0xFFFFD300  }
0x15b: {  	_ =	swait.ge [sflag:s0], $0x500  }
0x15c: {  	[sflag:s0] =	ssyncset.done $0x0  }
0x15d: {  	s8 =	simm.s32 $0x5670;
	[sflag:s0] =	ssyncadd.s32 $0xFFFFFB00  }
0x15e: {  	s9 =	simm.s32 $0x8770;
	v9 =	vld [tilespmem:s8+$0xFFFFFF60]  }
0x15f: {  	v10 =	vld [tilespmem:s9+$0xFFFFFFE0];
	_ =	sdelay $0x4  }
0x160: {  	v9 =	vadd.f32 v10, v9;
	_ =	sdelay $0x1  }
0x161: {  	v10 =	vmul.f32 $2.000000030e-01, v9  }
0x162: {  	vm13 =	vgt.f32 v9, $0.0e+00  }
0x163: {  	v9 =	vsel vm13, v9, v10  }
0x164: {  	v9 =	vmul.f32 $1.442695020e+00, v9;
	_ =	sdelay $0x1  }
0x165: {  	(erf) = vpow2.f32 v9;
	_ =	sdelay $0x6  }
0x166: {  	v10 =	vld [tilespmem:s8+$0xFFFFFF50]  }
0x167: {  	v11 =	vld [tilespmem:s8+$0xFFFFFEF0]  }
0x168: {  	v12 =	vld [tilespmem:s8+$0xFFFFFEE0];
	v13 =	vpop (erf)  }
0x169: {  	v14 =	vld [tilespmem:s8+$0xFFFFFF10];
	v15 =	vperm.xlane v13, v8  }
0x16a: {  	v17 =	vld [tilespmem:s8+$0xFFFFFF00];
	v16 =	vperm.xlane v13, v2  }
0x16b: {  	v9 =	vld [tilespmem:s8+$0xFFFFFF40];
	v19 =	vperm.xlane v13, v1;
	v10 =	vmul.f32 v10, v15  }
0x16c: {  	v18 =	vld [tilespmem:s8+$0xFFFFFF20];
	[tilespmem:s8+$0xFFFFFF60] =	vst v13;
	v11 =	vmul.f32 v11, v16;
	v16 =	vperm.xlane v13, v4  }
0x16d: {  	v15 =	vld [tilespmem:s8+$0xFFFFFF30];
	v12 =	vmul.f32 v12, v19;
	v19 =	vperm.xlane v13, v3;
	[tilespmem:s8+$0xFFFFFF50] =	vst v10  }
0x16e: {  	v10 =	vperm.xlane v13, v7;
	[tilespmem:s8+$0xFFFFFEF0] =	vst v11;
	v11 =	vmul.f32 v14, v16  }
0x16f: {  	v14 =	vperm.xlane v13, v5;
	[tilespmem:s8+$0xFFFFFEE0] =	vst v12;
	v12 =	vmul.f32 v17, v19  }
0x170: {  	v13 =	vperm.xlane v13, v6;
	[tilespmem:s8+$0xFFFFFF10] =	vst v11;
	v9 =	vmul.f32 v9, v10  }
0x171: {  	v10 =	vmul.f32 v18, v14;
	[tilespmem:s8+$0xFFFFFF00] =	vst v12  }
0x172: {  	v11 =	vmul.f32 v15, v13;
	[tilespmem:s8+$0xFFFFFF40] =	vst v9  }
0x173: {  	[tilespmem:s8+$0xFFFFFF20] =	vst v10  }
0x174: {  	v9 =	vld [tilespmem:s8+$0xFFFFFFF0];
	[tilespmem:s8+$0xFFFFFF30] =	vst v11  }
0x175: {  	v10 =	vld [tilespmem:s9+$0xFFFFFFF0];
	_ =	sdelay $0x4  }
0x176: {  	v9 =	vadd.f32 v10, v9;
	_ =	sdelay $0x1  }
0x177: {  	v10 =	vmul.f32 $2.000000030e-01, v9  }
0x178: {  	vm14 =	vgt.f32 v9, $0.0e+00  }
0x179: {  	v9 =	vsel vm14, v9, v10  }
0x17a: {  	v9 =	vmul.f32 $1.442695020e+00, v9;
	_ =	sdelay $0x1  }
0x17b: {  	(erf) = vpow2.f32 v9;
	_ =	sdelay $0x5  }
0x17c: {  	v14 =	vld [tilespmem:s8+$0xFFFFFFC0]  }
0x17d: {  	v10 =	vld [tilespmem:s8+$0xFFFFFF90]  }
0x17e: {  	v11 =	vld [tilespmem:s8+$0xFFFFFFB0]  }
0x17f: {  	v13 =	vld [tilespmem:s8+$0xFFFFFF70];
	v12 =	vpop (erf)  }
0x180: {  	v15 =	vperm.xlane v12, v3  }
0x181: {  	v16 =	vld [tilespmem:s8+$0xFFFFFF80];
	v17 =	vperm.xlane v12, v5;
	v18 =	vperm.xlane v12, v1  }
0x182: {  	v19 =	vld [tilespmem:s8+$0xFFFFFFD0];
	v62 =	vperm.xlane v12, v6;
	v10 =	vmul.f32 v10, v15  }
0x183: {  	v9 =	vld [tilespmem:s8+$0xFFFFFFE0];
	[tilespmem:s8+$0xFFFFFFF0] =	vst v12;
	v11 =	vmul.f32 v11, v17;
	v17 =	vperm.xlane v12, v2  }
0x184: {  	v15 =	vld [tilespmem:s8+$0xFFFFFFA0];
	v13 =	vmul.f32 v13, v18;
	v14 =	vmul.f32 v14, v62;
	[tilespmem:s8+$0xFFFFFF90] =	vst v10  }
0x185: {  	v10 =	vperm.xlane v12, v7;
	[tilespmem:s8+$0xFFFFFFB0] =	vst v11;
	v11 =	vperm.xlane v12, v4  }
0x186: {  	[tilespmem:s8+$0xFFFFFF70] =	vst v13;
	v13 =	vmul.f32 v16, v17;
	v12 =	vperm.xlane v12, v8  }
0x187: {  	[tilespmem:s8+$0xFFFFFFC0] =	vst v14;
	v10 =	vmul.f32 v19, v10  }
0x188: {  	[tilespmem:s8+$0xFFFFFF80] =	vst v13;
	v9 =	vmul.f32 v9, v12  }
0x189: {  	v11 =	vmul.f32 v15, v11;
	[tilespmem:s8+$0xFFFFFFD0] =	vst v10  }
0x18a: {  	[tilespmem:s8+$0xFFFFFFE0] =	vst v9  }
0x18b: {  	v9 =	vld [tilespmem:s8+$0x80];
	[tilespmem:s8+$0xFFFFFFA0] =	vst v11  }
0x18c: {  	v10 =	vld [tilespmem:s9+$0x0];
	_ =	sdelay $0x4  }
0x18d: {  	v9 =	vadd.f32 v10, v9;
	_ =	sdelay $0x1  }
0x18e: {  	v10 =	vmul.f32 $2.000000030e-01, v9  }
0x18f: {  	vm15 =	vgt.f32 v9, $0.0e+00  }
0x190: {  	v9 =	vsel vm15, v9, v10  }
0x191: {  	v9 =	vmul.f32 $1.442695020e+00, v9;
	_ =	sdelay $0x1  }
0x192: {  	(erf) = vpow2.f32 v9;
	_ =	sdelay $0x5  }
0x193: {  	v13 =	vld [tilespmem:s8+$0x50]  }
0x194: {  	v11 =	vld [tilespmem:s8+$0x0]  }
0x195: {  	v10 =	vld [tilespmem:s8+$0x20]  }
0x196: {  	v15 =	vld [tilespmem:s8+$0x40];
	v9 =	vpop (erf)  }
0x197: {  	v18 =	vld [tilespmem:s8+$0x70];
	v14 =	vperm.xlane v9, v1;
	v16 =	vperm.xlane v9, v8  }
0x198: {  	v12 =	vld [tilespmem:s8+$0x30];
	v17 =	vperm.xlane v9, v3;
	v19 =	vperm.xlane v9, v6  }
0x199: {  	v21 =	vperm.xlane v9, v5;
	v63 =	vmul.f32 v11, v14;
	v11 =	vld [tilespmem:s8+$0x10]  }
0x19a: {  	[tilespmem:s8+$0x80] =	vst v9;
	v22 =	vmul.f32 v10, v17;
	v17 =	vmul.f32 v13, v19;
	v13 =	vld [tilespmem:s8+$0x60]  }
0x19b: {  	v14 =	vperm.xlane v9, v4;
	v10 =	vmul.f32 v15, v21;
	[tilespmem:s8+$0x0] =	vst v63  }
0x19c: {  	s12 =	simm.s32 $0x5670;
	s10 =	simm.s32 $0x8770;
	s11 =	simm.s32 $0x0;
	v15 =	vperm.xlane v9, v2;
	v16 =	vmul.f32 v18, v16;
	[tilespmem:s8+$0x20] =	vst v22  }
.LBB2_7:
0x19d: {  	s11 =	sadd.s32 $0x4, s11;
	v12 =	vmul.f32 v12, v14;
	[tilespmem:s8+$0x50] =	vst v17;
	v9 =	vperm.xlane v9, v7;
	s12 =	sadd.s32 $0x240, s12;
	s9 =	sadd.s32 $0x40, s9  }
0x19e: {  	p0 =	slt.u32 s11, $0x4C;
	v11 =	vmul.f32 v11, v15;
	[tilespmem:s8+$0x70] =	vst v16  }
0x19f: {  	[tilespmem:s8+$0x30] =	vst v12;
	v9 =	vmul.f32 v13, v9  }
0x1a0: {  	[tilespmem:s8+$0x10] =	vst v11  }
0x1a1: {  	[tilespmem:s8+$0x60] =	vst v9  }
0x1a2: {  	[tilespmem:s8+$0x40] =	vst v10;
	v9 =	vld [tilespmem:s8+$0x110]  }
0x1a3: {  	v10 =	vld [tilespmem:s10+$0x10];
	s10 =	smov.u32 s9;
	_ =	sdelay $0x4  }
0x1a4: {  	v9 =	vadd.f32 v10, v9;
	_ =	sdelay $0x1  }
0x1a5: {  	v10 =	vmul.f32 $2.000000030e-01, v9  }
0x1a6: {  	vm0 =	vgt.f32 v9, $0.0e+00  }
0x1a7: {  	v9 =	vsel vm0, v9, v10  }
0x1a8: {  	v9 =	vmul.f32 $1.442695020e+00, v9;
	_ =	sdelay $0x1  }
0x1a9: {  	(erf) = vpow2.f32 v9;
	_ =	sdelay $0x4  }
0x1aa: {  	v9 =	vld [tilespmem:s8+$0x100]  }
0x1ab: {  	v10 =	vld [tilespmem:s8+$0xF0]  }
0x1ac: {  	v11 =	vld [tilespmem:s8+$0xB0]  }
0x1ad: {  	v12 =	vld [tilespmem:s8+$0xC0]  }
0x1ae: {  	v13 =	vld [tilespmem:s8+$0xD0];
	v14 =	vpop (erf)  }
0x1af: {  	[tilespmem:s8+$0x110] =	vst v14;
	v15 =	vperm.xlane v14, v1;
	v16 =	vperm.xlane v14, v2;
	v17 =	vld [tilespmem:s8+$0xE0]  }
0x1b0: {  	v19 =	vperm.xlane v14, v3;
	v20 =	vperm.xlane v14, v4;
	v18 =	vld [tilespmem:s8+$0x90]  }
0x1b1: {  	v22 =	vperm.xlane v14, v5;
	v23 =	vperm.xlane v14, v6;
	v21 =	vld [tilespmem:s8+$0xA0]  }
0x1b2: {  	v11 =	vmul.f32 v11, v19;
	v12 =	vmul.f32 v12, v20  }
0x1b3: {  	v19 =	vperm.xlane v14, v7;
	v13 =	vmul.f32 v13, v22  }
0x1b4: {  	v14 =	vperm.xlane v14, v8;
	[tilespmem:s8+$0xB0] =	vst v11;
	v11 =	vmul.f32 v17, v23  }
0x1b5: {  	v10 =	vmul.f32 v10, v19;
	v15 =	vmul.f32 v18, v15;
	[tilespmem:s8+$0xC0] =	vst v12  }
0x1b6: {  	v9 =	vmul.f32 v9, v14;
	v12 =	vmul.f32 v21, v16;
	[tilespmem:s8+$0xD0] =	vst v13  }
0x1b7: {  	[tilespmem:s8+$0xE0] =	vst v11  }
0x1b8: {  	[tilespmem:s8+$0xF0] =	vst v10  }
0x1b9: {  	[tilespmem:s8+$0x100] =	vst v9  }
0x1ba: {  	[tilespmem:s8+$0x90] =	vst v15  }
0x1bb: {  	[tilespmem:s8+$0xA0] =	vst v12;
	s8 =	smov.u32 s12  }
0x1bc: {  	v9 =	vld [tilespmem:s12+$0xFFFFFF60]  }
0x1bd: {  	v10 =	vld [tilespmem:s9+$0xFFFFFFE0];
	_ =	sdelay $0x4  }
0x1be: {  	v9 =	vadd.f32 v10, v9;
	_ =	sdelay $0x1  }
0x1bf: {  	vm0 =	vgt.f32 v9, $0.0e+00;
	v10 =	vmul.f32 $2.000000030e-01, v9;
	_ =	sdelay $0x1  }
0x1c0: {  	v9 =	vsel vm0, v9, v10  }
0x1c1: {  	v9 =	vmul.f32 $1.442695020e+00, v9;
	_ =	sdelay $0x1  }
0x1c2: {  	(erf) = vpow2.f32 v9;
	_ =	sdelay $0x4  }
0x1c3: {  	v9 =	vld [tilespmem:s12+$0xFFFFFF40]  }
0x1c4: {  	v10 =	vld [tilespmem:s12+$0xFFFFFF20]  }
0x1c5: {  	v11 =	vld [tilespmem:s12+$0xFFFFFF50]  }
0x1c6: {  	v12 =	vld [tilespmem:s12+$0xFFFFFEF0]  }
0x1c7: {  	v13 =	vld [tilespmem:s12+$0xFFFFFEE0];
	v14 =	vpop (erf)  }
0x1c8: {  	[tilespmem:s12+$0xFFFFFF60] =	vst v14;
	v15 =	vld [tilespmem:s12+$0xFFFFFF10];
	v16 =	vperm.xlane v14, v7;
	v17 =	vperm.xlane v14, v8  }
0x1c9: {  	v18 =	vperm.xlane v14, v2;
	v20 =	vperm.xlane v14, v5;
	v19 =	vld [tilespmem:s12+$0xFFFFFF00]  }
0x1ca: {  	v21 =	vperm.xlane v14, v1;
	v22 =	vld [tilespmem:s12+$0xFFFFFF30];
	v11 =	vmul.f32 v11, v17  }
0x1cb: {  	v17 =	vperm.xlane v14, v4;
	v12 =	vmul.f32 v12, v18  }
0x1cc: {  	v18 =	vperm.xlane v14, v3;
	v13 =	vmul.f32 v13, v21;
	[tilespmem:s12+$0xFFFFFF50] =	vst v11  }
0x1cd: {  	[tilespmem:s12+$0xFFFFFEF0] =	vst v12;
	v11 =	vmul.f32 v15, v17;
	v12 =	vperm.xlane v14, v6  }
0x1ce: {  	v10 =	vmul.f32 v10, v20;
	[tilespmem:s12+$0xFFFFFEE0] =	vst v13;
	v13 =	vmul.f32 v19, v18  }
0x1cf: {  	v9 =	vmul.f32 v9, v16;
	[tilespmem:s12+$0xFFFFFF10] =	vst v11;
	v11 =	vmul.f32 v22, v12  }
0x1d0: {  	[tilespmem:s12+$0xFFFFFF00] =	vst v13  }
0x1d1: {  	[tilespmem:s12+$0xFFFFFF40] =	vst v9  }
0x1d2: {  	[tilespmem:s12+$0xFFFFFF20] =	vst v10  }
0x1d3: {  	[tilespmem:s12+$0xFFFFFF30] =	vst v11;
	v9 =	vld [tilespmem:s12+$0xFFFFFFF0]  }
0x1d4: {  	v10 =	vld [tilespmem:s9+$0xFFFFFFF0];
	_ =	sdelay $0x4  }
0x1d5: {  	v9 =	vadd.f32 v10, v9;
	_ =	sdelay $0x1  }
0x1d6: {  	v10 =	vmul.f32 $2.000000030e-01, v9  }
0x1d7: {  	vm0 =	vgt.f32 v9, $0.0e+00  }
0x1d8: {  	v9 =	vsel vm0, v9, v10  }
0x1d9: {  	v9 =	vmul.f32 $1.442695020e+00, v9;
	_ =	sdelay $0x1  }
0x1da: {  	(erf) = vpow2.f32 v9;
	_ =	sdelay $0x4  }
0x1db: {  	v9 =	vld [tilespmem:s12+$0xFFFFFFA0]  }
0x1dc: {  	v10 =	vld [tilespmem:s12+$0xFFFFFFE0]  }
0x1dd: {  	v11 =	vld [tilespmem:s12+$0xFFFFFFC0]  }
0x1de: {  	v12 =	vld [tilespmem:s12+$0xFFFFFF90]  }
0x1df: {  	v13 =	vld [tilespmem:s12+$0xFFFFFFB0];
	v14 =	vpop (erf)  }
0x1e0: {  	[tilespmem:s12+$0xFFFFFFF0] =	vst v14;
	v15 =	vperm.xlane v14, v1;
	v16 =	vld [tilespmem:s12+$0xFFFFFF70];
	v17 =	vperm.xlane v14, v2  }
0x1e1: {  	v18 =	vperm.xlane v14, v3;
	v20 =	vperm.xlane v14, v8;
	v19 =	vld [tilespmem:s12+$0xFFFFFFD0]  }
0x1e2: {  	v22 =	vperm.xlane v14, v4;
	v23 =	vperm.xlane v14, v5;
	v21 =	vld [tilespmem:s12+$0xFFFFFF80]  }
0x1e3: {  	v12 =	vmul.f32 v12, v18;
	v18 =	vperm.xlane v14, v6  }
0x1e4: {  	v14 =	vperm.xlane v14, v7;
	v13 =	vmul.f32 v13, v23  }
0x1e5: {  	v15 =	vmul.f32 v16, v15;
	[tilespmem:s12+$0xFFFFFF90] =	vst v12;
	v11 =	vmul.f32 v11, v18  }
0x1e6: {  	v10 =	vmul.f32 v10, v20;
	[tilespmem:s12+$0xFFFFFFB0] =	vst v13;
	v12 =	vmul.f32 v19, v14  }
0x1e7: {  	v9 =	vmul.f32 v9, v22;
	[tilespmem:s12+$0xFFFFFF70] =	vst v15;
	v13 =	vmul.f32 v21, v17  }
0x1e8: {  	[tilespmem:s12+$0xFFFFFFC0] =	vst v11  }
0x1e9: {  	[tilespmem:s12+$0xFFFFFF80] =	vst v13  }
0x1ea: {  	[tilespmem:s12+$0xFFFFFFD0] =	vst v12  }
0x1eb: {  	[tilespmem:s12+$0xFFFFFFA0] =	vst v9  }
0x1ec: {  	[tilespmem:s12+$0xFFFFFFE0] =	vst v10;
	v9 =	vld [tilespmem:s12+$0x80]  }
0x1ed: {  	v10 =	vld [tilespmem:s9+$0x0];
	_ =	sdelay $0x4  }
0x1ee: {  	v9 =	vadd.f32 v10, v9;
	_ =	sdelay $0x1  }
0x1ef: {  	v10 =	vmul.f32 $2.000000030e-01, v9  }
0x1f0: {  	vm0 =	vgt.f32 v9, $0.0e+00  }
0x1f1: {  	v9 =	vsel vm0, v9, v10  }
0x1f2: {  	v9 =	vmul.f32 $1.442695020e+00, v9;
	_ =	sdelay $0x1  }
0x1f3: {  	(erf) = vpow2.f32 v9;
	_ =	sdelay $0x5  }
0x1f4: {  	v10 =	vld [tilespmem:s12+$0x20]  }
0x1f5: {  	v11 =	vld [tilespmem:s12+$0x0]  }
0x1f6: {  	v15 =	vld [tilespmem:s12+$0x50]  }
0x1f7: {  	v16 =	vld [tilespmem:s12+$0x40];
	v9 =	vpop (erf)  }
0x1f8: {  	[tilespmem:s12+$0x80] =	vst v9;
	v13 =	vperm.xlane v9, v1;
	v18 =	vperm.xlane v9, v8;
	v19 =	vld [tilespmem:s12+$0x70]  }
.Ltmp2:
0x1f9: {  	v14 =	vperm.xlane v9, v3;
	v17 =	vperm.xlane v9, v6;
	v12 =	vld [tilespmem:s12+$0x30];
	(pc) =	sbr.rel @p0 .LBB2_7-.Ltmp2, $4  }
0x1fa: {  	v21 =	vperm.xlane v9, v5;
	v20 =	vmul.f32 v11, v13;
	v11 =	vld [tilespmem:s12+$0x10]  }
0x1fb: {  	v22 =	vmul.f32 v10, v14;
	v14 =	vperm.xlane v9, v4;
	v13 =	vld [tilespmem:s12+$0x60]  }
0x1fc: {  	v17 =	vmul.f32 v15, v17;
	[tilespmem:s12+$0x0] =	vst v20;
	v10 =	vmul.f32 v16, v21  }
0x1fd: {  	v15 =	vperm.xlane v9, v2;
	[tilespmem:s12+$0x20] =	vst v22;
	v16 =	vmul.f32 v19, v18  }
0x1fe: {  	[tilespmem:s8+$0x50] =	vst v17  }
0x1ff: {  	v12 =	vmul.f32 v12, v14;
	v9 =	vperm.xlane v9, v7;
	[tilespmem:s8+$0x40] =	vst v10  }
0x200: {  	v11 =	vmul.f32 v11, v15;
	[tilespmem:s8+$0x70] =	vst v16  }
0x201: {  	[tilespmem:s8+$0x30] =	vst v12;
	v9 =	vmul.f32 v13, v9  }
0x202: {  	[tilespmem:s8+$0x10] =	vst v11  }
0x203: {  	[tilespmem:s8+$0x60] =	vst v9;
	v9 =	vld [tilespmem:s8+$0x110]  }
0x204: {  	v10 =	vld [tilespmem:s10+$0x10];
	_ =	sdelay $0x4  }
0x205: {  	v9 =	vadd.f32 v10, v9;
	_ =	sdelay $0x1  }
0x206: {  	v10 =	vmul.f32 $2.000000030e-01, v9  }
0x207: {  	vm0 =	vgt.f32 v9, $0.0e+00  }
0x208: {  	v9 =	vsel vm0, v9, v10  }
0x209: {  	v9 =	vmul.f32 $1.442695020e+00, v9;
	_ =	sdelay $0x1  }
0x20a: {  	(erf) = vpow2.f32 v9;
	_ =	sdelay $0x6  }
0x20b: {  	v11 =	vld [tilespmem:s8+$0xB0]  }
0x20c: {  	v54 =	vld [tilespmem:s8+$0xC0]  }
0x20d: {  	v56 =	vld [tilespmem:s8+$0xD0];
	v55 =	vpop (erf)  }
0x20e: {  	v10 =	vld [tilespmem:s8+$0xF0];
	v58 =	vperm.xlane v55, v3  }
0x20f: {  	v9 =	vld [tilespmem:s8+$0x100];
	v59 =	vperm.xlane v55, v4  }
0x210: {  	v57 =	vld [tilespmem:s8+$0xE0];
	v19 =	vperm.xlane v55, v5;
	v11 =	vmul.f32 v11, v58  }
0x211: {  	v60 =	vld [tilespmem:s8+$0xA0];
	[tilespmem:s8+$0x110] =	vst v55;
	v61 =	vperm.xlane v55, v7;
	v12 =	vmul.f32 v54, v59  }
0x212: {  	v18 =	vld [tilespmem:s8+$0x90];
	v62 =	vperm.xlane v55, v8;
	v14 =	vmul.f32 v56, v19;
	[tilespmem:s8+$0xB0] =	vst v11  }
0x213: {  	v20 =	vperm.xlane v55, v6;
	v10 =	vmul.f32 v10, v61;
	[tilespmem:s8+$0xC0] =	vst v12  }
0x214: {  	s7 =	sadd.s32 $0x1, s7;
	v13 =	vperm.xlane v55, v2;
	v9 =	vmul.f32 v9, v62;
	[tilespmem:s8+$0xD0] =	vst v14  }
0x215: {  	p0 =	sne.s32 s7, $0x3E;
	v63 =	vperm.xlane v55, v1;
	v11 =	vmul.f32 v57, v20;
	[tilespmem:s8+$0xF0] =	vst v10  }
.Ltmp3:
0x216: {  	v10 =	vmul.f32 v60, v13;
	[tilespmem:s8+$0x100] =	vst v9;
	(pc) =	sbr.rel @p0 .LBB2_4-.Ltmp3, $4  }
0x217: {  	[tilespmem:s8+$0xE0] =	vst v11;
	v11 =	vmul.f32 v18, v63  }
0x218: {  	[tilespmem:s8+$0xA0] =	vst v10  }
0x219: {  	[tilespmem:s8+$0x90] =	vst v11  }
0x21a: {  	[spmem:s1] =	stream.indirect.scatter.add.f32 [tilespmem:s23], [sflag:$0x6], $0x90, s25, s18, $0xb8;
	[tilespmem:$0x1F450] =	vst v63  }
0x21b: {  	_ =	swait.ge [sflag:s3], $0x2D00  }
0x21c: {  	[sflag:s3] =	ssyncset.done $0x0  }
0x21d: {  	[sflag:s3] =	ssyncadd.s32 $0xFFFFD300  }
0x21e: {  	_ =	swait.ge [sflag:s28], $0x2D00  }
0x21f: {  	[sflag:s28] =	ssyncset.done $0x0  }
0x220: {  	[sflag:s28] =	ssyncadd.s32 $0xFFFFD300  }
0x221: {  	_ =	swait.ge [sflag:s29], $0x500  }
0x222: {  	[sflag:s29] =	ssyncset.done $0x0  }
0x223: {  	s7 =	simm.s32 $0x2970;
	[sflag:s29] =	ssyncadd.s32 $0xFFFFFB00  }
0x224: {  	s8 =	simm.s32 $0x8270;
	v9 =	vld [tilespmem:s7+$0xFFFFFF60]  }
0x225: {  	v10 =	vld [tilespmem:s8+$0xFFFFFFE0];
	_ =	sdelay $0x4  }
0x226: {  	v9 =	vadd.f32 v10, v9;
	_ =	sdelay $0x1  }
0x227: {  	v10 =	vmul.f32 $2.000000030e-01, v9  }
0x228: {  	vm0 =	vgt.f32 v9, $0.0e+00  }
0x229: {  	v9 =	vsel vm0, v9, v10  }
0x22a: {  	v9 =	vmul.f32 $1.442695020e+00, v9;
	_ =	sdelay $0x1  }
0x22b: {  	(erf) = vpow2.f32 v9;
	_ =	sdelay $0x6  }
0x22c: {  	v10 =	vld [tilespmem:s7+$0xFFFFFF50]  }
0x22d: {  	v11 =	vld [tilespmem:s7+$0xFFFFFEF0]  }
0x22e: {  	v12 =	vld [tilespmem:s7+$0xFFFFFEE0];
	v13 =	vpop (erf)  }
0x22f: {  	v14 =	vld [tilespmem:s7+$0xFFFFFF10];
	v15 =	vperm.xlane v13, v8  }
0x230: {  	v17 =	vld [tilespmem:s7+$0xFFFFFF00];
	v16 =	vperm.xlane v13, v2  }
0x231: {  	v9 =	vld [tilespmem:s7+$0xFFFFFF40];
	v19 =	vperm.xlane v13, v1;
	v10 =	vmul.f32 v10, v15  }
0x232: {  	v18 =	vld [tilespmem:s7+$0xFFFFFF20];
	[tilespmem:s7+$0xFFFFFF60] =	vst v13;
	v11 =	vmul.f32 v11, v16;
	v16 =	vperm.xlane v13, v4  }
0x233: {  	v15 =	vld [tilespmem:s7+$0xFFFFFF30];
	v12 =	vmul.f32 v12, v19;
	v19 =	vperm.xlane v13, v3;
	[tilespmem:s7+$0xFFFFFF50] =	vst v10  }
0x234: {  	v10 =	vperm.xlane v13, v7;
	[tilespmem:s7+$0xFFFFFEF0] =	vst v11;
	v11 =	vmul.f32 v14, v16  }
0x235: {  	v14 =	vperm.xlane v13, v5;
	[tilespmem:s7+$0xFFFFFEE0] =	vst v12;
	v12 =	vmul.f32 v17, v19  }
0x236: {  	v13 =	vperm.xlane v13, v6;
	[tilespmem:s7+$0xFFFFFF10] =	vst v11;
	v9 =	vmul.f32 v9, v10  }
0x237: {  	v10 =	vmul.f32 v18, v14;
	[tilespmem:s7+$0xFFFFFF00] =	vst v12  }
0x238: {  	v11 =	vmul.f32 v15, v13;
	[tilespmem:s7+$0xFFFFFF40] =	vst v9  }
0x239: {  	[tilespmem:s7+$0xFFFFFF20] =	vst v10  }
0x23a: {  	v9 =	vld [tilespmem:s7+$0xFFFFFFF0];
	[tilespmem:s7+$0xFFFFFF30] =	vst v11  }
0x23b: {  	v10 =	vld [tilespmem:s8+$0xFFFFFFF0];
	_ =	sdelay $0x4  }
0x23c: {  	v9 =	vadd.f32 v10, v9;
	_ =	sdelay $0x1  }
0x23d: {  	v10 =	vmul.f32 $2.000000030e-01, v9  }
0x23e: {  	vm14 =	vgt.f32 v9, $0.0e+00  }
0x23f: {  	v9 =	vsel vm14, v9, v10  }
0x240: {  	v9 =	vmul.f32 $1.442695020e+00, v9;
	_ =	sdelay $0x1  }
0x241: {  	(erf) = vpow2.f32 v9;
	_ =	sdelay $0x5  }
0x242: {  	v14 =	vld [tilespmem:s7+$0xFFFFFFC0]  }
0x243: {  	v10 =	vld [tilespmem:s7+$0xFFFFFF90]  }
0x244: {  	v11 =	vld [tilespmem:s7+$0xFFFFFFB0]  }
0x245: {  	v13 =	vld [tilespmem:s7+$0xFFFFFF70];
	v12 =	vpop (erf)  }
0x246: {  	v15 =	vperm.xlane v12, v3  }
0x247: {  	v16 =	vld [tilespmem:s7+$0xFFFFFF80];
	v17 =	vperm.xlane v12, v5;
	v18 =	vperm.xlane v12, v1  }
0x248: {  	v19 =	vld [tilespmem:s7+$0xFFFFFFD0];
	v20 =	vperm.xlane v12, v6;
	v10 =	vmul.f32 v10, v15  }
0x249: {  	v9 =	vld [tilespmem:s7+$0xFFFFFFE0];
	[tilespmem:s7+$0xFFFFFFF0] =	vst v12;
	v11 =	vmul.f32 v11, v17;
	v17 =	vperm.xlane v12, v2  }
0x24a: {  	v15 =	vld [tilespmem:s7+$0xFFFFFFA0];
	v13 =	vmul.f32 v13, v18;
	v14 =	vmul.f32 v14, v20;
	[tilespmem:s7+$0xFFFFFF90] =	vst v10  }
0x24b: {  	v10 =	vperm.xlane v12, v7;
	[tilespmem:s7+$0xFFFFFFB0] =	vst v11;
	v11 =	vperm.xlane v12, v4  }
0x24c: {  	[tilespmem:s7+$0xFFFFFF70] =	vst v13;
	v13 =	vmul.f32 v16, v17;
	v12 =	vperm.xlane v12, v8  }
0x24d: {  	[tilespmem:s7+$0xFFFFFFC0] =	vst v14;
	v10 =	vmul.f32 v19, v10  }
0x24e: {  	[tilespmem:s7+$0xFFFFFF80] =	vst v13;
	v9 =	vmul.f32 v9, v12  }
0x24f: {  	v11 =	vmul.f32 v15, v11;
	[tilespmem:s7+$0xFFFFFFD0] =	vst v10  }
0x250: {  	[tilespmem:s7+$0xFFFFFFE0] =	vst v9  }
0x251: {  	v9 =	vld [tilespmem:s7+$0x80];
	[tilespmem:s7+$0xFFFFFFA0] =	vst v11  }
0x252: {  	v10 =	vld [tilespmem:s8+$0x0];
	_ =	sdelay $0x4  }
0x253: {  	v9 =	vadd.f32 v10, v9;
	_ =	sdelay $0x1  }
0x254: {  	v10 =	vmul.f32 $2.000000030e-01, v9  }
0x255: {  	vm15 =	vgt.f32 v9, $0.0e+00  }
0x256: {  	v9 =	vsel vm15, v9, v10  }
0x257: {  	v9 =	vmul.f32 $1.442695020e+00, v9;
	_ =	sdelay $0x1  }
0x258: {  	(erf) = vpow2.f32 v9;
	_ =	sdelay $0x5  }
0x259: {  	v13 =	vld [tilespmem:s7+$0x50]  }
0x25a: {  	v11 =	vld [tilespmem:s7+$0x0]  }
0x25b: {  	v10 =	vld [tilespmem:s7+$0x20]  }
0x25c: {  	v15 =	vld [tilespmem:s7+$0x40];
	v9 =	vpop (erf)  }
0x25d: {  	v18 =	vld [tilespmem:s7+$0x70];
	v14 =	vperm.xlane v9, v1;
	v16 =	vperm.xlane v9, v8  }
0x25e: {  	v12 =	vld [tilespmem:s7+$0x30];
	v17 =	vperm.xlane v9, v3;
	v19 =	vperm.xlane v9, v6  }
0x25f: {  	v21 =	vperm.xlane v9, v5;
	v63 =	vmul.f32 v11, v14;
	v11 =	vld [tilespmem:s7+$0x10]  }
0x260: {  	[tilespmem:s7+$0x80] =	vst v9;
	v22 =	vmul.f32 v10, v17;
	v17 =	vmul.f32 v13, v19;
	v13 =	vld [tilespmem:s7+$0x60]  }
0x261: {  	v14 =	vperm.xlane v9, v4;
	v10 =	vmul.f32 v15, v21;
	[tilespmem:s7+$0x0] =	vst v63  }
0x262: {  	s10 =	simm.s32 $0x0;
	s11 =	simm.s32 $0x2970;
	s9 =	simm.s32 $0x8270;
	v15 =	vperm.xlane v9, v2;
	v16 =	vmul.f32 v18, v16;
	[tilespmem:s7+$0x20] =	vst v22  }
.LBB2_10:
0x263: {  	s10 =	sadd.s32 $0x4, s10;
	v12 =	vmul.f32 v12, v14;
	[tilespmem:s7+$0x50] =	vst v17;
	v9 =	vperm.xlane v9, v7;
	s11 =	sadd.s32 $0x240, s11;
	s8 =	sadd.s32 $0x40, s8  }
0x264: {  	p0 =	slt.u32 s10, $0x4C;
	v11 =	vmul.f32 v11, v15;
	[tilespmem:s7+$0x70] =	vst v16  }
0x265: {  	[tilespmem:s7+$0x30] =	vst v12;
	v9 =	vmul.f32 v13, v9  }
0x266: {  	[tilespmem:s7+$0x10] =	vst v11  }
0x267: {  	[tilespmem:s7+$0x60] =	vst v9  }
0x268: {  	[tilespmem:s7+$0x40] =	vst v10;
	v9 =	vld [tilespmem:s7+$0x110]  }
0x269: {  	v10 =	vld [tilespmem:s9+$0x10];
	s9 =	smov.u32 s8;
	_ =	sdelay $0x4  }
0x26a: {  	v9 =	vadd.f32 v10, v9;
	_ =	sdelay $0x1  }
0x26b: {  	v10 =	vmul.f32 $2.000000030e-01, v9  }
0x26c: {  	vm0 =	vgt.f32 v9, $0.0e+00  }
0x26d: {  	v9 =	vsel vm0, v9, v10  }
0x26e: {  	v9 =	vmul.f32 $1.442695020e+00, v9;
	_ =	sdelay $0x1  }
0x26f: {  	(erf) = vpow2.f32 v9;
	_ =	sdelay $0x4  }
0x270: {  	v9 =	vld [tilespmem:s7+$0x100]  }
0x271: {  	v10 =	vld [tilespmem:s7+$0xF0]  }
0x272: {  	v11 =	vld [tilespmem:s7+$0xB0]  }
0x273: {  	v12 =	vld [tilespmem:s7+$0xC0]  }
0x274: {  	v13 =	vld [tilespmem:s7+$0xD0];
	v14 =	vpop (erf)  }
0x275: {  	[tilespmem:s7+$0x110] =	vst v14;
	v15 =	vperm.xlane v14, v1;
	v16 =	vperm.xlane v14, v2;
	v17 =	vld [tilespmem:s7+$0xE0]  }
0x276: {  	v19 =	vperm.xlane v14, v3;
	v20 =	vperm.xlane v14, v4;
	v18 =	vld [tilespmem:s7+$0x90]  }
0x277: {  	v22 =	vperm.xlane v14, v5;
	v23 =	vperm.xlane v14, v6;
	v21 =	vld [tilespmem:s7+$0xA0]  }
0x278: {  	v11 =	vmul.f32 v11, v19;
	v12 =	vmul.f32 v12, v20  }
0x279: {  	v19 =	vperm.xlane v14, v7;
	v13 =	vmul.f32 v13, v22  }
0x27a: {  	v14 =	vperm.xlane v14, v8;
	[tilespmem:s7+$0xB0] =	vst v11;
	v11 =	vmul.f32 v17, v23  }
0x27b: {  	v10 =	vmul.f32 v10, v19;
	v15 =	vmul.f32 v18, v15;
	[tilespmem:s7+$0xC0] =	vst v12  }
0x27c: {  	v9 =	vmul.f32 v9, v14;
	v12 =	vmul.f32 v21, v16;
	[tilespmem:s7+$0xD0] =	vst v13  }
0x27d: {  	[tilespmem:s7+$0xE0] =	vst v11  }
0x27e: {  	[tilespmem:s7+$0xF0] =	vst v10  }
0x27f: {  	[tilespmem:s7+$0x100] =	vst v9  }
0x280: {  	[tilespmem:s7+$0x90] =	vst v15  }
0x281: {  	[tilespmem:s7+$0xA0] =	vst v12;
	s7 =	smov.u32 s11  }
0x282: {  	v9 =	vld [tilespmem:s11+$0xFFFFFF60]  }
0x283: {  	v10 =	vld [tilespmem:s8+$0xFFFFFFE0];
	_ =	sdelay $0x4  }
0x284: {  	v9 =	vadd.f32 v10, v9;
	_ =	sdelay $0x1  }
0x285: {  	vm0 =	vgt.f32 v9, $0.0e+00;
	v10 =	vmul.f32 $2.000000030e-01, v9;
	_ =	sdelay $0x1  }
0x286: {  	v9 =	vsel vm0, v9, v10  }
0x287: {  	v9 =	vmul.f32 $1.442695020e+00, v9;
	_ =	sdelay $0x1  }
0x288: {  	(erf) = vpow2.f32 v9;
	_ =	sdelay $0x4  }
0x289: {  	v9 =	vld [tilespmem:s11+$0xFFFFFF40]  }
0x28a: {  	v10 =	vld [tilespmem:s11+$0xFFFFFF20]  }
0x28b: {  	v11 =	vld [tilespmem:s11+$0xFFFFFF50]  }
0x28c: {  	v12 =	vld [tilespmem:s11+$0xFFFFFEF0]  }
0x28d: {  	v13 =	vld [tilespmem:s11+$0xFFFFFEE0];
	v14 =	vpop (erf)  }
0x28e: {  	[tilespmem:s11+$0xFFFFFF60] =	vst v14;
	v15 =	vld [tilespmem:s11+$0xFFFFFF10];
	v16 =	vperm.xlane v14, v7;
	v17 =	vperm.xlane v14, v8  }
0x28f: {  	v18 =	vperm.xlane v14, v2;
	v20 =	vperm.xlane v14, v5;
	v19 =	vld [tilespmem:s11+$0xFFFFFF00]  }
0x290: {  	v21 =	vperm.xlane v14, v1;
	v22 =	vld [tilespmem:s11+$0xFFFFFF30];
	v11 =	vmul.f32 v11, v17  }
0x291: {  	v17 =	vperm.xlane v14, v4;
	v12 =	vmul.f32 v12, v18  }
0x292: {  	v18 =	vperm.xlane v14, v3;
	v13 =	vmul.f32 v13, v21;
	[tilespmem:s11+$0xFFFFFF50] =	vst v11  }
0x293: {  	[tilespmem:s11+$0xFFFFFEF0] =	vst v12;
	v11 =	vmul.f32 v15, v17;
	v12 =	vperm.xlane v14, v6  }
0x294: {  	v10 =	vmul.f32 v10, v20;
	[tilespmem:s11+$0xFFFFFEE0] =	vst v13;
	v13 =	vmul.f32 v19, v18  }
0x295: {  	v9 =	vmul.f32 v9, v16;
	[tilespmem:s11+$0xFFFFFF10] =	vst v11;
	v11 =	vmul.f32 v22, v12  }
0x296: {  	[tilespmem:s11+$0xFFFFFF00] =	vst v13  }
0x297: {  	[tilespmem:s11+$0xFFFFFF40] =	vst v9  }
0x298: {  	[tilespmem:s11+$0xFFFFFF20] =	vst v10  }
0x299: {  	[tilespmem:s11+$0xFFFFFF30] =	vst v11;
	v9 =	vld [tilespmem:s11+$0xFFFFFFF0]  }
0x29a: {  	v10 =	vld [tilespmem:s8+$0xFFFFFFF0];
	_ =	sdelay $0x4  }
0x29b: {  	v9 =	vadd.f32 v10, v9;
	_ =	sdelay $0x1  }
0x29c: {  	v10 =	vmul.f32 $2.000000030e-01, v9  }
0x29d: {  	vm0 =	vgt.f32 v9, $0.0e+00  }
0x29e: {  	v9 =	vsel vm0, v9, v10  }
0x29f: {  	v9 =	vmul.f32 $1.442695020e+00, v9;
	_ =	sdelay $0x1  }
0x2a0: {  	(erf) = vpow2.f32 v9;
	_ =	sdelay $0x4  }
0x2a1: {  	v9 =	vld [tilespmem:s11+$0xFFFFFFA0]  }
0x2a2: {  	v10 =	vld [tilespmem:s11+$0xFFFFFFE0]  }
0x2a3: {  	v11 =	vld [tilespmem:s11+$0xFFFFFFC0]  }
0x2a4: {  	v12 =	vld [tilespmem:s11+$0xFFFFFF90]  }
0x2a5: {  	v13 =	vld [tilespmem:s11+$0xFFFFFFB0];
	v14 =	vpop (erf)  }
0x2a6: {  	[tilespmem:s11+$0xFFFFFFF0] =	vst v14;
	v15 =	vperm.xlane v14, v1;
	v16 =	vld [tilespmem:s11+$0xFFFFFF70];
	v17 =	vperm.xlane v14, v2  }
0x2a7: {  	v18 =	vperm.xlane v14, v3;
	v20 =	vperm.xlane v14, v8;
	v19 =	vld [tilespmem:s11+$0xFFFFFFD0]  }
0x2a8: {  	v22 =	vperm.xlane v14, v4;
	v23 =	vperm.xlane v14, v5;
	v21 =	vld [tilespmem:s11+$0xFFFFFF80]  }
0x2a9: {  	v12 =	vmul.f32 v12, v18;
	v18 =	vperm.xlane v14, v6  }
0x2aa: {  	v14 =	vperm.xlane v14, v7;
	v13 =	vmul.f32 v13, v23  }
0x2ab: {  	v15 =	vmul.f32 v16, v15;
	[tilespmem:s11+$0xFFFFFF90] =	vst v12;
	v11 =	vmul.f32 v11, v18  }
0x2ac: {  	v10 =	vmul.f32 v10, v20;
	[tilespmem:s11+$0xFFFFFFB0] =	vst v13;
	v12 =	vmul.f32 v19, v14  }
0x2ad: {  	v9 =	vmul.f32 v9, v22;
	[tilespmem:s11+$0xFFFFFF70] =	vst v15;
	v13 =	vmul.f32 v21, v17  }
0x2ae: {  	[tilespmem:s11+$0xFFFFFFC0] =	vst v11  }
0x2af: {  	[tilespmem:s11+$0xFFFFFF80] =	vst v13  }
0x2b0: {  	[tilespmem:s11+$0xFFFFFFD0] =	vst v12  }
0x2b1: {  	[tilespmem:s11+$0xFFFFFFA0] =	vst v9  }
0x2b2: {  	[tilespmem:s11+$0xFFFFFFE0] =	vst v10;
	v9 =	vld [tilespmem:s11+$0x80]  }
0x2b3: {  	v10 =	vld [tilespmem:s8+$0x0];
	_ =	sdelay $0x4  }
0x2b4: {  	v9 =	vadd.f32 v10, v9;
	_ =	sdelay $0x1  }
0x2b5: {  	v10 =	vmul.f32 $2.000000030e-01, v9  }
0x2b6: {  	vm0 =	vgt.f32 v9, $0.0e+00  }
0x2b7: {  	v9 =	vsel vm0, v9, v10  }
0x2b8: {  	v9 =	vmul.f32 $1.442695020e+00, v9;
	_ =	sdelay $0x1  }
0x2b9: {  	(erf) = vpow2.f32 v9;
	_ =	sdelay $0x5  }
0x2ba: {  	v10 =	vld [tilespmem:s11+$0x20]  }
0x2bb: {  	v11 =	vld [tilespmem:s11+$0x0]  }
0x2bc: {  	v15 =	vld [tilespmem:s11+$0x50]  }
0x2bd: {  	v16 =	vld [tilespmem:s11+$0x40];
	v9 =	vpop (erf)  }
0x2be: {  	[tilespmem:s11+$0x80] =	vst v9;
	v13 =	vperm.xlane v9, v1;
	v18 =	vperm.xlane v9, v8;
	v19 =	vld [tilespmem:s11+$0x70]  }
.Ltmp4:
0x2bf: {  	v14 =	vperm.xlane v9, v3;
	v17 =	vperm.xlane v9, v6;
	v12 =	vld [tilespmem:s11+$0x30];
	(pc) =	sbr.rel @p0 .LBB2_10-.Ltmp4, $4  }
0x2c0: {  	v21 =	vperm.xlane v9, v5;
	v20 =	vmul.f32 v11, v13;
	v11 =	vld [tilespmem:s11+$0x10]  }
0x2c1: {  	v22 =	vmul.f32 v10, v14;
	v14 =	vperm.xlane v9, v4;
	v13 =	vld [tilespmem:s11+$0x60]  }
0x2c2: {  	v17 =	vmul.f32 v15, v17;
	[tilespmem:s11+$0x0] =	vst v20;
	v10 =	vmul.f32 v16, v21  }
0x2c3: {  	v15 =	vperm.xlane v9, v2;
	[tilespmem:s11+$0x20] =	vst v22;
	v16 =	vmul.f32 v19, v18  }
0x2c4: {  	[tilespmem:s7+$0x50] =	vst v17  }
0x2c5: {  	v12 =	vmul.f32 v12, v14;
	v9 =	vperm.xlane v9, v7;
	[tilespmem:s7+$0x40] =	vst v10  }
0x2c6: {  	v11 =	vmul.f32 v11, v15;
	[tilespmem:s7+$0x70] =	vst v16  }
0x2c7: {  	[tilespmem:s7+$0x30] =	vst v12;
	v9 =	vmul.f32 v13, v9  }
0x2c8: {  	[tilespmem:s7+$0x10] =	vst v11  }
0x2c9: {  	[tilespmem:s7+$0x60] =	vst v9;
	v9 =	vld [tilespmem:s7+$0x110]  }
0x2ca: {  	v10 =	vld [tilespmem:s9+$0x10];
	_ =	sdelay $0x4  }
0x2cb: {  	v9 =	vadd.f32 v10, v9;
	_ =	sdelay $0x1  }
0x2cc: {  	v10 =	vmul.f32 $2.000000030e-01, v9  }
0x2cd: {  	vm0 =	vgt.f32 v9, $0.0e+00  }
0x2ce: {  	v9 =	vsel vm0, v9, v10  }
0x2cf: {  	v9 =	vmul.f32 $1.442695020e+00, v9;
	_ =	sdelay $0x1  }
0x2d0: {  	(erf) = vpow2.f32 v9;
	_ =	sdelay $0x6  }
0x2d1: {  	v11 =	vld [tilespmem:s7+$0xB0]  }
0x2d2: {  	v54 =	vld [tilespmem:s7+$0xC0]  }
0x2d3: {  	v56 =	vld [tilespmem:s7+$0xD0];
	v55 =	vpop (erf)  }
0x2d4: {  	v10 =	vld [tilespmem:s7+$0xF0];
	v58 =	vperm.xlane v55, v3  }
0x2d5: {  	v9 =	vld [tilespmem:s7+$0x100];
	v59 =	vperm.xlane v55, v4  }
0x2d6: {  	v57 =	vld [tilespmem:s7+$0xE0];
	v19 =	vperm.xlane v55, v5;
	v11 =	vmul.f32 v11, v58  }
0x2d7: {  	v60 =	vld [tilespmem:s7+$0xA0];
	[tilespmem:s7+$0x110] =	vst v55;
	v61 =	vperm.xlane v55, v7;
	v12 =	vmul.f32 v54, v59  }
0x2d8: {  	v18 =	vld [tilespmem:s7+$0x90];
	v62 =	vperm.xlane v55, v8;
	v14 =	vmul.f32 v56, v19;
	[tilespmem:s7+$0xB0] =	vst v11  }
0x2d9: {  	v20 =	vperm.xlane v55, v6;
	v10 =	vmul.f32 v10, v61;
	[tilespmem:s7+$0xC0] =	vst v12  }
0x2da: {  	v13 =	vperm.xlane v55, v2;
	v9 =	vmul.f32 v9, v62;
	[tilespmem:s7+$0xD0] =	vst v14  }
0x2db: {  	v63 =	vperm.xlane v55, v1;
	v11 =	vmul.f32 v57, v20;
	[tilespmem:s7+$0xF0] =	vst v10  }
0x2dc: {  	v10 =	vmul.f32 v60, v13;
	[tilespmem:s7+$0x100] =	vst v9  }
0x2dd: {  	[tilespmem:s7+$0xE0] =	vst v11;
	v11 =	vmul.f32 v18, v63  }
0x2de: {  	[tilespmem:s7+$0xA0] =	vst v10  }
0x2df: {  	[tilespmem:s7+$0x90] =	vst v11  }
0x2e0: {  	[spmem:s1] =	stream.indirect.scatter.add.f32 [tilespmem:s16], [sflag:$0x5], $0x90, s20, s18, $0xb8;
	[tilespmem:$0x1F450] =	vst v63  }
0x2e1: {  	s13 =	stileid.u32;
	_ =	swait.ge [sflag:s30], $0x2D00  }
0x2e2: {  	s8 =	sshrl.u32 s6, $0x3;
	s2 =	sadd.s32 $0x1, s2;
	[sflag:s30] =	ssyncset.done $0x0  }
0x2e3: {  	p0 =	sne.s32 s2, s15;
	s7 =	sshll.u32 s13, $0x6;
	[sflag:s30] =	ssyncadd.s32 $0xFFFFD300  }
.Ltmp5:
0x2e4: {  	s7 =	sor.u32 $0x1C07, s7;
	[bflag:$0x0] =	sbarrier.arrive $0xFFFF;
	(pc) =	sbr.rel @p0 .LBB2_1-.Ltmp5, $4  }
0x2e5: {  	[hbm:s24], [sflag:s7] =	dma.local [spmem:s8], $0x2D00  }
0x2e6: {  	_ =	swait.ge [sflag:s17], $0x2D00  }
0x2e7: {  	[sflag:s17] =	ssyncset.done $0x0  }
0x2e8: {  	[sflag:s17] =	ssyncadd.s32 $0xFFFFD300  }
0x2e9: {  	_ =	sfence.sel $0x180000  }
0x2ea: {  	[bflag:$0x0] =	sbarrier.arrive $0xFFFF  }
0x2eb: {  	_ =	strace $0x90000047  }
0x2ec: {  	s0 =	stileid.u32;
	[bflag:$0x2] =	sbarrier.arrive $0xFFFF  }
0x2ed: {  	p0 =	sne.s32 s0, $0x0;
	s0 =	rddreg [dreg:$0x3]  }
0x2ee: {  	s0 =	sadd.s32 @!p0 $0x100000, s0  }
0x2ef: {  	[sflag:s0] =	ssyncadd.tile.s32 @!p0 $0x1;
	_ =	shalt  }
.Lfunc_end2:
_tile_overlayer_lowered:
.L_overlay_start_2:
0x2f0: {  	(tag) =	ssettag $0x2  }
0x2f1: {  	s0 =	rddreg [dreg:$0x0];
	s2 =	stileid.u32  }
0x2f2: {  	s1 =	rddreg [dreg:$0x1];
	p0 =	sne.s32 s2, $0x0  }
0x2f3: {  	s3 =	rddreg [dreg:$0x2];
	[bflag:$0x3] =	sbarrier.arrive $0xFFFF;
	s2 =	simm.s32 @!p0 $0x1C07  }
0x2f4: {  	[timem:s3], [sflag:s2] =	dma.local @!p0 [hbm:s0], s1  }
0x2f5: {  	s0 =	simm.s32 @!p0 $0x7  }
0x2f6: {  	_ =	swait.ge @!p0 [sflag:s0], s1  }
0x2f7: {  	s1 =	ssub.s32 @!p0 $0x0, s1;
	[sflag:s0] =	ssyncset.done @!p0 $0x0  }
0x2f8: {  	[sflag:s0] =	ssyncadd.s32 @!p0 s1  }
0x2f9: {  	[bflag:$0x3] =	sbarrier.arrive $0xFFFF  }
0x2fa: {  	_ =	shalt  }

</sc_bundles>
